<compile_context>
chip_gen: v7x
topology: tpu7x:2x2x1
jax: 0.10.2.dev20260603
libtpu: 0.0.44.dev20260713+nightly
codegen_flags: <defaults>
</compile_context>

<pallas_src>
import jax
import jax.numpy as jnp
from jax import lax
from jax.experimental import pallas as pl
from jax.experimental.pallas import tpu as pltpu
from jax.experimental.pallas import tpu_sc as plsc

IVS = 100000
T = 16384
H = 128
U = 512
S = 8
NPOOL = 64
PLEN = 2048
NCELL = NPOOL * PLEN
NC, NS = 2, 16
NW = NC * NS
TPW = T // NW
UPS = U // NS
L = 16


def _iota():
    return lax.iota(jnp.int32, L)


def _bcast(x):
    return jnp.broadcast_to(x, (L,)).astype(jnp.int32)


def _splat_ref(ref, idx):
    return plsc.load_gather(ref, [_bcast(idx)])


def _body(input_hbm, embed_hbm, pool_hbm, upd_hbm, uidx_hbm, utb_hbm,
          hwpi_hbm, ttb_hbm, out_hbm,
          ids_v, ttb_v, hwpi_v, uids_v, uidx_v, utb_v, cells_all_v,
          rows_v, urows_a, encbuf_v, row0_v, recip_v, npadf_v,
          initbuf_v, scidx_v, scval_v, bidx_v, cells_v, vvals_v,
          bufpos_v, encpos_v, hrows_v, outidx_v,
          enc_s, ver_s, sem, sem2, sem3, semu):
    c = lax.axis_index("c")
    s = lax.axis_index("s")
    wid = c * NS + s
    t0 = wid * TPW
    us0 = s * UPS

    stg = [
        pltpu.async_copy(uidx_hbm, uidx_v, sem),
        pltpu.async_copy(utb_hbm, utb_v, sem),
        pltpu.async_copy(hwpi_hbm, hwpi_v, sem),
        pltpu.async_copy(upd_hbm.at[pl.ds(us0 * S, 128)], uids_v.at[0], sem),
        pltpu.async_copy(upd_hbm.at[pl.ds(us0 * S + 128, 128)], uids_v.at[1], sem),
        pltpu.async_copy(embed_hbm.at[0], row0_v, sem),
        pltpu.async_copy(input_hbm.at[pl.ds(t0, TPW)], ids_v, sem),
        pltpu.async_copy(ttb_hbm.at[pl.ds(t0, TPW)], ttb_v, sem),
    ]
    for cp in stg:
        cp.wait()

    def tok_body(g, _):
        idv = ids_v[pl.ds(g * L, L)]
        ish = idv >= IVS
        tb = ttb_v[pl.ds(g * L, L)]
        slot = plsc.load_gather(hwpi_v, [tb])
        cell = slot * PLEN + (idv - IVS)
        row = g // 4
        col = (g % 4) * L
        bidx_v[row, pl.ds(col, L)] = jnp.where(ish, 0, idv)
        cells_v[row, pl.ds(col, L)] = jnp.where(ish, cell, 0)
        return 0
    lax.fori_loop(0, TPW // L, tok_body, 0)
    cps_base = [pltpu.async_copy(embed_hbm.at[bidx_v.at[j]],
                                 rows_v.at[pl.ds(j * 64, 64)], sem2)
                for j in range(8)]
    cp_ua = pltpu.async_copy(embed_hbm.at[uids_v.at[0]], urows_a, semu)

    def cells_body(g, _):
        tb = utb_v[pl.ds(g * L, L)]
        slot = plsc.load_gather(hwpi_v, [tb])
        cell = slot * PLEN + uidx_v[pl.ds(g * L, L)]
        cells_all_v[pl.ds(g * L, L)] = cell
        return 0
    lax.fori_loop(0, U // L, cells_body, 0)

    for gl in range(2):
        npad = jnp.zeros((L,), jnp.int32)
        for ss in range(S):
            idsv = plsc.load_gather(
                uids_v, [jnp.full((L,), gl, jnp.int32), _iota() * S + ss])
            npad = npad + jnp.where(idsv == 0, 1, 0).astype(jnp.int32)
        denom = jnp.maximum(S - npad, 1).astype(jnp.float32)
        recip_v[pl.ds(gl * L, L)] = 1.0 / denom
        npadf_v[pl.ds(gl * L, L)] = npad.astype(jnp.float32)

    def init_body(i, _):
        initbuf_v[pl.ds(i * L, L)] = jnp.full((L,), -1, jnp.int32)
        return 0
    lax.fori_loop(0, 1024 // L, init_body, 0)
    cps_init = [pltpu.async_copy(initbuf_v,
                                 ver_s.at[pl.ds(s * 8192 + k * 1024, 1024)],
                                 sem)
                for k in range(8)]
    for cp in cps_init:
        cp.wait()
    plsc.subcore_barrier()

    for gl, gg in enumerate((s, 2 * NS - 1 - s)):
        myu = gg * L + _iota()
        mycell = cells_all_v[pl.ds(gg * L, L)]

        def win_body(cg, coll):
            for ol in range(L):
                ocell = _splat_ref(cells_all_v, cg * L + ol)
                ou = cg * L + ol
                coll = coll | ((mycell == ocell) & (ou > myu))
            return coll
        collided = lax.fori_loop(gg, U // L, win_body,
                                 jnp.zeros((L,), jnp.bool_))
        target = jnp.where(collided, NCELL + _iota(), mycell)
        scidx_v[gl, pl.ds(0, L)] = target
        scval_v[gl, pl.ds(0, L)] = myu
    for gl in range(2):
        pltpu.async_copy(scval_v.at[gl], ver_s.at[scidx_v.at[gl]], sem).wait()
    plsc.subcore_barrier()

    cps_ver = [pltpu.async_copy(ver_s.at[cells_v.at[j]], vvals_v.at[j], sem3)
               for j in range(8)]

    for b in range(2):
        urows_v = urows_a
        if b == 0:
            cp_ua.wait()
        else:
            pltpu.async_copy(embed_hbm.at[uids_v.at[1]], urows_a, semu).wait()

        def enc_body(ul, _):
            u = b * L + ul
            rsp = _splat_ref(recip_v, u)
            nsp = _splat_ref(npadf_v, u)
            for cc in range(H // L):
                acc = urows_v[ul * S, pl.ds(cc * L, L)]
                for ss in range(1, S):
                    acc = acc + urows_v[ul * S + ss, pl.ds(cc * L, L)]
                acc = (acc - nsp * row0_v[pl.ds(cc * L, L)]) * rsp
                encbuf_v[u, pl.ds(cc * L, L)] = acc
            return 0
        lax.fori_loop(0, L, enc_body, 0)
    pltpu.sync_copy(encbuf_v, enc_s.at[pl.ds(us0, UPS)])

    for cp in cps_ver:
        cp.wait()

    def cmp_body(g, carry):
        cntb, cnte = carry
        idv = ids_v[pl.ds(g * L, L)]
        ish = idv >= IVS
        v = vvals_v[g // 4, pl.ds((g % 4) * L, L)]
        bm = ish & (v < 0)
        em = ish & (v >= 0)
        lt = g * L + _iota()
        bmi = jnp.where(bm, 1, 0).astype(jnp.int32)
        emi = jnp.where(em, 1, 0).astype(jnp.int32)
        db = jnp.maximum(cntb + lax.cumsum(bmi) - 1, 0)
        de = jnp.maximum(cnte + lax.cumsum(emi) - 1, 0)
        plsc.store_scatter(bufpos_v, [db // L, db % L], lt, mask=bm)
        plsc.store_scatter(encpos_v, [de // L, de % L], lt, mask=em)
        return (cntb + jnp.sum(bmi), cnte + jnp.sum(emi))
    cntb, cnte = lax.fori_loop(0, TPW // L, cmp_body,
                               (jnp.int32(0), jnp.int32(0)))

    def fill_body(g, carry):
        mb, me = carry
        lt = g * L + _iota()
        vb = jnp.where(lt < cntb, bufpos_v[g, pl.ds(0, L)], 0)
        vb = plsc.cummax(jnp.maximum(vb, mb))
        bufpos_v[g, pl.ds(0, L)] = vb
        ve = jnp.where(lt < cnte, encpos_v[g, pl.ds(0, L)], 0)
        ve = plsc.cummax(jnp.maximum(ve, me))
        encpos_v[g, pl.ds(0, L)] = ve
        return (plsc.load_gather(bufpos_v, [_bcast(g), _bcast(15)]),
                plsc.load_gather(encpos_v, [_bcast(g), _bcast(15)]))
    nb = (cntb + L - 1) // L
    ne = (cnte + L - 1) // L
    lax.fori_loop(0, jnp.maximum(nb, ne), fill_body,
                  (jnp.zeros((L,), jnp.int32), jnp.zeros((L,), jnp.int32)))

    cps_out = []
    for j in range(8):
        cps_base[j].wait()
        cps_out.append(pltpu.async_copy(rows_v.at[pl.ds(j * 64, 64)],
                                        out_hbm.at[pl.ds(t0 + j * 64, 64)],
                                        sem2))
    plsc.subcore_barrier()
    for cp in cps_out:
        cp.wait()

    def buf_body(g, _):
        pos = bufpos_v[g, pl.ds(0, L)]
        idv = plsc.load_gather(ids_v, [pos])
        tb = plsc.load_gather(ttb_v, [pos])
        slot = plsc.load_gather(hwpi_v, [tb])
        cell = slot * PLEN + (idv - IVS)
        pltpu.async_copy(pool_hbm.at[cell], hrows_v, sem).wait()
        outidx_v[0, pl.ds(0, L)] = t0 + pos
        pltpu.async_copy(hrows_v, out_hbm.at[outidx_v.at[0]], sem).wait()
        return 0
    lax.fori_loop(0, nb, buf_body, 0)

    def enc2_body(g, _):
        pos = encpos_v[g, pl.ds(0, L)]
        v = plsc.load_gather(vvals_v, [pos // 64, pos % 64])
        pltpu.async_copy(enc_s.at[v], hrows_v, sem).wait()
        outidx_v[0, pl.ds(0, L)] = t0 + pos
        pltpu.async_copy(hrows_v, out_hbm.at[outidx_v.at[0]], sem).wait()
        return 0
    lax.fori_loop(0, ne, enc2_body, 0)


@jax.jit
def kernel(input_, embed_weight, embedding_buffer, updates, updates_indices,
           update_to_batch, hyper_weight_pool_indices, token_to_batch_indices):
    pool = embedding_buffer.reshape(NCELL, H)
    upd = updates.reshape(U * S)
    run = pl.kernel(
        _body,
        out_type=jax.ShapeDtypeStruct((T, H), jnp.float32),
        mesh=plsc.VectorSubcoreMesh(core_axis_name="c", subcore_axis_name="s",
                                    num_cores=NC, num_subcores=NS),
        compiler_params=pltpu.CompilerParams(needs_layout_passes=False),
        scratch_types=[
            pltpu.VMEM((TPW,), jnp.int32),
            pltpu.VMEM((TPW,), jnp.int32),
            pltpu.VMEM((NPOOL,), jnp.int32),
            pltpu.VMEM((2, 128), jnp.int32),
            pltpu.VMEM((U,), jnp.int32),
            pltpu.VMEM((U,), jnp.int32),
            pltpu.VMEM((U,), jnp.int32),
            pltpu.VMEM((TPW, H), jnp.float32),
            pltpu.VMEM((L * S, H), jnp.float32),
            pltpu.VMEM((UPS, H), jnp.float32),
            pltpu.VMEM((H,), jnp.float32),
            pltpu.VMEM((UPS,), jnp.float32),
            pltpu.VMEM((UPS,), jnp.float32),
            pltpu.VMEM((1024,), jnp.int32),
            pltpu.VMEM((2, L), jnp.int32),
            pltpu.VMEM((2, L), jnp.int32),
            pltpu.VMEM((8, 64), jnp.int32),
            pltpu.VMEM((8, 64), jnp.int32),
            pltpu.VMEM((8, 64), jnp.int32),
            pltpu.VMEM((TPW // L, L), jnp.int32),
            pltpu.VMEM((TPW // L, L), jnp.int32),
            pltpu.VMEM((L, H), jnp.float32),
            pltpu.VMEM((1, L), jnp.int32),
            pltpu.VMEM_SHARED((U, H), jnp.float32),
            pltpu.VMEM_SHARED((NCELL + L,), jnp.int32),
            pltpu.SemaphoreType.DMA,
            pltpu.SemaphoreType.DMA,
            pltpu.SemaphoreType.DMA,
            pltpu.SemaphoreType.DMA,
        ],
    )
    return run(input_.astype(jnp.int32), embed_weight, pool, upd,
               updates_indices.astype(jnp.int32),
               update_to_batch.astype(jnp.int32),
               hyper_weight_pool_indices.astype(jnp.int32),
               token_to_batch_indices.astype(jnp.int32))

# --- scband reference (transcript-rebuilt; emitter-appended) ---
"""Pipeline reference for scband-zip2-zip-vocab-parallel-embedding-18056042512987 (READ-ONLY COPY).

The authoritative reference and input builder live on the scoring server;
editing this copy changes nothing except your own understanding.
"""

import jax, jax.numpy as jnp
import numpy as np

IVS = 100000  # initial_vocab_size
PAD = 0       # pad_token_id


def setup_inputs(seed: int = 0) -> dict:
    key = jax.random.key(seed)
    ks = jax.random.split(key, 8)
    input_ = jax.random.randint(ks[0], (16384,), 0, 102048)
    embed_weight = jax.random.normal(ks[1], (100000, 128), dtype=jnp.float32) * 0.02
    embedding_buffer = jax.random.normal(ks[2], (64, 2048, 128), dtype=jnp.float32) * 0.02
    updates = jax.random.randint(ks[3], (512, 8), 0, 100000)
    updates_indices = jax.random.randint(ks[4], (512,), 0, 2048)
    update_to_batch = jnp.sort(jax.random.randint(ks[5], (512,), 0, 64))
    hyper_weight_pool_indices = jax.random.randint(ks[6], (64,), 0, 64)
    token_to_batch_indices = jnp.sort(jax.random.randint(ks[7], (16384,), 0, 64))
    return {
        "input_": input_,
        "embed_weight": embed_weight,
        "embedding_buffer": embedding_buffer,
        "updates": updates,
        "updates_indices": updates_indices,
        "update_to_batch": update_to_batch,
        "hyper_weight_pool_indices": hyper_weight_pool_indices,
        "token_to_batch_indices": token_to_batch_indices,
    }


def reference(input_, embed_weight, embedding_buffer, updates, updates_indices,
              update_to_batch, hyper_weight_pool_indices, token_to_batch_indices):
    # ---- split ids into base / hyper ----
    base_token_mask = input_ < IVS
    hyper_token_mask = ~base_token_mask
    base_input_ids = input_ * base_token_mask.astype(input_.dtype)
    hyper_input_ids = (input_ - IVS) * hyper_token_mask.astype(input_.dtype)

    # ---- input_encoder: embed subtokens and mean-pool over non-pad positions ----
    sub_emb = jnp.take(embed_weight, updates, axis=0)            # [U, S, H] gather
    pad_mask = (updates != PAD).astype(sub_emb.dtype)            # [U, S]
    denom = jnp.maximum(pad_mask.sum(axis=-1, keepdims=True), 1.0)
    encoded_updates = (sub_emb * pad_mask[..., None]).sum(axis=1) / denom  # [U, H]
    # (original concatenates zeros for the linear half; only the embedding half
    #  is written to the embedding buffer, so we scatter the embedding part)

    # ---- update_hyper_weights_pooled: scatter-overwrite into the pool ----
    pool_slots_u = jnp.take(hyper_weight_pool_indices, update_to_batch, axis=0)  # [U]
    buf = embedding_buffer.at[pool_slots_u, updates_indices].set(encoded_updates)

    # ---- base embedding (masked vocab-parallel lookup) ----
    base_embedding = jnp.take(embed_weight, base_input_ids, axis=0)
    base_embedding = base_embedding * base_token_mask[:, None].astype(base_embedding.dtype)

    # ---- hyper embedding: gather from updated pool at (pool_slot, hyper_id) ----
    pool_slots = jnp.take(hyper_weight_pool_indices, token_to_batch_indices, axis=0)  # [T]
    hyper_embedding = buf[pool_slots, hyper_input_ids]                                # [T, H]
    hyper_embedding = hyper_embedding * hyper_token_mask[:, None].astype(hyper_embedding.dtype)

    return base_embedding + hyper_embedding


if False:  # reference __main__ guard neutralized (emitter)
    out = reference(**setup_inputs())
    print(out.shape, out.dtype)

if __name__ == "__main__":
    import jax
    _d = setup_inputs()
    print(jax.jit(kernel)(*tuple(_d.values())))

</pallas_src>

<mosaic_0001>
#map = affine_map<(d0, d1) -> (0)>
#map1 = affine_map<(d0, d1) -> (0, 0)>
module attributes {stable_mosaic.version = 14 : i64} {
  func.func @_body(%arg0: i32, %arg1: i32, %arg2: memref<16384xi32, #tpu.memory_space<hbm>>, %arg3: memref<100000x128xf32, #tpu.memory_space<hbm>>, %arg4: memref<131072x128xf32, #tpu.memory_space<hbm>>, %arg5: memref<4096xi32, #tpu.memory_space<hbm>>, %arg6: memref<512xi32, #tpu.memory_space<hbm>>, %arg7: memref<512xi32, #tpu.memory_space<hbm>>, %arg8: memref<64xi32, #tpu.memory_space<hbm>>, %arg9: memref<16384xi32, #tpu.memory_space<hbm>>, %arg10: memref<16384x128xf32, #tpu.memory_space<hbm>>, %arg11: memref<512xi32, #tpu.memory_space<vmem>>, %arg12: memref<512xi32, #tpu.memory_space<vmem>>, %arg13: memref<64xi32, #tpu.memory_space<vmem>>, %arg14: memref<2x128xi32, #tpu.memory_space<vmem>>, %arg15: memref<512xi32, #tpu.memory_space<vmem>>, %arg16: memref<512xi32, #tpu.memory_space<vmem>>, %arg17: memref<512xi32, #tpu.memory_space<vmem>>, %arg18: memref<512x128xf32, #tpu.memory_space<vmem>>, %arg19: memref<128x128xf32, #tpu.memory_space<vmem>>, %arg20: memref<32x128xf32, #tpu.memory_space<vmem>>, %arg21: memref<128xf32, #tpu.memory_space<vmem>>, %arg22: memref<32xf32, #tpu.memory_space<vmem>>, %arg23: memref<32xf32, #tpu.memory_space<vmem>>, %arg24: memref<1024xi32, #tpu.memory_space<vmem>>, %arg25: memref<2x16xi32, #tpu.memory_space<vmem>>, %arg26: memref<2x16xi32, #tpu.memory_space<vmem>>, %arg27: memref<8x64xi32, #tpu.memory_space<vmem>>, %arg28: memref<8x64xi32, #tpu.memory_space<vmem>>, %arg29: memref<8x64xi32, #tpu.memory_space<vmem>>, %arg30: memref<32x16xi32, #tpu.memory_space<vmem>>, %arg31: memref<32x16xi32, #tpu.memory_space<vmem>>, %arg32: memref<16x128xf32, #tpu.memory_space<vmem>>, %arg33: memref<1x16xi32, #tpu.memory_space<vmem>>, %arg34: memref<512x128xf32, #tpu.memory_space<vmem_shared>>, %arg35: memref<131088xi32, #tpu.memory_space<vmem_shared>>, %arg36: memref<!tpu.dma_semaphore, #tpu.memory_space<semaphore_mem>>, %arg37: memref<!tpu.dma_semaphore, #tpu.memory_space<semaphore_mem>>, %arg38: memref<!tpu.dma_semaphore, #tpu.memory_space<semaphore_mem>>, %arg39: memref<!tpu.dma_semaphore, #tpu.memory_space<semaphore_mem>>) attributes {dimension_semantics = [#tpu.dimension_semantics<core_parallel>, #tpu.dimension_semantics<subcore_parallel>], iteration_bounds = array<i64: 2, 16>, scalar_prefetch = 0 : i64, scratch_operands = 29 : i64, tpu.core_type = #tpu.core_type<sc_vector_subcore>, window_params = [{transform_indices = #map}, {transform_indices = #map1}, {transform_indices = #map1}, {transform_indices = #map}, {transform_indices = #map}, {transform_indices = #map}, {transform_indices = #map}, {transform_indices = #map}, {transform_indices = #map1}]} {
    %mul3A = arith.constant 16 : i32
    %mul3A_0 = arith.muli %arg0, %mul3A : i32
    %add3A = arith.addi %mul3A_0, %arg1 : i32
    %mul3A_1 = arith.constant 512 : i32
    %mul3A_2 = arith.muli %add3A, %mul3A_1 : i32
    %mul3A_3 = arith.constant 32 : i32
    %mul3A_4 = arith.muli %arg1, %mul3A_3 : i32
    tpu.enqueue_dma source(%arg6 : memref<512xi32, #tpu.memory_space<hbm>>) target(%arg15 : memref<512xi32, #tpu.memory_space<vmem>>) target_semaphore(%arg36 : memref<!tpu.dma_semaphore, #tpu.memory_space<semaphore_mem>>)
    tpu.enqueue_dma source(%arg7 : memref<512xi32, #tpu.memory_space<hbm>>) target(%arg16 : memref<512xi32, #tpu.memory_space<vmem>>) target_semaphore(%arg36 : memref<!tpu.dma_semaphore, #tpu.memory_space<semaphore_mem>>)
    tpu.enqueue_dma source(%arg8 : memref<64xi32, #tpu.memory_space<hbm>>) target(%arg13 : memref<64xi32, #tpu.memory_space<vmem>>) target_semaphore(%arg36 : memref<!tpu.dma_semaphore, #tpu.memory_space<semaphore_mem>>)
    %mul3A_5 = arith.constant 8 : i32
    %mul3A_6 = arith.muli %mul3A_4, %mul3A_5 : i32
    %dma_start3A = arith.constant 0 : i32
    %dma_start3A_7 = arith.constant 0 : i32
    %dma_start3A_8 = tpu.memref_slice %arg14[%dma_start3A, %dma_start3A_7] : memref<2x128xi32, #tpu.memory_space<vmem>> -> memref<1x128xi32, #tpu.memory_space<vmem>>
    %dma_start3A_9 = tpu.memref_squeeze %dma_start3A_8 : memref<1x128xi32, #tpu.memory_space<vmem>> -> memref<128xi32, #tpu.memory_space<vmem>>
    %dma_start3A_10 = tpu.memref_slice %arg5[%mul3A_6] : memref<4096xi32, #tpu.memory_space<hbm>> -> memref<128xi32, #tpu.memory_space<hbm>>
    %dma_start3A_11 = arith.constant 0 : i32
    %dma_start3A_12 = tpu.memref_slice %arg14[%dma_start3A, %dma_start3A_11] : memref<2x128xi32, #tpu.memory_space<vmem>> -> memref<1x128xi32, #tpu.memory_space<vmem>>
    %dma_start3A_13 = tpu.memref_squeeze %dma_start3A_12 : memref<1x128xi32, #tpu.memory_space<vmem>> -> memref<128xi32, #tpu.memory_space<vmem>>
    %dma_start3A_14 = tpu.memref_slice %arg5[%mul3A_6] : memref<4096xi32, #tpu.memory_space<hbm>> -> memref<128xi32, #tpu.memory_space<hbm>>
    tpu.enqueue_dma source(%dma_start3A_14 : memref<128xi32, #tpu.memory_space<hbm>>) target(%dma_start3A_13 : memref<128xi32, #tpu.memory_space<vmem>>) target_semaphore(%arg36 : memref<!tpu.dma_semaphore, #tpu.memory_space<semaphore_mem>>)
    %mul3A_15 = arith.constant 8 : i32
    %mul3A_16 = arith.muli %mul3A_4, %mul3A_15 : i32
    %add3A_17 = arith.constant 128 : i32
    %add3A_18 = arith.addi %mul3A_16, %add3A_17 : i32
    %dma_start3A_19 = arith.constant 1 : i32
    %dma_start3A_20 = arith.constant 0 : i32
    %dma_start3A_21 = tpu.memref_slice %arg14[%dma_start3A_19, %dma_start3A_20] : memref<2x128xi32, #tpu.memory_space<vmem>> -> memref<1x128xi32, #tpu.memory_space<vmem>>
    %dma_start3A_22 = tpu.memref_squeeze %dma_start3A_21 : memref<1x128xi32, #tpu.memory_space<vmem>> -> memref<128xi32, #tpu.memory_space<vmem>>
    %dma_start3A_23 = tpu.memref_slice %arg5[%add3A_18] : memref<4096xi32, #tpu.memory_space<hbm>> -> memref<128xi32, #tpu.memory_space<hbm>>
    %dma_start3A_24 = arith.constant 0 : i32
    %dma_start3A_25 = tpu.memref_slice %arg14[%dma_start3A_19, %dma_start3A_24] : memref<2x128xi32, #tpu.memory_space<vmem>> -> memref<1x128xi32, #tpu.memory_space<vmem>>
    %dma_start3A_26 = tpu.memref_squeeze %dma_start3A_25 : memref<1x128xi32, #tpu.memory_space<vmem>> -> memref<128xi32, #tpu.memory_space<vmem>>
    %dma_start3A_27 = tpu.memref_slice %arg5[%add3A_18] : memref<4096xi32, #tpu.memory_space<hbm>> -> memref<128xi32, #tpu.memory_space<hbm>>
    tpu.enqueue_dma source(%dma_start3A_27 : memref<128xi32, #tpu.memory_space<hbm>>) target(%dma_start3A_26 : memref<128xi32, #tpu.memory_space<vmem>>) target_semaphore(%arg36 : memref<!tpu.dma_semaphore, #tpu.memory_space<semaphore_mem>>)
    %dma_start3A_28 = arith.constant 0 : i32
    %dma_start3A_29 = arith.constant 0 : i32
    %dma_start3A_30 = tpu.memref_slice %arg3[%dma_start3A_28, %dma_start3A_29] : memref<100000x128xf32, #tpu.memory_space<hbm>> -> memref<1x128xf32, #tpu.memory_space<hbm>>
    %dma_start3A_31 = tpu.memref_squeeze %dma_start3A_30 : memref<1x128xf32, #tpu.memory_space<hbm>> -> memref<128xf32, #tpu.memory_space<hbm>>
    %dma_start3A_32 = arith.constant 0 : i32
    %dma_start3A_33 = tpu.memref_slice %arg3[%dma_start3A_28, %dma_start3A_32] : memref<100000x128xf32, #tpu.memory_space<hbm>> -> memref<1x128xf32, #tpu.memory_space<hbm>>
    %dma_start3A_34 = tpu.memref_squeeze %dma_start3A_33 : memref<1x128xf32, #tpu.memory_space<hbm>> -> memref<128xf32, #tpu.memory_space<hbm>>
    tpu.enqueue_dma source(%dma_start3A_34 : memref<128xf32, #tpu.memory_space<hbm>>) target(%arg21 : memref<128xf32, #tpu.memory_space<vmem>>) target_semaphore(%arg36 : memref<!tpu.dma_semaphore, #tpu.memory_space<semaphore_mem>>)
    %dma_start3A_35 = tpu.memref_slice %arg2[%mul3A_2] : memref<16384xi32, #tpu.memory_space<hbm>> -> memref<512xi32, #tpu.memory_space<hbm>>
    %dma_start3A_36 = tpu.memref_slice %arg2[%mul3A_2] : memref<16384xi32, #tpu.memory_space<hbm>> -> memref<512xi32, #tpu.memory_space<hbm>>
    tpu.enqueue_dma source(%dma_start3A_36 : memref<512xi32, #tpu.memory_space<hbm>>) target(%arg11 : memref<512xi32, #tpu.memory_space<vmem>>) target_semaphore(%arg36 : memref<!tpu.dma_semaphore, #tpu.memory_space<semaphore_mem>>)
    %dma_start3A_37 = tpu.memref_slice %arg9[%mul3A_2] : memref<16384xi32, #tpu.memory_space<hbm>> -> memref<512xi32, #tpu.memory_space<hbm>>
    %dma_start3A_38 = tpu.memref_slice %arg9[%mul3A_2] : memref<16384xi32, #tpu.memory_space<hbm>> -> memref<512xi32, #tpu.memory_space<hbm>>
    tpu.enqueue_dma source(%dma_start3A_38 : memref<512xi32, #tpu.memory_space<hbm>>) target(%arg12 : memref<512xi32, #tpu.memory_space<vmem>>) target_semaphore(%arg36 : memref<!tpu.dma_semaphore, #tpu.memory_space<semaphore_mem>>)
    tpu.wait_dma2 semaphore(%arg36 : memref<!tpu.dma_semaphore, #tpu.memory_space<semaphore_mem>>) src(%arg6 : memref<512xi32, #tpu.memory_space<hbm>>) dst(%arg15 : memref<512xi32, #tpu.memory_space<vmem>>)
    tpu.wait_dma2 semaphore(%arg36 : memref<!tpu.dma_semaphore, #tpu.memory_space<semaphore_mem>>) src(%arg7 : memref<512xi32, #tpu.memory_space<hbm>>) dst(%arg16 : memref<512xi32, #tpu.memory_space<vmem>>)
    tpu.wait_dma2 semaphore(%arg36 : memref<!tpu.dma_semaphore, #tpu.memory_space<semaphore_mem>>) src(%arg8 : memref<64xi32, #tpu.memory_space<hbm>>) dst(%arg13 : memref<64xi32, #tpu.memory_space<vmem>>)
    %dma_wait3A = arith.constant 0 : i32
    %dma_wait3A_39 = arith.constant 0 : i32
    %dma_wait3A_40 = tpu.memref_slice %arg14[%dma_wait3A, %dma_wait3A_39] : memref<2x128xi32, #tpu.memory_space<vmem>> -> memref<1x128xi32, #tpu.memory_space<vmem>>
    %dma_wait3A_41 = tpu.memref_squeeze %dma_wait3A_40 : memref<1x128xi32, #tpu.memory_space<vmem>> -> memref<128xi32, #tpu.memory_space<vmem>>
    %dma_wait3A_42 = tpu.memref_slice %arg5[%mul3A_6] : memref<4096xi32, #tpu.memory_space<hbm>> -> memref<128xi32, #tpu.memory_space<hbm>>
    %dma_wait3A_43 = arith.constant 0 : i32
    %dma_wait3A_44 = tpu.memref_slice %arg14[%dma_wait3A, %dma_wait3A_43] : memref<2x128xi32, #tpu.memory_space<vmem>> -> memref<1x128xi32, #tpu.memory_space<vmem>>
    %dma_wait3A_45 = tpu.memref_squeeze %dma_wait3A_44 : memref<1x128xi32, #tpu.memory_space<vmem>> -> memref<128xi32, #tpu.memory_space<vmem>>
    %dma_wait3A_46 = tpu.memref_slice %arg5[%mul3A_6] : memref<4096xi32, #tpu.memory_space<hbm>> -> memref<128xi32, #tpu.memory_space<hbm>>
    tpu.wait_dma2 semaphore(%arg36 : memref<!tpu.dma_semaphore, #tpu.memory_space<semaphore_mem>>) src(%dma_wait3A_46 : memref<128xi32, #tpu.memory_space<hbm>>) dst(%dma_wait3A_45 : memref<128xi32, #tpu.memory_space<vmem>>)
    %dma_wait3A_47 = arith.constant 1 : i32
    %dma_wait3A_48 = arith.constant 0 : i32
    %dma_wait3A_49 = tpu.memref_slice %arg14[%dma_wait3A_47, %dma_wait3A_48] : memref<2x128xi32, #tpu.memory_space<vmem>> -> memref<1x128xi32, #tpu.memory_space<vmem>>
    %dma_wait3A_50 = tpu.memref_squeeze %dma_wait3A_49 : memref<1x128xi32, #tpu.memory_space<vmem>> -> memref<128xi32, #tpu.memory_space<vmem>>
    %dma_wait3A_51 = tpu.memref_slice %arg5[%add3A_18] : memref<4096xi32, #tpu.memory_space<hbm>> -> memref<128xi32, #tpu.memory_space<hbm>>
    %dma_wait3A_52 = arith.constant 0 : i32
    %dma_wait3A_53 = tpu.memref_slice %arg14[%dma_wait3A_47, %dma_wait3A_52] : memref<2x128xi32, #tpu.memory_space<vmem>> -> memref<1x128xi32, #tpu.memory_space<vmem>>
    %dma_wait3A_54 = tpu.memref_squeeze %dma_wait3A_53 : memref<1x128xi32, #tpu.memory_space<vmem>> -> memref<128xi32, #tpu.memory_space<vmem>>
    %dma_wait3A_55 = tpu.memref_slice %arg5[%add3A_18] : memref<4096xi32, #tpu.memory_space<hbm>> -> memref<128xi32, #tpu.memory_space<hbm>>
    tpu.wait_dma2 semaphore(%arg36 : memref<!tpu.dma_semaphore, #tpu.memory_space<semaphore_mem>>) src(%dma_wait3A_55 : memref<128xi32, #tpu.memory_space<hbm>>) dst(%dma_wait3A_54 : memref<128xi32, #tpu.memory_space<vmem>>)
    %dma_wait3A_56 = arith.constant 0 : i32
    %dma_wait3A_57 = arith.constant 0 : i32
    %dma_wait3A_58 = tpu.memref_slice %arg3[%dma_wait3A_56, %dma_wait3A_57] : memref<100000x128xf32, #tpu.memory_space<hbm>> -> memref<1x128xf32, #tpu.memory_space<hbm>>
    %dma_wait3A_59 = tpu.memref_squeeze %dma_wait3A_58 : memref<1x128xf32, #tpu.memory_space<hbm>> -> memref<128xf32, #tpu.memory_space<hbm>>
    %dma_wait3A_60 = arith.constant 0 : i32
    %dma_wait3A_61 = tpu.memref_slice %arg3[%dma_wait3A_56, %dma_wait3A_60] : memref<100000x128xf32, #tpu.memory_space<hbm>> -> memref<1x128xf32, #tpu.memory_space<hbm>>
    %dma_wait3A_62 = tpu.memref_squeeze %dma_wait3A_61 : memref<1x128xf32, #tpu.memory_space<hbm>> -> memref<128xf32, #tpu.memory_space<hbm>>
    tpu.wait_dma2 semaphore(%arg36 : memref<!tpu.dma_semaphore, #tpu.memory_space<semaphore_mem>>) src(%dma_wait3A_62 : memref<128xf32, #tpu.memory_space<hbm>>) dst(%arg21 : memref<128xf32, #tpu.memory_space<vmem>>)
    %dma_wait3A_63 = tpu.memref_slice %arg2[%mul3A_2] : memref<16384xi32, #tpu.memory_space<hbm>> -> memref<512xi32, #tpu.memory_space<hbm>>
    %dma_wait3A_64 = tpu.memref_slice %arg2[%mul3A_2] : memref<16384xi32, #tpu.memory_space<hbm>> -> memref<512xi32, #tpu.memory_space<hbm>>
    tpu.wait_dma2 semaphore(%arg36 : memref<!tpu.dma_semaphore, #tpu.memory_space<semaphore_mem>>) src(%dma_wait3A_64 : memref<512xi32, #tpu.memory_space<hbm>>) dst(%arg11 : memref<512xi32, #tpu.memory_space<vmem>>)
    %dma_wait3A_65 = tpu.memref_slice %arg9[%mul3A_2] : memref<16384xi32, #tpu.memory_space<hbm>> -> memref<512xi32, #tpu.memory_space<hbm>>
    %dma_wait3A_66 = tpu.memref_slice %arg9[%mul3A_2] : memref<16384xi32, #tpu.memory_space<hbm>> -> memref<512xi32, #tpu.memory_space<hbm>>
    tpu.wait_dma2 semaphore(%arg36 : memref<!tpu.dma_semaphore, #tpu.memory_space<semaphore_mem>>) src(%dma_wait3A_66 : memref<512xi32, #tpu.memory_space<hbm>>) dst(%arg12 : memref<512xi32, #tpu.memory_space<vmem>>)
    %scan3A = arith.constant 0 : i32
    %scan3A_67 = arith.constant 0 : i32
    %scan3A_68 = arith.constant 32 : i32
    %scan3A_69 = arith.addi %scan3A_67, %scan3A_68 : i32
    %scan3A_70 = arith.constant 1 : i32
    %scan3A_71 = scf.for %scan3A_1228 = %scan3A_67 to %scan3A_69 step %scan3A_70 iter_args(%scan3A_1229 = %scan3A) -> (i32)  : i32 {
      %mul3A_1230 = arith.constant 16 : i32
      %mul3A_1231 = arith.muli %scan3A_1228, %mul3A_1230 : i32
      %get3A_1232 = arith.index_cast %mul3A_1231 : i32 to index
      %get3A_1233 = tpu.vector_load %arg11[%get3A_1232] {strides = array<i32>} : memref<512xi32, #tpu.memory_space<vmem>>, vector<16xi32>,
      %ge3A = arith.constant 100000 : i32
      %ge3A_1234 = vector.broadcast %ge3A : i32 to vector<16xi32>
      %ge3A_1235 = arith.cmpi sge, %get3A_1233, %ge3A_1234 : vector<16xi32>
      %mul3A_1236 = arith.constant 16 : i32
      %mul3A_1237 = arith.muli %scan3A_1228, %mul3A_1236 : i32
      %get3A_1238 = arith.index_cast %mul3A_1237 : i32 to index
      %get3A_1239 = tpu.vector_load %arg12[%get3A_1238] {strides = array<i32>} : memref<512xi32, #tpu.memory_space<vmem>>, vector<16xi32>,
      %gather3A_1240 = tpu.vector_load_idx %arg13[%get3A_1239] : memref<64xi32, #tpu.memory_space<vmem>>[vector<16xi32>], vector<16xi32>,
      %mul3A_1241 = arith.constant 2048 : i32
      %mul3A_1242 = vector.broadcast %mul3A_1241 : i32 to vector<16xi32>
      %mul3A_1243 = arith.muli %gather3A_1240, %mul3A_1242 : vector<16xi32>
      %sub3A_1244 = arith.constant 100000 : i32
      %sub3A_1245 = vector.broadcast %sub3A_1244 : i32 to vector<16xi32>
      %sub3A_1246 = arith.subi %get3A_1233, %sub3A_1245 : vector<16xi32>
      %add3A_1247 = arith.addi %mul3A_1243, %sub3A_1246 : vector<16xi32>
      %jit3A_1248 = arith.constant 4 : i32
      %div3A_1249 = arith.divsi %scan3A_1228, %jit3A_1248 : i32
      %sign3A_1250 = arith.constant 0 : i32
      %sign3A_1251 = arith.cmpi sgt, %scan3A_1228, %sign3A_1250 : i32
      %sign3A_1252 = arith.extui %sign3A_1251 : i1 to i32
      %sign3A_1253 = arith.constant 0 : i32
      %sign3A_1254 = arith.cmpi slt, %scan3A_1228, %sign3A_1253 : i32
      %sign3A_1255 = arith.extui %sign3A_1254 : i1 to i32
      %sign3A_1256 = arith.subi %sign3A_1252, %sign3A_1255 : i32
      %sign3A_1257 = arith.constant 0 : i32
      %sign3A_1258 = arith.cmpi sgt, %jit3A_1248, %sign3A_1257 : i32
      %sign3A_1259 = arith.extui %sign3A_1258 : i1 to i32
      %sign3A_1260 = arith.constant 0 : i32
      %sign3A_1261 = arith.cmpi slt, %jit3A_1248, %sign3A_1260 : i32
      %sign3A_1262 = arith.extui %sign3A_1261 : i1 to i32
      %sign3A_1263 = arith.subi %sign3A_1259, %sign3A_1262 : i32
      %ne3A_1264 = arith.cmpi ne, %sign3A_1256, %sign3A_1263 : i32
      %rem3A_1265 = arith.remsi %scan3A_1228, %jit3A_1248 : i32
      %ne3A_1266 = arith.constant 0 : i32
      %ne3A_1267 = arith.cmpi ne, %rem3A_1265, %ne3A_1266 : i32
      %and3A_1268 = arith.andi %ne3A_1264, %ne3A_1267 : i1
      %sub3A_1269 = arith.constant 1 : i32
      %sub3A_1270 = arith.subi %div3A_1249, %sub3A_1269 : i32
      %select_n3A_1271 = arith.select %and3A_1268, %sub3A_1270, %div3A_1249 : i32
      %jit3A_1272 = arith.constant 4 : i32
      %eq3A_1273 = arith.constant 0 : i32
      %eq3A_1274 = arith.cmpi eq, %jit3A_1272, %eq3A_1273 : i32
      %jit3A_1275 = arith.constant 1 : i32
      %select_n3A_1276 = arith.select %eq3A_1274, %jit3A_1275, %jit3A_1272 : i32
      %rem3A_1277 = arith.remsi %scan3A_1228, %select_n3A_1276 : i32
      %ne3A_1278 = arith.constant 0 : i32
      %ne3A_1279 = arith.cmpi ne, %rem3A_1277, %ne3A_1278 : i32
      %lt3A = arith.constant 0 : i32
      %lt3A_1280 = arith.cmpi slt, %rem3A_1277, %lt3A : i32
      %lt3A_1281 = arith.constant 0 : i32
      %lt3A_1282 = arith.cmpi slt, %select_n3A_1276, %lt3A_1281 : i32
      %ne3A_1283 = arith.xori %lt3A_1280, %lt3A_1282 : i1
      %and3A_1284 = arith.andi %ne3A_1283, %ne3A_1279 : i1
      %add3A_1285 = arith.addi %rem3A_1277, %select_n3A_1276 : i32
      %select_n3A_1286 = arith.select %and3A_1284, %add3A_1285, %rem3A_1277 : i32
      %mul3A_1287 = arith.constant 16 : i32
      %mul3A_1288 = arith.muli %select_n3A_1286, %mul3A_1287 : i32
      %jit3A_1289 = arith.constant 0 : i32
      %broadcast_in_dim3A_1290 = vector.broadcast %jit3A_1289 : i32 to vector<16xi32>
      %select_n3A_1291 = arith.select %ge3A_1235, %broadcast_in_dim3A_1290, %get3A_1233 : vector<16xi1>, vector<16xi32>
      %swap3A_1292 = arith.index_cast %select_n3A_1271 : i32 to index
      %swap3A_1293 = arith.index_cast %mul3A_1288 : i32 to index
      %swap3A_1294 = tpu.vector_load %arg27[%swap3A_1292, %swap3A_1293] {strides = array<i32>} : memref<8x64xi32, #tpu.memory_space<vmem>>, vector<16xi32>,
      tpu.vector_store %arg27[%swap3A_1292, %swap3A_1293], %select_n3A_1291 {strides = array<i32>} : memref<8x64xi32, #tpu.memory_space<vmem>>, vector<16xi32>,
      %jit3A_1295 = arith.constant 0 : i32
      %broadcast_in_dim3A_1296 = vector.broadcast %jit3A_1295 : i32 to vector<16xi32>
      %select_n3A_1297 = arith.select %ge3A_1235, %add3A_1247, %broadcast_in_dim3A_1296 : vector<16xi1>, vector<16xi32>
      %swap3A_1298 = arith.index_cast %select_n3A_1271 : i32 to index
      %swap3A_1299 = arith.index_cast %mul3A_1288 : i32 to index
      %swap3A_1300 = tpu.vector_load %arg28[%swap3A_1298, %swap3A_1299] {strides = array<i32>} : memref<8x64xi32, #tpu.memory_space<vmem>>, vector<16xi32>,
      tpu.vector_store %arg28[%swap3A_1298, %swap3A_1299], %select_n3A_1297 {strides = array<i32>} : memref<8x64xi32, #tpu.memory_space<vmem>>, vector<16xi32>,
      %scan3A_1301 = arith.constant 0 : i32
      scf.yield %scan3A_1301 : i32
    }
    %scan3A_72 = arith.constant 32 : i32
    %dma_start3A_73 = arith.constant 0 : i32
    %dma_start3A_74 = arith.constant 0 : i32
    %dma_start3A_75 = arith.constant 0 : i32
    %dma_start3A_76 = tpu.memref_slice %arg18[%dma_start3A_74, %dma_start3A_75] : memref<512x128xf32, #tpu.memory_space<vmem>> -> memref<64x128xf32, #tpu.memory_space<vmem>>
    %dma_start3A_77 = arith.constant 0 : i32
    %dma_start3A_78 = tpu.memref_slice %arg27[%dma_start3A_73, %dma_start3A_77] : memref<8x64xi32, #tpu.memory_space<vmem>> -> memref<1x64xi32, #tpu.memory_space<vmem>>
    %dma_start3A_79 = tpu.memref_squeeze %dma_start3A_78 : memref<1x64xi32, #tpu.memory_space<vmem>> -> memref<64xi32, #tpu.memory_space<vmem>>
    %dma_start3A_80 = arith.constant 0 : i32
    %dma_start3A_81 = arith.constant 0 : i32
    %dma_start3A_82 = tpu.memref_slice %arg3[%dma_start3A_80, %dma_start3A_81] : memref<100000x128xf32, #tpu.memory_space<hbm>> -> memref<100000x128xf32, #tpu.memory_space<hbm>>
    tpu.enqueue_indirect_dma source(%dma_start3A_82 : memref<100000x128xf32, #tpu.memory_space<hbm>>) target(%dma_start3A_76 : memref<64x128xf32, #tpu.memory_space<vmem>>) offsets(%dma_start3A_79 : memref<64xi32, #tpu.memory_space<vmem>>) semaphore(%arg37 : memref<!tpu.dma_semaphore, #tpu.memory_space<semaphore_mem>>)
    %dma_start3A_83 = arith.constant 1 : i32
    %dma_start3A_84 = arith.constant 64 : i32
    %dma_start3A_85 = arith.constant 0 : i32
    %dma_start3A_86 = tpu.memref_slice %arg18[%dma_start3A_84, %dma_start3A_85] : memref<512x128xf32, #tpu.memory_space<vmem>> -> memref<64x128xf32, #tpu.memory_space<vmem>>
    %dma_start3A_87 = arith.constant 0 : i32
    %dma_start3A_88 = tpu.memref_slice %arg27[%dma_start3A_83, %dma_start3A_87] : memref<8x64xi32, #tpu.memory_space<vmem>> -> memref<1x64xi32, #tpu.memory_space<vmem>>
    %dma_start3A_89 = tpu.memref_squeeze %dma_start3A_88 : memref<1x64xi32, #tpu.memory_space<vmem>> -> memref<64xi32, #tpu.memory_space<vmem>>
    %dma_start3A_90 = arith.constant 0 : i32
    %dma_start3A_91 = arith.constant 0 : i32
    %dma_start3A_92 = tpu.memref_slice %arg3[%dma_start3A_90, %dma_start3A_91] : memref<100000x128xf32, #tpu.memory_space<hbm>> -> memref<100000x128xf32, #tpu.memory_space<hbm>>
    tpu.enqueue_indirect_dma source(%dma_start3A_92 : memref<100000x128xf32, #tpu.memory_space<hbm>>) target(%dma_start3A_86 : memref<64x128xf32, #tpu.memory_space<vmem>>) offsets(%dma_start3A_89 : memref<64xi32, #tpu.memory_space<vmem>>) semaphore(%arg37 : memref<!tpu.dma_semaphore, #tpu.memory_space<semaphore_mem>>)
    %dma_start3A_93 = arith.constant 2 : i32
    %dma_start3A_94 = arith.constant 128 : i32
    %dma_start3A_95 = arith.constant 0 : i32
    %dma_start3A_96 = tpu.memref_slice %arg18[%dma_start3A_94, %dma_start3A_95] : memref<512x128xf32, #tpu.memory_space<vmem>> -> memref<64x128xf32, #tpu.memory_space<vmem>>
    %dma_start3A_97 = arith.constant 0 : i32
    %dma_start3A_98 = tpu.memref_slice %arg27[%dma_start3A_93, %dma_start3A_97] : memref<8x64xi32, #tpu.memory_space<vmem>> -> memref<1x64xi32, #tpu.memory_space<vmem>>
    %dma_start3A_99 = tpu.memref_squeeze %dma_start3A_98 : memref<1x64xi32, #tpu.memory_space<vmem>> -> memref<64xi32, #tpu.memory_space<vmem>>
    %dma_start3A_100 = arith.constant 0 : i32
    %dma_start3A_101 = arith.constant 0 : i32
    %dma_start3A_102 = tpu.memref_slice %arg3[%dma_start3A_100, %dma_start3A_101] : memref<100000x128xf32, #tpu.memory_space<hbm>> -> memref<100000x128xf32, #tpu.memory_space<hbm>>
    tpu.enqueue_indirect_dma source(%dma_start3A_102 : memref<100000x128xf32, #tpu.memory_space<hbm>>) target(%dma_start3A_96 : memref<64x128xf32, #tpu.memory_space<vmem>>) offsets(%dma_start3A_99 : memref<64xi32, #tpu.memory_space<vmem>>) semaphore(%arg37 : memref<!tpu.dma_semaphore, #tpu.memory_space<semaphore_mem>>)
    %dma_start3A_103 = arith.constant 3 : i32
    %dma_start3A_104 = arith.constant 192 : i32
    %dma_start3A_105 = arith.constant 0 : i32
    %dma_start3A_106 = tpu.memref_slice %arg18[%dma_start3A_104, %dma_start3A_105] : memref<512x128xf32, #tpu.memory_space<vmem>> -> memref<64x128xf32, #tpu.memory_space<vmem>>
    %dma_start3A_107 = arith.constant 0 : i32
    %dma_start3A_108 = tpu.memref_slice %arg27[%dma_start3A_103, %dma_start3A_107] : memref<8x64xi32, #tpu.memory_space<vmem>> -> memref<1x64xi32, #tpu.memory_space<vmem>>
    %dma_start3A_109 = tpu.memref_squeeze %dma_start3A_108 : memref<1x64xi32, #tpu.memory_space<vmem>> -> memref<64xi32, #tpu.memory_space<vmem>>
    %dma_start3A_110 = arith.constant 0 : i32
    %dma_start3A_111 = arith.constant 0 : i32
    %dma_start3A_112 = tpu.memref_slice %arg3[%dma_start3A_110, %dma_start3A_111] : memref<100000x128xf32, #tpu.memory_space<hbm>> -> memref<100000x128xf32, #tpu.memory_space<hbm>>
    tpu.enqueue_indirect_dma source(%dma_start3A_112 : memref<100000x128xf32, #tpu.memory_space<hbm>>) target(%dma_start3A_106 : memref<64x128xf32, #tpu.memory_space<vmem>>) offsets(%dma_start3A_109 : memref<64xi32, #tpu.memory_space<vmem>>) semaphore(%arg37 : memref<!tpu.dma_semaphore, #tpu.memory_space<semaphore_mem>>)
    %dma_start3A_113 = arith.constant 4 : i32
    %dma_start3A_114 = arith.constant 256 : i32
    %dma_start3A_115 = arith.constant 0 : i32
    %dma_start3A_116 = tpu.memref_slice %arg18[%dma_start3A_114, %dma_start3A_115] : memref<512x128xf32, #tpu.memory_space<vmem>> -> memref<64x128xf32, #tpu.memory_space<vmem>>
    %dma_start3A_117 = arith.constant 0 : i32
    %dma_start3A_118 = tpu.memref_slice %arg27[%dma_start3A_113, %dma_start3A_117] : memref<8x64xi32, #tpu.memory_space<vmem>> -> memref<1x64xi32, #tpu.memory_space<vmem>>
    %dma_start3A_119 = tpu.memref_squeeze %dma_start3A_118 : memref<1x64xi32, #tpu.memory_space<vmem>> -> memref<64xi32, #tpu.memory_space<vmem>>
    %dma_start3A_120 = arith.constant 0 : i32
    %dma_start3A_121 = arith.constant 0 : i32
    %dma_start3A_122 = tpu.memref_slice %arg3[%dma_start3A_120, %dma_start3A_121] : memref<100000x128xf32, #tpu.memory_space<hbm>> -> memref<100000x128xf32, #tpu.memory_space<hbm>>
    tpu.enqueue_indirect_dma source(%dma_start3A_122 : memref<100000x128xf32, #tpu.memory_space<hbm>>) target(%dma_start3A_116 : memref<64x128xf32, #tpu.memory_space<vmem>>) offsets(%dma_start3A_119 : memref<64xi32, #tpu.memory_space<vmem>>) semaphore(%arg37 : memref<!tpu.dma_semaphore, #tpu.memory_space<semaphore_mem>>)
    %dma_start3A_123 = arith.constant 5 : i32
    %dma_start3A_124 = arith.constant 320 : i32
    %dma_start3A_125 = arith.constant 0 : i32
    %dma_start3A_126 = tpu.memref_slice %arg18[%dma_start3A_124, %dma_start3A_125] : memref<512x128xf32, #tpu.memory_space<vmem>> -> memref<64x128xf32, #tpu.memory_space<vmem>>
    %dma_start3A_127 = arith.constant 0 : i32
    %dma_start3A_128 = tpu.memref_slice %arg27[%dma_start3A_123, %dma_start3A_127] : memref<8x64xi32, #tpu.memory_space<vmem>> -> memref<1x64xi32, #tpu.memory_space<vmem>>
    %dma_start3A_129 = tpu.memref_squeeze %dma_start3A_128 : memref<1x64xi32, #tpu.memory_space<vmem>> -> memref<64xi32, #tpu.memory_space<vmem>>
    %dma_start3A_130 = arith.constant 0 : i32
    %dma_start3A_131 = arith.constant 0 : i32
    %dma_start3A_132 = tpu.memref_slice %arg3[%dma_start3A_130, %dma_start3A_131] : memref<100000x128xf32, #tpu.memory_space<hbm>> -> memref<100000x128xf32, #tpu.memory_space<hbm>>
    tpu.enqueue_indirect_dma source(%dma_start3A_132 : memref<100000x128xf32, #tpu.memory_space<hbm>>) target(%dma_start3A_126 : memref<64x128xf32, #tpu.memory_space<vmem>>) offsets(%dma_start3A_129 : memref<64xi32, #tpu.memory_space<vmem>>) semaphore(%arg37 : memref<!tpu.dma_semaphore, #tpu.memory_space<semaphore_mem>>)
    %dma_start3A_133 = arith.constant 6 : i32
    %dma_start3A_134 = arith.constant 384 : i32
    %dma_start3A_135 = arith.constant 0 : i32
    %dma_start3A_136 = tpu.memref_slice %arg18[%dma_start3A_134, %dma_start3A_135] : memref<512x128xf32, #tpu.memory_space<vmem>> -> memref<64x128xf32, #tpu.memory_space<vmem>>
    %dma_start3A_137 = arith.constant 0 : i32
    %dma_start3A_138 = tpu.memref_slice %arg27[%dma_start3A_133, %dma_start3A_137] : memref<8x64xi32, #tpu.memory_space<vmem>> -> memref<1x64xi32, #tpu.memory_space<vmem>>
    %dma_start3A_139 = tpu.memref_squeeze %dma_start3A_138 : memref<1x64xi32, #tpu.memory_space<vmem>> -> memref<64xi32, #tpu.memory_space<vmem>>
    %dma_start3A_140 = arith.constant 0 : i32
    %dma_start3A_141 = arith.constant 0 : i32
    %dma_start3A_142 = tpu.memref_slice %arg3[%dma_start3A_140, %dma_start3A_141] : memref<100000x128xf32, #tpu.memory_space<hbm>> -> memref<100000x128xf32, #tpu.memory_space<hbm>>
    tpu.enqueue_indirect_dma source(%dma_start3A_142 : memref<100000x128xf32, #tpu.memory_space<hbm>>) target(%dma_start3A_136 : memref<64x128xf32, #tpu.memory_space<vmem>>) offsets(%dma_start3A_139 : memref<64xi32, #tpu.memory_space<vmem>>) semaphore(%arg37 : memref<!tpu.dma_semaphore, #tpu.memory_space<semaphore_mem>>)
    %dma_start3A_143 = arith.constant 7 : i32
    %dma_start3A_144 = arith.constant 448 : i32
    %dma_start3A_145 = arith.constant 0 : i32
    %dma_start3A_146 = tpu.memref_slice %arg18[%dma_start3A_144, %dma_start3A_145] : memref<512x128xf32, #tpu.memory_space<vmem>> -> memref<64x128xf32, #tpu.memory_space<vmem>>
    %dma_start3A_147 = arith.constant 0 : i32
    %dma_start3A_148 = tpu.memref_slice %arg27[%dma_start3A_143, %dma_start3A_147] : memref<8x64xi32, #tpu.memory_space<vmem>> -> memref<1x64xi32, #tpu.memory_space<vmem>>
    %dma_start3A_149 = tpu.memref_squeeze %dma_start3A_148 : memref<1x64xi32, #tpu.memory_space<vmem>> -> memref<64xi32, #tpu.memory_space<vmem>>
    %dma_start3A_150 = arith.constant 0 : i32
    %dma_start3A_151 = arith.constant 0 : i32
    %dma_start3A_152 = tpu.memref_slice %arg3[%dma_start3A_150, %dma_start3A_151] : memref<100000x128xf32, #tpu.memory_space<hbm>> -> memref<100000x128xf32, #tpu.memory_space<hbm>>
    tpu.enqueue_indirect_dma source(%dma_start3A_152 : memref<100000x128xf32, #tpu.memory_space<hbm>>) target(%dma_start3A_146 : memref<64x128xf32, #tpu.memory_space<vmem>>) offsets(%dma_start3A_149 : memref<64xi32, #tpu.memory_space<vmem>>) semaphore(%arg37 : memref<!tpu.dma_semaphore, #tpu.memory_space<semaphore_mem>>)
    %dma_start3A_153 = arith.constant 0 : i32
    %dma_start3A_154 = arith.constant 0 : i32
    %dma_start3A_155 = tpu.memref_slice %arg14[%dma_start3A_153, %dma_start3A_154] : memref<2x128xi32, #tpu.memory_space<vmem>> -> memref<1x128xi32, #tpu.memory_space<vmem>>
    %dma_start3A_156 = tpu.memref_squeeze %dma_start3A_155 : memref<1x128xi32, #tpu.memory_space<vmem>> -> memref<128xi32, #tpu.memory_space<vmem>>
    %dma_start3A_157 = arith.constant 0 : i32
    %dma_start3A_158 = arith.constant 0 : i32
    %dma_start3A_159 = tpu.memref_slice %arg3[%dma_start3A_157, %dma_start3A_158] : memref<100000x128xf32, #tpu.memory_space<hbm>> -> memref<100000x128xf32, #tpu.memory_space<hbm>>
    tpu.enqueue_indirect_dma source(%dma_start3A_159 : memref<100000x128xf32, #tpu.memory_space<hbm>>) target(%arg19 : memref<128x128xf32, #tpu.memory_space<vmem>>) offsets(%dma_start3A_156 : memref<128xi32, #tpu.memory_space<vmem>>) semaphore(%arg39 : memref<!tpu.dma_semaphore, #tpu.memory_space<semaphore_mem>>)
    %scan3A_160 = arith.constant 0 : i32
    %scan3A_161 = arith.constant 0 : i32
    %scan3A_162 = arith.constant 32 : i32
    %scan3A_163 = arith.addi %scan3A_161, %scan3A_162 : i32
    %scan3A_164 = arith.constant 1 : i32
    %scan3A_165 = scf.for %scan3A_1228 = %scan3A_161 to %scan3A_163 step %scan3A_164 iter_args(%scan3A_1229 = %scan3A_160) -> (i32)  : i32 {
      %mul3A_1230 = arith.constant 16 : i32
      %mul3A_1231 = arith.muli %scan3A_1228, %mul3A_1230 : i32
      %get3A_1232 = arith.index_cast %mul3A_1231 : i32 to index
      %get3A_1233 = tpu.vector_load %arg16[%get3A_1232] {strides = array<i32>} : memref<512xi32, #tpu.memory_space<vmem>>, vector<16xi32>,
      %gather3A_1234 = tpu.vector_load_idx %arg13[%get3A_1233] : memref<64xi32, #tpu.memory_space<vmem>>[vector<16xi32>], vector<16xi32>,
      %mul3A_1235 = arith.constant 2048 : i32
      %mul3A_1236 = vector.broadcast %mul3A_1235 : i32 to vector<16xi32>
      %mul3A_1237 = arith.muli %gather3A_1234, %mul3A_1236 : vector<16xi32>
      %mul3A_1238 = arith.constant 16 : i32
      %mul3A_1239 = arith.muli %scan3A_1228, %mul3A_1238 : i32
      %get3A_1240 = arith.index_cast %mul3A_1239 : i32 to index
      %get3A_1241 = tpu.vector_load %arg15[%get3A_1240] {strides = array<i32>} : memref<512xi32, #tpu.memory_space<vmem>>, vector<16xi32>,
      %add3A_1242 = arith.addi %mul3A_1237, %get3A_1241 : vector<16xi32>
      %mul3A_1243 = arith.constant 16 : i32
      %mul3A_1244 = arith.muli %scan3A_1228, %mul3A_1243 : i32
      %swap3A_1245 = arith.index_cast %mul3A_1244 : i32 to index
      %swap3A_1246 = tpu.vector_load %arg17[%swap3A_1245] {strides = array<i32>} : memref<512xi32, #tpu.memory_space<vmem>>, vector<16xi32>,
      tpu.vector_store %arg17[%swap3A_1245], %add3A_1242 {strides = array<i32>} : memref<512xi32, #tpu.memory_space<vmem>>, vector<16xi32>,
      %scan3A_1247 = arith.constant 0 : i32
      scf.yield %scan3A_1247 : i32
    }
    %scan3A_166 = arith.constant 32 : i32
    %broadcast_in_dim3A = arith.constant 0 : i32
    %broadcast_in_dim3A_167 = vector.broadcast %broadcast_in_dim3A : i32 to vector<16xi32>
    %broadcast_in_dim3A_168 = arith.constant 0 : i32
    %broadcast_in_dim3A_169 = vector.broadcast %broadcast_in_dim3A_168 : i32 to vector<16xi32>
    %iota3A = tpu.iota {dimensions = array<i32: 0>} : vector<16xi32>
    %mul3A_170 = arith.constant 8 : i32
    %mul3A_171 = vector.broadcast %mul3A_170 : i32 to vector<16xi32>
    %mul3A_172 = arith.muli %iota3A, %mul3A_171 : vector<16xi32>
    %add3A_173 = arith.constant 0 : i32
    %add3A_174 = vector.broadcast %add3A_173 : i32 to vector<16xi32>
    %add3A_175 = arith.addi %mul3A_172, %add3A_174 : vector<16xi32>
    %gather3A = tpu.vector_load_idx %arg14[%broadcast_in_dim3A_169, %add3A_175] : memref<2x128xi32, #tpu.memory_space<vmem>>[vector<16xi32>, vector<16xi32>], vector<16xi32>,
    %eq3A = arith.constant 0 : i32
    %eq3A_176 = vector.broadcast %eq3A : i32 to vector<16xi32>
    %eq3A_177 = arith.cmpi eq, %gather3A, %eq3A_176 : vector<16xi32>
    %jit3A = arith.constant 1 : i32
    %jit3A_178 = arith.constant 0 : i32
    %broadcast_in_dim3A_179 = vector.broadcast %jit3A : i32 to vector<16xi32>
    %broadcast_in_dim3A_180 = vector.broadcast %jit3A_178 : i32 to vector<16xi32>
    %select_n3A = arith.select %eq3A_177, %broadcast_in_dim3A_179, %broadcast_in_dim3A_180 : vector<16xi1>, vector<16xi32>
    %add3A_181 = arith.addi %broadcast_in_dim3A_167, %select_n3A : vector<16xi32>
    %broadcast_in_dim3A_182 = arith.constant 0 : i32
    %broadcast_in_dim3A_183 = vector.broadcast %broadcast_in_dim3A_182 : i32 to vector<16xi32>
    %iota3A_184 = tpu.iota {dimensions = array<i32: 0>} : vector<16xi32>
    %mul3A_185 = arith.constant 8 : i32
    %mul3A_186 = vector.broadcast %mul3A_185 : i32 to vector<16xi32>
    %mul3A_187 = arith.muli %iota3A_184, %mul3A_186 : vector<16xi32>
    %add3A_188 = arith.constant 1 : i32
    %add3A_189 = vector.broadcast %add3A_188 : i32 to vector<16xi32>
    %add3A_190 = arith.addi %mul3A_187, %add3A_189 : vector<16xi32>
    %gather3A_191 = tpu.vector_load_idx %arg14[%broadcast_in_dim3A_183, %add3A_190] : memref<2x128xi32, #tpu.memory_space<vmem>>[vector<16xi32>, vector<16xi32>], vector<16xi32>,
    %eq3A_192 = arith.constant 0 : i32
    %eq3A_193 = vector.broadcast %eq3A_192 : i32 to vector<16xi32>
    %eq3A_194 = arith.cmpi eq, %gather3A_191, %eq3A_193 : vector<16xi32>
    %jit3A_195 = arith.constant 1 : i32
    %jit3A_196 = arith.constant 0 : i32
    %broadcast_in_dim3A_197 = vector.broadcast %jit3A_195 : i32 to vector<16xi32>
    %broadcast_in_dim3A_198 = vector.broadcast %jit3A_196 : i32 to vector<16xi32>
    %select_n3A_199 = arith.select %eq3A_194, %broadcast_in_dim3A_197, %broadcast_in_dim3A_198 : vector<16xi1>, vector<16xi32>
    %add3A_200 = arith.addi %add3A_181, %select_n3A_199 : vector<16xi32>
    %broadcast_in_dim3A_201 = arith.constant 0 : i32
    %broadcast_in_dim3A_202 = vector.broadcast %broadcast_in_dim3A_201 : i32 to vector<16xi32>
    %iota3A_203 = tpu.iota {dimensions = array<i32: 0>} : vector<16xi32>
    %mul3A_204 = arith.constant 8 : i32
    %mul3A_205 = vector.broadcast %mul3A_204 : i32 to vector<16xi32>
    %mul3A_206 = arith.muli %iota3A_203, %mul3A_205 : vector<16xi32>
    %add3A_207 = arith.constant 2 : i32
    %add3A_208 = vector.broadcast %add3A_207 : i32 to vector<16xi32>
    %add3A_209 = arith.addi %mul3A_206, %add3A_208 : vector<16xi32>
    %gather3A_210 = tpu.vector_load_idx %arg14[%broadcast_in_dim3A_202, %add3A_209] : memref<2x128xi32, #tpu.memory_space<vmem>>[vector<16xi32>, vector<16xi32>], vector<16xi32>,
    %eq3A_211 = arith.constant 0 : i32
    %eq3A_212 = vector.broadcast %eq3A_211 : i32 to vector<16xi32>
    %eq3A_213 = arith.cmpi eq, %gather3A_210, %eq3A_212 : vector<16xi32>
    %jit3A_214 = arith.constant 1 : i32
    %jit3A_215 = arith.constant 0 : i32
    %broadcast_in_dim3A_216 = vector.broadcast %jit3A_214 : i32 to vector<16xi32>
    %broadcast_in_dim3A_217 = vector.broadcast %jit3A_215 : i32 to vector<16xi32>
    %select_n3A_218 = arith.select %eq3A_213, %broadcast_in_dim3A_216, %broadcast_in_dim3A_217 : vector<16xi1>, vector<16xi32>
    %add3A_219 = arith.addi %add3A_200, %select_n3A_218 : vector<16xi32>
    %broadcast_in_dim3A_220 = arith.constant 0 : i32
    %broadcast_in_dim3A_221 = vector.broadcast %broadcast_in_dim3A_220 : i32 to vector<16xi32>
    %iota3A_222 = tpu.iota {dimensions = array<i32: 0>} : vector<16xi32>
    %mul3A_223 = arith.constant 8 : i32
    %mul3A_224 = vector.broadcast %mul3A_223 : i32 to vector<16xi32>
    %mul3A_225 = arith.muli %iota3A_222, %mul3A_224 : vector<16xi32>
    %add3A_226 = arith.constant 3 : i32
    %add3A_227 = vector.broadcast %add3A_226 : i32 to vector<16xi32>
    %add3A_228 = arith.addi %mul3A_225, %add3A_227 : vector<16xi32>
    %gather3A_229 = tpu.vector_load_idx %arg14[%broadcast_in_dim3A_221, %add3A_228] : memref<2x128xi32, #tpu.memory_space<vmem>>[vector<16xi32>, vector<16xi32>], vector<16xi32>,
    %eq3A_230 = arith.constant 0 : i32
    %eq3A_231 = vector.broadcast %eq3A_230 : i32 to vector<16xi32>
    %eq3A_232 = arith.cmpi eq, %gather3A_229, %eq3A_231 : vector<16xi32>
    %jit3A_233 = arith.constant 1 : i32
    %jit3A_234 = arith.constant 0 : i32
    %broadcast_in_dim3A_235 = vector.broadcast %jit3A_233 : i32 to vector<16xi32>
    %broadcast_in_dim3A_236 = vector.broadcast %jit3A_234 : i32 to vector<16xi32>
    %select_n3A_237 = arith.select %eq3A_232, %broadcast_in_dim3A_235, %broadcast_in_dim3A_236 : vector<16xi1>, vector<16xi32>
    %add3A_238 = arith.addi %add3A_219, %select_n3A_237 : vector<16xi32>
    %broadcast_in_dim3A_239 = arith.constant 0 : i32
    %broadcast_in_dim3A_240 = vector.broadcast %broadcast_in_dim3A_239 : i32 to vector<16xi32>
    %iota3A_241 = tpu.iota {dimensions = array<i32: 0>} : vector<16xi32>
    %mul3A_242 = arith.constant 8 : i32
    %mul3A_243 = vector.broadcast %mul3A_242 : i32 to vector<16xi32>
    %mul3A_244 = arith.muli %iota3A_241, %mul3A_243 : vector<16xi32>
    %add3A_245 = arith.constant 4 : i32
    %add3A_246 = vector.broadcast %add3A_245 : i32 to vector<16xi32>
    %add3A_247 = arith.addi %mul3A_244, %add3A_246 : vector<16xi32>
    %gather3A_248 = tpu.vector_load_idx %arg14[%broadcast_in_dim3A_240, %add3A_247] : memref<2x128xi32, #tpu.memory_space<vmem>>[vector<16xi32>, vector<16xi32>], vector<16xi32>,
    %eq3A_249 = arith.constant 0 : i32
    %eq3A_250 = vector.broadcast %eq3A_249 : i32 to vector<16xi32>
    %eq3A_251 = arith.cmpi eq, %gather3A_248, %eq3A_250 : vector<16xi32>
    %jit3A_252 = arith.constant 1 : i32
    %jit3A_253 = arith.constant 0 : i32
    %broadcast_in_dim3A_254 = vector.broadcast %jit3A_252 : i32 to vector<16xi32>
    %broadcast_in_dim3A_255 = vector.broadcast %jit3A_253 : i32 to vector<16xi32>
    %select_n3A_256 = arith.select %eq3A_251, %broadcast_in_dim3A_254, %broadcast_in_dim3A_255 : vector<16xi1>, vector<16xi32>
    %add3A_257 = arith.addi %add3A_238, %select_n3A_256 : vector<16xi32>
    %broadcast_in_dim3A_258 = arith.constant 0 : i32
    %broadcast_in_dim3A_259 = vector.broadcast %broadcast_in_dim3A_258 : i32 to vector<16xi32>
    %iota3A_260 = tpu.iota {dimensions = array<i32: 0>} : vector<16xi32>
    %mul3A_261 = arith.constant 8 : i32
    %mul3A_262 = vector.broadcast %mul3A_261 : i32 to vector<16xi32>
    %mul3A_263 = arith.muli %iota3A_260, %mul3A_262 : vector<16xi32>
    %add3A_264 = arith.constant 5 : i32
    %add3A_265 = vector.broadcast %add3A_264 : i32 to vector<16xi32>
    %add3A_266 = arith.addi %mul3A_263, %add3A_265 : vector<16xi32>
    %gather3A_267 = tpu.vector_load_idx %arg14[%broadcast_in_dim3A_259, %add3A_266] : memref<2x128xi32, #tpu.memory_space<vmem>>[vector<16xi32>, vector<16xi32>], vector<16xi32>,
    %eq3A_268 = arith.constant 0 : i32
    %eq3A_269 = vector.broadcast %eq3A_268 : i32 to vector<16xi32>
    %eq3A_270 = arith.cmpi eq, %gather3A_267, %eq3A_269 : vector<16xi32>
    %jit3A_271 = arith.constant 1 : i32
    %jit3A_272 = arith.constant 0 : i32
    %broadcast_in_dim3A_273 = vector.broadcast %jit3A_271 : i32 to vector<16xi32>
    %broadcast_in_dim3A_274 = vector.broadcast %jit3A_272 : i32 to vector<16xi32>
    %select_n3A_275 = arith.select %eq3A_270, %broadcast_in_dim3A_273, %broadcast_in_dim3A_274 : vector<16xi1>, vector<16xi32>
    %add3A_276 = arith.addi %add3A_257, %select_n3A_275 : vector<16xi32>
    %broadcast_in_dim3A_277 = arith.constant 0 : i32
    %broadcast_in_dim3A_278 = vector.broadcast %broadcast_in_dim3A_277 : i32 to vector<16xi32>
    %iota3A_279 = tpu.iota {dimensions = array<i32: 0>} : vector<16xi32>
    %mul3A_280 = arith.constant 8 : i32
    %mul3A_281 = vector.broadcast %mul3A_280 : i32 to vector<16xi32>
    %mul3A_282 = arith.muli %iota3A_279, %mul3A_281 : vector<16xi32>
    %add3A_283 = arith.constant 6 : i32
    %add3A_284 = vector.broadcast %add3A_283 : i32 to vector<16xi32>
    %add3A_285 = arith.addi %mul3A_282, %add3A_284 : vector<16xi32>
    %gather3A_286 = tpu.vector_load_idx %arg14[%broadcast_in_dim3A_278, %add3A_285] : memref<2x128xi32, #tpu.memory_space<vmem>>[vector<16xi32>, vector<16xi32>], vector<16xi32>,
    %eq3A_287 = arith.constant 0 : i32
    %eq3A_288 = vector.broadcast %eq3A_287 : i32 to vector<16xi32>
    %eq3A_289 = arith.cmpi eq, %gather3A_286, %eq3A_288 : vector<16xi32>
    %jit3A_290 = arith.constant 1 : i32
    %jit3A_291 = arith.constant 0 : i32
    %broadcast_in_dim3A_292 = vector.broadcast %jit3A_290 : i32 to vector<16xi32>
    %broadcast_in_dim3A_293 = vector.broadcast %jit3A_291 : i32 to vector<16xi32>
    %select_n3A_294 = arith.select %eq3A_289, %broadcast_in_dim3A_292, %broadcast_in_dim3A_293 : vector<16xi1>, vector<16xi32>
    %add3A_295 = arith.addi %add3A_276, %select_n3A_294 : vector<16xi32>
    %broadcast_in_dim3A_296 = arith.constant 0 : i32
    %broadcast_in_dim3A_297 = vector.broadcast %broadcast_in_dim3A_296 : i32 to vector<16xi32>
    %iota3A_298 = tpu.iota {dimensions = array<i32: 0>} : vector<16xi32>
    %mul3A_299 = arith.constant 8 : i32
    %mul3A_300 = vector.broadcast %mul3A_299 : i32 to vector<16xi32>
    %mul3A_301 = arith.muli %iota3A_298, %mul3A_300 : vector<16xi32>
    %add3A_302 = arith.constant 7 : i32
    %add3A_303 = vector.broadcast %add3A_302 : i32 to vector<16xi32>
    %add3A_304 = arith.addi %mul3A_301, %add3A_303 : vector<16xi32>
    %gather3A_305 = tpu.vector_load_idx %arg14[%broadcast_in_dim3A_297, %add3A_304] : memref<2x128xi32, #tpu.memory_space<vmem>>[vector<16xi32>, vector<16xi32>], vector<16xi32>,
    %eq3A_306 = arith.constant 0 : i32
    %eq3A_307 = vector.broadcast %eq3A_306 : i32 to vector<16xi32>
    %eq3A_308 = arith.cmpi eq, %gather3A_305, %eq3A_307 : vector<16xi32>
    %jit3A_309 = arith.constant 1 : i32
    %jit3A_310 = arith.constant 0 : i32
    %broadcast_in_dim3A_311 = vector.broadcast %jit3A_309 : i32 to vector<16xi32>
    %broadcast_in_dim3A_312 = vector.broadcast %jit3A_310 : i32 to vector<16xi32>
    %select_n3A_313 = arith.select %eq3A_308, %broadcast_in_dim3A_311, %broadcast_in_dim3A_312 : vector<16xi1>, vector<16xi32>
    %add3A_314 = arith.addi %add3A_295, %select_n3A_313 : vector<16xi32>
    %sub3A = arith.constant 8 : i32
    %sub3A_315 = vector.broadcast %sub3A : i32 to vector<16xi32>
    %sub3A_316 = arith.subi %sub3A_315, %add3A_314 : vector<16xi32>
    %max3A = arith.constant 1 : i32
    %max3A_317 = vector.broadcast %max3A : i32 to vector<16xi32>
    %max3A_318 = arith.maxsi %sub3A_316, %max3A_317 : vector<16xi32>
    %convert_element_type3A = arith.sitofp %max3A_318 : vector<16xi32> to vector<16xf32>
    %div3A = arith.constant 1.000000e+00 : f32
    %div3A_319 = vector.broadcast %div3A : f32 to vector<16xf32>
    %div3A_320 = arith.divf %div3A_319, %convert_element_type3A : vector<16xf32>
    %swap3A = arith.constant 0 : index
    %swap3A_321 = tpu.vector_load %arg22[%swap3A] {strides = array<i32>} : memref<32xf32, #tpu.memory_space<vmem>>, vector<16xf32>,
    tpu.vector_store %arg22[%swap3A], %div3A_320 {strides = array<i32>} : memref<32xf32, #tpu.memory_space<vmem>>, vector<16xf32>,
    %convert_element_type3A_322 = arith.sitofp %add3A_314 : vector<16xi32> to vector<16xf32>
    %swap3A_323 = arith.constant 0 : index
    %swap3A_324 = tpu.vector_load %arg23[%swap3A_323] {strides = array<i32>} : memref<32xf32, #tpu.memory_space<vmem>>, vector<16xf32>,
    tpu.vector_store %arg23[%swap3A_323], %convert_element_type3A_322 {strides = array<i32>} : memref<32xf32, #tpu.memory_space<vmem>>, vector<16xf32>,
    %broadcast_in_dim3A_325 = arith.constant 0 : i32
    %broadcast_in_dim3A_326 = vector.broadcast %broadcast_in_dim3A_325 : i32 to vector<16xi32>
    %broadcast_in_dim3A_327 = arith.constant 1 : i32
    %broadcast_in_dim3A_328 = vector.broadcast %broadcast_in_dim3A_327 : i32 to vector<16xi32>
    %iota3A_329 = tpu.iota {dimensions = array<i32: 0>} : vector<16xi32>
    %mul3A_330 = arith.constant 8 : i32
    %mul3A_331 = vector.broadcast %mul3A_330 : i32 to vector<16xi32>
    %mul3A_332 = arith.muli %iota3A_329, %mul3A_331 : vector<16xi32>
    %add3A_333 = arith.constant 0 : i32
    %add3A_334 = vector.broadcast %add3A_333 : i32 to vector<16xi32>
    %add3A_335 = arith.addi %mul3A_332, %add3A_334 : vector<16xi32>
    %gather3A_336 = tpu.vector_load_idx %arg14[%broadcast_in_dim3A_328, %add3A_335] : memref<2x128xi32, #tpu.memory_space<vmem>>[vector<16xi32>, vector<16xi32>], vector<16xi32>,
    %eq3A_337 = arith.constant 0 : i32
    %eq3A_338 = vector.broadcast %eq3A_337 : i32 to vector<16xi32>
    %eq3A_339 = arith.cmpi eq, %gather3A_336, %eq3A_338 : vector<16xi32>
    %jit3A_340 = arith.constant 1 : i32
    %jit3A_341 = arith.constant 0 : i32
    %broadcast_in_dim3A_342 = vector.broadcast %jit3A_340 : i32 to vector<16xi32>
    %broadcast_in_dim3A_343 = vector.broadcast %jit3A_341 : i32 to vector<16xi32>
    %select_n3A_344 = arith.select %eq3A_339, %broadcast_in_dim3A_342, %broadcast_in_dim3A_343 : vector<16xi1>, vector<16xi32>
    %add3A_345 = arith.addi %broadcast_in_dim3A_326, %select_n3A_344 : vector<16xi32>
    %broadcast_in_dim3A_346 = arith.constant 1 : i32
    %broadcast_in_dim3A_347 = vector.broadcast %broadcast_in_dim3A_346 : i32 to vector<16xi32>
    %iota3A_348 = tpu.iota {dimensions = array<i32: 0>} : vector<16xi32>
    %mul3A_349 = arith.constant 8 : i32
    %mul3A_350 = vector.broadcast %mul3A_349 : i32 to vector<16xi32>
    %mul3A_351 = arith.muli %iota3A_348, %mul3A_350 : vector<16xi32>
    %add3A_352 = arith.constant 1 : i32
    %add3A_353 = vector.broadcast %add3A_352 : i32 to vector<16xi32>
    %add3A_354 = arith.addi %mul3A_351, %add3A_353 : vector<16xi32>
    %gather3A_355 = tpu.vector_load_idx %arg14[%broadcast_in_dim3A_347, %add3A_354] : memref<2x128xi32, #tpu.memory_space<vmem>>[vector<16xi32>, vector<16xi32>], vector<16xi32>,
    %eq3A_356 = arith.constant 0 : i32
    %eq3A_357 = vector.broadcast %eq3A_356 : i32 to vector<16xi32>
    %eq3A_358 = arith.cmpi eq, %gather3A_355, %eq3A_357 : vector<16xi32>
    %jit3A_359 = arith.constant 1 : i32
    %jit3A_360 = arith.constant 0 : i32
    %broadcast_in_dim3A_361 = vector.broadcast %jit3A_359 : i32 to vector<16xi32>
    %broadcast_in_dim3A_362 = vector.broadcast %jit3A_360 : i32 to vector<16xi32>
    %select_n3A_363 = arith.select %eq3A_358, %broadcast_in_dim3A_361, %broadcast_in_dim3A_362 : vector<16xi1>, vector<16xi32>
    %add3A_364 = arith.addi %add3A_345, %select_n3A_363 : vector<16xi32>
    %broadcast_in_dim3A_365 = arith.constant 1 : i32
    %broadcast_in_dim3A_366 = vector.broadcast %broadcast_in_dim3A_365 : i32 to vector<16xi32>
    %iota3A_367 = tpu.iota {dimensions = array<i32: 0>} : vector<16xi32>
    %mul3A_368 = arith.constant 8 : i32
    %mul3A_369 = vector.broadcast %mul3A_368 : i32 to vector<16xi32>
    %mul3A_370 = arith.muli %iota3A_367, %mul3A_369 : vector<16xi32>
    %add3A_371 = arith.constant 2 : i32
    %add3A_372 = vector.broadcast %add3A_371 : i32 to vector<16xi32>
    %add3A_373 = arith.addi %mul3A_370, %add3A_372 : vector<16xi32>
    %gather3A_374 = tpu.vector_load_idx %arg14[%broadcast_in_dim3A_366, %add3A_373] : memref<2x128xi32, #tpu.memory_space<vmem>>[vector<16xi32>, vector<16xi32>], vector<16xi32>,
    %eq3A_375 = arith.constant 0 : i32
    %eq3A_376 = vector.broadcast %eq3A_375 : i32 to vector<16xi32>
    %eq3A_377 = arith.cmpi eq, %gather3A_374, %eq3A_376 : vector<16xi32>
    %jit3A_378 = arith.constant 1 : i32
    %jit3A_379 = arith.constant 0 : i32
    %broadcast_in_dim3A_380 = vector.broadcast %jit3A_378 : i32 to vector<16xi32>
    %broadcast_in_dim3A_381 = vector.broadcast %jit3A_379 : i32 to vector<16xi32>
    %select_n3A_382 = arith.select %eq3A_377, %broadcast_in_dim3A_380, %broadcast_in_dim3A_381 : vector<16xi1>, vector<16xi32>
    %add3A_383 = arith.addi %add3A_364, %select_n3A_382 : vector<16xi32>
    %broadcast_in_dim3A_384 = arith.constant 1 : i32
    %broadcast_in_dim3A_385 = vector.broadcast %broadcast_in_dim3A_384 : i32 to vector<16xi32>
    %iota3A_386 = tpu.iota {dimensions = array<i32: 0>} : vector<16xi32>
    %mul3A_387 = arith.constant 8 : i32
    %mul3A_388 = vector.broadcast %mul3A_387 : i32 to vector<16xi32>
    %mul3A_389 = arith.muli %iota3A_386, %mul3A_388 : vector<16xi32>
    %add3A_390 = arith.constant 3 : i32
    %add3A_391 = vector.broadcast %add3A_390 : i32 to vector<16xi32>
    %add3A_392 = arith.addi %mul3A_389, %add3A_391 : vector<16xi32>
    %gather3A_393 = tpu.vector_load_idx %arg14[%broadcast_in_dim3A_385, %add3A_392] : memref<2x128xi32, #tpu.memory_space<vmem>>[vector<16xi32>, vector<16xi32>], vector<16xi32>,
    %eq3A_394 = arith.constant 0 : i32
    %eq3A_395 = vector.broadcast %eq3A_394 : i32 to vector<16xi32>
    %eq3A_396 = arith.cmpi eq, %gather3A_393, %eq3A_395 : vector<16xi32>
    %jit3A_397 = arith.constant 1 : i32
    %jit3A_398 = arith.constant 0 : i32
    %broadcast_in_dim3A_399 = vector.broadcast %jit3A_397 : i32 to vector<16xi32>
    %broadcast_in_dim3A_400 = vector.broadcast %jit3A_398 : i32 to vector<16xi32>
    %select_n3A_401 = arith.select %eq3A_396, %broadcast_in_dim3A_399, %broadcast_in_dim3A_400 : vector<16xi1>, vector<16xi32>
    %add3A_402 = arith.addi %add3A_383, %select_n3A_401 : vector<16xi32>
    %broadcast_in_dim3A_403 = arith.constant 1 : i32
    %broadcast_in_dim3A_404 = vector.broadcast %broadcast_in_dim3A_403 : i32 to vector<16xi32>
    %iota3A_405 = tpu.iota {dimensions = array<i32: 0>} : vector<16xi32>
    %mul3A_406 = arith.constant 8 : i32
    %mul3A_407 = vector.broadcast %mul3A_406 : i32 to vector<16xi32>
    %mul3A_408 = arith.muli %iota3A_405, %mul3A_407 : vector<16xi32>
    %add3A_409 = arith.constant 4 : i32
    %add3A_410 = vector.broadcast %add3A_409 : i32 to vector<16xi32>
    %add3A_411 = arith.addi %mul3A_408, %add3A_410 : vector<16xi32>
    %gather3A_412 = tpu.vector_load_idx %arg14[%broadcast_in_dim3A_404, %add3A_411] : memref<2x128xi32, #tpu.memory_space<vmem>>[vector<16xi32>, vector<16xi32>], vector<16xi32>,
    %eq3A_413 = arith.constant 0 : i32
    %eq3A_414 = vector.broadcast %eq3A_413 : i32 to vector<16xi32>
    %eq3A_415 = arith.cmpi eq, %gather3A_412, %eq3A_414 : vector<16xi32>
    %jit3A_416 = arith.constant 1 : i32
    %jit3A_417 = arith.constant 0 : i32
    %broadcast_in_dim3A_418 = vector.broadcast %jit3A_416 : i32 to vector<16xi32>
    %broadcast_in_dim3A_419 = vector.broadcast %jit3A_417 : i32 to vector<16xi32>
    %select_n3A_420 = arith.select %eq3A_415, %broadcast_in_dim3A_418, %broadcast_in_dim3A_419 : vector<16xi1>, vector<16xi32>
    %add3A_421 = arith.addi %add3A_402, %select_n3A_420 : vector<16xi32>
    %broadcast_in_dim3A_422 = arith.constant 1 : i32
    %broadcast_in_dim3A_423 = vector.broadcast %broadcast_in_dim3A_422 : i32 to vector<16xi32>
    %iota3A_424 = tpu.iota {dimensions = array<i32: 0>} : vector<16xi32>
    %mul3A_425 = arith.constant 8 : i32
    %mul3A_426 = vector.broadcast %mul3A_425 : i32 to vector<16xi32>
    %mul3A_427 = arith.muli %iota3A_424, %mul3A_426 : vector<16xi32>
    %add3A_428 = arith.constant 5 : i32
    %add3A_429 = vector.broadcast %add3A_428 : i32 to vector<16xi32>
    %add3A_430 = arith.addi %mul3A_427, %add3A_429 : vector<16xi32>
    %gather3A_431 = tpu.vector_load_idx %arg14[%broadcast_in_dim3A_423, %add3A_430] : memref<2x128xi32, #tpu.memory_space<vmem>>[vector<16xi32>, vector<16xi32>], vector<16xi32>,
    %eq3A_432 = arith.constant 0 : i32
    %eq3A_433 = vector.broadcast %eq3A_432 : i32 to vector<16xi32>
    %eq3A_434 = arith.cmpi eq, %gather3A_431, %eq3A_433 : vector<16xi32>
    %jit3A_435 = arith.constant 1 : i32
    %jit3A_436 = arith.constant 0 : i32
    %broadcast_in_dim3A_437 = vector.broadcast %jit3A_435 : i32 to vector<16xi32>
    %broadcast_in_dim3A_438 = vector.broadcast %jit3A_436 : i32 to vector<16xi32>
    %select_n3A_439 = arith.select %eq3A_434, %broadcast_in_dim3A_437, %broadcast_in_dim3A_438 : vector<16xi1>, vector<16xi32>
    %add3A_440 = arith.addi %add3A_421, %select_n3A_439 : vector<16xi32>
    %broadcast_in_dim3A_441 = arith.constant 1 : i32
    %broadcast_in_dim3A_442 = vector.broadcast %broadcast_in_dim3A_441 : i32 to vector<16xi32>
    %iota3A_443 = tpu.iota {dimensions = array<i32: 0>} : vector<16xi32>
    %mul3A_444 = arith.constant 8 : i32
    %mul3A_445 = vector.broadcast %mul3A_444 : i32 to vector<16xi32>
    %mul3A_446 = arith.muli %iota3A_443, %mul3A_445 : vector<16xi32>
    %add3A_447 = arith.constant 6 : i32
    %add3A_448 = vector.broadcast %add3A_447 : i32 to vector<16xi32>
    %add3A_449 = arith.addi %mul3A_446, %add3A_448 : vector<16xi32>
    %gather3A_450 = tpu.vector_load_idx %arg14[%broadcast_in_dim3A_442, %add3A_449] : memref<2x128xi32, #tpu.memory_space<vmem>>[vector<16xi32>, vector<16xi32>], vector<16xi32>,
    %eq3A_451 = arith.constant 0 : i32
    %eq3A_452 = vector.broadcast %eq3A_451 : i32 to vector<16xi32>
    %eq3A_453 = arith.cmpi eq, %gather3A_450, %eq3A_452 : vector<16xi32>
    %jit3A_454 = arith.constant 1 : i32
    %jit3A_455 = arith.constant 0 : i32
    %broadcast_in_dim3A_456 = vector.broadcast %jit3A_454 : i32 to vector<16xi32>
    %broadcast_in_dim3A_457 = vector.broadcast %jit3A_455 : i32 to vector<16xi32>
    %select_n3A_458 = arith.select %eq3A_453, %broadcast_in_dim3A_456, %broadcast_in_dim3A_457 : vector<16xi1>, vector<16xi32>
    %add3A_459 = arith.addi %add3A_440, %select_n3A_458 : vector<16xi32>
    %broadcast_in_dim3A_460 = arith.constant 1 : i32
    %broadcast_in_dim3A_461 = vector.broadcast %broadcast_in_dim3A_460 : i32 to vector<16xi32>
    %iota3A_462 = tpu.iota {dimensions = array<i32: 0>} : vector<16xi32>
    %mul3A_463 = arith.constant 8 : i32
    %mul3A_464 = vector.broadcast %mul3A_463 : i32 to vector<16xi32>
    %mul3A_465 = arith.muli %iota3A_462, %mul3A_464 : vector<16xi32>
    %add3A_466 = arith.constant 7 : i32
    %add3A_467 = vector.broadcast %add3A_466 : i32 to vector<16xi32>
    %add3A_468 = arith.addi %mul3A_465, %add3A_467 : vector<16xi32>
    %gather3A_469 = tpu.vector_load_idx %arg14[%broadcast_in_dim3A_461, %add3A_468] : memref<2x128xi32, #tpu.memory_space<vmem>>[vector<16xi32>, vector<16xi32>], vector<16xi32>,
    %eq3A_470 = arith.constant 0 : i32
    %eq3A_471 = vector.broadcast %eq3A_470 : i32 to vector<16xi32>
    %eq3A_472 = arith.cmpi eq, %gather3A_469, %eq3A_471 : vector<16xi32>
    %jit3A_473 = arith.constant 1 : i32
    %jit3A_474 = arith.constant 0 : i32
    %broadcast_in_dim3A_475 = vector.broadcast %jit3A_473 : i32 to vector<16xi32>
    %broadcast_in_dim3A_476 = vector.broadcast %jit3A_474 : i32 to vector<16xi32>
    %select_n3A_477 = arith.select %eq3A_472, %broadcast_in_dim3A_475, %broadcast_in_dim3A_476 : vector<16xi1>, vector<16xi32>
    %add3A_478 = arith.addi %add3A_459, %select_n3A_477 : vector<16xi32>
    %sub3A_479 = arith.constant 8 : i32
    %sub3A_480 = vector.broadcast %sub3A_479 : i32 to vector<16xi32>
    %sub3A_481 = arith.subi %sub3A_480, %add3A_478 : vector<16xi32>
    %max3A_482 = arith.constant 1 : i32
    %max3A_483 = vector.broadcast %max3A_482 : i32 to vector<16xi32>
    %max3A_484 = arith.maxsi %sub3A_481, %max3A_483 : vector<16xi32>
    %convert_element_type3A_485 = arith.sitofp %max3A_484 : vector<16xi32> to vector<16xf32>
    %div3A_486 = arith.constant 1.000000e+00 : f32
    %div3A_487 = vector.broadcast %div3A_486 : f32 to vector<16xf32>
    %div3A_488 = arith.divf %div3A_487, %convert_element_type3A_485 : vector<16xf32>
    %swap3A_489 = arith.constant 16 : index
    %swap3A_490 = tpu.vector_load %arg22[%swap3A_489] {strides = array<i32>} : memref<32xf32, #tpu.memory_space<vmem>>, vector<16xf32>,
    tpu.vector_store %arg22[%swap3A_489], %div3A_488 {strides = array<i32>} : memref<32xf32, #tpu.memory_space<vmem>>, vector<16xf32>,
    %convert_element_type3A_491 = arith.sitofp %add3A_478 : vector<16xi32> to vector<16xf32>
    %swap3A_492 = arith.constant 16 : index
    %swap3A_493 = tpu.vector_load %arg23[%swap3A_492] {strides = array<i32>} : memref<32xf32, #tpu.memory_space<vmem>>, vector<16xf32>,
    tpu.vector_store %arg23[%swap3A_492], %convert_element_type3A_491 {strides = array<i32>} : memref<32xf32, #tpu.memory_space<vmem>>, vector<16xf32>,
    %scan3A_494 = arith.constant 0 : i32
    %scan3A_495 = arith.constant 0 : i32
    %scan3A_496 = arith.constant 64 : i32
    %scan3A_497 = arith.addi %scan3A_495, %scan3A_496 : i32
    %scan3A_498 = arith.constant 1 : i32
    %scan3A_499 = scf.for %scan3A_1228 = %scan3A_495 to %scan3A_497 step %scan3A_498 iter_args(%scan3A_1229 = %scan3A_494) -> (i32)  : i32 {
      %broadcast_in_dim3A_1230 = arith.constant -1 : i32
      %broadcast_in_dim3A_1231 = vector.broadcast %broadcast_in_dim3A_1230 : i32 to vector<16xi32>
      %mul3A_1232 = arith.constant 16 : i32
      %mul3A_1233 = arith.muli %scan3A_1228, %mul3A_1232 : i32
      %swap3A_1234 = arith.index_cast %mul3A_1233 : i32 to index
      %swap3A_1235 = tpu.vector_load %arg24[%swap3A_1234] {strides = array<i32>} : memref<1024xi32, #tpu.memory_space<vmem>>, vector<16xi32>,
      tpu.vector_store %arg24[%swap3A_1234], %broadcast_in_dim3A_1231 {strides = array<i32>} : memref<1024xi32, #tpu.memory_space<vmem>>, vector<16xi32>,
      %scan3A_1236 = arith.constant 0 : i32
      scf.yield %scan3A_1236 : i32
    }
    %scan3A_500 = arith.constant 64 : i32
    %mul3A_501 = arith.constant 8192 : i32
    %mul3A_502 = arith.muli %arg1, %mul3A_501 : i32
    %add3A_503 = arith.constant 0 : i32
    %add3A_504 = arith.addi %mul3A_502, %add3A_503 : i32
    %dma_start3A_505 = tpu.memref_slice %arg35[%add3A_504] : memref<131088xi32, #tpu.memory_space<vmem_shared>> -> memref<1024xi32, #tpu.memory_space<vmem_shared>>
    %dma_start3A_506 = tpu.memref_slice %arg35[%add3A_504] : memref<131088xi32, #tpu.memory_space<vmem_shared>> -> memref<1024xi32, #tpu.memory_space<vmem_shared>>
    tpu.enqueue_dma source(%arg24 : memref<1024xi32, #tpu.memory_space<vmem>>) target(%dma_start3A_506 : memref<1024xi32, #tpu.memory_space<vmem_shared>>) target_semaphore(%arg36 : memref<!tpu.dma_semaphore, #tpu.memory_space<semaphore_mem>>)
    %mul3A_507 = arith.constant 8192 : i32
    %mul3A_508 = arith.muli %arg1, %mul3A_507 : i32
    %add3A_509 = arith.constant 1024 : i32
    %add3A_510 = arith.addi %mul3A_508, %add3A_509 : i32
    %dma_start3A_511 = tpu.memref_slice %arg35[%add3A_510] : memref<131088xi32, #tpu.memory_space<vmem_shared>> -> memref<1024xi32, #tpu.memory_space<vmem_shared>>
    %dma_start3A_512 = tpu.memref_slice %arg35[%add3A_510] : memref<131088xi32, #tpu.memory_space<vmem_shared>> -> memref<1024xi32, #tpu.memory_space<vmem_shared>>
    tpu.enqueue_dma source(%arg24 : memref<1024xi32, #tpu.memory_space<vmem>>) target(%dma_start3A_512 : memref<1024xi32, #tpu.memory_space<vmem_shared>>) target_semaphore(%arg36 : memref<!tpu.dma_semaphore, #tpu.memory_space<semaphore_mem>>)
    %mul3A_513 = arith.constant 8192 : i32
    %mul3A_514 = arith.muli %arg1, %mul3A_513 : i32
    %add3A_515 = arith.constant 2048 : i32
    %add3A_516 = arith.addi %mul3A_514, %add3A_515 : i32
    %dma_start3A_517 = tpu.memref_slice %arg35[%add3A_516] : memref<131088xi32, #tpu.memory_space<vmem_shared>> -> memref<1024xi32, #tpu.memory_space<vmem_shared>>
    %dma_start3A_518 = tpu.memref_slice %arg35[%add3A_516] : memref<131088xi32, #tpu.memory_space<vmem_shared>> -> memref<1024xi32, #tpu.memory_space<vmem_shared>>
    tpu.enqueue_dma source(%arg24 : memref<1024xi32, #tpu.memory_space<vmem>>) target(%dma_start3A_518 : memref<1024xi32, #tpu.memory_space<vmem_shared>>) target_semaphore(%arg36 : memref<!tpu.dma_semaphore, #tpu.memory_space<semaphore_mem>>)
    %mul3A_519 = arith.constant 8192 : i32
    %mul3A_520 = arith.muli %arg1, %mul3A_519 : i32
    %add3A_521 = arith.constant 3072 : i32
    %add3A_522 = arith.addi %mul3A_520, %add3A_521 : i32
    %dma_start3A_523 = tpu.memref_slice %arg35[%add3A_522] : memref<131088xi32, #tpu.memory_space<vmem_shared>> -> memref<1024xi32, #tpu.memory_space<vmem_shared>>
    %dma_start3A_524 = tpu.memref_slice %arg35[%add3A_522] : memref<131088xi32, #tpu.memory_space<vmem_shared>> -> memref<1024xi32, #tpu.memory_space<vmem_shared>>
    tpu.enqueue_dma source(%arg24 : memref<1024xi32, #tpu.memory_space<vmem>>) target(%dma_start3A_524 : memref<1024xi32, #tpu.memory_space<vmem_shared>>) target_semaphore(%arg36 : memref<!tpu.dma_semaphore, #tpu.memory_space<semaphore_mem>>)
    %mul3A_525 = arith.constant 8192 : i32
    %mul3A_526 = arith.muli %arg1, %mul3A_525 : i32
    %add3A_527 = arith.constant 4096 : i32
    %add3A_528 = arith.addi %mul3A_526, %add3A_527 : i32
    %dma_start3A_529 = tpu.memref_slice %arg35[%add3A_528] : memref<131088xi32, #tpu.memory_space<vmem_shared>> -> memref<1024xi32, #tpu.memory_space<vmem_shared>>
    %dma_start3A_530 = tpu.memref_slice %arg35[%add3A_528] : memref<131088xi32, #tpu.memory_space<vmem_shared>> -> memref<1024xi32, #tpu.memory_space<vmem_shared>>
    tpu.enqueue_dma source(%arg24 : memref<1024xi32, #tpu.memory_space<vmem>>) target(%dma_start3A_530 : memref<1024xi32, #tpu.memory_space<vmem_shared>>) target_semaphore(%arg36 : memref<!tpu.dma_semaphore, #tpu.memory_space<semaphore_mem>>)
    %mul3A_531 = arith.constant 8192 : i32
    %mul3A_532 = arith.muli %arg1, %mul3A_531 : i32
    %add3A_533 = arith.constant 5120 : i32
    %add3A_534 = arith.addi %mul3A_532, %add3A_533 : i32
    %dma_start3A_535 = tpu.memref_slice %arg35[%add3A_534] : memref<131088xi32, #tpu.memory_space<vmem_shared>> -> memref<1024xi32, #tpu.memory_space<vmem_shared>>
    %dma_start3A_536 = tpu.memref_slice %arg35[%add3A_534] : memref<131088xi32, #tpu.memory_space<vmem_shared>> -> memref<1024xi32, #tpu.memory_space<vmem_shared>>
    tpu.enqueue_dma source(%arg24 : memref<1024xi32, #tpu.memory_space<vmem>>) target(%dma_start3A_536 : memref<1024xi32, #tpu.memory_space<vmem_shared>>) target_semaphore(%arg36 : memref<!tpu.dma_semaphore, #tpu.memory_space<semaphore_mem>>)
    %mul3A_537 = arith.constant 8192 : i32
    %mul3A_538 = arith.muli %arg1, %mul3A_537 : i32
    %add3A_539 = arith.constant 6144 : i32
    %add3A_540 = arith.addi %mul3A_538, %add3A_539 : i32
    %dma_start3A_541 = tpu.memref_slice %arg35[%add3A_540] : memref<131088xi32, #tpu.memory_space<vmem_shared>> -> memref<1024xi32, #tpu.memory_space<vmem_shared>>
    %dma_start3A_542 = tpu.memref_slice %arg35[%add3A_540] : memref<131088xi32, #tpu.memory_space<vmem_shared>> -> memref<1024xi32, #tpu.memory_space<vmem_shared>>
    tpu.enqueue_dma source(%arg24 : memref<1024xi32, #tpu.memory_space<vmem>>) target(%dma_start3A_542 : memref<1024xi32, #tpu.memory_space<vmem_shared>>) target_semaphore(%arg36 : memref<!tpu.dma_semaphore, #tpu.memory_space<semaphore_mem>>)
    %mul3A_543 = arith.constant 8192 : i32
    %mul3A_544 = arith.muli %arg1, %mul3A_543 : i32
    %add3A_545 = arith.constant 7168 : i32
    %add3A_546 = arith.addi %mul3A_544, %add3A_545 : i32
    %dma_start3A_547 = tpu.memref_slice %arg35[%add3A_546] : memref<131088xi32, #tpu.memory_space<vmem_shared>> -> memref<1024xi32, #tpu.memory_space<vmem_shared>>
    %dma_start3A_548 = tpu.memref_slice %arg35[%add3A_546] : memref<131088xi32, #tpu.memory_space<vmem_shared>> -> memref<1024xi32, #tpu.memory_space<vmem_shared>>
    tpu.enqueue_dma source(%arg24 : memref<1024xi32, #tpu.memory_space<vmem>>) target(%dma_start3A_548 : memref<1024xi32, #tpu.memory_space<vmem_shared>>) target_semaphore(%arg36 : memref<!tpu.dma_semaphore, #tpu.memory_space<semaphore_mem>>)
    %dma_wait3A_549 = tpu.memref_slice %arg35[%add3A_504] : memref<131088xi32, #tpu.memory_space<vmem_shared>> -> memref<1024xi32, #tpu.memory_space<vmem_shared>>
    %dma_wait3A_550 = tpu.memref_slice %arg35[%add3A_504] : memref<131088xi32, #tpu.memory_space<vmem_shared>> -> memref<1024xi32, #tpu.memory_space<vmem_shared>>
    tpu.wait_dma2 semaphore(%arg36 : memref<!tpu.dma_semaphore, #tpu.memory_space<semaphore_mem>>) src(%arg24 : memref<1024xi32, #tpu.memory_space<vmem>>) dst(%dma_wait3A_550 : memref<1024xi32, #tpu.memory_space<vmem_shared>>)
    %dma_wait3A_551 = tpu.memref_slice %arg35[%add3A_510] : memref<131088xi32, #tpu.memory_space<vmem_shared>> -> memref<1024xi32, #tpu.memory_space<vmem_shared>>
    %dma_wait3A_552 = tpu.memref_slice %arg35[%add3A_510] : memref<131088xi32, #tpu.memory_space<vmem_shared>> -> memref<1024xi32, #tpu.memory_space<vmem_shared>>
    tpu.wait_dma2 semaphore(%arg36 : memref<!tpu.dma_semaphore, #tpu.memory_space<semaphore_mem>>) src(%arg24 : memref<1024xi32, #tpu.memory_space<vmem>>) dst(%dma_wait3A_552 : memref<1024xi32, #tpu.memory_space<vmem_shared>>)
    %dma_wait3A_553 = tpu.memref_slice %arg35[%add3A_516] : memref<131088xi32, #tpu.memory_space<vmem_shared>> -> memref<1024xi32, #tpu.memory_space<vmem_shared>>
    %dma_wait3A_554 = tpu.memref_slice %arg35[%add3A_516] : memref<131088xi32, #tpu.memory_space<vmem_shared>> -> memref<1024xi32, #tpu.memory_space<vmem_shared>>
    tpu.wait_dma2 semaphore(%arg36 : memref<!tpu.dma_semaphore, #tpu.memory_space<semaphore_mem>>) src(%arg24 : memref<1024xi32, #tpu.memory_space<vmem>>) dst(%dma_wait3A_554 : memref<1024xi32, #tpu.memory_space<vmem_shared>>)
    %dma_wait3A_555 = tpu.memref_slice %arg35[%add3A_522] : memref<131088xi32, #tpu.memory_space<vmem_shared>> -> memref<1024xi32, #tpu.memory_space<vmem_shared>>
    %dma_wait3A_556 = tpu.memref_slice %arg35[%add3A_522] : memref<131088xi32, #tpu.memory_space<vmem_shared>> -> memref<1024xi32, #tpu.memory_space<vmem_shared>>
    tpu.wait_dma2 semaphore(%arg36 : memref<!tpu.dma_semaphore, #tpu.memory_space<semaphore_mem>>) src(%arg24 : memref<1024xi32, #tpu.memory_space<vmem>>) dst(%dma_wait3A_556 : memref<1024xi32, #tpu.memory_space<vmem_shared>>)
    %dma_wait3A_557 = tpu.memref_slice %arg35[%add3A_528] : memref<131088xi32, #tpu.memory_space<vmem_shared>> -> memref<1024xi32, #tpu.memory_space<vmem_shared>>
    %dma_wait3A_558 = tpu.memref_slice %arg35[%add3A_528] : memref<131088xi32, #tpu.memory_space<vmem_shared>> -> memref<1024xi32, #tpu.memory_space<vmem_shared>>
    tpu.wait_dma2 semaphore(%arg36 : memref<!tpu.dma_semaphore, #tpu.memory_space<semaphore_mem>>) src(%arg24 : memref<1024xi32, #tpu.memory_space<vmem>>) dst(%dma_wait3A_558 : memref<1024xi32, #tpu.memory_space<vmem_shared>>)
    %dma_wait3A_559 = tpu.memref_slice %arg35[%add3A_534] : memref<131088xi32, #tpu.memory_space<vmem_shared>> -> memref<1024xi32, #tpu.memory_space<vmem_shared>>
    %dma_wait3A_560 = tpu.memref_slice %arg35[%add3A_534] : memref<131088xi32, #tpu.memory_space<vmem_shared>> -> memref<1024xi32, #tpu.memory_space<vmem_shared>>
    tpu.wait_dma2 semaphore(%arg36 : memref<!tpu.dma_semaphore, #tpu.memory_space<semaphore_mem>>) src(%arg24 : memref<1024xi32, #tpu.memory_space<vmem>>) dst(%dma_wait3A_560 : memref<1024xi32, #tpu.memory_space<vmem_shared>>)
    %dma_wait3A_561 = tpu.memref_slice %arg35[%add3A_540] : memref<131088xi32, #tpu.memory_space<vmem_shared>> -> memref<1024xi32, #tpu.memory_space<vmem_shared>>
    %dma_wait3A_562 = tpu.memref_slice %arg35[%add3A_540] : memref<131088xi32, #tpu.memory_space<vmem_shared>> -> memref<1024xi32, #tpu.memory_space<vmem_shared>>
    tpu.wait_dma2 semaphore(%arg36 : memref<!tpu.dma_semaphore, #tpu.memory_space<semaphore_mem>>) src(%arg24 : memref<1024xi32, #tpu.memory_space<vmem>>) dst(%dma_wait3A_562 : memref<1024xi32, #tpu.memory_space<vmem_shared>>)
    %dma_wait3A_563 = tpu.memref_slice %arg35[%add3A_546] : memref<131088xi32, #tpu.memory_space<vmem_shared>> -> memref<1024xi32, #tpu.memory_space<vmem_shared>>
    %dma_wait3A_564 = tpu.memref_slice %arg35[%add3A_546] : memref<131088xi32, #tpu.memory_space<vmem_shared>> -> memref<1024xi32, #tpu.memory_space<vmem_shared>>
    tpu.wait_dma2 semaphore(%arg36 : memref<!tpu.dma_semaphore, #tpu.memory_space<semaphore_mem>>) src(%arg24 : memref<1024xi32, #tpu.memory_space<vmem>>) dst(%dma_wait3A_564 : memref<1024xi32, #tpu.memory_space<vmem_shared>>)
    %barrier3A = arith.constant 0 : index
    tpu.barrier barrier_id(%barrier3A)
    %sub3A_565 = arith.constant 31 : i32
    %sub3A_566 = arith.subi %sub3A_565, %arg1 : i32
    %mul3A_567 = arith.constant 16 : i32
    %mul3A_568 = arith.muli %arg1, %mul3A_567 : i32
    %iota3A_569 = tpu.iota {dimensions = array<i32: 0>} : vector<16xi32>
    %add3A_570 = vector.broadcast %mul3A_568 : i32 to vector<16xi32>
    %add3A_571 = arith.addi %add3A_570, %iota3A_569 : vector<16xi32>
    %mul3A_572 = arith.constant 16 : i32
    %mul3A_573 = arith.muli %arg1, %mul3A_572 : i32
    %get3A = arith.index_cast %mul3A_573 : i32 to index
    %get3A_574 = tpu.vector_load %arg17[%get3A] {strides = array<i32>} : memref<512xi32, #tpu.memory_space<vmem>>, vector<16xi32>,
    %broadcast_in_dim3A_575 = arith.constant false
    %broadcast_in_dim3A_576 = vector.broadcast %broadcast_in_dim3A_575 : i1 to vector<16xi1>
    %while3A = arith.constant 32 : i32
    %while3A_577 = arith.subi %while3A, %arg1 : i32
    %while3A_578 = arith.addi %arg1, %while3A_577 : i32
    %while3A_579 = arith.constant 1 : i32
    %while3A_580 = arith.divsi %while3A_577, %while3A_579 : i32
    %while3A_581 = arith.muli %while3A_580, %while3A_579 : i32
    %while3A_582 = arith.addi %arg1, %while3A_581 : i32
    %while3A_583 = arith.constant 1 : i32
    %while3A_584 = scf.for %while3A_1228 = %arg1 to %while3A_582 step %while3A_583 iter_args(%while3A_1229 = %broadcast_in_dim3A_576) -> (vector<16xi1>)  : i32 {
      %mul3A_1230 = arith.constant 16 : i32
      %mul3A_1231 = arith.muli %while3A_1228, %mul3A_1230 : i32
      %add3A_1232 = arith.constant 0 : i32
      %add3A_1233 = arith.addi %mul3A_1231, %add3A_1232 : i32
      %broadcast_in_dim3A_1234 = vector.broadcast %add3A_1233 : i32 to vector<16xi32>
      %gather3A_1235 = tpu.vector_load_idx %arg17[%broadcast_in_dim3A_1234] : memref<512xi32, #tpu.memory_space<vmem>>[vector<16xi32>], vector<16xi32>,
      %mul3A_1236 = arith.constant 16 : i32
      %mul3A_1237 = arith.muli %while3A_1228, %mul3A_1236 : i32
      %add3A_1238 = arith.constant 0 : i32
      %add3A_1239 = arith.addi %mul3A_1237, %add3A_1238 : i32
      %eq3A_1240 = arith.cmpi eq, %get3A_574, %gather3A_1235 : vector<16xi32>
      %gt3A = vector.broadcast %add3A_1239 : i32 to vector<16xi32>
      %gt3A_1241 = arith.cmpi sgt, %gt3A, %add3A_571 : vector<16xi32>
      %and3A_1242 = arith.andi %eq3A_1240, %gt3A_1241 : vector<16xi1>
      %or3A = arith.ori %while3A_1229, %and3A_1242 : vector<16xi1>
      %mul3A_1243 = arith.constant 16 : i32
      %mul3A_1244 = arith.muli %while3A_1228, %mul3A_1243 : i32
      %add3A_1245 = arith.constant 1 : i32
      %add3A_1246 = arith.addi %mul3A_1244, %add3A_1245 : i32
      %broadcast_in_dim3A_1247 = vector.broadcast %add3A_1246 : i32 to vector<16xi32>
      %gather3A_1248 = tpu.vector_load_idx %arg17[%broadcast_in_dim3A_1247] : memref<512xi32, #tpu.memory_space<vmem>>[vector<16xi32>], vector<16xi32>,
      %mul3A_1249 = arith.constant 16 : i32
      %mul3A_1250 = arith.muli %while3A_1228, %mul3A_1249 : i32
      %add3A_1251 = arith.constant 1 : i32
      %add3A_1252 = arith.addi %mul3A_1250, %add3A_1251 : i32
      %eq3A_1253 = arith.cmpi eq, %get3A_574, %gather3A_1248 : vector<16xi32>
      %gt3A_1254 = vector.broadcast %add3A_1252 : i32 to vector<16xi32>
      %gt3A_1255 = arith.cmpi sgt, %gt3A_1254, %add3A_571 : vector<16xi32>
      %and3A_1256 = arith.andi %eq3A_1253, %gt3A_1255 : vector<16xi1>
      %or3A_1257 = arith.ori %or3A, %and3A_1256 : vector<16xi1>
      %mul3A_1258 = arith.constant 16 : i32
      %mul3A_1259 = arith.muli %while3A_1228, %mul3A_1258 : i32
      %add3A_1260 = arith.constant 2 : i32
      %add3A_1261 = arith.addi %mul3A_1259, %add3A_1260 : i32
      %broadcast_in_dim3A_1262 = vector.broadcast %add3A_1261 : i32 to vector<16xi32>
      %gather3A_1263 = tpu.vector_load_idx %arg17[%broadcast_in_dim3A_1262] : memref<512xi32, #tpu.memory_space<vmem>>[vector<16xi32>], vector<16xi32>,
      %mul3A_1264 = arith.constant 16 : i32
      %mul3A_1265 = arith.muli %while3A_1228, %mul3A_1264 : i32
      %add3A_1266 = arith.constant 2 : i32
      %add3A_1267 = arith.addi %mul3A_1265, %add3A_1266 : i32
      %eq3A_1268 = arith.cmpi eq, %get3A_574, %gather3A_1263 : vector<16xi32>
      %gt3A_1269 = vector.broadcast %add3A_1267 : i32 to vector<16xi32>
      %gt3A_1270 = arith.cmpi sgt, %gt3A_1269, %add3A_571 : vector<16xi32>
      %and3A_1271 = arith.andi %eq3A_1268, %gt3A_1270 : vector<16xi1>
      %or3A_1272 = arith.ori %or3A_1257, %and3A_1271 : vector<16xi1>
      %mul3A_1273 = arith.constant 16 : i32
      %mul3A_1274 = arith.muli %while3A_1228, %mul3A_1273 : i32
      %add3A_1275 = arith.constant 3 : i32
      %add3A_1276 = arith.addi %mul3A_1274, %add3A_1275 : i32
      %broadcast_in_dim3A_1277 = vector.broadcast %add3A_1276 : i32 to vector<16xi32>
      %gather3A_1278 = tpu.vector_load_idx %arg17[%broadcast_in_dim3A_1277] : memref<512xi32, #tpu.memory_space<vmem>>[vector<16xi32>], vector<16xi32>,
      %mul3A_1279 = arith.constant 16 : i32
      %mul3A_1280 = arith.muli %while3A_1228, %mul3A_1279 : i32
      %add3A_1281 = arith.constant 3 : i32
      %add3A_1282 = arith.addi %mul3A_1280, %add3A_1281 : i32
      %eq3A_1283 = arith.cmpi eq, %get3A_574, %gather3A_1278 : vector<16xi32>
      %gt3A_1284 = vector.broadcast %add3A_1282 : i32 to vector<16xi32>
      %gt3A_1285 = arith.cmpi sgt, %gt3A_1284, %add3A_571 : vector<16xi32>
      %and3A_1286 = arith.andi %eq3A_1283, %gt3A_1285 : vector<16xi1>
      %or3A_1287 = arith.ori %or3A_1272, %and3A_1286 : vector<16xi1>
      %mul3A_1288 = arith.constant 16 : i32
      %mul3A_1289 = arith.muli %while3A_1228, %mul3A_1288 : i32
      %add3A_1290 = arith.constant 4 : i32
      %add3A_1291 = arith.addi %mul3A_1289, %add3A_1290 : i32
      %broadcast_in_dim3A_1292 = vector.broadcast %add3A_1291 : i32 to vector<16xi32>
      %gather3A_1293 = tpu.vector_load_idx %arg17[%broadcast_in_dim3A_1292] : memref<512xi32, #tpu.memory_space<vmem>>[vector<16xi32>], vector<16xi32>,
      %mul3A_1294 = arith.constant 16 : i32
      %mul3A_1295 = arith.muli %while3A_1228, %mul3A_1294 : i32
      %add3A_1296 = arith.constant 4 : i32
      %add3A_1297 = arith.addi %mul3A_1295, %add3A_1296 : i32
      %eq3A_1298 = arith.cmpi eq, %get3A_574, %gather3A_1293 : vector<16xi32>
      %gt3A_1299 = vector.broadcast %add3A_1297 : i32 to vector<16xi32>
      %gt3A_1300 = arith.cmpi sgt, %gt3A_1299, %add3A_571 : vector<16xi32>
      %and3A_1301 = arith.andi %eq3A_1298, %gt3A_1300 : vector<16xi1>
      %or3A_1302 = arith.ori %or3A_1287, %and3A_1301 : vector<16xi1>
      %mul3A_1303 = arith.constant 16 : i32
      %mul3A_1304 = arith.muli %while3A_1228, %mul3A_1303 : i32
      %add3A_1305 = arith.constant 5 : i32
      %add3A_1306 = arith.addi %mul3A_1304, %add3A_1305 : i32
      %broadcast_in_dim3A_1307 = vector.broadcast %add3A_1306 : i32 to vector<16xi32>
      %gather3A_1308 = tpu.vector_load_idx %arg17[%broadcast_in_dim3A_1307] : memref<512xi32, #tpu.memory_space<vmem>>[vector<16xi32>], vector<16xi32>,
      %mul3A_1309 = arith.constant 16 : i32
      %mul3A_1310 = arith.muli %while3A_1228, %mul3A_1309 : i32
      %add3A_1311 = arith.constant 5 : i32
      %add3A_1312 = arith.addi %mul3A_1310, %add3A_1311 : i32
      %eq3A_1313 = arith.cmpi eq, %get3A_574, %gather3A_1308 : vector<16xi32>
      %gt3A_1314 = vector.broadcast %add3A_1312 : i32 to vector<16xi32>
      %gt3A_1315 = arith.cmpi sgt, %gt3A_1314, %add3A_571 : vector<16xi32>
      %and3A_1316 = arith.andi %eq3A_1313, %gt3A_1315 : vector<16xi1>
      %or3A_1317 = arith.ori %or3A_1302, %and3A_1316 : vector<16xi1>
      %mul3A_1318 = arith.constant 16 : i32
      %mul3A_1319 = arith.muli %while3A_1228, %mul3A_1318 : i32
      %add3A_1320 = arith.constant 6 : i32
      %add3A_1321 = arith.addi %mul3A_1319, %add3A_1320 : i32
      %broadcast_in_dim3A_1322 = vector.broadcast %add3A_1321 : i32 to vector<16xi32>
      %gather3A_1323 = tpu.vector_load_idx %arg17[%broadcast_in_dim3A_1322] : memref<512xi32, #tpu.memory_space<vmem>>[vector<16xi32>], vector<16xi32>,
      %mul3A_1324 = arith.constant 16 : i32
      %mul3A_1325 = arith.muli %while3A_1228, %mul3A_1324 : i32
      %add3A_1326 = arith.constant 6 : i32
      %add3A_1327 = arith.addi %mul3A_1325, %add3A_1326 : i32
      %eq3A_1328 = arith.cmpi eq, %get3A_574, %gather3A_1323 : vector<16xi32>
      %gt3A_1329 = vector.broadcast %add3A_1327 : i32 to vector<16xi32>
      %gt3A_1330 = arith.cmpi sgt, %gt3A_1329, %add3A_571 : vector<16xi32>
      %and3A_1331 = arith.andi %eq3A_1328, %gt3A_1330 : vector<16xi1>
      %or3A_1332 = arith.ori %or3A_1317, %and3A_1331 : vector<16xi1>
      %mul3A_1333 = arith.constant 16 : i32
      %mul3A_1334 = arith.muli %while3A_1228, %mul3A_1333 : i32
      %add3A_1335 = arith.constant 7 : i32
      %add3A_1336 = arith.addi %mul3A_1334, %add3A_1335 : i32
      %broadcast_in_dim3A_1337 = vector.broadcast %add3A_1336 : i32 to vector<16xi32>
      %gather3A_1338 = tpu.vector_load_idx %arg17[%broadcast_in_dim3A_1337] : memref<512xi32, #tpu.memory_space<vmem>>[vector<16xi32>], vector<16xi32>,
      %mul3A_1339 = arith.constant 16 : i32
      %mul3A_1340 = arith.muli %while3A_1228, %mul3A_1339 : i32
      %add3A_1341 = arith.constant 7 : i32
      %add3A_1342 = arith.addi %mul3A_1340, %add3A_1341 : i32
      %eq3A_1343 = arith.cmpi eq, %get3A_574, %gather3A_1338 : vector<16xi32>
      %gt3A_1344 = vector.broadcast %add3A_1342 : i32 to vector<16xi32>
      %gt3A_1345 = arith.cmpi sgt, %gt3A_1344, %add3A_571 : vector<16xi32>
      %and3A_1346 = arith.andi %eq3A_1343, %gt3A_1345 : vector<16xi1>
      %or3A_1347 = arith.ori %or3A_1332, %and3A_1346 : vector<16xi1>
      %mul3A_1348 = arith.constant 16 : i32
      %mul3A_1349 = arith.muli %while3A_1228, %mul3A_1348 : i32
      %add3A_1350 = arith.constant 8 : i32
      %add3A_1351 = arith.addi %mul3A_1349, %add3A_1350 : i32
      %broadcast_in_dim3A_1352 = vector.broadcast %add3A_1351 : i32 to vector<16xi32>
      %gather3A_1353 = tpu.vector_load_idx %arg17[%broadcast_in_dim3A_1352] : memref<512xi32, #tpu.memory_space<vmem>>[vector<16xi32>], vector<16xi32>,
      %mul3A_1354 = arith.constant 16 : i32
      %mul3A_1355 = arith.muli %while3A_1228, %mul3A_1354 : i32
      %add3A_1356 = arith.constant 8 : i32
      %add3A_1357 = arith.addi %mul3A_1355, %add3A_1356 : i32
      %eq3A_1358 = arith.cmpi eq, %get3A_574, %gather3A_1353 : vector<16xi32>
      %gt3A_1359 = vector.broadcast %add3A_1357 : i32 to vector<16xi32>
      %gt3A_1360 = arith.cmpi sgt, %gt3A_1359, %add3A_571 : vector<16xi32>
      %and3A_1361 = arith.andi %eq3A_1358, %gt3A_1360 : vector<16xi1>
      %or3A_1362 = arith.ori %or3A_1347, %and3A_1361 : vector<16xi1>
      %mul3A_1363 = arith.constant 16 : i32
      %mul3A_1364 = arith.muli %while3A_1228, %mul3A_1363 : i32
      %add3A_1365 = arith.constant 9 : i32
      %add3A_1366 = arith.addi %mul3A_1364, %add3A_1365 : i32
      %broadcast_in_dim3A_1367 = vector.broadcast %add3A_1366 : i32 to vector<16xi32>
      %gather3A_1368 = tpu.vector_load_idx %arg17[%broadcast_in_dim3A_1367] : memref<512xi32, #tpu.memory_space<vmem>>[vector<16xi32>], vector<16xi32>,
      %mul3A_1369 = arith.constant 16 : i32
      %mul3A_1370 = arith.muli %while3A_1228, %mul3A_1369 : i32
      %add3A_1371 = arith.constant 9 : i32
      %add3A_1372 = arith.addi %mul3A_1370, %add3A_1371 : i32
      %eq3A_1373 = arith.cmpi eq, %get3A_574, %gather3A_1368 : vector<16xi32>
      %gt3A_1374 = vector.broadcast %add3A_1372 : i32 to vector<16xi32>
      %gt3A_1375 = arith.cmpi sgt, %gt3A_1374, %add3A_571 : vector<16xi32>
      %and3A_1376 = arith.andi %eq3A_1373, %gt3A_1375 : vector<16xi1>
      %or3A_1377 = arith.ori %or3A_1362, %and3A_1376 : vector<16xi1>
      %mul3A_1378 = arith.constant 16 : i32
      %mul3A_1379 = arith.muli %while3A_1228, %mul3A_1378 : i32
      %add3A_1380 = arith.constant 10 : i32
      %add3A_1381 = arith.addi %mul3A_1379, %add3A_1380 : i32
      %broadcast_in_dim3A_1382 = vector.broadcast %add3A_1381 : i32 to vector<16xi32>
      %gather3A_1383 = tpu.vector_load_idx %arg17[%broadcast_in_dim3A_1382] : memref<512xi32, #tpu.memory_space<vmem>>[vector<16xi32>], vector<16xi32>,
      %mul3A_1384 = arith.constant 16 : i32
      %mul3A_1385 = arith.muli %while3A_1228, %mul3A_1384 : i32
      %add3A_1386 = arith.constant 10 : i32
      %add3A_1387 = arith.addi %mul3A_1385, %add3A_1386 : i32
      %eq3A_1388 = arith.cmpi eq, %get3A_574, %gather3A_1383 : vector<16xi32>
      %gt3A_1389 = vector.broadcast %add3A_1387 : i32 to vector<16xi32>
      %gt3A_1390 = arith.cmpi sgt, %gt3A_1389, %add3A_571 : vector<16xi32>
      %and3A_1391 = arith.andi %eq3A_1388, %gt3A_1390 : vector<16xi1>
      %or3A_1392 = arith.ori %or3A_1377, %and3A_1391 : vector<16xi1>
      %mul3A_1393 = arith.constant 16 : i32
      %mul3A_1394 = arith.muli %while3A_1228, %mul3A_1393 : i32
      %add3A_1395 = arith.constant 11 : i32
      %add3A_1396 = arith.addi %mul3A_1394, %add3A_1395 : i32
      %broadcast_in_dim3A_1397 = vector.broadcast %add3A_1396 : i32 to vector<16xi32>
      %gather3A_1398 = tpu.vector_load_idx %arg17[%broadcast_in_dim3A_1397] : memref<512xi32, #tpu.memory_space<vmem>>[vector<16xi32>], vector<16xi32>,
      %mul3A_1399 = arith.constant 16 : i32
      %mul3A_1400 = arith.muli %while3A_1228, %mul3A_1399 : i32
      %add3A_1401 = arith.constant 11 : i32
      %add3A_1402 = arith.addi %mul3A_1400, %add3A_1401 : i32
      %eq3A_1403 = arith.cmpi eq, %get3A_574, %gather3A_1398 : vector<16xi32>
      %gt3A_1404 = vector.broadcast %add3A_1402 : i32 to vector<16xi32>
      %gt3A_1405 = arith.cmpi sgt, %gt3A_1404, %add3A_571 : vector<16xi32>
      %and3A_1406 = arith.andi %eq3A_1403, %gt3A_1405 : vector<16xi1>
      %or3A_1407 = arith.ori %or3A_1392, %and3A_1406 : vector<16xi1>
      %mul3A_1408 = arith.constant 16 : i32
      %mul3A_1409 = arith.muli %while3A_1228, %mul3A_1408 : i32
      %add3A_1410 = arith.constant 12 : i32
      %add3A_1411 = arith.addi %mul3A_1409, %add3A_1410 : i32
      %broadcast_in_dim3A_1412 = vector.broadcast %add3A_1411 : i32 to vector<16xi32>
      %gather3A_1413 = tpu.vector_load_idx %arg17[%broadcast_in_dim3A_1412] : memref<512xi32, #tpu.memory_space<vmem>>[vector<16xi32>], vector<16xi32>,
      %mul3A_1414 = arith.constant 16 : i32
      %mul3A_1415 = arith.muli %while3A_1228, %mul3A_1414 : i32
      %add3A_1416 = arith.constant 12 : i32
      %add3A_1417 = arith.addi %mul3A_1415, %add3A_1416 : i32
      %eq3A_1418 = arith.cmpi eq, %get3A_574, %gather3A_1413 : vector<16xi32>
      %gt3A_1419 = vector.broadcast %add3A_1417 : i32 to vector<16xi32>
      %gt3A_1420 = arith.cmpi sgt, %gt3A_1419, %add3A_571 : vector<16xi32>
      %and3A_1421 = arith.andi %eq3A_1418, %gt3A_1420 : vector<16xi1>
      %or3A_1422 = arith.ori %or3A_1407, %and3A_1421 : vector<16xi1>
      %mul3A_1423 = arith.constant 16 : i32
      %mul3A_1424 = arith.muli %while3A_1228, %mul3A_1423 : i32
      %add3A_1425 = arith.constant 13 : i32
      %add3A_1426 = arith.addi %mul3A_1424, %add3A_1425 : i32
      %broadcast_in_dim3A_1427 = vector.broadcast %add3A_1426 : i32 to vector<16xi32>
      %gather3A_1428 = tpu.vector_load_idx %arg17[%broadcast_in_dim3A_1427] : memref<512xi32, #tpu.memory_space<vmem>>[vector<16xi32>], vector<16xi32>,
      %mul3A_1429 = arith.constant 16 : i32
      %mul3A_1430 = arith.muli %while3A_1228, %mul3A_1429 : i32
      %add3A_1431 = arith.constant 13 : i32
      %add3A_1432 = arith.addi %mul3A_1430, %add3A_1431 : i32
      %eq3A_1433 = arith.cmpi eq, %get3A_574, %gather3A_1428 : vector<16xi32>
      %gt3A_1434 = vector.broadcast %add3A_1432 : i32 to vector<16xi32>
      %gt3A_1435 = arith.cmpi sgt, %gt3A_1434, %add3A_571 : vector<16xi32>
      %and3A_1436 = arith.andi %eq3A_1433, %gt3A_1435 : vector<16xi1>
      %or3A_1437 = arith.ori %or3A_1422, %and3A_1436 : vector<16xi1>
      %mul3A_1438 = arith.constant 16 : i32
      %mul3A_1439 = arith.muli %while3A_1228, %mul3A_1438 : i32
      %add3A_1440 = arith.constant 14 : i32
      %add3A_1441 = arith.addi %mul3A_1439, %add3A_1440 : i32
      %broadcast_in_dim3A_1442 = vector.broadcast %add3A_1441 : i32 to vector<16xi32>
      %gather3A_1443 = tpu.vector_load_idx %arg17[%broadcast_in_dim3A_1442] : memref<512xi32, #tpu.memory_space<vmem>>[vector<16xi32>], vector<16xi32>,
      %mul3A_1444 = arith.constant 16 : i32
      %mul3A_1445 = arith.muli %while3A_1228, %mul3A_1444 : i32
      %add3A_1446 = arith.constant 14 : i32
      %add3A_1447 = arith.addi %mul3A_1445, %add3A_1446 : i32
      %eq3A_1448 = arith.cmpi eq, %get3A_574, %gather3A_1443 : vector<16xi32>
      %gt3A_1449 = vector.broadcast %add3A_1447 : i32 to vector<16xi32>
      %gt3A_1450 = arith.cmpi sgt, %gt3A_1449, %add3A_571 : vector<16xi32>
      %and3A_1451 = arith.andi %eq3A_1448, %gt3A_1450 : vector<16xi1>
      %or3A_1452 = arith.ori %or3A_1437, %and3A_1451 : vector<16xi1>
      %mul3A_1453 = arith.constant 16 : i32
      %mul3A_1454 = arith.muli %while3A_1228, %mul3A_1453 : i32
      %add3A_1455 = arith.constant 15 : i32
      %add3A_1456 = arith.addi %mul3A_1454, %add3A_1455 : i32
      %broadcast_in_dim3A_1457 = vector.broadcast %add3A_1456 : i32 to vector<16xi32>
      %gather3A_1458 = tpu.vector_load_idx %arg17[%broadcast_in_dim3A_1457] : memref<512xi32, #tpu.memory_space<vmem>>[vector<16xi32>], vector<16xi32>,
      %mul3A_1459 = arith.constant 16 : i32
      %mul3A_1460 = arith.muli %while3A_1228, %mul3A_1459 : i32
      %add3A_1461 = arith.constant 15 : i32
      %add3A_1462 = arith.addi %mul3A_1460, %add3A_1461 : i32
      %eq3A_1463 = arith.cmpi eq, %get3A_574, %gather3A_1458 : vector<16xi32>
      %gt3A_1464 = vector.broadcast %add3A_1462 : i32 to vector<16xi32>
      %gt3A_1465 = arith.cmpi sgt, %gt3A_1464, %add3A_571 : vector<16xi32>
      %and3A_1466 = arith.andi %eq3A_1463, %gt3A_1465 : vector<16xi1>
      %or3A_1467 = arith.ori %or3A_1452, %and3A_1466 : vector<16xi1>
      scf.yield %or3A_1467 : vector<16xi1>
    }
    %while3A_585 = arith.constant 1 : i32
    %while3A_586 = scf.for %while3A_1228 = %while3A_582 to %while3A_578 step %while3A_585 iter_args(%while3A_1229 = %while3A_584) -> (vector<16xi1>)  : i32 {
      %mul3A_1230 = arith.constant 16 : i32
      %mul3A_1231 = arith.muli %while3A_1228, %mul3A_1230 : i32
      %add3A_1232 = arith.constant 0 : i32
      %add3A_1233 = arith.addi %mul3A_1231, %add3A_1232 : i32
      %broadcast_in_dim3A_1234 = vector.broadcast %add3A_1233 : i32 to vector<16xi32>
      %gather3A_1235 = tpu.vector_load_idx %arg17[%broadcast_in_dim3A_1234] : memref<512xi32, #tpu.memory_space<vmem>>[vector<16xi32>], vector<16xi32>,
      %mul3A_1236 = arith.constant 16 : i32
      %mul3A_1237 = arith.muli %while3A_1228, %mul3A_1236 : i32
      %add3A_1238 = arith.constant 0 : i32
      %add3A_1239 = arith.addi %mul3A_1237, %add3A_1238 : i32
      %eq3A_1240 = arith.cmpi eq, %get3A_574, %gather3A_1235 : vector<16xi32>
      %gt3A = vector.broadcast %add3A_1239 : i32 to vector<16xi32>
      %gt3A_1241 = arith.cmpi sgt, %gt3A, %add3A_571 : vector<16xi32>
      %and3A_1242 = arith.andi %eq3A_1240, %gt3A_1241 : vector<16xi1>
      %or3A = arith.ori %while3A_1229, %and3A_1242 : vector<16xi1>
      %mul3A_1243 = arith.constant 16 : i32
      %mul3A_1244 = arith.muli %while3A_1228, %mul3A_1243 : i32
      %add3A_1245 = arith.constant 1 : i32
      %add3A_1246 = arith.addi %mul3A_1244, %add3A_1245 : i32
      %broadcast_in_dim3A_1247 = vector.broadcast %add3A_1246 : i32 to vector<16xi32>
      %gather3A_1248 = tpu.vector_load_idx %arg17[%broadcast_in_dim3A_1247] : memref<512xi32, #tpu.memory_space<vmem>>[vector<16xi32>], vector<16xi32>,
      %mul3A_1249 = arith.constant 16 : i32
      %mul3A_1250 = arith.muli %while3A_1228, %mul3A_1249 : i32
      %add3A_1251 = arith.constant 1 : i32
      %add3A_1252 = arith.addi %mul3A_1250, %add3A_1251 : i32
      %eq3A_1253 = arith.cmpi eq, %get3A_574, %gather3A_1248 : vector<16xi32>
      %gt3A_1254 = vector.broadcast %add3A_1252 : i32 to vector<16xi32>
      %gt3A_1255 = arith.cmpi sgt, %gt3A_1254, %add3A_571 : vector<16xi32>
      %and3A_1256 = arith.andi %eq3A_1253, %gt3A_1255 : vector<16xi1>
      %or3A_1257 = arith.ori %or3A, %and3A_1256 : vector<16xi1>
      %mul3A_1258 = arith.constant 16 : i32
      %mul3A_1259 = arith.muli %while3A_1228, %mul3A_1258 : i32
      %add3A_1260 = arith.constant 2 : i32
      %add3A_1261 = arith.addi %mul3A_1259, %add3A_1260 : i32
      %broadcast_in_dim3A_1262 = vector.broadcast %add3A_1261 : i32 to vector<16xi32>
      %gather3A_1263 = tpu.vector_load_idx %arg17[%broadcast_in_dim3A_1262] : memref<512xi32, #tpu.memory_space<vmem>>[vector<16xi32>], vector<16xi32>,
      %mul3A_1264 = arith.constant 16 : i32
      %mul3A_1265 = arith.muli %while3A_1228, %mul3A_1264 : i32
      %add3A_1266 = arith.constant 2 : i32
      %add3A_1267 = arith.addi %mul3A_1265, %add3A_1266 : i32
      %eq3A_1268 = arith.cmpi eq, %get3A_574, %gather3A_1263 : vector<16xi32>
      %gt3A_1269 = vector.broadcast %add3A_1267 : i32 to vector<16xi32>
      %gt3A_1270 = arith.cmpi sgt, %gt3A_1269, %add3A_571 : vector<16xi32>
      %and3A_1271 = arith.andi %eq3A_1268, %gt3A_1270 : vector<16xi1>
      %or3A_1272 = arith.ori %or3A_1257, %and3A_1271 : vector<16xi1>
      %mul3A_1273 = arith.constant 16 : i32
      %mul3A_1274 = arith.muli %while3A_1228, %mul3A_1273 : i32
      %add3A_1275 = arith.constant 3 : i32
      %add3A_1276 = arith.addi %mul3A_1274, %add3A_1275 : i32
      %broadcast_in_dim3A_1277 = vector.broadcast %add3A_1276 : i32 to vector<16xi32>
      %gather3A_1278 = tpu.vector_load_idx %arg17[%broadcast_in_dim3A_1277] : memref<512xi32, #tpu.memory_space<vmem>>[vector<16xi32>], vector<16xi32>,
      %mul3A_1279 = arith.constant 16 : i32
      %mul3A_1280 = arith.muli %while3A_1228, %mul3A_1279 : i32
      %add3A_1281 = arith.constant 3 : i32
      %add3A_1282 = arith.addi %mul3A_1280, %add3A_1281 : i32
      %eq3A_1283 = arith.cmpi eq, %get3A_574, %gather3A_1278 : vector<16xi32>
      %gt3A_1284 = vector.broadcast %add3A_1282 : i32 to vector<16xi32>
      %gt3A_1285 = arith.cmpi sgt, %gt3A_1284, %add3A_571 : vector<16xi32>
      %and3A_1286 = arith.andi %eq3A_1283, %gt3A_1285 : vector<16xi1>
      %or3A_1287 = arith.ori %or3A_1272, %and3A_1286 : vector<16xi1>
      %mul3A_1288 = arith.constant 16 : i32
      %mul3A_1289 = arith.muli %while3A_1228, %mul3A_1288 : i32
      %add3A_1290 = arith.constant 4 : i32
      %add3A_1291 = arith.addi %mul3A_1289, %add3A_1290 : i32
      %broadcast_in_dim3A_1292 = vector.broadcast %add3A_1291 : i32 to vector<16xi32>
      %gather3A_1293 = tpu.vector_load_idx %arg17[%broadcast_in_dim3A_1292] : memref<512xi32, #tpu.memory_space<vmem>>[vector<16xi32>], vector<16xi32>,
      %mul3A_1294 = arith.constant 16 : i32
      %mul3A_1295 = arith.muli %while3A_1228, %mul3A_1294 : i32
      %add3A_1296 = arith.constant 4 : i32
      %add3A_1297 = arith.addi %mul3A_1295, %add3A_1296 : i32
      %eq3A_1298 = arith.cmpi eq, %get3A_574, %gather3A_1293 : vector<16xi32>
      %gt3A_1299 = vector.broadcast %add3A_1297 : i32 to vector<16xi32>
      %gt3A_1300 = arith.cmpi sgt, %gt3A_1299, %add3A_571 : vector<16xi32>
      %and3A_1301 = arith.andi %eq3A_1298, %gt3A_1300 : vector<16xi1>
      %or3A_1302 = arith.ori %or3A_1287, %and3A_1301 : vector<16xi1>
      %mul3A_1303 = arith.constant 16 : i32
      %mul3A_1304 = arith.muli %while3A_1228, %mul3A_1303 : i32
      %add3A_1305 = arith.constant 5 : i32
      %add3A_1306 = arith.addi %mul3A_1304, %add3A_1305 : i32
      %broadcast_in_dim3A_1307 = vector.broadcast %add3A_1306 : i32 to vector<16xi32>
      %gather3A_1308 = tpu.vector_load_idx %arg17[%broadcast_in_dim3A_1307] : memref<512xi32, #tpu.memory_space<vmem>>[vector<16xi32>], vector<16xi32>,
      %mul3A_1309 = arith.constant 16 : i32
      %mul3A_1310 = arith.muli %while3A_1228, %mul3A_1309 : i32
      %add3A_1311 = arith.constant 5 : i32
      %add3A_1312 = arith.addi %mul3A_1310, %add3A_1311 : i32
      %eq3A_1313 = arith.cmpi eq, %get3A_574, %gather3A_1308 : vector<16xi32>
      %gt3A_1314 = vector.broadcast %add3A_1312 : i32 to vector<16xi32>
      %gt3A_1315 = arith.cmpi sgt, %gt3A_1314, %add3A_571 : vector<16xi32>
      %and3A_1316 = arith.andi %eq3A_1313, %gt3A_1315 : vector<16xi1>
      %or3A_1317 = arith.ori %or3A_1302, %and3A_1316 : vector<16xi1>
      %mul3A_1318 = arith.constant 16 : i32
      %mul3A_1319 = arith.muli %while3A_1228, %mul3A_1318 : i32
      %add3A_1320 = arith.constant 6 : i32
      %add3A_1321 = arith.addi %mul3A_1319, %add3A_1320 : i32
      %broadcast_in_dim3A_1322 = vector.broadcast %add3A_1321 : i32 to vector<16xi32>
      %gather3A_1323 = tpu.vector_load_idx %arg17[%broadcast_in_dim3A_1322] : memref<512xi32, #tpu.memory_space<vmem>>[vector<16xi32>], vector<16xi32>,
      %mul3A_1324 = arith.constant 16 : i32
      %mul3A_1325 = arith.muli %while3A_1228, %mul3A_1324 : i32
      %add3A_1326 = arith.constant 6 : i32
      %add3A_1327 = arith.addi %mul3A_1325, %add3A_1326 : i32
      %eq3A_1328 = arith.cmpi eq, %get3A_574, %gather3A_1323 : vector<16xi32>
      %gt3A_1329 = vector.broadcast %add3A_1327 : i32 to vector<16xi32>
      %gt3A_1330 = arith.cmpi sgt, %gt3A_1329, %add3A_571 : vector<16xi32>
      %and3A_1331 = arith.andi %eq3A_1328, %gt3A_1330 : vector<16xi1>
      %or3A_1332 = arith.ori %or3A_1317, %and3A_1331 : vector<16xi1>
      %mul3A_1333 = arith.constant 16 : i32
      %mul3A_1334 = arith.muli %while3A_1228, %mul3A_1333 : i32
      %add3A_1335 = arith.constant 7 : i32
      %add3A_1336 = arith.addi %mul3A_1334, %add3A_1335 : i32
      %broadcast_in_dim3A_1337 = vector.broadcast %add3A_1336 : i32 to vector<16xi32>
      %gather3A_1338 = tpu.vector_load_idx %arg17[%broadcast_in_dim3A_1337] : memref<512xi32, #tpu.memory_space<vmem>>[vector<16xi32>], vector<16xi32>,
      %mul3A_1339 = arith.constant 16 : i32
      %mul3A_1340 = arith.muli %while3A_1228, %mul3A_1339 : i32
      %add3A_1341 = arith.constant 7 : i32
      %add3A_1342 = arith.addi %mul3A_1340, %add3A_1341 : i32
      %eq3A_1343 = arith.cmpi eq, %get3A_574, %gather3A_1338 : vector<16xi32>
      %gt3A_1344 = vector.broadcast %add3A_1342 : i32 to vector<16xi32>
      %gt3A_1345 = arith.cmpi sgt, %gt3A_1344, %add3A_571 : vector<16xi32>
      %and3A_1346 = arith.andi %eq3A_1343, %gt3A_1345 : vector<16xi1>
      %or3A_1347 = arith.ori %or3A_1332, %and3A_1346 : vector<16xi1>
      %mul3A_1348 = arith.constant 16 : i32
      %mul3A_1349 = arith.muli %while3A_1228, %mul3A_1348 : i32
      %add3A_1350 = arith.constant 8 : i32
      %add3A_1351 = arith.addi %mul3A_1349, %add3A_1350 : i32
      %broadcast_in_dim3A_1352 = vector.broadcast %add3A_1351 : i32 to vector<16xi32>
      %gather3A_1353 = tpu.vector_load_idx %arg17[%broadcast_in_dim3A_1352] : memref<512xi32, #tpu.memory_space<vmem>>[vector<16xi32>], vector<16xi32>,
      %mul3A_1354 = arith.constant 16 : i32
      %mul3A_1355 = arith.muli %while3A_1228, %mul3A_1354 : i32
      %add3A_1356 = arith.constant 8 : i32
      %add3A_1357 = arith.addi %mul3A_1355, %add3A_1356 : i32
      %eq3A_1358 = arith.cmpi eq, %get3A_574, %gather3A_1353 : vector<16xi32>
      %gt3A_1359 = vector.broadcast %add3A_1357 : i32 to vector<16xi32>
      %gt3A_1360 = arith.cmpi sgt, %gt3A_1359, %add3A_571 : vector<16xi32>
      %and3A_1361 = arith.andi %eq3A_1358, %gt3A_1360 : vector<16xi1>
      %or3A_1362 = arith.ori %or3A_1347, %and3A_1361 : vector<16xi1>
      %mul3A_1363 = arith.constant 16 : i32
      %mul3A_1364 = arith.muli %while3A_1228, %mul3A_1363 : i32
      %add3A_1365 = arith.constant 9 : i32
      %add3A_1366 = arith.addi %mul3A_1364, %add3A_1365 : i32
      %broadcast_in_dim3A_1367 = vector.broadcast %add3A_1366 : i32 to vector<16xi32>
      %gather3A_1368 = tpu.vector_load_idx %arg17[%broadcast_in_dim3A_1367] : memref<512xi32, #tpu.memory_space<vmem>>[vector<16xi32>], vector<16xi32>,
      %mul3A_1369 = arith.constant 16 : i32
      %mul3A_1370 = arith.muli %while3A_1228, %mul3A_1369 : i32
      %add3A_1371 = arith.constant 9 : i32
      %add3A_1372 = arith.addi %mul3A_1370, %add3A_1371 : i32
      %eq3A_1373 = arith.cmpi eq, %get3A_574, %gather3A_1368 : vector<16xi32>
      %gt3A_1374 = vector.broadcast %add3A_1372 : i32 to vector<16xi32>
      %gt3A_1375 = arith.cmpi sgt, %gt3A_1374, %add3A_571 : vector<16xi32>
      %and3A_1376 = arith.andi %eq3A_1373, %gt3A_1375 : vector<16xi1>
      %or3A_1377 = arith.ori %or3A_1362, %and3A_1376 : vector<16xi1>
      %mul3A_1378 = arith.constant 16 : i32
      %mul3A_1379 = arith.muli %while3A_1228, %mul3A_1378 : i32
      %add3A_1380 = arith.constant 10 : i32
      %add3A_1381 = arith.addi %mul3A_1379, %add3A_1380 : i32
      %broadcast_in_dim3A_1382 = vector.broadcast %add3A_1381 : i32 to vector<16xi32>
      %gather3A_1383 = tpu.vector_load_idx %arg17[%broadcast_in_dim3A_1382] : memref<512xi32, #tpu.memory_space<vmem>>[vector<16xi32>], vector<16xi32>,
      %mul3A_1384 = arith.constant 16 : i32
      %mul3A_1385 = arith.muli %while3A_1228, %mul3A_1384 : i32
      %add3A_1386 = arith.constant 10 : i32
      %add3A_1387 = arith.addi %mul3A_1385, %add3A_1386 : i32
      %eq3A_1388 = arith.cmpi eq, %get3A_574, %gather3A_1383 : vector<16xi32>
      %gt3A_1389 = vector.broadcast %add3A_1387 : i32 to vector<16xi32>
      %gt3A_1390 = arith.cmpi sgt, %gt3A_1389, %add3A_571 : vector<16xi32>
      %and3A_1391 = arith.andi %eq3A_1388, %gt3A_1390 : vector<16xi1>
      %or3A_1392 = arith.ori %or3A_1377, %and3A_1391 : vector<16xi1>
      %mul3A_1393 = arith.constant 16 : i32
      %mul3A_1394 = arith.muli %while3A_1228, %mul3A_1393 : i32
      %add3A_1395 = arith.constant 11 : i32
      %add3A_1396 = arith.addi %mul3A_1394, %add3A_1395 : i32
      %broadcast_in_dim3A_1397 = vector.broadcast %add3A_1396 : i32 to vector<16xi32>
      %gather3A_1398 = tpu.vector_load_idx %arg17[%broadcast_in_dim3A_1397] : memref<512xi32, #tpu.memory_space<vmem>>[vector<16xi32>], vector<16xi32>,
      %mul3A_1399 = arith.constant 16 : i32
      %mul3A_1400 = arith.muli %while3A_1228, %mul3A_1399 : i32
      %add3A_1401 = arith.constant 11 : i32
      %add3A_1402 = arith.addi %mul3A_1400, %add3A_1401 : i32
      %eq3A_1403 = arith.cmpi eq, %get3A_574, %gather3A_1398 : vector<16xi32>
      %gt3A_1404 = vector.broadcast %add3A_1402 : i32 to vector<16xi32>
      %gt3A_1405 = arith.cmpi sgt, %gt3A_1404, %add3A_571 : vector<16xi32>
      %and3A_1406 = arith.andi %eq3A_1403, %gt3A_1405 : vector<16xi1>
      %or3A_1407 = arith.ori %or3A_1392, %and3A_1406 : vector<16xi1>
      %mul3A_1408 = arith.constant 16 : i32
      %mul3A_1409 = arith.muli %while3A_1228, %mul3A_1408 : i32
      %add3A_1410 = arith.constant 12 : i32
      %add3A_1411 = arith.addi %mul3A_1409, %add3A_1410 : i32
      %broadcast_in_dim3A_1412 = vector.broadcast %add3A_1411 : i32 to vector<16xi32>
      %gather3A_1413 = tpu.vector_load_idx %arg17[%broadcast_in_dim3A_1412] : memref<512xi32, #tpu.memory_space<vmem>>[vector<16xi32>], vector<16xi32>,
      %mul3A_1414 = arith.constant 16 : i32
      %mul3A_1415 = arith.muli %while3A_1228, %mul3A_1414 : i32
      %add3A_1416 = arith.constant 12 : i32
      %add3A_1417 = arith.addi %mul3A_1415, %add3A_1416 : i32
      %eq3A_1418 = arith.cmpi eq, %get3A_574, %gather3A_1413 : vector<16xi32>
      %gt3A_1419 = vector.broadcast %add3A_1417 : i32 to vector<16xi32>
      %gt3A_1420 = arith.cmpi sgt, %gt3A_1419, %add3A_571 : vector<16xi32>
      %and3A_1421 = arith.andi %eq3A_1418, %gt3A_1420 : vector<16xi1>
      %or3A_1422 = arith.ori %or3A_1407, %and3A_1421 : vector<16xi1>
      %mul3A_1423 = arith.constant 16 : i32
      %mul3A_1424 = arith.muli %while3A_1228, %mul3A_1423 : i32
      %add3A_1425 = arith.constant 13 : i32
      %add3A_1426 = arith.addi %mul3A_1424, %add3A_1425 : i32
      %broadcast_in_dim3A_1427 = vector.broadcast %add3A_1426 : i32 to vector<16xi32>
      %gather3A_1428 = tpu.vector_load_idx %arg17[%broadcast_in_dim3A_1427] : memref<512xi32, #tpu.memory_space<vmem>>[vector<16xi32>], vector<16xi32>,
      %mul3A_1429 = arith.constant 16 : i32
      %mul3A_1430 = arith.muli %while3A_1228, %mul3A_1429 : i32
      %add3A_1431 = arith.constant 13 : i32
      %add3A_1432 = arith.addi %mul3A_1430, %add3A_1431 : i32
      %eq3A_1433 = arith.cmpi eq, %get3A_574, %gather3A_1428 : vector<16xi32>
      %gt3A_1434 = vector.broadcast %add3A_1432 : i32 to vector<16xi32>
      %gt3A_1435 = arith.cmpi sgt, %gt3A_1434, %add3A_571 : vector<16xi32>
      %and3A_1436 = arith.andi %eq3A_1433, %gt3A_1435 : vector<16xi1>
      %or3A_1437 = arith.ori %or3A_1422, %and3A_1436 : vector<16xi1>
      %mul3A_1438 = arith.constant 16 : i32
      %mul3A_1439 = arith.muli %while3A_1228, %mul3A_1438 : i32
      %add3A_1440 = arith.constant 14 : i32
      %add3A_1441 = arith.addi %mul3A_1439, %add3A_1440 : i32
      %broadcast_in_dim3A_1442 = vector.broadcast %add3A_1441 : i32 to vector<16xi32>
      %gather3A_1443 = tpu.vector_load_idx %arg17[%broadcast_in_dim3A_1442] : memref<512xi32, #tpu.memory_space<vmem>>[vector<16xi32>], vector<16xi32>,
      %mul3A_1444 = arith.constant 16 : i32
      %mul3A_1445 = arith.muli %while3A_1228, %mul3A_1444 : i32
      %add3A_1446 = arith.constant 14 : i32
      %add3A_1447 = arith.addi %mul3A_1445, %add3A_1446 : i32
      %eq3A_1448 = arith.cmpi eq, %get3A_574, %gather3A_1443 : vector<16xi32>
      %gt3A_1449 = vector.broadcast %add3A_1447 : i32 to vector<16xi32>
      %gt3A_1450 = arith.cmpi sgt, %gt3A_1449, %add3A_571 : vector<16xi32>
      %and3A_1451 = arith.andi %eq3A_1448, %gt3A_1450 : vector<16xi1>
      %or3A_1452 = arith.ori %or3A_1437, %and3A_1451 : vector<16xi1>
      %mul3A_1453 = arith.constant 16 : i32
      %mul3A_1454 = arith.muli %while3A_1228, %mul3A_1453 : i32
      %add3A_1455 = arith.constant 15 : i32
      %add3A_1456 = arith.addi %mul3A_1454, %add3A_1455 : i32
      %broadcast_in_dim3A_1457 = vector.broadcast %add3A_1456 : i32 to vector<16xi32>
      %gather3A_1458 = tpu.vector_load_idx %arg17[%broadcast_in_dim3A_1457] : memref<512xi32, #tpu.memory_space<vmem>>[vector<16xi32>], vector<16xi32>,
      %mul3A_1459 = arith.constant 16 : i32
      %mul3A_1460 = arith.muli %while3A_1228, %mul3A_1459 : i32
      %add3A_1461 = arith.constant 15 : i32
      %add3A_1462 = arith.addi %mul3A_1460, %add3A_1461 : i32
      %eq3A_1463 = arith.cmpi eq, %get3A_574, %gather3A_1458 : vector<16xi32>
      %gt3A_1464 = vector.broadcast %add3A_1462 : i32 to vector<16xi32>
      %gt3A_1465 = arith.cmpi sgt, %gt3A_1464, %add3A_571 : vector<16xi32>
      %and3A_1466 = arith.andi %eq3A_1463, %gt3A_1465 : vector<16xi1>
      %or3A_1467 = arith.ori %or3A_1452, %and3A_1466 : vector<16xi1>
      scf.yield %or3A_1467 : vector<16xi1>
    }
    %iota3A_587 = tpu.iota {dimensions = array<i32: 0>} : vector<16xi32>
    %add3A_588 = arith.constant 131072 : i32
    %add3A_589 = vector.broadcast %add3A_588 : i32 to vector<16xi32>
    %add3A_590 = arith.addi %add3A_589, %iota3A_587 : vector<16xi32>
    %select_n3A_591 = arith.select %while3A_586, %add3A_590, %get3A_574 : vector<16xi1>, vector<16xi32>
    %swap3A_592 = arith.constant 0 : i32
    %swap3A_593 = arith.index_cast %swap3A_592 : i32 to index
    %swap3A_594 = arith.constant 0 : index
    %swap3A_595 = tpu.vector_load %arg25[%swap3A_593, %swap3A_594] {strides = array<i32>} : memref<2x16xi32, #tpu.memory_space<vmem>>, vector<16xi32>,
    tpu.vector_store %arg25[%swap3A_593, %swap3A_594], %select_n3A_591 {strides = array<i32>} : memref<2x16xi32, #tpu.memory_space<vmem>>, vector<16xi32>,
    %swap3A_596 = arith.constant 0 : i32
    %swap3A_597 = arith.index_cast %swap3A_596 : i32 to index
    %swap3A_598 = arith.constant 0 : index
    %swap3A_599 = tpu.vector_load %arg26[%swap3A_597, %swap3A_598] {strides = array<i32>} : memref<2x16xi32, #tpu.memory_space<vmem>>, vector<16xi32>,
    tpu.vector_store %arg26[%swap3A_597, %swap3A_598], %add3A_571 {strides = array<i32>} : memref<2x16xi32, #tpu.memory_space<vmem>>, vector<16xi32>,
    %mul3A_600 = arith.constant 16 : i32
    %mul3A_601 = arith.muli %sub3A_566, %mul3A_600 : i32
    %iota3A_602 = tpu.iota {dimensions = array<i32: 0>} : vector<16xi32>
    %add3A_603 = vector.broadcast %mul3A_601 : i32 to vector<16xi32>
    %add3A_604 = arith.addi %add3A_603, %iota3A_602 : vector<16xi32>
    %mul3A_605 = arith.constant 16 : i32
    %mul3A_606 = arith.muli %sub3A_566, %mul3A_605 : i32
    %get3A_607 = arith.index_cast %mul3A_606 : i32 to index
    %get3A_608 = tpu.vector_load %arg17[%get3A_607] {strides = array<i32>} : memref<512xi32, #tpu.memory_space<vmem>>, vector<16xi32>,
    %broadcast_in_dim3A_609 = arith.constant false
    %broadcast_in_dim3A_610 = vector.broadcast %broadcast_in_dim3A_609 : i1 to vector<16xi1>
    %while3A_611 = arith.constant 32 : i32
    %while3A_612 = arith.subi %while3A_611, %sub3A_566 : i32
    %while3A_613 = arith.addi %sub3A_566, %while3A_612 : i32
    %while3A_614 = arith.constant 1 : i32
    %while3A_615 = arith.divsi %while3A_612, %while3A_614 : i32
    %while3A_616 = arith.muli %while3A_615, %while3A_614 : i32
    %while3A_617 = arith.addi %sub3A_566, %while3A_616 : i32
    %while3A_618 = arith.constant 1 : i32
    %while3A_619 = scf.for %while3A_1228 = %sub3A_566 to %while3A_617 step %while3A_618 iter_args(%while3A_1229 = %broadcast_in_dim3A_610) -> (vector<16xi1>)  : i32 {
      %mul3A_1230 = arith.constant 16 : i32
      %mul3A_1231 = arith.muli %while3A_1228, %mul3A_1230 : i32
      %add3A_1232 = arith.constant 0 : i32
      %add3A_1233 = arith.addi %mul3A_1231, %add3A_1232 : i32
      %broadcast_in_dim3A_1234 = vector.broadcast %add3A_1233 : i32 to vector<16xi32>
      %gather3A_1235 = tpu.vector_load_idx %arg17[%broadcast_in_dim3A_1234] : memref<512xi32, #tpu.memory_space<vmem>>[vector<16xi32>], vector<16xi32>,
      %mul3A_1236 = arith.constant 16 : i32
      %mul3A_1237 = arith.muli %while3A_1228, %mul3A_1236 : i32
      %add3A_1238 = arith.constant 0 : i32
      %add3A_1239 = arith.addi %mul3A_1237, %add3A_1238 : i32
      %eq3A_1240 = arith.cmpi eq, %get3A_608, %gather3A_1235 : vector<16xi32>
      %gt3A = vector.broadcast %add3A_1239 : i32 to vector<16xi32>
      %gt3A_1241 = arith.cmpi sgt, %gt3A, %add3A_604 : vector<16xi32>
      %and3A_1242 = arith.andi %eq3A_1240, %gt3A_1241 : vector<16xi1>
      %or3A = arith.ori %while3A_1229, %and3A_1242 : vector<16xi1>
      %mul3A_1243 = arith.constant 16 : i32
      %mul3A_1244 = arith.muli %while3A_1228, %mul3A_1243 : i32
      %add3A_1245 = arith.constant 1 : i32
      %add3A_1246 = arith.addi %mul3A_1244, %add3A_1245 : i32
      %broadcast_in_dim3A_1247 = vector.broadcast %add3A_1246 : i32 to vector<16xi32>
      %gather3A_1248 = tpu.vector_load_idx %arg17[%broadcast_in_dim3A_1247] : memref<512xi32, #tpu.memory_space<vmem>>[vector<16xi32>], vector<16xi32>,
      %mul3A_1249 = arith.constant 16 : i32
      %mul3A_1250 = arith.muli %while3A_1228, %mul3A_1249 : i32
      %add3A_1251 = arith.constant 1 : i32
      %add3A_1252 = arith.addi %mul3A_1250, %add3A_1251 : i32
      %eq3A_1253 = arith.cmpi eq, %get3A_608, %gather3A_1248 : vector<16xi32>
      %gt3A_1254 = vector.broadcast %add3A_1252 : i32 to vector<16xi32>
      %gt3A_1255 = arith.cmpi sgt, %gt3A_1254, %add3A_604 : vector<16xi32>
      %and3A_1256 = arith.andi %eq3A_1253, %gt3A_1255 : vector<16xi1>
      %or3A_1257 = arith.ori %or3A, %and3A_1256 : vector<16xi1>
      %mul3A_1258 = arith.constant 16 : i32
      %mul3A_1259 = arith.muli %while3A_1228, %mul3A_1258 : i32
      %add3A_1260 = arith.constant 2 : i32
      %add3A_1261 = arith.addi %mul3A_1259, %add3A_1260 : i32
      %broadcast_in_dim3A_1262 = vector.broadcast %add3A_1261 : i32 to vector<16xi32>
      %gather3A_1263 = tpu.vector_load_idx %arg17[%broadcast_in_dim3A_1262] : memref<512xi32, #tpu.memory_space<vmem>>[vector<16xi32>], vector<16xi32>,
      %mul3A_1264 = arith.constant 16 : i32
      %mul3A_1265 = arith.muli %while3A_1228, %mul3A_1264 : i32
      %add3A_1266 = arith.constant 2 : i32
      %add3A_1267 = arith.addi %mul3A_1265, %add3A_1266 : i32
      %eq3A_1268 = arith.cmpi eq, %get3A_608, %gather3A_1263 : vector<16xi32>
      %gt3A_1269 = vector.broadcast %add3A_1267 : i32 to vector<16xi32>
      %gt3A_1270 = arith.cmpi sgt, %gt3A_1269, %add3A_604 : vector<16xi32>
      %and3A_1271 = arith.andi %eq3A_1268, %gt3A_1270 : vector<16xi1>
      %or3A_1272 = arith.ori %or3A_1257, %and3A_1271 : vector<16xi1>
      %mul3A_1273 = arith.constant 16 : i32
      %mul3A_1274 = arith.muli %while3A_1228, %mul3A_1273 : i32
      %add3A_1275 = arith.constant 3 : i32
      %add3A_1276 = arith.addi %mul3A_1274, %add3A_1275 : i32
      %broadcast_in_dim3A_1277 = vector.broadcast %add3A_1276 : i32 to vector<16xi32>
      %gather3A_1278 = tpu.vector_load_idx %arg17[%broadcast_in_dim3A_1277] : memref<512xi32, #tpu.memory_space<vmem>>[vector<16xi32>], vector<16xi32>,
      %mul3A_1279 = arith.constant 16 : i32
      %mul3A_1280 = arith.muli %while3A_1228, %mul3A_1279 : i32
      %add3A_1281 = arith.constant 3 : i32
      %add3A_1282 = arith.addi %mul3A_1280, %add3A_1281 : i32
      %eq3A_1283 = arith.cmpi eq, %get3A_608, %gather3A_1278 : vector<16xi32>
      %gt3A_1284 = vector.broadcast %add3A_1282 : i32 to vector<16xi32>
      %gt3A_1285 = arith.cmpi sgt, %gt3A_1284, %add3A_604 : vector<16xi32>
      %and3A_1286 = arith.andi %eq3A_1283, %gt3A_1285 : vector<16xi1>
      %or3A_1287 = arith.ori %or3A_1272, %and3A_1286 : vector<16xi1>
      %mul3A_1288 = arith.constant 16 : i32
      %mul3A_1289 = arith.muli %while3A_1228, %mul3A_1288 : i32
      %add3A_1290 = arith.constant 4 : i32
      %add3A_1291 = arith.addi %mul3A_1289, %add3A_1290 : i32
      %broadcast_in_dim3A_1292 = vector.broadcast %add3A_1291 : i32 to vector<16xi32>
      %gather3A_1293 = tpu.vector_load_idx %arg17[%broadcast_in_dim3A_1292] : memref<512xi32, #tpu.memory_space<vmem>>[vector<16xi32>], vector<16xi32>,
      %mul3A_1294 = arith.constant 16 : i32
      %mul3A_1295 = arith.muli %while3A_1228, %mul3A_1294 : i32
      %add3A_1296 = arith.constant 4 : i32
      %add3A_1297 = arith.addi %mul3A_1295, %add3A_1296 : i32
      %eq3A_1298 = arith.cmpi eq, %get3A_608, %gather3A_1293 : vector<16xi32>
      %gt3A_1299 = vector.broadcast %add3A_1297 : i32 to vector<16xi32>
      %gt3A_1300 = arith.cmpi sgt, %gt3A_1299, %add3A_604 : vector<16xi32>
      %and3A_1301 = arith.andi %eq3A_1298, %gt3A_1300 : vector<16xi1>
      %or3A_1302 = arith.ori %or3A_1287, %and3A_1301 : vector<16xi1>
      %mul3A_1303 = arith.constant 16 : i32
      %mul3A_1304 = arith.muli %while3A_1228, %mul3A_1303 : i32
      %add3A_1305 = arith.constant 5 : i32
      %add3A_1306 = arith.addi %mul3A_1304, %add3A_1305 : i32
      %broadcast_in_dim3A_1307 = vector.broadcast %add3A_1306 : i32 to vector<16xi32>
      %gather3A_1308 = tpu.vector_load_idx %arg17[%broadcast_in_dim3A_1307] : memref<512xi32, #tpu.memory_space<vmem>>[vector<16xi32>], vector<16xi32>,
      %mul3A_1309 = arith.constant 16 : i32
      %mul3A_1310 = arith.muli %while3A_1228, %mul3A_1309 : i32
      %add3A_1311 = arith.constant 5 : i32
      %add3A_1312 = arith.addi %mul3A_1310, %add3A_1311 : i32
      %eq3A_1313 = arith.cmpi eq, %get3A_608, %gather3A_1308 : vector<16xi32>
      %gt3A_1314 = vector.broadcast %add3A_1312 : i32 to vector<16xi32>
      %gt3A_1315 = arith.cmpi sgt, %gt3A_1314, %add3A_604 : vector<16xi32>
      %and3A_1316 = arith.andi %eq3A_1313, %gt3A_1315 : vector<16xi1>
      %or3A_1317 = arith.ori %or3A_1302, %and3A_1316 : vector<16xi1>
      %mul3A_1318 = arith.constant 16 : i32
      %mul3A_1319 = arith.muli %while3A_1228, %mul3A_1318 : i32
      %add3A_1320 = arith.constant 6 : i32
      %add3A_1321 = arith.addi %mul3A_1319, %add3A_1320 : i32
      %broadcast_in_dim3A_1322 = vector.broadcast %add3A_1321 : i32 to vector<16xi32>
      %gather3A_1323 = tpu.vector_load_idx %arg17[%broadcast_in_dim3A_1322] : memref<512xi32, #tpu.memory_space<vmem>>[vector<16xi32>], vector<16xi32>,
      %mul3A_1324 = arith.constant 16 : i32
      %mul3A_1325 = arith.muli %while3A_1228, %mul3A_1324 : i32
      %add3A_1326 = arith.constant 6 : i32
      %add3A_1327 = arith.addi %mul3A_1325, %add3A_1326 : i32
      %eq3A_1328 = arith.cmpi eq, %get3A_608, %gather3A_1323 : vector<16xi32>
      %gt3A_1329 = vector.broadcast %add3A_1327 : i32 to vector<16xi32>
      %gt3A_1330 = arith.cmpi sgt, %gt3A_1329, %add3A_604 : vector<16xi32>
      %and3A_1331 = arith.andi %eq3A_1328, %gt3A_1330 : vector<16xi1>
      %or3A_1332 = arith.ori %or3A_1317, %and3A_1331 : vector<16xi1>
      %mul3A_1333 = arith.constant 16 : i32
      %mul3A_1334 = arith.muli %while3A_1228, %mul3A_1333 : i32
      %add3A_1335 = arith.constant 7 : i32
      %add3A_1336 = arith.addi %mul3A_1334, %add3A_1335 : i32
      %broadcast_in_dim3A_1337 = vector.broadcast %add3A_1336 : i32 to vector<16xi32>
      %gather3A_1338 = tpu.vector_load_idx %arg17[%broadcast_in_dim3A_1337] : memref<512xi32, #tpu.memory_space<vmem>>[vector<16xi32>], vector<16xi32>,
      %mul3A_1339 = arith.constant 16 : i32
      %mul3A_1340 = arith.muli %while3A_1228, %mul3A_1339 : i32
      %add3A_1341 = arith.constant 7 : i32
      %add3A_1342 = arith.addi %mul3A_1340, %add3A_1341 : i32
      %eq3A_1343 = arith.cmpi eq, %get3A_608, %gather3A_1338 : vector<16xi32>
      %gt3A_1344 = vector.broadcast %add3A_1342 : i32 to vector<16xi32>
      %gt3A_1345 = arith.cmpi sgt, %gt3A_1344, %add3A_604 : vector<16xi32>
      %and3A_1346 = arith.andi %eq3A_1343, %gt3A_1345 : vector<16xi1>
      %or3A_1347 = arith.ori %or3A_1332, %and3A_1346 : vector<16xi1>
      %mul3A_1348 = arith.constant 16 : i32
      %mul3A_1349 = arith.muli %while3A_1228, %mul3A_1348 : i32
      %add3A_1350 = arith.constant 8 : i32
      %add3A_1351 = arith.addi %mul3A_1349, %add3A_1350 : i32
      %broadcast_in_dim3A_1352 = vector.broadcast %add3A_1351 : i32 to vector<16xi32>
      %gather3A_1353 = tpu.vector_load_idx %arg17[%broadcast_in_dim3A_1352] : memref<512xi32, #tpu.memory_space<vmem>>[vector<16xi32>], vector<16xi32>,
      %mul3A_1354 = arith.constant 16 : i32
      %mul3A_1355 = arith.muli %while3A_1228, %mul3A_1354 : i32
      %add3A_1356 = arith.constant 8 : i32
      %add3A_1357 = arith.addi %mul3A_1355, %add3A_1356 : i32
      %eq3A_1358 = arith.cmpi eq, %get3A_608, %gather3A_1353 : vector<16xi32>
      %gt3A_1359 = vector.broadcast %add3A_1357 : i32 to vector<16xi32>
      %gt3A_1360 = arith.cmpi sgt, %gt3A_1359, %add3A_604 : vector<16xi32>
      %and3A_1361 = arith.andi %eq3A_1358, %gt3A_1360 : vector<16xi1>
      %or3A_1362 = arith.ori %or3A_1347, %and3A_1361 : vector<16xi1>
      %mul3A_1363 = arith.constant 16 : i32
      %mul3A_1364 = arith.muli %while3A_1228, %mul3A_1363 : i32
      %add3A_1365 = arith.constant 9 : i32
      %add3A_1366 = arith.addi %mul3A_1364, %add3A_1365 : i32
      %broadcast_in_dim3A_1367 = vector.broadcast %add3A_1366 : i32 to vector<16xi32>
      %gather3A_1368 = tpu.vector_load_idx %arg17[%broadcast_in_dim3A_1367] : memref<512xi32, #tpu.memory_space<vmem>>[vector<16xi32>], vector<16xi32>,
      %mul3A_1369 = arith.constant 16 : i32
      %mul3A_1370 = arith.muli %while3A_1228, %mul3A_1369 : i32
      %add3A_1371 = arith.constant 9 : i32
      %add3A_1372 = arith.addi %mul3A_1370, %add3A_1371 : i32
      %eq3A_1373 = arith.cmpi eq, %get3A_608, %gather3A_1368 : vector<16xi32>
      %gt3A_1374 = vector.broadcast %add3A_1372 : i32 to vector<16xi32>
      %gt3A_1375 = arith.cmpi sgt, %gt3A_1374, %add3A_604 : vector<16xi32>
      %and3A_1376 = arith.andi %eq3A_1373, %gt3A_1375 : vector<16xi1>
      %or3A_1377 = arith.ori %or3A_1362, %and3A_1376 : vector<16xi1>
      %mul3A_1378 = arith.constant 16 : i32
      %mul3A_1379 = arith.muli %while3A_1228, %mul3A_1378 : i32
      %add3A_1380 = arith.constant 10 : i32
      %add3A_1381 = arith.addi %mul3A_1379, %add3A_1380 : i32
      %broadcast_in_dim3A_1382 = vector.broadcast %add3A_1381 : i32 to vector<16xi32>
      %gather3A_1383 = tpu.vector_load_idx %arg17[%broadcast_in_dim3A_1382] : memref<512xi32, #tpu.memory_space<vmem>>[vector<16xi32>], vector<16xi32>,
      %mul3A_1384 = arith.constant 16 : i32
      %mul3A_1385 = arith.muli %while3A_1228, %mul3A_1384 : i32
      %add3A_1386 = arith.constant 10 : i32
      %add3A_1387 = arith.addi %mul3A_1385, %add3A_1386 : i32
      %eq3A_1388 = arith.cmpi eq, %get3A_608, %gather3A_1383 : vector<16xi32>
      %gt3A_1389 = vector.broadcast %add3A_1387 : i32 to vector<16xi32>
      %gt3A_1390 = arith.cmpi sgt, %gt3A_1389, %add3A_604 : vector<16xi32>
      %and3A_1391 = arith.andi %eq3A_1388, %gt3A_1390 : vector<16xi1>
      %or3A_1392 = arith.ori %or3A_1377, %and3A_1391 : vector<16xi1>
      %mul3A_1393 = arith.constant 16 : i32
      %mul3A_1394 = arith.muli %while3A_1228, %mul3A_1393 : i32
      %add3A_1395 = arith.constant 11 : i32
      %add3A_1396 = arith.addi %mul3A_1394, %add3A_1395 : i32
      %broadcast_in_dim3A_1397 = vector.broadcast %add3A_1396 : i32 to vector<16xi32>
      %gather3A_1398 = tpu.vector_load_idx %arg17[%broadcast_in_dim3A_1397] : memref<512xi32, #tpu.memory_space<vmem>>[vector<16xi32>], vector<16xi32>,
      %mul3A_1399 = arith.constant 16 : i32
      %mul3A_1400 = arith.muli %while3A_1228, %mul3A_1399 : i32
      %add3A_1401 = arith.constant 11 : i32
      %add3A_1402 = arith.addi %mul3A_1400, %add3A_1401 : i32
      %eq3A_1403 = arith.cmpi eq, %get3A_608, %gather3A_1398 : vector<16xi32>
      %gt3A_1404 = vector.broadcast %add3A_1402 : i32 to vector<16xi32>
      %gt3A_1405 = arith.cmpi sgt, %gt3A_1404, %add3A_604 : vector<16xi32>
      %and3A_1406 = arith.andi %eq3A_1403, %gt3A_1405 : vector<16xi1>
      %or3A_1407 = arith.ori %or3A_1392, %and3A_1406 : vector<16xi1>
      %mul3A_1408 = arith.constant 16 : i32
      %mul3A_1409 = arith.muli %while3A_1228, %mul3A_1408 : i32
      %add3A_1410 = arith.constant 12 : i32
      %add3A_1411 = arith.addi %mul3A_1409, %add3A_1410 : i32
      %broadcast_in_dim3A_1412 = vector.broadcast %add3A_1411 : i32 to vector<16xi32>
      %gather3A_1413 = tpu.vector_load_idx %arg17[%broadcast_in_dim3A_1412] : memref<512xi32, #tpu.memory_space<vmem>>[vector<16xi32>], vector<16xi32>,
      %mul3A_1414 = arith.constant 16 : i32
      %mul3A_1415 = arith.muli %while3A_1228, %mul3A_1414 : i32
      %add3A_1416 = arith.constant 12 : i32
      %add3A_1417 = arith.addi %mul3A_1415, %add3A_1416 : i32
      %eq3A_1418 = arith.cmpi eq, %get3A_608, %gather3A_1413 : vector<16xi32>
      %gt3A_1419 = vector.broadcast %add3A_1417 : i32 to vector<16xi32>
      %gt3A_1420 = arith.cmpi sgt, %gt3A_1419, %add3A_604 : vector<16xi32>
      %and3A_1421 = arith.andi %eq3A_1418, %gt3A_1420 : vector<16xi1>
      %or3A_1422 = arith.ori %or3A_1407, %and3A_1421 : vector<16xi1>
      %mul3A_1423 = arith.constant 16 : i32
      %mul3A_1424 = arith.muli %while3A_1228, %mul3A_1423 : i32
      %add3A_1425 = arith.constant 13 : i32
      %add3A_1426 = arith.addi %mul3A_1424, %add3A_1425 : i32
      %broadcast_in_dim3A_1427 = vector.broadcast %add3A_1426 : i32 to vector<16xi32>
      %gather3A_1428 = tpu.vector_load_idx %arg17[%broadcast_in_dim3A_1427] : memref<512xi32, #tpu.memory_space<vmem>>[vector<16xi32>], vector<16xi32>,
      %mul3A_1429 = arith.constant 16 : i32
      %mul3A_1430 = arith.muli %while3A_1228, %mul3A_1429 : i32
      %add3A_1431 = arith.constant 13 : i32
      %add3A_1432 = arith.addi %mul3A_1430, %add3A_1431 : i32
      %eq3A_1433 = arith.cmpi eq, %get3A_608, %gather3A_1428 : vector<16xi32>
      %gt3A_1434 = vector.broadcast %add3A_1432 : i32 to vector<16xi32>
      %gt3A_1435 = arith.cmpi sgt, %gt3A_1434, %add3A_604 : vector<16xi32>
      %and3A_1436 = arith.andi %eq3A_1433, %gt3A_1435 : vector<16xi1>
      %or3A_1437 = arith.ori %or3A_1422, %and3A_1436 : vector<16xi1>
      %mul3A_1438 = arith.constant 16 : i32
      %mul3A_1439 = arith.muli %while3A_1228, %mul3A_1438 : i32
      %add3A_1440 = arith.constant 14 : i32
      %add3A_1441 = arith.addi %mul3A_1439, %add3A_1440 : i32
      %broadcast_in_dim3A_1442 = vector.broadcast %add3A_1441 : i32 to vector<16xi32>
      %gather3A_1443 = tpu.vector_load_idx %arg17[%broadcast_in_dim3A_1442] : memref<512xi32, #tpu.memory_space<vmem>>[vector<16xi32>], vector<16xi32>,
      %mul3A_1444 = arith.constant 16 : i32
      %mul3A_1445 = arith.muli %while3A_1228, %mul3A_1444 : i32
      %add3A_1446 = arith.constant 14 : i32
      %add3A_1447 = arith.addi %mul3A_1445, %add3A_1446 : i32
      %eq3A_1448 = arith.cmpi eq, %get3A_608, %gather3A_1443 : vector<16xi32>
      %gt3A_1449 = vector.broadcast %add3A_1447 : i32 to vector<16xi32>
      %gt3A_1450 = arith.cmpi sgt, %gt3A_1449, %add3A_604 : vector<16xi32>
      %and3A_1451 = arith.andi %eq3A_1448, %gt3A_1450 : vector<16xi1>
      %or3A_1452 = arith.ori %or3A_1437, %and3A_1451 : vector<16xi1>
      %mul3A_1453 = arith.constant 16 : i32
      %mul3A_1454 = arith.muli %while3A_1228, %mul3A_1453 : i32
      %add3A_1455 = arith.constant 15 : i32
      %add3A_1456 = arith.addi %mul3A_1454, %add3A_1455 : i32
      %broadcast_in_dim3A_1457 = vector.broadcast %add3A_1456 : i32 to vector<16xi32>
      %gather3A_1458 = tpu.vector_load_idx %arg17[%broadcast_in_dim3A_1457] : memref<512xi32, #tpu.memory_space<vmem>>[vector<16xi32>], vector<16xi32>,
      %mul3A_1459 = arith.constant 16 : i32
      %mul3A_1460 = arith.muli %while3A_1228, %mul3A_1459 : i32
      %add3A_1461 = arith.constant 15 : i32
      %add3A_1462 = arith.addi %mul3A_1460, %add3A_1461 : i32
      %eq3A_1463 = arith.cmpi eq, %get3A_608, %gather3A_1458 : vector<16xi32>
      %gt3A_1464 = vector.broadcast %add3A_1462 : i32 to vector<16xi32>
      %gt3A_1465 = arith.cmpi sgt, %gt3A_1464, %add3A_604 : vector<16xi32>
      %and3A_1466 = arith.andi %eq3A_1463, %gt3A_1465 : vector<16xi1>
      %or3A_1467 = arith.ori %or3A_1452, %and3A_1466 : vector<16xi1>
      scf.yield %or3A_1467 : vector<16xi1>
    }
    %while3A_620 = arith.constant 1 : i32
    %while3A_621 = scf.for %while3A_1228 = %while3A_617 to %while3A_613 step %while3A_620 iter_args(%while3A_1229 = %while3A_619) -> (vector<16xi1>)  : i32 {
      %mul3A_1230 = arith.constant 16 : i32
      %mul3A_1231 = arith.muli %while3A_1228, %mul3A_1230 : i32
      %add3A_1232 = arith.constant 0 : i32
      %add3A_1233 = arith.addi %mul3A_1231, %add3A_1232 : i32
      %broadcast_in_dim3A_1234 = vector.broadcast %add3A_1233 : i32 to vector<16xi32>
      %gather3A_1235 = tpu.vector_load_idx %arg17[%broadcast_in_dim3A_1234] : memref<512xi32, #tpu.memory_space<vmem>>[vector<16xi32>], vector<16xi32>,
      %mul3A_1236 = arith.constant 16 : i32
      %mul3A_1237 = arith.muli %while3A_1228, %mul3A_1236 : i32
      %add3A_1238 = arith.constant 0 : i32
      %add3A_1239 = arith.addi %mul3A_1237, %add3A_1238 : i32
      %eq3A_1240 = arith.cmpi eq, %get3A_608, %gather3A_1235 : vector<16xi32>
      %gt3A = vector.broadcast %add3A_1239 : i32 to vector<16xi32>
      %gt3A_1241 = arith.cmpi sgt, %gt3A, %add3A_604 : vector<16xi32>
      %and3A_1242 = arith.andi %eq3A_1240, %gt3A_1241 : vector<16xi1>
      %or3A = arith.ori %while3A_1229, %and3A_1242 : vector<16xi1>
      %mul3A_1243 = arith.constant 16 : i32
      %mul3A_1244 = arith.muli %while3A_1228, %mul3A_1243 : i32
      %add3A_1245 = arith.constant 1 : i32
      %add3A_1246 = arith.addi %mul3A_1244, %add3A_1245 : i32
      %broadcast_in_dim3A_1247 = vector.broadcast %add3A_1246 : i32 to vector<16xi32>
      %gather3A_1248 = tpu.vector_load_idx %arg17[%broadcast_in_dim3A_1247] : memref<512xi32, #tpu.memory_space<vmem>>[vector<16xi32>], vector<16xi32>,
      %mul3A_1249 = arith.constant 16 : i32
      %mul3A_1250 = arith.muli %while3A_1228, %mul3A_1249 : i32
      %add3A_1251 = arith.constant 1 : i32
      %add3A_1252 = arith.addi %mul3A_1250, %add3A_1251 : i32
      %eq3A_1253 = arith.cmpi eq, %get3A_608, %gather3A_1248 : vector<16xi32>
      %gt3A_1254 = vector.broadcast %add3A_1252 : i32 to vector<16xi32>
      %gt3A_1255 = arith.cmpi sgt, %gt3A_1254, %add3A_604 : vector<16xi32>
      %and3A_1256 = arith.andi %eq3A_1253, %gt3A_1255 : vector<16xi1>
      %or3A_1257 = arith.ori %or3A, %and3A_1256 : vector<16xi1>
      %mul3A_1258 = arith.constant 16 : i32
      %mul3A_1259 = arith.muli %while3A_1228, %mul3A_1258 : i32
      %add3A_1260 = arith.constant 2 : i32
      %add3A_1261 = arith.addi %mul3A_1259, %add3A_1260 : i32
      %broadcast_in_dim3A_1262 = vector.broadcast %add3A_1261 : i32 to vector<16xi32>
      %gather3A_1263 = tpu.vector_load_idx %arg17[%broadcast_in_dim3A_1262] : memref<512xi32, #tpu.memory_space<vmem>>[vector<16xi32>], vector<16xi32>,
      %mul3A_1264 = arith.constant 16 : i32
      %mul3A_1265 = arith.muli %while3A_1228, %mul3A_1264 : i32
      %add3A_1266 = arith.constant 2 : i32
      %add3A_1267 = arith.addi %mul3A_1265, %add3A_1266 : i32
      %eq3A_1268 = arith.cmpi eq, %get3A_608, %gather3A_1263 : vector<16xi32>
      %gt3A_1269 = vector.broadcast %add3A_1267 : i32 to vector<16xi32>
      %gt3A_1270 = arith.cmpi sgt, %gt3A_1269, %add3A_604 : vector<16xi32>
      %and3A_1271 = arith.andi %eq3A_1268, %gt3A_1270 : vector<16xi1>
      %or3A_1272 = arith.ori %or3A_1257, %and3A_1271 : vector<16xi1>
      %mul3A_1273 = arith.constant 16 : i32
      %mul3A_1274 = arith.muli %while3A_1228, %mul3A_1273 : i32
      %add3A_1275 = arith.constant 3 : i32
      %add3A_1276 = arith.addi %mul3A_1274, %add3A_1275 : i32
      %broadcast_in_dim3A_1277 = vector.broadcast %add3A_1276 : i32 to vector<16xi32>
      %gather3A_1278 = tpu.vector_load_idx %arg17[%broadcast_in_dim3A_1277] : memref<512xi32, #tpu.memory_space<vmem>>[vector<16xi32>], vector<16xi32>,
      %mul3A_1279 = arith.constant 16 : i32
      %mul3A_1280 = arith.muli %while3A_1228, %mul3A_1279 : i32
      %add3A_1281 = arith.constant 3 : i32
      %add3A_1282 = arith.addi %mul3A_1280, %add3A_1281 : i32
      %eq3A_1283 = arith.cmpi eq, %get3A_608, %gather3A_1278 : vector<16xi32>
      %gt3A_1284 = vector.broadcast %add3A_1282 : i32 to vector<16xi32>
      %gt3A_1285 = arith.cmpi sgt, %gt3A_1284, %add3A_604 : vector<16xi32>
      %and3A_1286 = arith.andi %eq3A_1283, %gt3A_1285 : vector<16xi1>
      %or3A_1287 = arith.ori %or3A_1272, %and3A_1286 : vector<16xi1>
      %mul3A_1288 = arith.constant 16 : i32
      %mul3A_1289 = arith.muli %while3A_1228, %mul3A_1288 : i32
      %add3A_1290 = arith.constant 4 : i32
      %add3A_1291 = arith.addi %mul3A_1289, %add3A_1290 : i32
      %broadcast_in_dim3A_1292 = vector.broadcast %add3A_1291 : i32 to vector<16xi32>
      %gather3A_1293 = tpu.vector_load_idx %arg17[%broadcast_in_dim3A_1292] : memref<512xi32, #tpu.memory_space<vmem>>[vector<16xi32>], vector<16xi32>,
      %mul3A_1294 = arith.constant 16 : i32
      %mul3A_1295 = arith.muli %while3A_1228, %mul3A_1294 : i32
      %add3A_1296 = arith.constant 4 : i32
      %add3A_1297 = arith.addi %mul3A_1295, %add3A_1296 : i32
      %eq3A_1298 = arith.cmpi eq, %get3A_608, %gather3A_1293 : vector<16xi32>
      %gt3A_1299 = vector.broadcast %add3A_1297 : i32 to vector<16xi32>
      %gt3A_1300 = arith.cmpi sgt, %gt3A_1299, %add3A_604 : vector<16xi32>
      %and3A_1301 = arith.andi %eq3A_1298, %gt3A_1300 : vector<16xi1>
      %or3A_1302 = arith.ori %or3A_1287, %and3A_1301 : vector<16xi1>
      %mul3A_1303 = arith.constant 16 : i32
      %mul3A_1304 = arith.muli %while3A_1228, %mul3A_1303 : i32
      %add3A_1305 = arith.constant 5 : i32
      %add3A_1306 = arith.addi %mul3A_1304, %add3A_1305 : i32
      %broadcast_in_dim3A_1307 = vector.broadcast %add3A_1306 : i32 to vector<16xi32>
      %gather3A_1308 = tpu.vector_load_idx %arg17[%broadcast_in_dim3A_1307] : memref<512xi32, #tpu.memory_space<vmem>>[vector<16xi32>], vector<16xi32>,
      %mul3A_1309 = arith.constant 16 : i32
      %mul3A_1310 = arith.muli %while3A_1228, %mul3A_1309 : i32
      %add3A_1311 = arith.constant 5 : i32
      %add3A_1312 = arith.addi %mul3A_1310, %add3A_1311 : i32
      %eq3A_1313 = arith.cmpi eq, %get3A_608, %gather3A_1308 : vector<16xi32>
      %gt3A_1314 = vector.broadcast %add3A_1312 : i32 to vector<16xi32>
      %gt3A_1315 = arith.cmpi sgt, %gt3A_1314, %add3A_604 : vector<16xi32>
      %and3A_1316 = arith.andi %eq3A_1313, %gt3A_1315 : vector<16xi1>
      %or3A_1317 = arith.ori %or3A_1302, %and3A_1316 : vector<16xi1>
      %mul3A_1318 = arith.constant 16 : i32
      %mul3A_1319 = arith.muli %while3A_1228, %mul3A_1318 : i32
      %add3A_1320 = arith.constant 6 : i32
      %add3A_1321 = arith.addi %mul3A_1319, %add3A_1320 : i32
      %broadcast_in_dim3A_1322 = vector.broadcast %add3A_1321 : i32 to vector<16xi32>
      %gather3A_1323 = tpu.vector_load_idx %arg17[%broadcast_in_dim3A_1322] : memref<512xi32, #tpu.memory_space<vmem>>[vector<16xi32>], vector<16xi32>,
      %mul3A_1324 = arith.constant 16 : i32
      %mul3A_1325 = arith.muli %while3A_1228, %mul3A_1324 : i32
      %add3A_1326 = arith.constant 6 : i32
      %add3A_1327 = arith.addi %mul3A_1325, %add3A_1326 : i32
      %eq3A_1328 = arith.cmpi eq, %get3A_608, %gather3A_1323 : vector<16xi32>
      %gt3A_1329 = vector.broadcast %add3A_1327 : i32 to vector<16xi32>
      %gt3A_1330 = arith.cmpi sgt, %gt3A_1329, %add3A_604 : vector<16xi32>
      %and3A_1331 = arith.andi %eq3A_1328, %gt3A_1330 : vector<16xi1>
      %or3A_1332 = arith.ori %or3A_1317, %and3A_1331 : vector<16xi1>
      %mul3A_1333 = arith.constant 16 : i32
      %mul3A_1334 = arith.muli %while3A_1228, %mul3A_1333 : i32
      %add3A_1335 = arith.constant 7 : i32
      %add3A_1336 = arith.addi %mul3A_1334, %add3A_1335 : i32
      %broadcast_in_dim3A_1337 = vector.broadcast %add3A_1336 : i32 to vector<16xi32>
      %gather3A_1338 = tpu.vector_load_idx %arg17[%broadcast_in_dim3A_1337] : memref<512xi32, #tpu.memory_space<vmem>>[vector<16xi32>], vector<16xi32>,
      %mul3A_1339 = arith.constant 16 : i32
      %mul3A_1340 = arith.muli %while3A_1228, %mul3A_1339 : i32
      %add3A_1341 = arith.constant 7 : i32
      %add3A_1342 = arith.addi %mul3A_1340, %add3A_1341 : i32
      %eq3A_1343 = arith.cmpi eq, %get3A_608, %gather3A_1338 : vector<16xi32>
      %gt3A_1344 = vector.broadcast %add3A_1342 : i32 to vector<16xi32>
      %gt3A_1345 = arith.cmpi sgt, %gt3A_1344, %add3A_604 : vector<16xi32>
      %and3A_1346 = arith.andi %eq3A_1343, %gt3A_1345 : vector<16xi1>
      %or3A_1347 = arith.ori %or3A_1332, %and3A_1346 : vector<16xi1>
      %mul3A_1348 = arith.constant 16 : i32
      %mul3A_1349 = arith.muli %while3A_1228, %mul3A_1348 : i32
      %add3A_1350 = arith.constant 8 : i32
      %add3A_1351 = arith.addi %mul3A_1349, %add3A_1350 : i32
      %broadcast_in_dim3A_1352 = vector.broadcast %add3A_1351 : i32 to vector<16xi32>
      %gather3A_1353 = tpu.vector_load_idx %arg17[%broadcast_in_dim3A_1352] : memref<512xi32, #tpu.memory_space<vmem>>[vector<16xi32>], vector<16xi32>,
      %mul3A_1354 = arith.constant 16 : i32
      %mul3A_1355 = arith.muli %while3A_1228, %mul3A_1354 : i32
      %add3A_1356 = arith.constant 8 : i32
      %add3A_1357 = arith.addi %mul3A_1355, %add3A_1356 : i32
      %eq3A_1358 = arith.cmpi eq, %get3A_608, %gather3A_1353 : vector<16xi32>
      %gt3A_1359 = vector.broadcast %add3A_1357 : i32 to vector<16xi32>
      %gt3A_1360 = arith.cmpi sgt, %gt3A_1359, %add3A_604 : vector<16xi32>
      %and3A_1361 = arith.andi %eq3A_1358, %gt3A_1360 : vector<16xi1>
      %or3A_1362 = arith.ori %or3A_1347, %and3A_1361 : vector<16xi1>
      %mul3A_1363 = arith.constant 16 : i32
      %mul3A_1364 = arith.muli %while3A_1228, %mul3A_1363 : i32
      %add3A_1365 = arith.constant 9 : i32
      %add3A_1366 = arith.addi %mul3A_1364, %add3A_1365 : i32
      %broadcast_in_dim3A_1367 = vector.broadcast %add3A_1366 : i32 to vector<16xi32>
      %gather3A_1368 = tpu.vector_load_idx %arg17[%broadcast_in_dim3A_1367] : memref<512xi32, #tpu.memory_space<vmem>>[vector<16xi32>], vector<16xi32>,
      %mul3A_1369 = arith.constant 16 : i32
      %mul3A_1370 = arith.muli %while3A_1228, %mul3A_1369 : i32
      %add3A_1371 = arith.constant 9 : i32
      %add3A_1372 = arith.addi %mul3A_1370, %add3A_1371 : i32
      %eq3A_1373 = arith.cmpi eq, %get3A_608, %gather3A_1368 : vector<16xi32>
      %gt3A_1374 = vector.broadcast %add3A_1372 : i32 to vector<16xi32>
      %gt3A_1375 = arith.cmpi sgt, %gt3A_1374, %add3A_604 : vector<16xi32>
      %and3A_1376 = arith.andi %eq3A_1373, %gt3A_1375 : vector<16xi1>
      %or3A_1377 = arith.ori %or3A_1362, %and3A_1376 : vector<16xi1>
      %mul3A_1378 = arith.constant 16 : i32
      %mul3A_1379 = arith.muli %while3A_1228, %mul3A_1378 : i32
      %add3A_1380 = arith.constant 10 : i32
      %add3A_1381 = arith.addi %mul3A_1379, %add3A_1380 : i32
      %broadcast_in_dim3A_1382 = vector.broadcast %add3A_1381 : i32 to vector<16xi32>
      %gather3A_1383 = tpu.vector_load_idx %arg17[%broadcast_in_dim3A_1382] : memref<512xi32, #tpu.memory_space<vmem>>[vector<16xi32>], vector<16xi32>,
      %mul3A_1384 = arith.constant 16 : i32
      %mul3A_1385 = arith.muli %while3A_1228, %mul3A_1384 : i32
      %add3A_1386 = arith.constant 10 : i32
      %add3A_1387 = arith.addi %mul3A_1385, %add3A_1386 : i32
      %eq3A_1388 = arith.cmpi eq, %get3A_608, %gather3A_1383 : vector<16xi32>
      %gt3A_1389 = vector.broadcast %add3A_1387 : i32 to vector<16xi32>
      %gt3A_1390 = arith.cmpi sgt, %gt3A_1389, %add3A_604 : vector<16xi32>
      %and3A_1391 = arith.andi %eq3A_1388, %gt3A_1390 : vector<16xi1>
      %or3A_1392 = arith.ori %or3A_1377, %and3A_1391 : vector<16xi1>
      %mul3A_1393 = arith.constant 16 : i32
      %mul3A_1394 = arith.muli %while3A_1228, %mul3A_1393 : i32
      %add3A_1395 = arith.constant 11 : i32
      %add3A_1396 = arith.addi %mul3A_1394, %add3A_1395 : i32
      %broadcast_in_dim3A_1397 = vector.broadcast %add3A_1396 : i32 to vector<16xi32>
      %gather3A_1398 = tpu.vector_load_idx %arg17[%broadcast_in_dim3A_1397] : memref<512xi32, #tpu.memory_space<vmem>>[vector<16xi32>], vector<16xi32>,
      %mul3A_1399 = arith.constant 16 : i32
      %mul3A_1400 = arith.muli %while3A_1228, %mul3A_1399 : i32
      %add3A_1401 = arith.constant 11 : i32
      %add3A_1402 = arith.addi %mul3A_1400, %add3A_1401 : i32
      %eq3A_1403 = arith.cmpi eq, %get3A_608, %gather3A_1398 : vector<16xi32>
      %gt3A_1404 = vector.broadcast %add3A_1402 : i32 to vector<16xi32>
      %gt3A_1405 = arith.cmpi sgt, %gt3A_1404, %add3A_604 : vector<16xi32>
      %and3A_1406 = arith.andi %eq3A_1403, %gt3A_1405 : vector<16xi1>
      %or3A_1407 = arith.ori %or3A_1392, %and3A_1406 : vector<16xi1>
      %mul3A_1408 = arith.constant 16 : i32
      %mul3A_1409 = arith.muli %while3A_1228, %mul3A_1408 : i32
      %add3A_1410 = arith.constant 12 : i32
      %add3A_1411 = arith.addi %mul3A_1409, %add3A_1410 : i32
      %broadcast_in_dim3A_1412 = vector.broadcast %add3A_1411 : i32 to vector<16xi32>
      %gather3A_1413 = tpu.vector_load_idx %arg17[%broadcast_in_dim3A_1412] : memref<512xi32, #tpu.memory_space<vmem>>[vector<16xi32>], vector<16xi32>,
      %mul3A_1414 = arith.constant 16 : i32
      %mul3A_1415 = arith.muli %while3A_1228, %mul3A_1414 : i32
      %add3A_1416 = arith.constant 12 : i32
      %add3A_1417 = arith.addi %mul3A_1415, %add3A_1416 : i32
      %eq3A_1418 = arith.cmpi eq, %get3A_608, %gather3A_1413 : vector<16xi32>
      %gt3A_1419 = vector.broadcast %add3A_1417 : i32 to vector<16xi32>
      %gt3A_1420 = arith.cmpi sgt, %gt3A_1419, %add3A_604 : vector<16xi32>
      %and3A_1421 = arith.andi %eq3A_1418, %gt3A_1420 : vector<16xi1>
      %or3A_1422 = arith.ori %or3A_1407, %and3A_1421 : vector<16xi1>
      %mul3A_1423 = arith.constant 16 : i32
      %mul3A_1424 = arith.muli %while3A_1228, %mul3A_1423 : i32
      %add3A_1425 = arith.constant 13 : i32
      %add3A_1426 = arith.addi %mul3A_1424, %add3A_1425 : i32
      %broadcast_in_dim3A_1427 = vector.broadcast %add3A_1426 : i32 to vector<16xi32>
      %gather3A_1428 = tpu.vector_load_idx %arg17[%broadcast_in_dim3A_1427] : memref<512xi32, #tpu.memory_space<vmem>>[vector<16xi32>], vector<16xi32>,
      %mul3A_1429 = arith.constant 16 : i32
      %mul3A_1430 = arith.muli %while3A_1228, %mul3A_1429 : i32
      %add3A_1431 = arith.constant 13 : i32
      %add3A_1432 = arith.addi %mul3A_1430, %add3A_1431 : i32
      %eq3A_1433 = arith.cmpi eq, %get3A_608, %gather3A_1428 : vector<16xi32>
      %gt3A_1434 = vector.broadcast %add3A_1432 : i32 to vector<16xi32>
      %gt3A_1435 = arith.cmpi sgt, %gt3A_1434, %add3A_604 : vector<16xi32>
      %and3A_1436 = arith.andi %eq3A_1433, %gt3A_1435 : vector<16xi1>
      %or3A_1437 = arith.ori %or3A_1422, %and3A_1436 : vector<16xi1>
      %mul3A_1438 = arith.constant 16 : i32
      %mul3A_1439 = arith.muli %while3A_1228, %mul3A_1438 : i32
      %add3A_1440 = arith.constant 14 : i32
      %add3A_1441 = arith.addi %mul3A_1439, %add3A_1440 : i32
      %broadcast_in_dim3A_1442 = vector.broadcast %add3A_1441 : i32 to vector<16xi32>
      %gather3A_1443 = tpu.vector_load_idx %arg17[%broadcast_in_dim3A_1442] : memref<512xi32, #tpu.memory_space<vmem>>[vector<16xi32>], vector<16xi32>,
      %mul3A_1444 = arith.constant 16 : i32
      %mul3A_1445 = arith.muli %while3A_1228, %mul3A_1444 : i32
      %add3A_1446 = arith.constant 14 : i32
      %add3A_1447 = arith.addi %mul3A_1445, %add3A_1446 : i32
      %eq3A_1448 = arith.cmpi eq, %get3A_608, %gather3A_1443 : vector<16xi32>
      %gt3A_1449 = vector.broadcast %add3A_1447 : i32 to vector<16xi32>
      %gt3A_1450 = arith.cmpi sgt, %gt3A_1449, %add3A_604 : vector<16xi32>
      %and3A_1451 = arith.andi %eq3A_1448, %gt3A_1450 : vector<16xi1>
      %or3A_1452 = arith.ori %or3A_1437, %and3A_1451 : vector<16xi1>
      %mul3A_1453 = arith.constant 16 : i32
      %mul3A_1454 = arith.muli %while3A_1228, %mul3A_1453 : i32
      %add3A_1455 = arith.constant 15 : i32
      %add3A_1456 = arith.addi %mul3A_1454, %add3A_1455 : i32
      %broadcast_in_dim3A_1457 = vector.broadcast %add3A_1456 : i32 to vector<16xi32>
      %gather3A_1458 = tpu.vector_load_idx %arg17[%broadcast_in_dim3A_1457] : memref<512xi32, #tpu.memory_space<vmem>>[vector<16xi32>], vector<16xi32>,
      %mul3A_1459 = arith.constant 16 : i32
      %mul3A_1460 = arith.muli %while3A_1228, %mul3A_1459 : i32
      %add3A_1461 = arith.constant 15 : i32
      %add3A_1462 = arith.addi %mul3A_1460, %add3A_1461 : i32
      %eq3A_1463 = arith.cmpi eq, %get3A_608, %gather3A_1458 : vector<16xi32>
      %gt3A_1464 = vector.broadcast %add3A_1462 : i32 to vector<16xi32>
      %gt3A_1465 = arith.cmpi sgt, %gt3A_1464, %add3A_604 : vector<16xi32>
      %and3A_1466 = arith.andi %eq3A_1463, %gt3A_1465 : vector<16xi1>
      %or3A_1467 = arith.ori %or3A_1452, %and3A_1466 : vector<16xi1>
      scf.yield %or3A_1467 : vector<16xi1>
    }
    %iota3A_622 = tpu.iota {dimensions = array<i32: 0>} : vector<16xi32>
    %add3A_623 = arith.constant 131072 : i32
    %add3A_624 = vector.broadcast %add3A_623 : i32 to vector<16xi32>
    %add3A_625 = arith.addi %add3A_624, %iota3A_622 : vector<16xi32>
    %select_n3A_626 = arith.select %while3A_621, %add3A_625, %get3A_608 : vector<16xi1>, vector<16xi32>
    %swap3A_627 = arith.constant 1 : i32
    %swap3A_628 = arith.index_cast %swap3A_627 : i32 to index
    %swap3A_629 = arith.constant 0 : index
    %swap3A_630 = tpu.vector_load %arg25[%swap3A_628, %swap3A_629] {strides = array<i32>} : memref<2x16xi32, #tpu.memory_space<vmem>>, vector<16xi32>,
    tpu.vector_store %arg25[%swap3A_628, %swap3A_629], %select_n3A_626 {strides = array<i32>} : memref<2x16xi32, #tpu.memory_space<vmem>>, vector<16xi32>,
    %swap3A_631 = arith.constant 1 : i32
    %swap3A_632 = arith.index_cast %swap3A_631 : i32 to index
    %swap3A_633 = arith.constant 0 : index
    %swap3A_634 = tpu.vector_load %arg26[%swap3A_632, %swap3A_633] {strides = array<i32>} : memref<2x16xi32, #tpu.memory_space<vmem>>, vector<16xi32>,
    tpu.vector_store %arg26[%swap3A_632, %swap3A_633], %add3A_604 {strides = array<i32>} : memref<2x16xi32, #tpu.memory_space<vmem>>, vector<16xi32>,
    %dma_start3A_635 = arith.constant 0 : i32
    %dma_start3A_636 = arith.constant 0 : i32
    %dma_start3A_637 = arith.constant 0 : i32
    %dma_start3A_638 = tpu.memref_slice %arg26[%dma_start3A_635, %dma_start3A_637] : memref<2x16xi32, #tpu.memory_space<vmem>> -> memref<1x16xi32, #tpu.memory_space<vmem>>
    %dma_start3A_639 = tpu.memref_squeeze %dma_start3A_638 : memref<1x16xi32, #tpu.memory_space<vmem>> -> memref<16xi32, #tpu.memory_space<vmem>>
    %dma_start3A_640 = arith.constant 0 : i32
    %dma_start3A_641 = tpu.memref_slice %arg25[%dma_start3A_636, %dma_start3A_640] : memref<2x16xi32, #tpu.memory_space<vmem>> -> memref<1x16xi32, #tpu.memory_space<vmem>>
    %dma_start3A_642 = tpu.memref_squeeze %dma_start3A_641 : memref<1x16xi32, #tpu.memory_space<vmem>> -> memref<16xi32, #tpu.memory_space<vmem>>
    %dma_start3A_643 = arith.constant 0 : i32
    %dma_start3A_644 = tpu.memref_slice %arg35[%dma_start3A_643] : memref<131088xi32, #tpu.memory_space<vmem_shared>> -> memref<131088xi32, #tpu.memory_space<vmem_shared>>
    tpu.enqueue_indirect_dma source(%dma_start3A_639 : memref<16xi32, #tpu.memory_space<vmem>>) target(%dma_start3A_644 : memref<131088xi32, #tpu.memory_space<vmem_shared>>) offsets(%dma_start3A_642 : memref<16xi32, #tpu.memory_space<vmem>>) semaphore(%arg36 : memref<!tpu.dma_semaphore, #tpu.memory_space<semaphore_mem>>)
    %dma_wait3A_645 = arith.constant 0 : i32
    %dma_wait3A_646 = arith.constant 0 : i32
    %dma_wait3A_647 = arith.constant 0 : i32
    %dma_wait3A_648 = tpu.memref_slice %arg26[%dma_wait3A_645, %dma_wait3A_647] : memref<2x16xi32, #tpu.memory_space<vmem>> -> memref<1x16xi32, #tpu.memory_space<vmem>>
    %dma_wait3A_649 = tpu.memref_squeeze %dma_wait3A_648 : memref<1x16xi32, #tpu.memory_space<vmem>> -> memref<16xi32, #tpu.memory_space<vmem>>
    %dma_wait3A_650 = arith.constant 0 : i32
    %dma_wait3A_651 = tpu.memref_slice %arg25[%dma_wait3A_646, %dma_wait3A_650] : memref<2x16xi32, #tpu.memory_space<vmem>> -> memref<1x16xi32, #tpu.memory_space<vmem>>
    %dma_wait3A_652 = tpu.memref_squeeze %dma_wait3A_651 : memref<1x16xi32, #tpu.memory_space<vmem>> -> memref<16xi32, #tpu.memory_space<vmem>>
    %dma_wait3A_653 = arith.constant 0 : i32
    %dma_wait3A_654 = tpu.memref_slice %arg35[%dma_wait3A_653] : memref<131088xi32, #tpu.memory_space<vmem_shared>> -> memref<131088xi32, #tpu.memory_space<vmem_shared>>
    tpu.wait_indirect_dma semaphore(%arg36 : memref<!tpu.dma_semaphore, #tpu.memory_space<semaphore_mem>>) src(%dma_wait3A_649 : memref<16xi32, #tpu.memory_space<vmem>>) dst(%dma_wait3A_654 : memref<131088xi32, #tpu.memory_space<vmem_shared>>)
    %dma_start3A_655 = arith.constant 1 : i32
    %dma_start3A_656 = arith.constant 1 : i32
    %dma_start3A_657 = arith.constant 0 : i32
    %dma_start3A_658 = tpu.memref_slice %arg26[%dma_start3A_655, %dma_start3A_657] : memref<2x16xi32, #tpu.memory_space<vmem>> -> memref<1x16xi32, #tpu.memory_space<vmem>>
    %dma_start3A_659 = tpu.memref_squeeze %dma_start3A_658 : memref<1x16xi32, #tpu.memory_space<vmem>> -> memref<16xi32, #tpu.memory_space<vmem>>
    %dma_start3A_660 = arith.constant 0 : i32
    %dma_start3A_661 = tpu.memref_slice %arg25[%dma_start3A_656, %dma_start3A_660] : memref<2x16xi32, #tpu.memory_space<vmem>> -> memref<1x16xi32, #tpu.memory_space<vmem>>
    %dma_start3A_662 = tpu.memref_squeeze %dma_start3A_661 : memref<1x16xi32, #tpu.memory_space<vmem>> -> memref<16xi32, #tpu.memory_space<vmem>>
    %dma_start3A_663 = arith.constant 0 : i32
    %dma_start3A_664 = tpu.memref_slice %arg35[%dma_start3A_663] : memref<131088xi32, #tpu.memory_space<vmem_shared>> -> memref<131088xi32, #tpu.memory_space<vmem_shared>>
    tpu.enqueue_indirect_dma source(%dma_start3A_659 : memref<16xi32, #tpu.memory_space<vmem>>) target(%dma_start3A_664 : memref<131088xi32, #tpu.memory_space<vmem_shared>>) offsets(%dma_start3A_662 : memref<16xi32, #tpu.memory_space<vmem>>) semaphore(%arg36 : memref<!tpu.dma_semaphore, #tpu.memory_space<semaphore_mem>>)
    %dma_wait3A_665 = arith.constant 1 : i32
    %dma_wait3A_666 = arith.constant 1 : i32
    %dma_wait3A_667 = arith.constant 0 : i32
    %dma_wait3A_668 = tpu.memref_slice %arg26[%dma_wait3A_665, %dma_wait3A_667] : memref<2x16xi32, #tpu.memory_space<vmem>> -> memref<1x16xi32, #tpu.memory_space<vmem>>
    %dma_wait3A_669 = tpu.memref_squeeze %dma_wait3A_668 : memref<1x16xi32, #tpu.memory_space<vmem>> -> memref<16xi32, #tpu.memory_space<vmem>>
    %dma_wait3A_670 = arith.constant 0 : i32
    %dma_wait3A_671 = tpu.memref_slice %arg25[%dma_wait3A_666, %dma_wait3A_670] : memref<2x16xi32, #tpu.memory_space<vmem>> -> memref<1x16xi32, #tpu.memory_space<vmem>>
    %dma_wait3A_672 = tpu.memref_squeeze %dma_wait3A_671 : memref<1x16xi32, #tpu.memory_space<vmem>> -> memref<16xi32, #tpu.memory_space<vmem>>
    %dma_wait3A_673 = arith.constant 0 : i32
    %dma_wait3A_674 = tpu.memref_slice %arg35[%dma_wait3A_673] : memref<131088xi32, #tpu.memory_space<vmem_shared>> -> memref<131088xi32, #tpu.memory_space<vmem_shared>>
    tpu.wait_indirect_dma semaphore(%arg36 : memref<!tpu.dma_semaphore, #tpu.memory_space<semaphore_mem>>) src(%dma_wait3A_669 : memref<16xi32, #tpu.memory_space<vmem>>) dst(%dma_wait3A_674 : memref<131088xi32, #tpu.memory_space<vmem_shared>>)
    %barrier3A_675 = arith.constant 0 : index
    tpu.barrier barrier_id(%barrier3A_675)
    %dma_start3A_676 = arith.constant 0 : i32
    %dma_start3A_677 = arith.constant 0 : i32
    %dma_start3A_678 = arith.constant 0 : i32
    %dma_start3A_679 = tpu.memref_slice %arg29[%dma_start3A_677, %dma_start3A_678] : memref<8x64xi32, #tpu.memory_space<vmem>> -> memref<1x64xi32, #tpu.memory_space<vmem>>
    %dma_start3A_680 = tpu.memref_squeeze %dma_start3A_679 : memref<1x64xi32, #tpu.memory_space<vmem>> -> memref<64xi32, #tpu.memory_space<vmem>>
    %dma_start3A_681 = arith.constant 0 : i32
    %dma_start3A_682 = tpu.memref_slice %arg28[%dma_start3A_676, %dma_start3A_681] : memref<8x64xi32, #tpu.memory_space<vmem>> -> memref<1x64xi32, #tpu.memory_space<vmem>>
    %dma_start3A_683 = tpu.memref_squeeze %dma_start3A_682 : memref<1x64xi32, #tpu.memory_space<vmem>> -> memref<64xi32, #tpu.memory_space<vmem>>
    %dma_start3A_684 = arith.constant 0 : i32
    %dma_start3A_685 = tpu.memref_slice %arg35[%dma_start3A_684] : memref<131088xi32, #tpu.memory_space<vmem_shared>> -> memref<131088xi32, #tpu.memory_space<vmem_shared>>
    tpu.enqueue_indirect_dma source(%dma_start3A_685 : memref<131088xi32, #tpu.memory_space<vmem_shared>>) target(%dma_start3A_680 : memref<64xi32, #tpu.memory_space<vmem>>) offsets(%dma_start3A_683 : memref<64xi32, #tpu.memory_space<vmem>>) semaphore(%arg38 : memref<!tpu.dma_semaphore, #tpu.memory_space<semaphore_mem>>)
    %dma_start3A_686 = arith.constant 1 : i32
    %dma_start3A_687 = arith.constant 1 : i32
    %dma_start3A_688 = arith.constant 0 : i32
    %dma_start3A_689 = tpu.memref_slice %arg29[%dma_start3A_687, %dma_start3A_688] : memref<8x64xi32, #tpu.memory_space<vmem>> -> memref<1x64xi32, #tpu.memory_space<vmem>>
    %dma_start3A_690 = tpu.memref_squeeze %dma_start3A_689 : memref<1x64xi32, #tpu.memory_space<vmem>> -> memref<64xi32, #tpu.memory_space<vmem>>
    %dma_start3A_691 = arith.constant 0 : i32
    %dma_start3A_692 = tpu.memref_slice %arg28[%dma_start3A_686, %dma_start3A_691] : memref<8x64xi32, #tpu.memory_space<vmem>> -> memref<1x64xi32, #tpu.memory_space<vmem>>
    %dma_start3A_693 = tpu.memref_squeeze %dma_start3A_692 : memref<1x64xi32, #tpu.memory_space<vmem>> -> memref<64xi32, #tpu.memory_space<vmem>>
    %dma_start3A_694 = arith.constant 0 : i32
    %dma_start3A_695 = tpu.memref_slice %arg35[%dma_start3A_694] : memref<131088xi32, #tpu.memory_space<vmem_shared>> -> memref<131088xi32, #tpu.memory_space<vmem_shared>>
    tpu.enqueue_indirect_dma source(%dma_start3A_695 : memref<131088xi32, #tpu.memory_space<vmem_shared>>) target(%dma_start3A_690 : memref<64xi32, #tpu.memory_space<vmem>>) offsets(%dma_start3A_693 : memref<64xi32, #tpu.memory_space<vmem>>) semaphore(%arg38 : memref<!tpu.dma_semaphore, #tpu.memory_space<semaphore_mem>>)
    %dma_start3A_696 = arith.constant 2 : i32
    %dma_start3A_697 = arith.constant 2 : i32
    %dma_start3A_698 = arith.constant 0 : i32
    %dma_start3A_699 = tpu.memref_slice %arg29[%dma_start3A_697, %dma_start3A_698] : memref<8x64xi32, #tpu.memory_space<vmem>> -> memref<1x64xi32, #tpu.memory_space<vmem>>
    %dma_start3A_700 = tpu.memref_squeeze %dma_start3A_699 : memref<1x64xi32, #tpu.memory_space<vmem>> -> memref<64xi32, #tpu.memory_space<vmem>>
    %dma_start3A_701 = arith.constant 0 : i32
    %dma_start3A_702 = tpu.memref_slice %arg28[%dma_start3A_696, %dma_start3A_701] : memref<8x64xi32, #tpu.memory_space<vmem>> -> memref<1x64xi32, #tpu.memory_space<vmem>>
    %dma_start3A_703 = tpu.memref_squeeze %dma_start3A_702 : memref<1x64xi32, #tpu.memory_space<vmem>> -> memref<64xi32, #tpu.memory_space<vmem>>
    %dma_start3A_704 = arith.constant 0 : i32
    %dma_start3A_705 = tpu.memref_slice %arg35[%dma_start3A_704] : memref<131088xi32, #tpu.memory_space<vmem_shared>> -> memref<131088xi32, #tpu.memory_space<vmem_shared>>
    tpu.enqueue_indirect_dma source(%dma_start3A_705 : memref<131088xi32, #tpu.memory_space<vmem_shared>>) target(%dma_start3A_700 : memref<64xi32, #tpu.memory_space<vmem>>) offsets(%dma_start3A_703 : memref<64xi32, #tpu.memory_space<vmem>>) semaphore(%arg38 : memref<!tpu.dma_semaphore, #tpu.memory_space<semaphore_mem>>)
    %dma_start3A_706 = arith.constant 3 : i32
    %dma_start3A_707 = arith.constant 3 : i32
    %dma_start3A_708 = arith.constant 0 : i32
    %dma_start3A_709 = tpu.memref_slice %arg29[%dma_start3A_707, %dma_start3A_708] : memref<8x64xi32, #tpu.memory_space<vmem>> -> memref<1x64xi32, #tpu.memory_space<vmem>>
    %dma_start3A_710 = tpu.memref_squeeze %dma_start3A_709 : memref<1x64xi32, #tpu.memory_space<vmem>> -> memref<64xi32, #tpu.memory_space<vmem>>
    %dma_start3A_711 = arith.constant 0 : i32
    %dma_start3A_712 = tpu.memref_slice %arg28[%dma_start3A_706, %dma_start3A_711] : memref<8x64xi32, #tpu.memory_space<vmem>> -> memref<1x64xi32, #tpu.memory_space<vmem>>
    %dma_start3A_713 = tpu.memref_squeeze %dma_start3A_712 : memref<1x64xi32, #tpu.memory_space<vmem>> -> memref<64xi32, #tpu.memory_space<vmem>>
    %dma_start3A_714 = arith.constant 0 : i32
    %dma_start3A_715 = tpu.memref_slice %arg35[%dma_start3A_714] : memref<131088xi32, #tpu.memory_space<vmem_shared>> -> memref<131088xi32, #tpu.memory_space<vmem_shared>>
    tpu.enqueue_indirect_dma source(%dma_start3A_715 : memref<131088xi32, #tpu.memory_space<vmem_shared>>) target(%dma_start3A_710 : memref<64xi32, #tpu.memory_space<vmem>>) offsets(%dma_start3A_713 : memref<64xi32, #tpu.memory_space<vmem>>) semaphore(%arg38 : memref<!tpu.dma_semaphore, #tpu.memory_space<semaphore_mem>>)
    %dma_start3A_716 = arith.constant 4 : i32
    %dma_start3A_717 = arith.constant 4 : i32
    %dma_start3A_718 = arith.constant 0 : i32
    %dma_start3A_719 = tpu.memref_slice %arg29[%dma_start3A_717, %dma_start3A_718] : memref<8x64xi32, #tpu.memory_space<vmem>> -> memref<1x64xi32, #tpu.memory_space<vmem>>
    %dma_start3A_720 = tpu.memref_squeeze %dma_start3A_719 : memref<1x64xi32, #tpu.memory_space<vmem>> -> memref<64xi32, #tpu.memory_space<vmem>>
    %dma_start3A_721 = arith.constant 0 : i32
    %dma_start3A_722 = tpu.memref_slice %arg28[%dma_start3A_716, %dma_start3A_721] : memref<8x64xi32, #tpu.memory_space<vmem>> -> memref<1x64xi32, #tpu.memory_space<vmem>>
    %dma_start3A_723 = tpu.memref_squeeze %dma_start3A_722 : memref<1x64xi32, #tpu.memory_space<vmem>> -> memref<64xi32, #tpu.memory_space<vmem>>
    %dma_start3A_724 = arith.constant 0 : i32
    %dma_start3A_725 = tpu.memref_slice %arg35[%dma_start3A_724] : memref<131088xi32, #tpu.memory_space<vmem_shared>> -> memref<131088xi32, #tpu.memory_space<vmem_shared>>
    tpu.enqueue_indirect_dma source(%dma_start3A_725 : memref<131088xi32, #tpu.memory_space<vmem_shared>>) target(%dma_start3A_720 : memref<64xi32, #tpu.memory_space<vmem>>) offsets(%dma_start3A_723 : memref<64xi32, #tpu.memory_space<vmem>>) semaphore(%arg38 : memref<!tpu.dma_semaphore, #tpu.memory_space<semaphore_mem>>)
    %dma_start3A_726 = arith.constant 5 : i32
    %dma_start3A_727 = arith.constant 5 : i32
    %dma_start3A_728 = arith.constant 0 : i32
    %dma_start3A_729 = tpu.memref_slice %arg29[%dma_start3A_727, %dma_start3A_728] : memref<8x64xi32, #tpu.memory_space<vmem>> -> memref<1x64xi32, #tpu.memory_space<vmem>>
    %dma_start3A_730 = tpu.memref_squeeze %dma_start3A_729 : memref<1x64xi32, #tpu.memory_space<vmem>> -> memref<64xi32, #tpu.memory_space<vmem>>
    %dma_start3A_731 = arith.constant 0 : i32
    %dma_start3A_732 = tpu.memref_slice %arg28[%dma_start3A_726, %dma_start3A_731] : memref<8x64xi32, #tpu.memory_space<vmem>> -> memref<1x64xi32, #tpu.memory_space<vmem>>
    %dma_start3A_733 = tpu.memref_squeeze %dma_start3A_732 : memref<1x64xi32, #tpu.memory_space<vmem>> -> memref<64xi32, #tpu.memory_space<vmem>>
    %dma_start3A_734 = arith.constant 0 : i32
    %dma_start3A_735 = tpu.memref_slice %arg35[%dma_start3A_734] : memref<131088xi32, #tpu.memory_space<vmem_shared>> -> memref<131088xi32, #tpu.memory_space<vmem_shared>>
    tpu.enqueue_indirect_dma source(%dma_start3A_735 : memref<131088xi32, #tpu.memory_space<vmem_shared>>) target(%dma_start3A_730 : memref<64xi32, #tpu.memory_space<vmem>>) offsets(%dma_start3A_733 : memref<64xi32, #tpu.memory_space<vmem>>) semaphore(%arg38 : memref<!tpu.dma_semaphore, #tpu.memory_space<semaphore_mem>>)
    %dma_start3A_736 = arith.constant 6 : i32
    %dma_start3A_737 = arith.constant 6 : i32
    %dma_start3A_738 = arith.constant 0 : i32
    %dma_start3A_739 = tpu.memref_slice %arg29[%dma_start3A_737, %dma_start3A_738] : memref<8x64xi32, #tpu.memory_space<vmem>> -> memref<1x64xi32, #tpu.memory_space<vmem>>
    %dma_start3A_740 = tpu.memref_squeeze %dma_start3A_739 : memref<1x64xi32, #tpu.memory_space<vmem>> -> memref<64xi32, #tpu.memory_space<vmem>>
    %dma_start3A_741 = arith.constant 0 : i32
    %dma_start3A_742 = tpu.memref_slice %arg28[%dma_start3A_736, %dma_start3A_741] : memref<8x64xi32, #tpu.memory_space<vmem>> -> memref<1x64xi32, #tpu.memory_space<vmem>>
    %dma_start3A_743 = tpu.memref_squeeze %dma_start3A_742 : memref<1x64xi32, #tpu.memory_space<vmem>> -> memref<64xi32, #tpu.memory_space<vmem>>
    %dma_start3A_744 = arith.constant 0 : i32
    %dma_start3A_745 = tpu.memref_slice %arg35[%dma_start3A_744] : memref<131088xi32, #tpu.memory_space<vmem_shared>> -> memref<131088xi32, #tpu.memory_space<vmem_shared>>
    tpu.enqueue_indirect_dma source(%dma_start3A_745 : memref<131088xi32, #tpu.memory_space<vmem_shared>>) target(%dma_start3A_740 : memref<64xi32, #tpu.memory_space<vmem>>) offsets(%dma_start3A_743 : memref<64xi32, #tpu.memory_space<vmem>>) semaphore(%arg38 : memref<!tpu.dma_semaphore, #tpu.memory_space<semaphore_mem>>)
    %dma_start3A_746 = arith.constant 7 : i32
    %dma_start3A_747 = arith.constant 7 : i32
    %dma_start3A_748 = arith.constant 0 : i32
    %dma_start3A_749 = tpu.memref_slice %arg29[%dma_start3A_747, %dma_start3A_748] : memref<8x64xi32, #tpu.memory_space<vmem>> -> memref<1x64xi32, #tpu.memory_space<vmem>>
    %dma_start3A_750 = tpu.memref_squeeze %dma_start3A_749 : memref<1x64xi32, #tpu.memory_space<vmem>> -> memref<64xi32, #tpu.memory_space<vmem>>
    %dma_start3A_751 = arith.constant 0 : i32
    %dma_start3A_752 = tpu.memref_slice %arg28[%dma_start3A_746, %dma_start3A_751] : memref<8x64xi32, #tpu.memory_space<vmem>> -> memref<1x64xi32, #tpu.memory_space<vmem>>
    %dma_start3A_753 = tpu.memref_squeeze %dma_start3A_752 : memref<1x64xi32, #tpu.memory_space<vmem>> -> memref<64xi32, #tpu.memory_space<vmem>>
    %dma_start3A_754 = arith.constant 0 : i32
    %dma_start3A_755 = tpu.memref_slice %arg35[%dma_start3A_754] : memref<131088xi32, #tpu.memory_space<vmem_shared>> -> memref<131088xi32, #tpu.memory_space<vmem_shared>>
    tpu.enqueue_indirect_dma source(%dma_start3A_755 : memref<131088xi32, #tpu.memory_space<vmem_shared>>) target(%dma_start3A_750 : memref<64xi32, #tpu.memory_space<vmem>>) offsets(%dma_start3A_753 : memref<64xi32, #tpu.memory_space<vmem>>) semaphore(%arg38 : memref<!tpu.dma_semaphore, #tpu.memory_space<semaphore_mem>>)
    %dma_wait3A_756 = arith.constant 0 : i32
    %dma_wait3A_757 = arith.constant 0 : i32
    %dma_wait3A_758 = tpu.memref_slice %arg14[%dma_wait3A_756, %dma_wait3A_757] : memref<2x128xi32, #tpu.memory_space<vmem>> -> memref<1x128xi32, #tpu.memory_space<vmem>>
    %dma_wait3A_759 = tpu.memref_squeeze %dma_wait3A_758 : memref<1x128xi32, #tpu.memory_space<vmem>> -> memref<128xi32, #tpu.memory_space<vmem>>
    %dma_wait3A_760 = arith.constant 0 : i32
    %dma_wait3A_761 = arith.constant 0 : i32
    %dma_wait3A_762 = tpu.memref_slice %arg3[%dma_wait3A_760, %dma_wait3A_761] : memref<100000x128xf32, #tpu.memory_space<hbm>> -> memref<100000x128xf32, #tpu.memory_space<hbm>>
    tpu.wait_indirect_dma semaphore(%arg39 : memref<!tpu.dma_semaphore, #tpu.memory_space<semaphore_mem>>) src(%dma_wait3A_762 : memref<100000x128xf32, #tpu.memory_space<hbm>>) dst(%arg19 : memref<128x128xf32, #tpu.memory_space<vmem>>)
    %scan3A_763 = arith.constant 0 : i32
    %scan3A_764 = arith.constant 0 : i32
    %scan3A_765 = arith.constant 16 : i32
    %scan3A_766 = arith.addi %scan3A_764, %scan3A_765 : i32
    %scan3A_767 = arith.constant 1 : i32
    %scan3A_768 = scf.for %scan3A_1228 = %scan3A_764 to %scan3A_766 step %scan3A_767 iter_args(%scan3A_1229 = %scan3A_763) -> (i32)  : i32 {
      %add3A_1230 = arith.constant 0 : i32
      %add3A_1231 = arith.addi %add3A_1230, %scan3A_1228 : i32
      %broadcast_in_dim3A_1232 = vector.broadcast %add3A_1231 : i32 to vector<16xi32>
      %gather3A_1233 = tpu.vector_load_idx %arg22[%broadcast_in_dim3A_1232] : memref<32xf32, #tpu.memory_space<vmem>>[vector<16xi32>], vector<16xf32>,
      %broadcast_in_dim3A_1234 = vector.broadcast %add3A_1231 : i32 to vector<16xi32>
      %gather3A_1235 = tpu.vector_load_idx %arg23[%broadcast_in_dim3A_1234] : memref<32xf32, #tpu.memory_space<vmem>>[vector<16xi32>], vector<16xf32>,
      %mul3A_1236 = arith.constant 8 : i32
      %mul3A_1237 = arith.muli %scan3A_1228, %mul3A_1236 : i32
      %get3A_1238 = arith.index_cast %mul3A_1237 : i32 to index
      %get3A_1239 = arith.constant 0 : index
      %get3A_1240 = tpu.vector_load %arg19[%get3A_1238, %get3A_1239] {strides = array<i32>} : memref<128x128xf32, #tpu.memory_space<vmem>>, vector<16xf32>,
      %mul3A_1241 = arith.constant 8 : i32
      %mul3A_1242 = arith.muli %scan3A_1228, %mul3A_1241 : i32
      %add3A_1243 = arith.constant 1 : i32
      %add3A_1244 = arith.addi %mul3A_1242, %add3A_1243 : i32
      %get3A_1245 = arith.index_cast %add3A_1244 : i32 to index
      %get3A_1246 = arith.constant 0 : index
      %get3A_1247 = tpu.vector_load %arg19[%get3A_1245, %get3A_1246] {strides = array<i32>} : memref<128x128xf32, #tpu.memory_space<vmem>>, vector<16xf32>,
      %add3A_1248 = arith.addf %get3A_1240, %get3A_1247 : vector<16xf32>
      %mul3A_1249 = arith.constant 8 : i32
      %mul3A_1250 = arith.muli %scan3A_1228, %mul3A_1249 : i32
      %add3A_1251 = arith.constant 2 : i32
      %add3A_1252 = arith.addi %mul3A_1250, %add3A_1251 : i32
      %get3A_1253 = arith.index_cast %add3A_1252 : i32 to index
      %get3A_1254 = arith.constant 0 : index
      %get3A_1255 = tpu.vector_load %arg19[%get3A_1253, %get3A_1254] {strides = array<i32>} : memref<128x128xf32, #tpu.memory_space<vmem>>, vector<16xf32>,
      %add3A_1256 = arith.addf %add3A_1248, %get3A_1255 : vector<16xf32>
      %mul3A_1257 = arith.constant 8 : i32
      %mul3A_1258 = arith.muli %scan3A_1228, %mul3A_1257 : i32
      %add3A_1259 = arith.constant 3 : i32
      %add3A_1260 = arith.addi %mul3A_1258, %add3A_1259 : i32
      %get3A_1261 = arith.index_cast %add3A_1260 : i32 to index
      %get3A_1262 = arith.constant 0 : index
      %get3A_1263 = tpu.vector_load %arg19[%get3A_1261, %get3A_1262] {strides = array<i32>} : memref<128x128xf32, #tpu.memory_space<vmem>>, vector<16xf32>,
      %add3A_1264 = arith.addf %add3A_1256, %get3A_1263 : vector<16xf32>
      %mul3A_1265 = arith.constant 8 : i32
      %mul3A_1266 = arith.muli %scan3A_1228, %mul3A_1265 : i32
      %add3A_1267 = arith.constant 4 : i32
      %add3A_1268 = arith.addi %mul3A_1266, %add3A_1267 : i32
      %get3A_1269 = arith.index_cast %add3A_1268 : i32 to index
      %get3A_1270 = arith.constant 0 : index
      %get3A_1271 = tpu.vector_load %arg19[%get3A_1269, %get3A_1270] {strides = array<i32>} : memref<128x128xf32, #tpu.memory_space<vmem>>, vector<16xf32>,
      %add3A_1272 = arith.addf %add3A_1264, %get3A_1271 : vector<16xf32>
      %mul3A_1273 = arith.constant 8 : i32
      %mul3A_1274 = arith.muli %scan3A_1228, %mul3A_1273 : i32
      %add3A_1275 = arith.constant 5 : i32
      %add3A_1276 = arith.addi %mul3A_1274, %add3A_1275 : i32
      %get3A_1277 = arith.index_cast %add3A_1276 : i32 to index
      %get3A_1278 = arith.constant 0 : index
      %get3A_1279 = tpu.vector_load %arg19[%get3A_1277, %get3A_1278] {strides = array<i32>} : memref<128x128xf32, #tpu.memory_space<vmem>>, vector<16xf32>,
      %add3A_1280 = arith.addf %add3A_1272, %get3A_1279 : vector<16xf32>
      %mul3A_1281 = arith.constant 8 : i32
      %mul3A_1282 = arith.muli %scan3A_1228, %mul3A_1281 : i32
      %add3A_1283 = arith.constant 6 : i32
      %add3A_1284 = arith.addi %mul3A_1282, %add3A_1283 : i32
      %get3A_1285 = arith.index_cast %add3A_1284 : i32 to index
      %get3A_1286 = arith.constant 0 : index
      %get3A_1287 = tpu.vector_load %arg19[%get3A_1285, %get3A_1286] {strides = array<i32>} : memref<128x128xf32, #tpu.memory_space<vmem>>, vector<16xf32>,
      %add3A_1288 = arith.addf %add3A_1280, %get3A_1287 : vector<16xf32>
      %mul3A_1289 = arith.constant 8 : i32
      %mul3A_1290 = arith.muli %scan3A_1228, %mul3A_1289 : i32
      %add3A_1291 = arith.constant 7 : i32
      %add3A_1292 = arith.addi %mul3A_1290, %add3A_1291 : i32
      %get3A_1293 = arith.index_cast %add3A_1292 : i32 to index
      %get3A_1294 = arith.constant 0 : index
      %get3A_1295 = tpu.vector_load %arg19[%get3A_1293, %get3A_1294] {strides = array<i32>} : memref<128x128xf32, #tpu.memory_space<vmem>>, vector<16xf32>,
      %add3A_1296 = arith.addf %add3A_1288, %get3A_1295 : vector<16xf32>
      %get3A_1297 = arith.constant 0 : index
      %get3A_1298 = tpu.vector_load %arg21[%get3A_1297] {strides = array<i32>} : memref<128xf32, #tpu.memory_space<vmem>>, vector<16xf32>,
      %mul3A_1299 = arith.mulf %gather3A_1235, %get3A_1298 : vector<16xf32>
      %sub3A_1300 = arith.subf %add3A_1296, %mul3A_1299 : vector<16xf32>
      %mul3A_1301 = arith.mulf %sub3A_1300, %gather3A_1233 : vector<16xf32>
      %swap3A_1302 = arith.index_cast %add3A_1231 : i32 to index
      %swap3A_1303 = arith.constant 0 : index
      %swap3A_1304 = tpu.vector_load %arg20[%swap3A_1302, %swap3A_1303] {strides = array<i32>} : memref<32x128xf32, #tpu.memory_space<vmem>>, vector<16xf32>,
      tpu.vector_store %arg20[%swap3A_1302, %swap3A_1303], %mul3A_1301 {strides = array<i32>} : memref<32x128xf32, #tpu.memory_space<vmem>>, vector<16xf32>,
      %mul3A_1305 = arith.constant 8 : i32
      %mul3A_1306 = arith.muli %scan3A_1228, %mul3A_1305 : i32
      %get3A_1307 = arith.index_cast %mul3A_1306 : i32 to index
      %get3A_1308 = arith.constant 16 : index
      %get3A_1309 = tpu.vector_load %arg19[%get3A_1307, %get3A_1308] {strides = array<i32>} : memref<128x128xf32, #tpu.memory_space<vmem>>, vector<16xf32>,
      %mul3A_1310 = arith.constant 8 : i32
      %mul3A_1311 = arith.muli %scan3A_1228, %mul3A_1310 : i32
      %add3A_1312 = arith.constant 1 : i32
      %add3A_1313 = arith.addi %mul3A_1311, %add3A_1312 : i32
      %get3A_1314 = arith.index_cast %add3A_1313 : i32 to index
      %get3A_1315 = arith.constant 16 : index
      %get3A_1316 = tpu.vector_load %arg19[%get3A_1314, %get3A_1315] {strides = array<i32>} : memref<128x128xf32, #tpu.memory_space<vmem>>, vector<16xf32>,
      %add3A_1317 = arith.addf %get3A_1309, %get3A_1316 : vector<16xf32>
      %mul3A_1318 = arith.constant 8 : i32
      %mul3A_1319 = arith.muli %scan3A_1228, %mul3A_1318 : i32
      %add3A_1320 = arith.constant 2 : i32
      %add3A_1321 = arith.addi %mul3A_1319, %add3A_1320 : i32
      %get3A_1322 = arith.index_cast %add3A_1321 : i32 to index
      %get3A_1323 = arith.constant 16 : index
      %get3A_1324 = tpu.vector_load %arg19[%get3A_1322, %get3A_1323] {strides = array<i32>} : memref<128x128xf32, #tpu.memory_space<vmem>>, vector<16xf32>,
      %add3A_1325 = arith.addf %add3A_1317, %get3A_1324 : vector<16xf32>
      %mul3A_1326 = arith.constant 8 : i32
      %mul3A_1327 = arith.muli %scan3A_1228, %mul3A_1326 : i32
      %add3A_1328 = arith.constant 3 : i32
      %add3A_1329 = arith.addi %mul3A_1327, %add3A_1328 : i32
      %get3A_1330 = arith.index_cast %add3A_1329 : i32 to index
      %get3A_1331 = arith.constant 16 : index
      %get3A_1332 = tpu.vector_load %arg19[%get3A_1330, %get3A_1331] {strides = array<i32>} : memref<128x128xf32, #tpu.memory_space<vmem>>, vector<16xf32>,
      %add3A_1333 = arith.addf %add3A_1325, %get3A_1332 : vector<16xf32>
      %mul3A_1334 = arith.constant 8 : i32
      %mul3A_1335 = arith.muli %scan3A_1228, %mul3A_1334 : i32
      %add3A_1336 = arith.constant 4 : i32
      %add3A_1337 = arith.addi %mul3A_1335, %add3A_1336 : i32
      %get3A_1338 = arith.index_cast %add3A_1337 : i32 to index
      %get3A_1339 = arith.constant 16 : index
      %get3A_1340 = tpu.vector_load %arg19[%get3A_1338, %get3A_1339] {strides = array<i32>} : memref<128x128xf32, #tpu.memory_space<vmem>>, vector<16xf32>,
      %add3A_1341 = arith.addf %add3A_1333, %get3A_1340 : vector<16xf32>
      %mul3A_1342 = arith.constant 8 : i32
      %mul3A_1343 = arith.muli %scan3A_1228, %mul3A_1342 : i32
      %add3A_1344 = arith.constant 5 : i32
      %add3A_1345 = arith.addi %mul3A_1343, %add3A_1344 : i32
      %get3A_1346 = arith.index_cast %add3A_1345 : i32 to index
      %get3A_1347 = arith.constant 16 : index
      %get3A_1348 = tpu.vector_load %arg19[%get3A_1346, %get3A_1347] {strides = array<i32>} : memref<128x128xf32, #tpu.memory_space<vmem>>, vector<16xf32>,
      %add3A_1349 = arith.addf %add3A_1341, %get3A_1348 : vector<16xf32>
      %mul3A_1350 = arith.constant 8 : i32
      %mul3A_1351 = arith.muli %scan3A_1228, %mul3A_1350 : i32
      %add3A_1352 = arith.constant 6 : i32
      %add3A_1353 = arith.addi %mul3A_1351, %add3A_1352 : i32
      %get3A_1354 = arith.index_cast %add3A_1353 : i32 to index
      %get3A_1355 = arith.constant 16 : index
      %get3A_1356 = tpu.vector_load %arg19[%get3A_1354, %get3A_1355] {strides = array<i32>} : memref<128x128xf32, #tpu.memory_space<vmem>>, vector<16xf32>,
      %add3A_1357 = arith.addf %add3A_1349, %get3A_1356 : vector<16xf32>
      %mul3A_1358 = arith.constant 8 : i32
      %mul3A_1359 = arith.muli %scan3A_1228, %mul3A_1358 : i32
      %add3A_1360 = arith.constant 7 : i32
      %add3A_1361 = arith.addi %mul3A_1359, %add3A_1360 : i32
      %get3A_1362 = arith.index_cast %add3A_1361 : i32 to index
      %get3A_1363 = arith.constant 16 : index
      %get3A_1364 = tpu.vector_load %arg19[%get3A_1362, %get3A_1363] {strides = array<i32>} : memref<128x128xf32, #tpu.memory_space<vmem>>, vector<16xf32>,
      %add3A_1365 = arith.addf %add3A_1357, %get3A_1364 : vector<16xf32>
      %get3A_1366 = arith.constant 16 : index
      %get3A_1367 = tpu.vector_load %arg21[%get3A_1366] {strides = array<i32>} : memref<128xf32, #tpu.memory_space<vmem>>, vector<16xf32>,
      %mul3A_1368 = arith.mulf %gather3A_1235, %get3A_1367 : vector<16xf32>
      %sub3A_1369 = arith.subf %add3A_1365, %mul3A_1368 : vector<16xf32>
      %mul3A_1370 = arith.mulf %sub3A_1369, %gather3A_1233 : vector<16xf32>
      %swap3A_1371 = arith.index_cast %add3A_1231 : i32 to index
      %swap3A_1372 = arith.constant 16 : index
      %swap3A_1373 = tpu.vector_load %arg20[%swap3A_1371, %swap3A_1372] {strides = array<i32>} : memref<32x128xf32, #tpu.memory_space<vmem>>, vector<16xf32>,
      tpu.vector_store %arg20[%swap3A_1371, %swap3A_1372], %mul3A_1370 {strides = array<i32>} : memref<32x128xf32, #tpu.memory_space<vmem>>, vector<16xf32>,
      %mul3A_1374 = arith.constant 8 : i32
      %mul3A_1375 = arith.muli %scan3A_1228, %mul3A_1374 : i32
      %get3A_1376 = arith.index_cast %mul3A_1375 : i32 to index
      %get3A_1377 = arith.constant 32 : index
      %get3A_1378 = tpu.vector_load %arg19[%get3A_1376, %get3A_1377] {strides = array<i32>} : memref<128x128xf32, #tpu.memory_space<vmem>>, vector<16xf32>,
      %mul3A_1379 = arith.constant 8 : i32
      %mul3A_1380 = arith.muli %scan3A_1228, %mul3A_1379 : i32
      %add3A_1381 = arith.constant 1 : i32
      %add3A_1382 = arith.addi %mul3A_1380, %add3A_1381 : i32
      %get3A_1383 = arith.index_cast %add3A_1382 : i32 to index
      %get3A_1384 = arith.constant 32 : index
      %get3A_1385 = tpu.vector_load %arg19[%get3A_1383, %get3A_1384] {strides = array<i32>} : memref<128x128xf32, #tpu.memory_space<vmem>>, vector<16xf32>,
      %add3A_1386 = arith.addf %get3A_1378, %get3A_1385 : vector<16xf32>
      %mul3A_1387 = arith.constant 8 : i32
      %mul3A_1388 = arith.muli %scan3A_1228, %mul3A_1387 : i32
      %add3A_1389 = arith.constant 2 : i32
      %add3A_1390 = arith.addi %mul3A_1388, %add3A_1389 : i32
      %get3A_1391 = arith.index_cast %add3A_1390 : i32 to index
      %get3A_1392 = arith.constant 32 : index
      %get3A_1393 = tpu.vector_load %arg19[%get3A_1391, %get3A_1392] {strides = array<i32>} : memref<128x128xf32, #tpu.memory_space<vmem>>, vector<16xf32>,
      %add3A_1394 = arith.addf %add3A_1386, %get3A_1393 : vector<16xf32>
      %mul3A_1395 = arith.constant 8 : i32
      %mul3A_1396 = arith.muli %scan3A_1228, %mul3A_1395 : i32
      %add3A_1397 = arith.constant 3 : i32
      %add3A_1398 = arith.addi %mul3A_1396, %add3A_1397 : i32
      %get3A_1399 = arith.index_cast %add3A_1398 : i32 to index
      %get3A_1400 = arith.constant 32 : index
      %get3A_1401 = tpu.vector_load %arg19[%get3A_1399, %get3A_1400] {strides = array<i32>} : memref<128x128xf32, #tpu.memory_space<vmem>>, vector<16xf32>,
      %add3A_1402 = arith.addf %add3A_1394, %get3A_1401 : vector<16xf32>
      %mul3A_1403 = arith.constant 8 : i32
      %mul3A_1404 = arith.muli %scan3A_1228, %mul3A_1403 : i32
      %add3A_1405 = arith.constant 4 : i32
      %add3A_1406 = arith.addi %mul3A_1404, %add3A_1405 : i32
      %get3A_1407 = arith.index_cast %add3A_1406 : i32 to index
      %get3A_1408 = arith.constant 32 : index
      %get3A_1409 = tpu.vector_load %arg19[%get3A_1407, %get3A_1408] {strides = array<i32>} : memref<128x128xf32, #tpu.memory_space<vmem>>, vector<16xf32>,
      %add3A_1410 = arith.addf %add3A_1402, %get3A_1409 : vector<16xf32>
      %mul3A_1411 = arith.constant 8 : i32
      %mul3A_1412 = arith.muli %scan3A_1228, %mul3A_1411 : i32
      %add3A_1413 = arith.constant 5 : i32
      %add3A_1414 = arith.addi %mul3A_1412, %add3A_1413 : i32
      %get3A_1415 = arith.index_cast %add3A_1414 : i32 to index
      %get3A_1416 = arith.constant 32 : index
      %get3A_1417 = tpu.vector_load %arg19[%get3A_1415, %get3A_1416] {strides = array<i32>} : memref<128x128xf32, #tpu.memory_space<vmem>>, vector<16xf32>,
      %add3A_1418 = arith.addf %add3A_1410, %get3A_1417 : vector<16xf32>
      %mul3A_1419 = arith.constant 8 : i32
      %mul3A_1420 = arith.muli %scan3A_1228, %mul3A_1419 : i32
      %add3A_1421 = arith.constant 6 : i32
      %add3A_1422 = arith.addi %mul3A_1420, %add3A_1421 : i32
      %get3A_1423 = arith.index_cast %add3A_1422 : i32 to index
      %get3A_1424 = arith.constant 32 : index
      %get3A_1425 = tpu.vector_load %arg19[%get3A_1423, %get3A_1424] {strides = array<i32>} : memref<128x128xf32, #tpu.memory_space<vmem>>, vector<16xf32>,
      %add3A_1426 = arith.addf %add3A_1418, %get3A_1425 : vector<16xf32>
      %mul3A_1427 = arith.constant 8 : i32
      %mul3A_1428 = arith.muli %scan3A_1228, %mul3A_1427 : i32
      %add3A_1429 = arith.constant 7 : i32
      %add3A_1430 = arith.addi %mul3A_1428, %add3A_1429 : i32
      %get3A_1431 = arith.index_cast %add3A_1430 : i32 to index
      %get3A_1432 = arith.constant 32 : index
      %get3A_1433 = tpu.vector_load %arg19[%get3A_1431, %get3A_1432] {strides = array<i32>} : memref<128x128xf32, #tpu.memory_space<vmem>>, vector<16xf32>,
      %add3A_1434 = arith.addf %add3A_1426, %get3A_1433 : vector<16xf32>
      %get3A_1435 = arith.constant 32 : index
      %get3A_1436 = tpu.vector_load %arg21[%get3A_1435] {strides = array<i32>} : memref<128xf32, #tpu.memory_space<vmem>>, vector<16xf32>,
      %mul3A_1437 = arith.mulf %gather3A_1235, %get3A_1436 : vector<16xf32>
      %sub3A_1438 = arith.subf %add3A_1434, %mul3A_1437 : vector<16xf32>
      %mul3A_1439 = arith.mulf %sub3A_1438, %gather3A_1233 : vector<16xf32>
      %swap3A_1440 = arith.index_cast %add3A_1231 : i32 to index
      %swap3A_1441 = arith.constant 32 : index
      %swap3A_1442 = tpu.vector_load %arg20[%swap3A_1440, %swap3A_1441] {strides = array<i32>} : memref<32x128xf32, #tpu.memory_space<vmem>>, vector<16xf32>,
      tpu.vector_store %arg20[%swap3A_1440, %swap3A_1441], %mul3A_1439 {strides = array<i32>} : memref<32x128xf32, #tpu.memory_space<vmem>>, vector<16xf32>,
      %mul3A_1443 = arith.constant 8 : i32
      %mul3A_1444 = arith.muli %scan3A_1228, %mul3A_1443 : i32
      %get3A_1445 = arith.index_cast %mul3A_1444 : i32 to index
      %get3A_1446 = arith.constant 48 : index
      %get3A_1447 = tpu.vector_load %arg19[%get3A_1445, %get3A_1446] {strides = array<i32>} : memref<128x128xf32, #tpu.memory_space<vmem>>, vector<16xf32>,
      %mul3A_1448 = arith.constant 8 : i32
      %mul3A_1449 = arith.muli %scan3A_1228, %mul3A_1448 : i32
      %add3A_1450 = arith.constant 1 : i32
      %add3A_1451 = arith.addi %mul3A_1449, %add3A_1450 : i32
      %get3A_1452 = arith.index_cast %add3A_1451 : i32 to index
      %get3A_1453 = arith.constant 48 : index
      %get3A_1454 = tpu.vector_load %arg19[%get3A_1452, %get3A_1453] {strides = array<i32>} : memref<128x128xf32, #tpu.memory_space<vmem>>, vector<16xf32>,
      %add3A_1455 = arith.addf %get3A_1447, %get3A_1454 : vector<16xf32>
      %mul3A_1456 = arith.constant 8 : i32
      %mul3A_1457 = arith.muli %scan3A_1228, %mul3A_1456 : i32
      %add3A_1458 = arith.constant 2 : i32
      %add3A_1459 = arith.addi %mul3A_1457, %add3A_1458 : i32
      %get3A_1460 = arith.index_cast %add3A_1459 : i32 to index
      %get3A_1461 = arith.constant 48 : index
      %get3A_1462 = tpu.vector_load %arg19[%get3A_1460, %get3A_1461] {strides = array<i32>} : memref<128x128xf32, #tpu.memory_space<vmem>>, vector<16xf32>,
      %add3A_1463 = arith.addf %add3A_1455, %get3A_1462 : vector<16xf32>
      %mul3A_1464 = arith.constant 8 : i32
      %mul3A_1465 = arith.muli %scan3A_1228, %mul3A_1464 : i32
      %add3A_1466 = arith.constant 3 : i32
      %add3A_1467 = arith.addi %mul3A_1465, %add3A_1466 : i32
      %get3A_1468 = arith.index_cast %add3A_1467 : i32 to index
      %get3A_1469 = arith.constant 48 : index
      %get3A_1470 = tpu.vector_load %arg19[%get3A_1468, %get3A_1469] {strides = array<i32>} : memref<128x128xf32, #tpu.memory_space<vmem>>, vector<16xf32>,
      %add3A_1471 = arith.addf %add3A_1463, %get3A_1470 : vector<16xf32>
      %mul3A_1472 = arith.constant 8 : i32
      %mul3A_1473 = arith.muli %scan3A_1228, %mul3A_1472 : i32
      %add3A_1474 = arith.constant 4 : i32
      %add3A_1475 = arith.addi %mul3A_1473, %add3A_1474 : i32
      %get3A_1476 = arith.index_cast %add3A_1475 : i32 to index
      %get3A_1477 = arith.constant 48 : index
      %get3A_1478 = tpu.vector_load %arg19[%get3A_1476, %get3A_1477] {strides = array<i32>} : memref<128x128xf32, #tpu.memory_space<vmem>>, vector<16xf32>,
      %add3A_1479 = arith.addf %add3A_1471, %get3A_1478 : vector<16xf32>
      %mul3A_1480 = arith.constant 8 : i32
      %mul3A_1481 = arith.muli %scan3A_1228, %mul3A_1480 : i32
      %add3A_1482 = arith.constant 5 : i32
      %add3A_1483 = arith.addi %mul3A_1481, %add3A_1482 : i32
      %get3A_1484 = arith.index_cast %add3A_1483 : i32 to index
      %get3A_1485 = arith.constant 48 : index
      %get3A_1486 = tpu.vector_load %arg19[%get3A_1484, %get3A_1485] {strides = array<i32>} : memref<128x128xf32, #tpu.memory_space<vmem>>, vector<16xf32>,
      %add3A_1487 = arith.addf %add3A_1479, %get3A_1486 : vector<16xf32>
      %mul3A_1488 = arith.constant 8 : i32
      %mul3A_1489 = arith.muli %scan3A_1228, %mul3A_1488 : i32
      %add3A_1490 = arith.constant 6 : i32
      %add3A_1491 = arith.addi %mul3A_1489, %add3A_1490 : i32
      %get3A_1492 = arith.index_cast %add3A_1491 : i32 to index
      %get3A_1493 = arith.constant 48 : index
      %get3A_1494 = tpu.vector_load %arg19[%get3A_1492, %get3A_1493] {strides = array<i32>} : memref<128x128xf32, #tpu.memory_space<vmem>>, vector<16xf32>,
      %add3A_1495 = arith.addf %add3A_1487, %get3A_1494 : vector<16xf32>
      %mul3A_1496 = arith.constant 8 : i32
      %mul3A_1497 = arith.muli %scan3A_1228, %mul3A_1496 : i32
      %add3A_1498 = arith.constant 7 : i32
      %add3A_1499 = arith.addi %mul3A_1497, %add3A_1498 : i32
      %get3A_1500 = arith.index_cast %add3A_1499 : i32 to index
      %get3A_1501 = arith.constant 48 : index
      %get3A_1502 = tpu.vector_load %arg19[%get3A_1500, %get3A_1501] {strides = array<i32>} : memref<128x128xf32, #tpu.memory_space<vmem>>, vector<16xf32>,
      %add3A_1503 = arith.addf %add3A_1495, %get3A_1502 : vector<16xf32>
      %get3A_1504 = arith.constant 48 : index
      %get3A_1505 = tpu.vector_load %arg21[%get3A_1504] {strides = array<i32>} : memref<128xf32, #tpu.memory_space<vmem>>, vector<16xf32>,
      %mul3A_1506 = arith.mulf %gather3A_1235, %get3A_1505 : vector<16xf32>
      %sub3A_1507 = arith.subf %add3A_1503, %mul3A_1506 : vector<16xf32>
      %mul3A_1508 = arith.mulf %sub3A_1507, %gather3A_1233 : vector<16xf32>
      %swap3A_1509 = arith.index_cast %add3A_1231 : i32 to index
      %swap3A_1510 = arith.constant 48 : index
      %swap3A_1511 = tpu.vector_load %arg20[%swap3A_1509, %swap3A_1510] {strides = array<i32>} : memref<32x128xf32, #tpu.memory_space<vmem>>, vector<16xf32>,
      tpu.vector_store %arg20[%swap3A_1509, %swap3A_1510], %mul3A_1508 {strides = array<i32>} : memref<32x128xf32, #tpu.memory_space<vmem>>, vector<16xf32>,
      %mul3A_1512 = arith.constant 8 : i32
      %mul3A_1513 = arith.muli %scan3A_1228, %mul3A_1512 : i32
      %get3A_1514 = arith.index_cast %mul3A_1513 : i32 to index
      %get3A_1515 = arith.constant 64 : index
      %get3A_1516 = tpu.vector_load %arg19[%get3A_1514, %get3A_1515] {strides = array<i32>} : memref<128x128xf32, #tpu.memory_space<vmem>>, vector<16xf32>,
      %mul3A_1517 = arith.constant 8 : i32
      %mul3A_1518 = arith.muli %scan3A_1228, %mul3A_1517 : i32
      %add3A_1519 = arith.constant 1 : i32
      %add3A_1520 = arith.addi %mul3A_1518, %add3A_1519 : i32
      %get3A_1521 = arith.index_cast %add3A_1520 : i32 to index
      %get3A_1522 = arith.constant 64 : index
      %get3A_1523 = tpu.vector_load %arg19[%get3A_1521, %get3A_1522] {strides = array<i32>} : memref<128x128xf32, #tpu.memory_space<vmem>>, vector<16xf32>,
      %add3A_1524 = arith.addf %get3A_1516, %get3A_1523 : vector<16xf32>
      %mul3A_1525 = arith.constant 8 : i32
      %mul3A_1526 = arith.muli %scan3A_1228, %mul3A_1525 : i32
      %add3A_1527 = arith.constant 2 : i32
      %add3A_1528 = arith.addi %mul3A_1526, %add3A_1527 : i32
      %get3A_1529 = arith.index_cast %add3A_1528 : i32 to index
      %get3A_1530 = arith.constant 64 : index
      %get3A_1531 = tpu.vector_load %arg19[%get3A_1529, %get3A_1530] {strides = array<i32>} : memref<128x128xf32, #tpu.memory_space<vmem>>, vector<16xf32>,
      %add3A_1532 = arith.addf %add3A_1524, %get3A_1531 : vector<16xf32>
      %mul3A_1533 = arith.constant 8 : i32
      %mul3A_1534 = arith.muli %scan3A_1228, %mul3A_1533 : i32
      %add3A_1535 = arith.constant 3 : i32
      %add3A_1536 = arith.addi %mul3A_1534, %add3A_1535 : i32
      %get3A_1537 = arith.index_cast %add3A_1536 : i32 to index
      %get3A_1538 = arith.constant 64 : index
      %get3A_1539 = tpu.vector_load %arg19[%get3A_1537, %get3A_1538] {strides = array<i32>} : memref<128x128xf32, #tpu.memory_space<vmem>>, vector<16xf32>,
      %add3A_1540 = arith.addf %add3A_1532, %get3A_1539 : vector<16xf32>
      %mul3A_1541 = arith.constant 8 : i32
      %mul3A_1542 = arith.muli %scan3A_1228, %mul3A_1541 : i32
      %add3A_1543 = arith.constant 4 : i32
      %add3A_1544 = arith.addi %mul3A_1542, %add3A_1543 : i32
      %get3A_1545 = arith.index_cast %add3A_1544 : i32 to index
      %get3A_1546 = arith.constant 64 : index
      %get3A_1547 = tpu.vector_load %arg19[%get3A_1545, %get3A_1546] {strides = array<i32>} : memref<128x128xf32, #tpu.memory_space<vmem>>, vector<16xf32>,
      %add3A_1548 = arith.addf %add3A_1540, %get3A_1547 : vector<16xf32>
      %mul3A_1549 = arith.constant 8 : i32
      %mul3A_1550 = arith.muli %scan3A_1228, %mul3A_1549 : i32
      %add3A_1551 = arith.constant 5 : i32
      %add3A_1552 = arith.addi %mul3A_1550, %add3A_1551 : i32
      %get3A_1553 = arith.index_cast %add3A_1552 : i32 to index
      %get3A_1554 = arith.constant 64 : index
      %get3A_1555 = tpu.vector_load %arg19[%get3A_1553, %get3A_1554] {strides = array<i32>} : memref<128x128xf32, #tpu.memory_space<vmem>>, vector<16xf32>,
      %add3A_1556 = arith.addf %add3A_1548, %get3A_1555 : vector<16xf32>
      %mul3A_1557 = arith.constant 8 : i32
      %mul3A_1558 = arith.muli %scan3A_1228, %mul3A_1557 : i32
      %add3A_1559 = arith.constant 6 : i32
      %add3A_1560 = arith.addi %mul3A_1558, %add3A_1559 : i32
      %get3A_1561 = arith.index_cast %add3A_1560 : i32 to index
      %get3A_1562 = arith.constant 64 : index
      %get3A_1563 = tpu.vector_load %arg19[%get3A_1561, %get3A_1562] {strides = array<i32>} : memref<128x128xf32, #tpu.memory_space<vmem>>, vector<16xf32>,
      %add3A_1564 = arith.addf %add3A_1556, %get3A_1563 : vector<16xf32>
      %mul3A_1565 = arith.constant 8 : i32
      %mul3A_1566 = arith.muli %scan3A_1228, %mul3A_1565 : i32
      %add3A_1567 = arith.constant 7 : i32
      %add3A_1568 = arith.addi %mul3A_1566, %add3A_1567 : i32
      %get3A_1569 = arith.index_cast %add3A_1568 : i32 to index
      %get3A_1570 = arith.constant 64 : index
      %get3A_1571 = tpu.vector_load %arg19[%get3A_1569, %get3A_1570] {strides = array<i32>} : memref<128x128xf32, #tpu.memory_space<vmem>>, vector<16xf32>,
      %add3A_1572 = arith.addf %add3A_1564, %get3A_1571 : vector<16xf32>
      %get3A_1573 = arith.constant 64 : index
      %get3A_1574 = tpu.vector_load %arg21[%get3A_1573] {strides = array<i32>} : memref<128xf32, #tpu.memory_space<vmem>>, vector<16xf32>,
      %mul3A_1575 = arith.mulf %gather3A_1235, %get3A_1574 : vector<16xf32>
      %sub3A_1576 = arith.subf %add3A_1572, %mul3A_1575 : vector<16xf32>
      %mul3A_1577 = arith.mulf %sub3A_1576, %gather3A_1233 : vector<16xf32>
      %swap3A_1578 = arith.index_cast %add3A_1231 : i32 to index
      %swap3A_1579 = arith.constant 64 : index
      %swap3A_1580 = tpu.vector_load %arg20[%swap3A_1578, %swap3A_1579] {strides = array<i32>} : memref<32x128xf32, #tpu.memory_space<vmem>>, vector<16xf32>,
      tpu.vector_store %arg20[%swap3A_1578, %swap3A_1579], %mul3A_1577 {strides = array<i32>} : memref<32x128xf32, #tpu.memory_space<vmem>>, vector<16xf32>,
      %mul3A_1581 = arith.constant 8 : i32
      %mul3A_1582 = arith.muli %scan3A_1228, %mul3A_1581 : i32
      %get3A_1583 = arith.index_cast %mul3A_1582 : i32 to index
      %get3A_1584 = arith.constant 80 : index
      %get3A_1585 = tpu.vector_load %arg19[%get3A_1583, %get3A_1584] {strides = array<i32>} : memref<128x128xf32, #tpu.memory_space<vmem>>, vector<16xf32>,
      %mul3A_1586 = arith.constant 8 : i32
      %mul3A_1587 = arith.muli %scan3A_1228, %mul3A_1586 : i32
      %add3A_1588 = arith.constant 1 : i32
      %add3A_1589 = arith.addi %mul3A_1587, %add3A_1588 : i32
      %get3A_1590 = arith.index_cast %add3A_1589 : i32 to index
      %get3A_1591 = arith.constant 80 : index
      %get3A_1592 = tpu.vector_load %arg19[%get3A_1590, %get3A_1591] {strides = array<i32>} : memref<128x128xf32, #tpu.memory_space<vmem>>, vector<16xf32>,
      %add3A_1593 = arith.addf %get3A_1585, %get3A_1592 : vector<16xf32>
      %mul3A_1594 = arith.constant 8 : i32
      %mul3A_1595 = arith.muli %scan3A_1228, %mul3A_1594 : i32
      %add3A_1596 = arith.constant 2 : i32
      %add3A_1597 = arith.addi %mul3A_1595, %add3A_1596 : i32
      %get3A_1598 = arith.index_cast %add3A_1597 : i32 to index
      %get3A_1599 = arith.constant 80 : index
      %get3A_1600 = tpu.vector_load %arg19[%get3A_1598, %get3A_1599] {strides = array<i32>} : memref<128x128xf32, #tpu.memory_space<vmem>>, vector<16xf32>,
      %add3A_1601 = arith.addf %add3A_1593, %get3A_1600 : vector<16xf32>
      %mul3A_1602 = arith.constant 8 : i32
      %mul3A_1603 = arith.muli %scan3A_1228, %mul3A_1602 : i32
      %add3A_1604 = arith.constant 3 : i32
      %add3A_1605 = arith.addi %mul3A_1603, %add3A_1604 : i32
      %get3A_1606 = arith.index_cast %add3A_1605 : i32 to index
      %get3A_1607 = arith.constant 80 : index
      %get3A_1608 = tpu.vector_load %arg19[%get3A_1606, %get3A_1607] {strides = array<i32>} : memref<128x128xf32, #tpu.memory_space<vmem>>, vector<16xf32>,
      %add3A_1609 = arith.addf %add3A_1601, %get3A_1608 : vector<16xf32>
      %mul3A_1610 = arith.constant 8 : i32
      %mul3A_1611 = arith.muli %scan3A_1228, %mul3A_1610 : i32
      %add3A_1612 = arith.constant 4 : i32
      %add3A_1613 = arith.addi %mul3A_1611, %add3A_1612 : i32
      %get3A_1614 = arith.index_cast %add3A_1613 : i32 to index
      %get3A_1615 = arith.constant 80 : index
      %get3A_1616 = tpu.vector_load %arg19[%get3A_1614, %get3A_1615] {strides = array<i32>} : memref<128x128xf32, #tpu.memory_space<vmem>>, vector<16xf32>,
      %add3A_1617 = arith.addf %add3A_1609, %get3A_1616 : vector<16xf32>
      %mul3A_1618 = arith.constant 8 : i32
      %mul3A_1619 = arith.muli %scan3A_1228, %mul3A_1618 : i32
      %add3A_1620 = arith.constant 5 : i32
      %add3A_1621 = arith.addi %mul3A_1619, %add3A_1620 : i32
      %get3A_1622 = arith.index_cast %add3A_1621 : i32 to index
      %get3A_1623 = arith.constant 80 : index
      %get3A_1624 = tpu.vector_load %arg19[%get3A_1622, %get3A_1623] {strides = array<i32>} : memref<128x128xf32, #tpu.memory_space<vmem>>, vector<16xf32>,
      %add3A_1625 = arith.addf %add3A_1617, %get3A_1624 : vector<16xf32>
      %mul3A_1626 = arith.constant 8 : i32
      %mul3A_1627 = arith.muli %scan3A_1228, %mul3A_1626 : i32
      %add3A_1628 = arith.constant 6 : i32
      %add3A_1629 = arith.addi %mul3A_1627, %add3A_1628 : i32
      %get3A_1630 = arith.index_cast %add3A_1629 : i32 to index
      %get3A_1631 = arith.constant 80 : index
      %get3A_1632 = tpu.vector_load %arg19[%get3A_1630, %get3A_1631] {strides = array<i32>} : memref<128x128xf32, #tpu.memory_space<vmem>>, vector<16xf32>,
      %add3A_1633 = arith.addf %add3A_1625, %get3A_1632 : vector<16xf32>
      %mul3A_1634 = arith.constant 8 : i32
      %mul3A_1635 = arith.muli %scan3A_1228, %mul3A_1634 : i32
      %add3A_1636 = arith.constant 7 : i32
      %add3A_1637 = arith.addi %mul3A_1635, %add3A_1636 : i32
      %get3A_1638 = arith.index_cast %add3A_1637 : i32 to index
      %get3A_1639 = arith.constant 80 : index
      %get3A_1640 = tpu.vector_load %arg19[%get3A_1638, %get3A_1639] {strides = array<i32>} : memref<128x128xf32, #tpu.memory_space<vmem>>, vector<16xf32>,
      %add3A_1641 = arith.addf %add3A_1633, %get3A_1640 : vector<16xf32>
      %get3A_1642 = arith.constant 80 : index
      %get3A_1643 = tpu.vector_load %arg21[%get3A_1642] {strides = array<i32>} : memref<128xf32, #tpu.memory_space<vmem>>, vector<16xf32>,
      %mul3A_1644 = arith.mulf %gather3A_1235, %get3A_1643 : vector<16xf32>
      %sub3A_1645 = arith.subf %add3A_1641, %mul3A_1644 : vector<16xf32>
      %mul3A_1646 = arith.mulf %sub3A_1645, %gather3A_1233 : vector<16xf32>
      %swap3A_1647 = arith.index_cast %add3A_1231 : i32 to index
      %swap3A_1648 = arith.constant 80 : index
      %swap3A_1649 = tpu.vector_load %arg20[%swap3A_1647, %swap3A_1648] {strides = array<i32>} : memref<32x128xf32, #tpu.memory_space<vmem>>, vector<16xf32>,
      tpu.vector_store %arg20[%swap3A_1647, %swap3A_1648], %mul3A_1646 {strides = array<i32>} : memref<32x128xf32, #tpu.memory_space<vmem>>, vector<16xf32>,
      %mul3A_1650 = arith.constant 8 : i32
      %mul3A_1651 = arith.muli %scan3A_1228, %mul3A_1650 : i32
      %get3A_1652 = arith.index_cast %mul3A_1651 : i32 to index
      %get3A_1653 = arith.constant 96 : index
      %get3A_1654 = tpu.vector_load %arg19[%get3A_1652, %get3A_1653] {strides = array<i32>} : memref<128x128xf32, #tpu.memory_space<vmem>>, vector<16xf32>,
      %mul3A_1655 = arith.constant 8 : i32
      %mul3A_1656 = arith.muli %scan3A_1228, %mul3A_1655 : i32
      %add3A_1657 = arith.constant 1 : i32
      %add3A_1658 = arith.addi %mul3A_1656, %add3A_1657 : i32
      %get3A_1659 = arith.index_cast %add3A_1658 : i32 to index
      %get3A_1660 = arith.constant 96 : index
      %get3A_1661 = tpu.vector_load %arg19[%get3A_1659, %get3A_1660] {strides = array<i32>} : memref<128x128xf32, #tpu.memory_space<vmem>>, vector<16xf32>,
      %add3A_1662 = arith.addf %get3A_1654, %get3A_1661 : vector<16xf32>
      %mul3A_1663 = arith.constant 8 : i32
      %mul3A_1664 = arith.muli %scan3A_1228, %mul3A_1663 : i32
      %add3A_1665 = arith.constant 2 : i32
      %add3A_1666 = arith.addi %mul3A_1664, %add3A_1665 : i32
      %get3A_1667 = arith.index_cast %add3A_1666 : i32 to index
      %get3A_1668 = arith.constant 96 : index
      %get3A_1669 = tpu.vector_load %arg19[%get3A_1667, %get3A_1668] {strides = array<i32>} : memref<128x128xf32, #tpu.memory_space<vmem>>, vector<16xf32>,
      %add3A_1670 = arith.addf %add3A_1662, %get3A_1669 : vector<16xf32>
      %mul3A_1671 = arith.constant 8 : i32
      %mul3A_1672 = arith.muli %scan3A_1228, %mul3A_1671 : i32
      %add3A_1673 = arith.constant 3 : i32
      %add3A_1674 = arith.addi %mul3A_1672, %add3A_1673 : i32
      %get3A_1675 = arith.index_cast %add3A_1674 : i32 to index
      %get3A_1676 = arith.constant 96 : index
      %get3A_1677 = tpu.vector_load %arg19[%get3A_1675, %get3A_1676] {strides = array<i32>} : memref<128x128xf32, #tpu.memory_space<vmem>>, vector<16xf32>,
      %add3A_1678 = arith.addf %add3A_1670, %get3A_1677 : vector<16xf32>
      %mul3A_1679 = arith.constant 8 : i32
      %mul3A_1680 = arith.muli %scan3A_1228, %mul3A_1679 : i32
      %add3A_1681 = arith.constant 4 : i32
      %add3A_1682 = arith.addi %mul3A_1680, %add3A_1681 : i32
      %get3A_1683 = arith.index_cast %add3A_1682 : i32 to index
      %get3A_1684 = arith.constant 96 : index
      %get3A_1685 = tpu.vector_load %arg19[%get3A_1683, %get3A_1684] {strides = array<i32>} : memref<128x128xf32, #tpu.memory_space<vmem>>, vector<16xf32>,
      %add3A_1686 = arith.addf %add3A_1678, %get3A_1685 : vector<16xf32>
      %mul3A_1687 = arith.constant 8 : i32
      %mul3A_1688 = arith.muli %scan3A_1228, %mul3A_1687 : i32
      %add3A_1689 = arith.constant 5 : i32
      %add3A_1690 = arith.addi %mul3A_1688, %add3A_1689 : i32
      %get3A_1691 = arith.index_cast %add3A_1690 : i32 to index
      %get3A_1692 = arith.constant 96 : index
      %get3A_1693 = tpu.vector_load %arg19[%get3A_1691, %get3A_1692] {strides = array<i32>} : memref<128x128xf32, #tpu.memory_space<vmem>>, vector<16xf32>,
      %add3A_1694 = arith.addf %add3A_1686, %get3A_1693 : vector<16xf32>
      %mul3A_1695 = arith.constant 8 : i32
      %mul3A_1696 = arith.muli %scan3A_1228, %mul3A_1695 : i32
      %add3A_1697 = arith.constant 6 : i32
      %add3A_1698 = arith.addi %mul3A_1696, %add3A_1697 : i32
      %get3A_1699 = arith.index_cast %add3A_1698 : i32 to index
      %get3A_1700 = arith.constant 96 : index
      %get3A_1701 = tpu.vector_load %arg19[%get3A_1699, %get3A_1700] {strides = array<i32>} : memref<128x128xf32, #tpu.memory_space<vmem>>, vector<16xf32>,
      %add3A_1702 = arith.addf %add3A_1694, %get3A_1701 : vector<16xf32>
      %mul3A_1703 = arith.constant 8 : i32
      %mul3A_1704 = arith.muli %scan3A_1228, %mul3A_1703 : i32
      %add3A_1705 = arith.constant 7 : i32
      %add3A_1706 = arith.addi %mul3A_1704, %add3A_1705 : i32
      %get3A_1707 = arith.index_cast %add3A_1706 : i32 to index
      %get3A_1708 = arith.constant 96 : index
      %get3A_1709 = tpu.vector_load %arg19[%get3A_1707, %get3A_1708] {strides = array<i32>} : memref<128x128xf32, #tpu.memory_space<vmem>>, vector<16xf32>,
      %add3A_1710 = arith.addf %add3A_1702, %get3A_1709 : vector<16xf32>
      %get3A_1711 = arith.constant 96 : index
      %get3A_1712 = tpu.vector_load %arg21[%get3A_1711] {strides = array<i32>} : memref<128xf32, #tpu.memory_space<vmem>>, vector<16xf32>,
      %mul3A_1713 = arith.mulf %gather3A_1235, %get3A_1712 : vector<16xf32>
      %sub3A_1714 = arith.subf %add3A_1710, %mul3A_1713 : vector<16xf32>
      %mul3A_1715 = arith.mulf %sub3A_1714, %gather3A_1233 : vector<16xf32>
      %swap3A_1716 = arith.index_cast %add3A_1231 : i32 to index
      %swap3A_1717 = arith.constant 96 : index
      %swap3A_1718 = tpu.vector_load %arg20[%swap3A_1716, %swap3A_1717] {strides = array<i32>} : memref<32x128xf32, #tpu.memory_space<vmem>>, vector<16xf32>,
      tpu.vector_store %arg20[%swap3A_1716, %swap3A_1717], %mul3A_1715 {strides = array<i32>} : memref<32x128xf32, #tpu.memory_space<vmem>>, vector<16xf32>,
      %mul3A_1719 = arith.constant 8 : i32
      %mul3A_1720 = arith.muli %scan3A_1228, %mul3A_1719 : i32
      %get3A_1721 = arith.index_cast %mul3A_1720 : i32 to index
      %get3A_1722 = arith.constant 112 : index
      %get3A_1723 = tpu.vector_load %arg19[%get3A_1721, %get3A_1722] {strides = array<i32>} : memref<128x128xf32, #tpu.memory_space<vmem>>, vector<16xf32>,
      %mul3A_1724 = arith.constant 8 : i32
      %mul3A_1725 = arith.muli %scan3A_1228, %mul3A_1724 : i32
      %add3A_1726 = arith.constant 1 : i32
      %add3A_1727 = arith.addi %mul3A_1725, %add3A_1726 : i32
      %get3A_1728 = arith.index_cast %add3A_1727 : i32 to index
      %get3A_1729 = arith.constant 112 : index
      %get3A_1730 = tpu.vector_load %arg19[%get3A_1728, %get3A_1729] {strides = array<i32>} : memref<128x128xf32, #tpu.memory_space<vmem>>, vector<16xf32>,
      %add3A_1731 = arith.addf %get3A_1723, %get3A_1730 : vector<16xf32>
      %mul3A_1732 = arith.constant 8 : i32
      %mul3A_1733 = arith.muli %scan3A_1228, %mul3A_1732 : i32
      %add3A_1734 = arith.constant 2 : i32
      %add3A_1735 = arith.addi %mul3A_1733, %add3A_1734 : i32
      %get3A_1736 = arith.index_cast %add3A_1735 : i32 to index
      %get3A_1737 = arith.constant 112 : index
      %get3A_1738 = tpu.vector_load %arg19[%get3A_1736, %get3A_1737] {strides = array<i32>} : memref<128x128xf32, #tpu.memory_space<vmem>>, vector<16xf32>,
      %add3A_1739 = arith.addf %add3A_1731, %get3A_1738 : vector<16xf32>
      %mul3A_1740 = arith.constant 8 : i32
      %mul3A_1741 = arith.muli %scan3A_1228, %mul3A_1740 : i32
      %add3A_1742 = arith.constant 3 : i32
      %add3A_1743 = arith.addi %mul3A_1741, %add3A_1742 : i32
      %get3A_1744 = arith.index_cast %add3A_1743 : i32 to index
      %get3A_1745 = arith.constant 112 : index
      %get3A_1746 = tpu.vector_load %arg19[%get3A_1744, %get3A_1745] {strides = array<i32>} : memref<128x128xf32, #tpu.memory_space<vmem>>, vector<16xf32>,
      %add3A_1747 = arith.addf %add3A_1739, %get3A_1746 : vector<16xf32>
      %mul3A_1748 = arith.constant 8 : i32
      %mul3A_1749 = arith.muli %scan3A_1228, %mul3A_1748 : i32
      %add3A_1750 = arith.constant 4 : i32
      %add3A_1751 = arith.addi %mul3A_1749, %add3A_1750 : i32
      %get3A_1752 = arith.index_cast %add3A_1751 : i32 to index
      %get3A_1753 = arith.constant 112 : index
      %get3A_1754 = tpu.vector_load %arg19[%get3A_1752, %get3A_1753] {strides = array<i32>} : memref<128x128xf32, #tpu.memory_space<vmem>>, vector<16xf32>,
      %add3A_1755 = arith.addf %add3A_1747, %get3A_1754 : vector<16xf32>
      %mul3A_1756 = arith.constant 8 : i32
      %mul3A_1757 = arith.muli %scan3A_1228, %mul3A_1756 : i32
      %add3A_1758 = arith.constant 5 : i32
      %add3A_1759 = arith.addi %mul3A_1757, %add3A_1758 : i32
      %get3A_1760 = arith.index_cast %add3A_1759 : i32 to index
      %get3A_1761 = arith.constant 112 : index
      %get3A_1762 = tpu.vector_load %arg19[%get3A_1760, %get3A_1761] {strides = array<i32>} : memref<128x128xf32, #tpu.memory_space<vmem>>, vector<16xf32>,
      %add3A_1763 = arith.addf %add3A_1755, %get3A_1762 : vector<16xf32>
      %mul3A_1764 = arith.constant 8 : i32
      %mul3A_1765 = arith.muli %scan3A_1228, %mul3A_1764 : i32
      %add3A_1766 = arith.constant 6 : i32
      %add3A_1767 = arith.addi %mul3A_1765, %add3A_1766 : i32
      %get3A_1768 = arith.index_cast %add3A_1767 : i32 to index
      %get3A_1769 = arith.constant 112 : index
      %get3A_1770 = tpu.vector_load %arg19[%get3A_1768, %get3A_1769] {strides = array<i32>} : memref<128x128xf32, #tpu.memory_space<vmem>>, vector<16xf32>,
      %add3A_1771 = arith.addf %add3A_1763, %get3A_1770 : vector<16xf32>
      %mul3A_1772 = arith.constant 8 : i32
      %mul3A_1773 = arith.muli %scan3A_1228, %mul3A_1772 : i32
      %add3A_1774 = arith.constant 7 : i32
      %add3A_1775 = arith.addi %mul3A_1773, %add3A_1774 : i32
      %get3A_1776 = arith.index_cast %add3A_1775 : i32 to index
      %get3A_1777 = arith.constant 112 : index
      %get3A_1778 = tpu.vector_load %arg19[%get3A_1776, %get3A_1777] {strides = array<i32>} : memref<128x128xf32, #tpu.memory_space<vmem>>, vector<16xf32>,
      %add3A_1779 = arith.addf %add3A_1771, %get3A_1778 : vector<16xf32>
      %get3A_1780 = arith.constant 112 : index
      %get3A_1781 = tpu.vector_load %arg21[%get3A_1780] {strides = array<i32>} : memref<128xf32, #tpu.memory_space<vmem>>, vector<16xf32>,
      %mul3A_1782 = arith.mulf %gather3A_1235, %get3A_1781 : vector<16xf32>
      %sub3A_1783 = arith.subf %add3A_1779, %mul3A_1782 : vector<16xf32>
      %mul3A_1784 = arith.mulf %sub3A_1783, %gather3A_1233 : vector<16xf32>
      %swap3A_1785 = arith.index_cast %add3A_1231 : i32 to index
      %swap3A_1786 = arith.constant 112 : index
      %swap3A_1787 = tpu.vector_load %arg20[%swap3A_1785, %swap3A_1786] {strides = array<i32>} : memref<32x128xf32, #tpu.memory_space<vmem>>, vector<16xf32>,
      tpu.vector_store %arg20[%swap3A_1785, %swap3A_1786], %mul3A_1784 {strides = array<i32>} : memref<32x128xf32, #tpu.memory_space<vmem>>, vector<16xf32>,
      %scan3A_1788 = arith.constant 0 : i32
      scf.yield %scan3A_1788 : i32
    }
    %scan3A_769 = arith.constant 16 : i32
    %dma_start3A_770 = arith.constant 1 : i32
    %dma_start3A_771 = arith.constant 0 : i32
    %dma_start3A_772 = tpu.memref_slice %arg14[%dma_start3A_770, %dma_start3A_771] : memref<2x128xi32, #tpu.memory_space<vmem>> -> memref<1x128xi32, #tpu.memory_space<vmem>>
    %dma_start3A_773 = tpu.memref_squeeze %dma_start3A_772 : memref<1x128xi32, #tpu.memory_space<vmem>> -> memref<128xi32, #tpu.memory_space<vmem>>
    %dma_start3A_774 = arith.constant 0 : i32
    %dma_start3A_775 = arith.constant 0 : i32
    %dma_start3A_776 = tpu.memref_slice %arg3[%dma_start3A_774, %dma_start3A_775] : memref<100000x128xf32, #tpu.memory_space<hbm>> -> memref<100000x128xf32, #tpu.memory_space<hbm>>
    tpu.enqueue_indirect_dma source(%dma_start3A_776 : memref<100000x128xf32, #tpu.memory_space<hbm>>) target(%arg19 : memref<128x128xf32, #tpu.memory_space<vmem>>) offsets(%dma_start3A_773 : memref<128xi32, #tpu.memory_space<vmem>>) semaphore(%arg39 : memref<!tpu.dma_semaphore, #tpu.memory_space<semaphore_mem>>)
    %dma_wait3A_777 = arith.constant 1 : i32
    %dma_wait3A_778 = arith.constant 0 : i32
    %dma_wait3A_779 = tpu.memref_slice %arg14[%dma_wait3A_777, %dma_wait3A_778] : memref<2x128xi32, #tpu.memory_space<vmem>> -> memref<1x128xi32, #tpu.memory_space<vmem>>
    %dma_wait3A_780 = tpu.memref_squeeze %dma_wait3A_779 : memref<1x128xi32, #tpu.memory_space<vmem>> -> memref<128xi32, #tpu.memory_space<vmem>>
    %dma_wait3A_781 = arith.constant 0 : i32
    %dma_wait3A_782 = arith.constant 0 : i32
    %dma_wait3A_783 = tpu.memref_slice %arg3[%dma_wait3A_781, %dma_wait3A_782] : memref<100000x128xf32, #tpu.memory_space<hbm>> -> memref<100000x128xf32, #tpu.memory_space<hbm>>
    tpu.wait_indirect_dma semaphore(%arg39 : memref<!tpu.dma_semaphore, #tpu.memory_space<semaphore_mem>>) src(%dma_wait3A_783 : memref<100000x128xf32, #tpu.memory_space<hbm>>) dst(%arg19 : memref<128x128xf32, #tpu.memory_space<vmem>>)
    %scan3A_784 = arith.constant 0 : i32
    %scan3A_785 = arith.constant 0 : i32
    %scan3A_786 = arith.constant 16 : i32
    %scan3A_787 = arith.addi %scan3A_785, %scan3A_786 : i32
    %scan3A_788 = arith.constant 1 : i32
    %scan3A_789 = scf.for %scan3A_1228 = %scan3A_785 to %scan3A_787 step %scan3A_788 iter_args(%scan3A_1229 = %scan3A_784) -> (i32)  : i32 {
      %add3A_1230 = arith.constant 16 : i32
      %add3A_1231 = arith.addi %add3A_1230, %scan3A_1228 : i32
      %broadcast_in_dim3A_1232 = vector.broadcast %add3A_1231 : i32 to vector<16xi32>
      %gather3A_1233 = tpu.vector_load_idx %arg22[%broadcast_in_dim3A_1232] : memref<32xf32, #tpu.memory_space<vmem>>[vector<16xi32>], vector<16xf32>,
      %broadcast_in_dim3A_1234 = vector.broadcast %add3A_1231 : i32 to vector<16xi32>
      %gather3A_1235 = tpu.vector_load_idx %arg23[%broadcast_in_dim3A_1234] : memref<32xf32, #tpu.memory_space<vmem>>[vector<16xi32>], vector<16xf32>,
      %mul3A_1236 = arith.constant 8 : i32
      %mul3A_1237 = arith.muli %scan3A_1228, %mul3A_1236 : i32
      %get3A_1238 = arith.index_cast %mul3A_1237 : i32 to index
      %get3A_1239 = arith.constant 0 : index
      %get3A_1240 = tpu.vector_load %arg19[%get3A_1238, %get3A_1239] {strides = array<i32>} : memref<128x128xf32, #tpu.memory_space<vmem>>, vector<16xf32>,
      %mul3A_1241 = arith.constant 8 : i32
      %mul3A_1242 = arith.muli %scan3A_1228, %mul3A_1241 : i32
      %add3A_1243 = arith.constant 1 : i32
      %add3A_1244 = arith.addi %mul3A_1242, %add3A_1243 : i32
      %get3A_1245 = arith.index_cast %add3A_1244 : i32 to index
      %get3A_1246 = arith.constant 0 : index
      %get3A_1247 = tpu.vector_load %arg19[%get3A_1245, %get3A_1246] {strides = array<i32>} : memref<128x128xf32, #tpu.memory_space<vmem>>, vector<16xf32>,
      %add3A_1248 = arith.addf %get3A_1240, %get3A_1247 : vector<16xf32>
      %mul3A_1249 = arith.constant 8 : i32
      %mul3A_1250 = arith.muli %scan3A_1228, %mul3A_1249 : i32
      %add3A_1251 = arith.constant 2 : i32
      %add3A_1252 = arith.addi %mul3A_1250, %add3A_1251 : i32
      %get3A_1253 = arith.index_cast %add3A_1252 : i32 to index
      %get3A_1254 = arith.constant 0 : index
      %get3A_1255 = tpu.vector_load %arg19[%get3A_1253, %get3A_1254] {strides = array<i32>} : memref<128x128xf32, #tpu.memory_space<vmem>>, vector<16xf32>,
      %add3A_1256 = arith.addf %add3A_1248, %get3A_1255 : vector<16xf32>
      %mul3A_1257 = arith.constant 8 : i32
      %mul3A_1258 = arith.muli %scan3A_1228, %mul3A_1257 : i32
      %add3A_1259 = arith.constant 3 : i32
      %add3A_1260 = arith.addi %mul3A_1258, %add3A_1259 : i32
      %get3A_1261 = arith.index_cast %add3A_1260 : i32 to index
      %get3A_1262 = arith.constant 0 : index
      %get3A_1263 = tpu.vector_load %arg19[%get3A_1261, %get3A_1262] {strides = array<i32>} : memref<128x128xf32, #tpu.memory_space<vmem>>, vector<16xf32>,
      %add3A_1264 = arith.addf %add3A_1256, %get3A_1263 : vector<16xf32>
      %mul3A_1265 = arith.constant 8 : i32
      %mul3A_1266 = arith.muli %scan3A_1228, %mul3A_1265 : i32
      %add3A_1267 = arith.constant 4 : i32
      %add3A_1268 = arith.addi %mul3A_1266, %add3A_1267 : i32
      %get3A_1269 = arith.index_cast %add3A_1268 : i32 to index
      %get3A_1270 = arith.constant 0 : index
      %get3A_1271 = tpu.vector_load %arg19[%get3A_1269, %get3A_1270] {strides = array<i32>} : memref<128x128xf32, #tpu.memory_space<vmem>>, vector<16xf32>,
      %add3A_1272 = arith.addf %add3A_1264, %get3A_1271 : vector<16xf32>
      %mul3A_1273 = arith.constant 8 : i32
      %mul3A_1274 = arith.muli %scan3A_1228, %mul3A_1273 : i32
      %add3A_1275 = arith.constant 5 : i32
      %add3A_1276 = arith.addi %mul3A_1274, %add3A_1275 : i32
      %get3A_1277 = arith.index_cast %add3A_1276 : i32 to index
      %get3A_1278 = arith.constant 0 : index
      %get3A_1279 = tpu.vector_load %arg19[%get3A_1277, %get3A_1278] {strides = array<i32>} : memref<128x128xf32, #tpu.memory_space<vmem>>, vector<16xf32>,
      %add3A_1280 = arith.addf %add3A_1272, %get3A_1279 : vector<16xf32>
      %mul3A_1281 = arith.constant 8 : i32
      %mul3A_1282 = arith.muli %scan3A_1228, %mul3A_1281 : i32
      %add3A_1283 = arith.constant 6 : i32
      %add3A_1284 = arith.addi %mul3A_1282, %add3A_1283 : i32
      %get3A_1285 = arith.index_cast %add3A_1284 : i32 to index
      %get3A_1286 = arith.constant 0 : index
      %get3A_1287 = tpu.vector_load %arg19[%get3A_1285, %get3A_1286] {strides = array<i32>} : memref<128x128xf32, #tpu.memory_space<vmem>>, vector<16xf32>,
      %add3A_1288 = arith.addf %add3A_1280, %get3A_1287 : vector<16xf32>
      %mul3A_1289 = arith.constant 8 : i32
      %mul3A_1290 = arith.muli %scan3A_1228, %mul3A_1289 : i32
      %add3A_1291 = arith.constant 7 : i32
      %add3A_1292 = arith.addi %mul3A_1290, %add3A_1291 : i32
      %get3A_1293 = arith.index_cast %add3A_1292 : i32 to index
      %get3A_1294 = arith.constant 0 : index
      %get3A_1295 = tpu.vector_load %arg19[%get3A_1293, %get3A_1294] {strides = array<i32>} : memref<128x128xf32, #tpu.memory_space<vmem>>, vector<16xf32>,
      %add3A_1296 = arith.addf %add3A_1288, %get3A_1295 : vector<16xf32>
      %get3A_1297 = arith.constant 0 : index
      %get3A_1298 = tpu.vector_load %arg21[%get3A_1297] {strides = array<i32>} : memref<128xf32, #tpu.memory_space<vmem>>, vector<16xf32>,
      %mul3A_1299 = arith.mulf %gather3A_1235, %get3A_1298 : vector<16xf32>
      %sub3A_1300 = arith.subf %add3A_1296, %mul3A_1299 : vector<16xf32>
      %mul3A_1301 = arith.mulf %sub3A_1300, %gather3A_1233 : vector<16xf32>
      %swap3A_1302 = arith.index_cast %add3A_1231 : i32 to index
      %swap3A_1303 = arith.constant 0 : index
      %swap3A_1304 = tpu.vector_load %arg20[%swap3A_1302, %swap3A_1303] {strides = array<i32>} : memref<32x128xf32, #tpu.memory_space<vmem>>, vector<16xf32>,
      tpu.vector_store %arg20[%swap3A_1302, %swap3A_1303], %mul3A_1301 {strides = array<i32>} : memref<32x128xf32, #tpu.memory_space<vmem>>, vector<16xf32>,
      %mul3A_1305 = arith.constant 8 : i32
      %mul3A_1306 = arith.muli %scan3A_1228, %mul3A_1305 : i32
      %get3A_1307 = arith.index_cast %mul3A_1306 : i32 to index
      %get3A_1308 = arith.constant 16 : index
      %get3A_1309 = tpu.vector_load %arg19[%get3A_1307, %get3A_1308] {strides = array<i32>} : memref<128x128xf32, #tpu.memory_space<vmem>>, vector<16xf32>,
      %mul3A_1310 = arith.constant 8 : i32
      %mul3A_1311 = arith.muli %scan3A_1228, %mul3A_1310 : i32
      %add3A_1312 = arith.constant 1 : i32
      %add3A_1313 = arith.addi %mul3A_1311, %add3A_1312 : i32
      %get3A_1314 = arith.index_cast %add3A_1313 : i32 to index
      %get3A_1315 = arith.constant 16 : index
      %get3A_1316 = tpu.vector_load %arg19[%get3A_1314, %get3A_1315] {strides = array<i32>} : memref<128x128xf32, #tpu.memory_space<vmem>>, vector<16xf32>,
      %add3A_1317 = arith.addf %get3A_1309, %get3A_1316 : vector<16xf32>
      %mul3A_1318 = arith.constant 8 : i32
      %mul3A_1319 = arith.muli %scan3A_1228, %mul3A_1318 : i32
      %add3A_1320 = arith.constant 2 : i32
      %add3A_1321 = arith.addi %mul3A_1319, %add3A_1320 : i32
      %get3A_1322 = arith.index_cast %add3A_1321 : i32 to index
      %get3A_1323 = arith.constant 16 : index
      %get3A_1324 = tpu.vector_load %arg19[%get3A_1322, %get3A_1323] {strides = array<i32>} : memref<128x128xf32, #tpu.memory_space<vmem>>, vector<16xf32>,
      %add3A_1325 = arith.addf %add3A_1317, %get3A_1324 : vector<16xf32>
      %mul3A_1326 = arith.constant 8 : i32
      %mul3A_1327 = arith.muli %scan3A_1228, %mul3A_1326 : i32
      %add3A_1328 = arith.constant 3 : i32
      %add3A_1329 = arith.addi %mul3A_1327, %add3A_1328 : i32
      %get3A_1330 = arith.index_cast %add3A_1329 : i32 to index
      %get3A_1331 = arith.constant 16 : index
      %get3A_1332 = tpu.vector_load %arg19[%get3A_1330, %get3A_1331] {strides = array<i32>} : memref<128x128xf32, #tpu.memory_space<vmem>>, vector<16xf32>,
      %add3A_1333 = arith.addf %add3A_1325, %get3A_1332 : vector<16xf32>
      %mul3A_1334 = arith.constant 8 : i32
      %mul3A_1335 = arith.muli %scan3A_1228, %mul3A_1334 : i32
      %add3A_1336 = arith.constant 4 : i32
      %add3A_1337 = arith.addi %mul3A_1335, %add3A_1336 : i32
      %get3A_1338 = arith.index_cast %add3A_1337 : i32 to index
      %get3A_1339 = arith.constant 16 : index
      %get3A_1340 = tpu.vector_load %arg19[%get3A_1338, %get3A_1339] {strides = array<i32>} : memref<128x128xf32, #tpu.memory_space<vmem>>, vector<16xf32>,
      %add3A_1341 = arith.addf %add3A_1333, %get3A_1340 : vector<16xf32>
      %mul3A_1342 = arith.constant 8 : i32
      %mul3A_1343 = arith.muli %scan3A_1228, %mul3A_1342 : i32
      %add3A_1344 = arith.constant 5 : i32
      %add3A_1345 = arith.addi %mul3A_1343, %add3A_1344 : i32
      %get3A_1346 = arith.index_cast %add3A_1345 : i32 to index
      %get3A_1347 = arith.constant 16 : index
      %get3A_1348 = tpu.vector_load %arg19[%get3A_1346, %get3A_1347] {strides = array<i32>} : memref<128x128xf32, #tpu.memory_space<vmem>>, vector<16xf32>,
      %add3A_1349 = arith.addf %add3A_1341, %get3A_1348 : vector<16xf32>
      %mul3A_1350 = arith.constant 8 : i32
      %mul3A_1351 = arith.muli %scan3A_1228, %mul3A_1350 : i32
      %add3A_1352 = arith.constant 6 : i32
      %add3A_1353 = arith.addi %mul3A_1351, %add3A_1352 : i32
      %get3A_1354 = arith.index_cast %add3A_1353 : i32 to index
      %get3A_1355 = arith.constant 16 : index
      %get3A_1356 = tpu.vector_load %arg19[%get3A_1354, %get3A_1355] {strides = array<i32>} : memref<128x128xf32, #tpu.memory_space<vmem>>, vector<16xf32>,
      %add3A_1357 = arith.addf %add3A_1349, %get3A_1356 : vector<16xf32>
      %mul3A_1358 = arith.constant 8 : i32
      %mul3A_1359 = arith.muli %scan3A_1228, %mul3A_1358 : i32
      %add3A_1360 = arith.constant 7 : i32
      %add3A_1361 = arith.addi %mul3A_1359, %add3A_1360 : i32
      %get3A_1362 = arith.index_cast %add3A_1361 : i32 to index
      %get3A_1363 = arith.constant 16 : index
      %get3A_1364 = tpu.vector_load %arg19[%get3A_1362, %get3A_1363] {strides = array<i32>} : memref<128x128xf32, #tpu.memory_space<vmem>>, vector<16xf32>,
      %add3A_1365 = arith.addf %add3A_1357, %get3A_1364 : vector<16xf32>
      %get3A_1366 = arith.constant 16 : index
      %get3A_1367 = tpu.vector_load %arg21[%get3A_1366] {strides = array<i32>} : memref<128xf32, #tpu.memory_space<vmem>>, vector<16xf32>,
      %mul3A_1368 = arith.mulf %gather3A_1235, %get3A_1367 : vector<16xf32>
      %sub3A_1369 = arith.subf %add3A_1365, %mul3A_1368 : vector<16xf32>
      %mul3A_1370 = arith.mulf %sub3A_1369, %gather3A_1233 : vector<16xf32>
      %swap3A_1371 = arith.index_cast %add3A_1231 : i32 to index
      %swap3A_1372 = arith.constant 16 : index
      %swap3A_1373 = tpu.vector_load %arg20[%swap3A_1371, %swap3A_1372] {strides = array<i32>} : memref<32x128xf32, #tpu.memory_space<vmem>>, vector<16xf32>,
      tpu.vector_store %arg20[%swap3A_1371, %swap3A_1372], %mul3A_1370 {strides = array<i32>} : memref<32x128xf32, #tpu.memory_space<vmem>>, vector<16xf32>,
      %mul3A_1374 = arith.constant 8 : i32
      %mul3A_1375 = arith.muli %scan3A_1228, %mul3A_1374 : i32
      %get3A_1376 = arith.index_cast %mul3A_1375 : i32 to index
      %get3A_1377 = arith.constant 32 : index
      %get3A_1378 = tpu.vector_load %arg19[%get3A_1376, %get3A_1377] {strides = array<i32>} : memref<128x128xf32, #tpu.memory_space<vmem>>, vector<16xf32>,
      %mul3A_1379 = arith.constant 8 : i32
      %mul3A_1380 = arith.muli %scan3A_1228, %mul3A_1379 : i32
      %add3A_1381 = arith.constant 1 : i32
      %add3A_1382 = arith.addi %mul3A_1380, %add3A_1381 : i32
      %get3A_1383 = arith.index_cast %add3A_1382 : i32 to index
      %get3A_1384 = arith.constant 32 : index
      %get3A_1385 = tpu.vector_load %arg19[%get3A_1383, %get3A_1384] {strides = array<i32>} : memref<128x128xf32, #tpu.memory_space<vmem>>, vector<16xf32>,
      %add3A_1386 = arith.addf %get3A_1378, %get3A_1385 : vector<16xf32>
      %mul3A_1387 = arith.constant 8 : i32
      %mul3A_1388 = arith.muli %scan3A_1228, %mul3A_1387 : i32
      %add3A_1389 = arith.constant 2 : i32
      %add3A_1390 = arith.addi %mul3A_1388, %add3A_1389 : i32
      %get3A_1391 = arith.index_cast %add3A_1390 : i32 to index
      %get3A_1392 = arith.constant 32 : index
      %get3A_1393 = tpu.vector_load %arg19[%get3A_1391, %get3A_1392] {strides = array<i32>} : memref<128x128xf32, #tpu.memory_space<vmem>>, vector<16xf32>,
      %add3A_1394 = arith.addf %add3A_1386, %get3A_1393 : vector<16xf32>
      %mul3A_1395 = arith.constant 8 : i32
      %mul3A_1396 = arith.muli %scan3A_1228, %mul3A_1395 : i32
      %add3A_1397 = arith.constant 3 : i32
      %add3A_1398 = arith.addi %mul3A_1396, %add3A_1397 : i32
      %get3A_1399 = arith.index_cast %add3A_1398 : i32 to index
      %get3A_1400 = arith.constant 32 : index
      %get3A_1401 = tpu.vector_load %arg19[%get3A_1399, %get3A_1400] {strides = array<i32>} : memref<128x128xf32, #tpu.memory_space<vmem>>, vector<16xf32>,
      %add3A_1402 = arith.addf %add3A_1394, %get3A_1401 : vector<16xf32>
      %mul3A_1403 = arith.constant 8 : i32
      %mul3A_1404 = arith.muli %scan3A_1228, %mul3A_1403 : i32
      %add3A_1405 = arith.constant 4 : i32
      %add3A_1406 = arith.addi %mul3A_1404, %add3A_1405 : i32
      %get3A_1407 = arith.index_cast %add3A_1406 : i32 to index
      %get3A_1408 = arith.constant 32 : index
      %get3A_1409 = tpu.vector_load %arg19[%get3A_1407, %get3A_1408] {strides = array<i32>} : memref<128x128xf32, #tpu.memory_space<vmem>>, vector<16xf32>,
      %add3A_1410 = arith.addf %add3A_1402, %get3A_1409 : vector<16xf32>
      %mul3A_1411 = arith.constant 8 : i32
      %mul3A_1412 = arith.muli %scan3A_1228, %mul3A_1411 : i32
      %add3A_1413 = arith.constant 5 : i32
      %add3A_1414 = arith.addi %mul3A_1412, %add3A_1413 : i32
      %get3A_1415 = arith.index_cast %add3A_1414 : i32 to index
      %get3A_1416 = arith.constant 32 : index
      %get3A_1417 = tpu.vector_load %arg19[%get3A_1415, %get3A_1416] {strides = array<i32>} : memref<128x128xf32, #tpu.memory_space<vmem>>, vector<16xf32>,
      %add3A_1418 = arith.addf %add3A_1410, %get3A_1417 : vector<16xf32>
      %mul3A_1419 = arith.constant 8 : i32
      %mul3A_1420 = arith.muli %scan3A_1228, %mul3A_1419 : i32
      %add3A_1421 = arith.constant 6 : i32
      %add3A_1422 = arith.addi %mul3A_1420, %add3A_1421 : i32
      %get3A_1423 = arith.index_cast %add3A_1422 : i32 to index
      %get3A_1424 = arith.constant 32 : index
      %get3A_1425 = tpu.vector_load %arg19[%get3A_1423, %get3A_1424] {strides = array<i32>} : memref<128x128xf32, #tpu.memory_space<vmem>>, vector<16xf32>,
      %add3A_1426 = arith.addf %add3A_1418, %get3A_1425 : vector<16xf32>
      %mul3A_1427 = arith.constant 8 : i32
      %mul3A_1428 = arith.muli %scan3A_1228, %mul3A_1427 : i32
      %add3A_1429 = arith.constant 7 : i32
      %add3A_1430 = arith.addi %mul3A_1428, %add3A_1429 : i32
      %get3A_1431 = arith.index_cast %add3A_1430 : i32 to index
      %get3A_1432 = arith.constant 32 : index
      %get3A_1433 = tpu.vector_load %arg19[%get3A_1431, %get3A_1432] {strides = array<i32>} : memref<128x128xf32, #tpu.memory_space<vmem>>, vector<16xf32>,
      %add3A_1434 = arith.addf %add3A_1426, %get3A_1433 : vector<16xf32>
      %get3A_1435 = arith.constant 32 : index
      %get3A_1436 = tpu.vector_load %arg21[%get3A_1435] {strides = array<i32>} : memref<128xf32, #tpu.memory_space<vmem>>, vector<16xf32>,
      %mul3A_1437 = arith.mulf %gather3A_1235, %get3A_1436 : vector<16xf32>
      %sub3A_1438 = arith.subf %add3A_1434, %mul3A_1437 : vector<16xf32>
      %mul3A_1439 = arith.mulf %sub3A_1438, %gather3A_1233 : vector<16xf32>
      %swap3A_1440 = arith.index_cast %add3A_1231 : i32 to index
      %swap3A_1441 = arith.constant 32 : index
      %swap3A_1442 = tpu.vector_load %arg20[%swap3A_1440, %swap3A_1441] {strides = array<i32>} : memref<32x128xf32, #tpu.memory_space<vmem>>, vector<16xf32>,
      tpu.vector_store %arg20[%swap3A_1440, %swap3A_1441], %mul3A_1439 {strides = array<i32>} : memref<32x128xf32, #tpu.memory_space<vmem>>, vector<16xf32>,
      %mul3A_1443 = arith.constant 8 : i32
      %mul3A_1444 = arith.muli %scan3A_1228, %mul3A_1443 : i32
      %get3A_1445 = arith.index_cast %mul3A_1444 : i32 to index
      %get3A_1446 = arith.constant 48 : index
      %get3A_1447 = tpu.vector_load %arg19[%get3A_1445, %get3A_1446] {strides = array<i32>} : memref<128x128xf32, #tpu.memory_space<vmem>>, vector<16xf32>,
      %mul3A_1448 = arith.constant 8 : i32
      %mul3A_1449 = arith.muli %scan3A_1228, %mul3A_1448 : i32
      %add3A_1450 = arith.constant 1 : i32
      %add3A_1451 = arith.addi %mul3A_1449, %add3A_1450 : i32
      %get3A_1452 = arith.index_cast %add3A_1451 : i32 to index
      %get3A_1453 = arith.constant 48 : index
      %get3A_1454 = tpu.vector_load %arg19[%get3A_1452, %get3A_1453] {strides = array<i32>} : memref<128x128xf32, #tpu.memory_space<vmem>>, vector<16xf32>,
      %add3A_1455 = arith.addf %get3A_1447, %get3A_1454 : vector<16xf32>
      %mul3A_1456 = arith.constant 8 : i32
      %mul3A_1457 = arith.muli %scan3A_1228, %mul3A_1456 : i32
      %add3A_1458 = arith.constant 2 : i32
      %add3A_1459 = arith.addi %mul3A_1457, %add3A_1458 : i32
      %get3A_1460 = arith.index_cast %add3A_1459 : i32 to index
      %get3A_1461 = arith.constant 48 : index
      %get3A_1462 = tpu.vector_load %arg19[%get3A_1460, %get3A_1461] {strides = array<i32>} : memref<128x128xf32, #tpu.memory_space<vmem>>, vector<16xf32>,
      %add3A_1463 = arith.addf %add3A_1455, %get3A_1462 : vector<16xf32>
      %mul3A_1464 = arith.constant 8 : i32
      %mul3A_1465 = arith.muli %scan3A_1228, %mul3A_1464 : i32
      %add3A_1466 = arith.constant 3 : i32
      %add3A_1467 = arith.addi %mul3A_1465, %add3A_1466 : i32
      %get3A_1468 = arith.index_cast %add3A_1467 : i32 to index
      %get3A_1469 = arith.constant 48 : index
      %get3A_1470 = tpu.vector_load %arg19[%get3A_1468, %get3A_1469] {strides = array<i32>} : memref<128x128xf32, #tpu.memory_space<vmem>>, vector<16xf32>,
      %add3A_1471 = arith.addf %add3A_1463, %get3A_1470 : vector<16xf32>
      %mul3A_1472 = arith.constant 8 : i32
      %mul3A_1473 = arith.muli %scan3A_1228, %mul3A_1472 : i32
      %add3A_1474 = arith.constant 4 : i32
      %add3A_1475 = arith.addi %mul3A_1473, %add3A_1474 : i32
      %get3A_1476 = arith.index_cast %add3A_1475 : i32 to index
      %get3A_1477 = arith.constant 48 : index
      %get3A_1478 = tpu.vector_load %arg19[%get3A_1476, %get3A_1477] {strides = array<i32>} : memref<128x128xf32, #tpu.memory_space<vmem>>, vector<16xf32>,
      %add3A_1479 = arith.addf %add3A_1471, %get3A_1478 : vector<16xf32>
      %mul3A_1480 = arith.constant 8 : i32
      %mul3A_1481 = arith.muli %scan3A_1228, %mul3A_1480 : i32
      %add3A_1482 = arith.constant 5 : i32
      %add3A_1483 = arith.addi %mul3A_1481, %add3A_1482 : i32
      %get3A_1484 = arith.index_cast %add3A_1483 : i32 to index
      %get3A_1485 = arith.constant 48 : index
      %get3A_1486 = tpu.vector_load %arg19[%get3A_1484, %get3A_1485] {strides = array<i32>} : memref<128x128xf32, #tpu.memory_space<vmem>>, vector<16xf32>,
      %add3A_1487 = arith.addf %add3A_1479, %get3A_1486 : vector<16xf32>
      %mul3A_1488 = arith.constant 8 : i32
      %mul3A_1489 = arith.muli %scan3A_1228, %mul3A_1488 : i32
      %add3A_1490 = arith.constant 6 : i32
      %add3A_1491 = arith.addi %mul3A_1489, %add3A_1490 : i32
      %get3A_1492 = arith.index_cast %add3A_1491 : i32 to index
      %get3A_1493 = arith.constant 48 : index
      %get3A_1494 = tpu.vector_load %arg19[%get3A_1492, %get3A_1493] {strides = array<i32>} : memref<128x128xf32, #tpu.memory_space<vmem>>, vector<16xf32>,
      %add3A_1495 = arith.addf %add3A_1487, %get3A_1494 : vector<16xf32>
      %mul3A_1496 = arith.constant 8 : i32
      %mul3A_1497 = arith.muli %scan3A_1228, %mul3A_1496 : i32
      %add3A_1498 = arith.constant 7 : i32
      %add3A_1499 = arith.addi %mul3A_1497, %add3A_1498 : i32
      %get3A_1500 = arith.index_cast %add3A_1499 : i32 to index
      %get3A_1501 = arith.constant 48 : index
      %get3A_1502 = tpu.vector_load %arg19[%get3A_1500, %get3A_1501] {strides = array<i32>} : memref<128x128xf32, #tpu.memory_space<vmem>>, vector<16xf32>,
      %add3A_1503 = arith.addf %add3A_1495, %get3A_1502 : vector<16xf32>
      %get3A_1504 = arith.constant 48 : index
      %get3A_1505 = tpu.vector_load %arg21[%get3A_1504] {strides = array<i32>} : memref<128xf32, #tpu.memory_space<vmem>>, vector<16xf32>,
      %mul3A_1506 = arith.mulf %gather3A_1235, %get3A_1505 : vector<16xf32>
      %sub3A_1507 = arith.subf %add3A_1503, %mul3A_1506 : vector<16xf32>
      %mul3A_1508 = arith.mulf %sub3A_1507, %gather3A_1233 : vector<16xf32>
      %swap3A_1509 = arith.index_cast %add3A_1231 : i32 to index
      %swap3A_1510 = arith.constant 48 : index
      %swap3A_1511 = tpu.vector_load %arg20[%swap3A_1509, %swap3A_1510] {strides = array<i32>} : memref<32x128xf32, #tpu.memory_space<vmem>>, vector<16xf32>,
      tpu.vector_store %arg20[%swap3A_1509, %swap3A_1510], %mul3A_1508 {strides = array<i32>} : memref<32x128xf32, #tpu.memory_space<vmem>>, vector<16xf32>,
      %mul3A_1512 = arith.constant 8 : i32
      %mul3A_1513 = arith.muli %scan3A_1228, %mul3A_1512 : i32
      %get3A_1514 = arith.index_cast %mul3A_1513 : i32 to index
      %get3A_1515 = arith.constant 64 : index
      %get3A_1516 = tpu.vector_load %arg19[%get3A_1514, %get3A_1515] {strides = array<i32>} : memref<128x128xf32, #tpu.memory_space<vmem>>, vector<16xf32>,
      %mul3A_1517 = arith.constant 8 : i32
      %mul3A_1518 = arith.muli %scan3A_1228, %mul3A_1517 : i32
      %add3A_1519 = arith.constant 1 : i32
      %add3A_1520 = arith.addi %mul3A_1518, %add3A_1519 : i32
      %get3A_1521 = arith.index_cast %add3A_1520 : i32 to index
      %get3A_1522 = arith.constant 64 : index
      %get3A_1523 = tpu.vector_load %arg19[%get3A_1521, %get3A_1522] {strides = array<i32>} : memref<128x128xf32, #tpu.memory_space<vmem>>, vector<16xf32>,
      %add3A_1524 = arith.addf %get3A_1516, %get3A_1523 : vector<16xf32>
      %mul3A_1525 = arith.constant 8 : i32
      %mul3A_1526 = arith.muli %scan3A_1228, %mul3A_1525 : i32
      %add3A_1527 = arith.constant 2 : i32
      %add3A_1528 = arith.addi %mul3A_1526, %add3A_1527 : i32
      %get3A_1529 = arith.index_cast %add3A_1528 : i32 to index
      %get3A_1530 = arith.constant 64 : index
      %get3A_1531 = tpu.vector_load %arg19[%get3A_1529, %get3A_1530] {strides = array<i32>} : memref<128x128xf32, #tpu.memory_space<vmem>>, vector<16xf32>,
      %add3A_1532 = arith.addf %add3A_1524, %get3A_1531 : vector<16xf32>
      %mul3A_1533 = arith.constant 8 : i32
      %mul3A_1534 = arith.muli %scan3A_1228, %mul3A_1533 : i32
      %add3A_1535 = arith.constant 3 : i32
      %add3A_1536 = arith.addi %mul3A_1534, %add3A_1535 : i32
      %get3A_1537 = arith.index_cast %add3A_1536 : i32 to index
      %get3A_1538 = arith.constant 64 : index
      %get3A_1539 = tpu.vector_load %arg19[%get3A_1537, %get3A_1538] {strides = array<i32>} : memref<128x128xf32, #tpu.memory_space<vmem>>, vector<16xf32>,
      %add3A_1540 = arith.addf %add3A_1532, %get3A_1539 : vector<16xf32>
      %mul3A_1541 = arith.constant 8 : i32
      %mul3A_1542 = arith.muli %scan3A_1228, %mul3A_1541 : i32
      %add3A_1543 = arith.constant 4 : i32
      %add3A_1544 = arith.addi %mul3A_1542, %add3A_1543 : i32
      %get3A_1545 = arith.index_cast %add3A_1544 : i32 to index
      %get3A_1546 = arith.constant 64 : index
      %get3A_1547 = tpu.vector_load %arg19[%get3A_1545, %get3A_1546] {strides = array<i32>} : memref<128x128xf32, #tpu.memory_space<vmem>>, vector<16xf32>,
      %add3A_1548 = arith.addf %add3A_1540, %get3A_1547 : vector<16xf32>
      %mul3A_1549 = arith.constant 8 : i32
      %mul3A_1550 = arith.muli %scan3A_1228, %mul3A_1549 : i32
      %add3A_1551 = arith.constant 5 : i32
      %add3A_1552 = arith.addi %mul3A_1550, %add3A_1551 : i32
      %get3A_1553 = arith.index_cast %add3A_1552 : i32 to index
      %get3A_1554 = arith.constant 64 : index
      %get3A_1555 = tpu.vector_load %arg19[%get3A_1553, %get3A_1554] {strides = array<i32>} : memref<128x128xf32, #tpu.memory_space<vmem>>, vector<16xf32>,
      %add3A_1556 = arith.addf %add3A_1548, %get3A_1555 : vector<16xf32>
      %mul3A_1557 = arith.constant 8 : i32
      %mul3A_1558 = arith.muli %scan3A_1228, %mul3A_1557 : i32
      %add3A_1559 = arith.constant 6 : i32
      %add3A_1560 = arith.addi %mul3A_1558, %add3A_1559 : i32
      %get3A_1561 = arith.index_cast %add3A_1560 : i32 to index
      %get3A_1562 = arith.constant 64 : index
      %get3A_1563 = tpu.vector_load %arg19[%get3A_1561, %get3A_1562] {strides = array<i32>} : memref<128x128xf32, #tpu.memory_space<vmem>>, vector<16xf32>,
      %add3A_1564 = arith.addf %add3A_1556, %get3A_1563 : vector<16xf32>
      %mul3A_1565 = arith.constant 8 : i32
      %mul3A_1566 = arith.muli %scan3A_1228, %mul3A_1565 : i32
      %add3A_1567 = arith.constant 7 : i32
      %add3A_1568 = arith.addi %mul3A_1566, %add3A_1567 : i32
      %get3A_1569 = arith.index_cast %add3A_1568 : i32 to index
      %get3A_1570 = arith.constant 64 : index
      %get3A_1571 = tpu.vector_load %arg19[%get3A_1569, %get3A_1570] {strides = array<i32>} : memref<128x128xf32, #tpu.memory_space<vmem>>, vector<16xf32>,
      %add3A_1572 = arith.addf %add3A_1564, %get3A_1571 : vector<16xf32>
      %get3A_1573 = arith.constant 64 : index
      %get3A_1574 = tpu.vector_load %arg21[%get3A_1573] {strides = array<i32>} : memref<128xf32, #tpu.memory_space<vmem>>, vector<16xf32>,
      %mul3A_1575 = arith.mulf %gather3A_1235, %get3A_1574 : vector<16xf32>
      %sub3A_1576 = arith.subf %add3A_1572, %mul3A_1575 : vector<16xf32>
      %mul3A_1577 = arith.mulf %sub3A_1576, %gather3A_1233 : vector<16xf32>
      %swap3A_1578 = arith.index_cast %add3A_1231 : i32 to index
      %swap3A_1579 = arith.constant 64 : index
      %swap3A_1580 = tpu.vector_load %arg20[%swap3A_1578, %swap3A_1579] {strides = array<i32>} : memref<32x128xf32, #tpu.memory_space<vmem>>, vector<16xf32>,
      tpu.vector_store %arg20[%swap3A_1578, %swap3A_1579], %mul3A_1577 {strides = array<i32>} : memref<32x128xf32, #tpu.memory_space<vmem>>, vector<16xf32>,
      %mul3A_1581 = arith.constant 8 : i32
      %mul3A_1582 = arith.muli %scan3A_1228, %mul3A_1581 : i32
      %get3A_1583 = arith.index_cast %mul3A_1582 : i32 to index
      %get3A_1584 = arith.constant 80 : index
      %get3A_1585 = tpu.vector_load %arg19[%get3A_1583, %get3A_1584] {strides = array<i32>} : memref<128x128xf32, #tpu.memory_space<vmem>>, vector<16xf32>,
      %mul3A_1586 = arith.constant 8 : i32
      %mul3A_1587 = arith.muli %scan3A_1228, %mul3A_1586 : i32
      %add3A_1588 = arith.constant 1 : i32
      %add3A_1589 = arith.addi %mul3A_1587, %add3A_1588 : i32
      %get3A_1590 = arith.index_cast %add3A_1589 : i32 to index
      %get3A_1591 = arith.constant 80 : index
      %get3A_1592 = tpu.vector_load %arg19[%get3A_1590, %get3A_1591] {strides = array<i32>} : memref<128x128xf32, #tpu.memory_space<vmem>>, vector<16xf32>,
      %add3A_1593 = arith.addf %get3A_1585, %get3A_1592 : vector<16xf32>
      %mul3A_1594 = arith.constant 8 : i32
      %mul3A_1595 = arith.muli %scan3A_1228, %mul3A_1594 : i32
      %add3A_1596 = arith.constant 2 : i32
      %add3A_1597 = arith.addi %mul3A_1595, %add3A_1596 : i32
      %get3A_1598 = arith.index_cast %add3A_1597 : i32 to index
      %get3A_1599 = arith.constant 80 : index
      %get3A_1600 = tpu.vector_load %arg19[%get3A_1598, %get3A_1599] {strides = array<i32>} : memref<128x128xf32, #tpu.memory_space<vmem>>, vector<16xf32>,
      %add3A_1601 = arith.addf %add3A_1593, %get3A_1600 : vector<16xf32>
      %mul3A_1602 = arith.constant 8 : i32
      %mul3A_1603 = arith.muli %scan3A_1228, %mul3A_1602 : i32
      %add3A_1604 = arith.constant 3 : i32
      %add3A_1605 = arith.addi %mul3A_1603, %add3A_1604 : i32
      %get3A_1606 = arith.index_cast %add3A_1605 : i32 to index
      %get3A_1607 = arith.constant 80 : index
      %get3A_1608 = tpu.vector_load %arg19[%get3A_1606, %get3A_1607] {strides = array<i32>} : memref<128x128xf32, #tpu.memory_space<vmem>>, vector<16xf32>,
      %add3A_1609 = arith.addf %add3A_1601, %get3A_1608 : vector<16xf32>
      %mul3A_1610 = arith.constant 8 : i32
      %mul3A_1611 = arith.muli %scan3A_1228, %mul3A_1610 : i32
      %add3A_1612 = arith.constant 4 : i32
      %add3A_1613 = arith.addi %mul3A_1611, %add3A_1612 : i32
      %get3A_1614 = arith.index_cast %add3A_1613 : i32 to index
      %get3A_1615 = arith.constant 80 : index
      %get3A_1616 = tpu.vector_load %arg19[%get3A_1614, %get3A_1615] {strides = array<i32>} : memref<128x128xf32, #tpu.memory_space<vmem>>, vector<16xf32>,
      %add3A_1617 = arith.addf %add3A_1609, %get3A_1616 : vector<16xf32>
      %mul3A_1618 = arith.constant 8 : i32
      %mul3A_1619 = arith.muli %scan3A_1228, %mul3A_1618 : i32
      %add3A_1620 = arith.constant 5 : i32
      %add3A_1621 = arith.addi %mul3A_1619, %add3A_1620 : i32
      %get3A_1622 = arith.index_cast %add3A_1621 : i32 to index
      %get3A_1623 = arith.constant 80 : index
      %get3A_1624 = tpu.vector_load %arg19[%get3A_1622, %get3A_1623] {strides = array<i32>} : memref<128x128xf32, #tpu.memory_space<vmem>>, vector<16xf32>,
      %add3A_1625 = arith.addf %add3A_1617, %get3A_1624 : vector<16xf32>
      %mul3A_1626 = arith.constant 8 : i32
      %mul3A_1627 = arith.muli %scan3A_1228, %mul3A_1626 : i32
      %add3A_1628 = arith.constant 6 : i32
      %add3A_1629 = arith.addi %mul3A_1627, %add3A_1628 : i32
      %get3A_1630 = arith.index_cast %add3A_1629 : i32 to index
      %get3A_1631 = arith.constant 80 : index
      %get3A_1632 = tpu.vector_load %arg19[%get3A_1630, %get3A_1631] {strides = array<i32>} : memref<128x128xf32, #tpu.memory_space<vmem>>, vector<16xf32>,
      %add3A_1633 = arith.addf %add3A_1625, %get3A_1632 : vector<16xf32>
      %mul3A_1634 = arith.constant 8 : i32
      %mul3A_1635 = arith.muli %scan3A_1228, %mul3A_1634 : i32
      %add3A_1636 = arith.constant 7 : i32
      %add3A_1637 = arith.addi %mul3A_1635, %add3A_1636 : i32
      %get3A_1638 = arith.index_cast %add3A_1637 : i32 to index
      %get3A_1639 = arith.constant 80 : index
      %get3A_1640 = tpu.vector_load %arg19[%get3A_1638, %get3A_1639] {strides = array<i32>} : memref<128x128xf32, #tpu.memory_space<vmem>>, vector<16xf32>,
      %add3A_1641 = arith.addf %add3A_1633, %get3A_1640 : vector<16xf32>
      %get3A_1642 = arith.constant 80 : index
      %get3A_1643 = tpu.vector_load %arg21[%get3A_1642] {strides = array<i32>} : memref<128xf32, #tpu.memory_space<vmem>>, vector<16xf32>,
      %mul3A_1644 = arith.mulf %gather3A_1235, %get3A_1643 : vector<16xf32>
      %sub3A_1645 = arith.subf %add3A_1641, %mul3A_1644 : vector<16xf32>
      %mul3A_1646 = arith.mulf %sub3A_1645, %gather3A_1233 : vector<16xf32>
      %swap3A_1647 = arith.index_cast %add3A_1231 : i32 to index
      %swap3A_1648 = arith.constant 80 : index
      %swap3A_1649 = tpu.vector_load %arg20[%swap3A_1647, %swap3A_1648] {strides = array<i32>} : memref<32x128xf32, #tpu.memory_space<vmem>>, vector<16xf32>,
      tpu.vector_store %arg20[%swap3A_1647, %swap3A_1648], %mul3A_1646 {strides = array<i32>} : memref<32x128xf32, #tpu.memory_space<vmem>>, vector<16xf32>,
      %mul3A_1650 = arith.constant 8 : i32
      %mul3A_1651 = arith.muli %scan3A_1228, %mul3A_1650 : i32
      %get3A_1652 = arith.index_cast %mul3A_1651 : i32 to index
      %get3A_1653 = arith.constant 96 : index
      %get3A_1654 = tpu.vector_load %arg19[%get3A_1652, %get3A_1653] {strides = array<i32>} : memref<128x128xf32, #tpu.memory_space<vmem>>, vector<16xf32>,
      %mul3A_1655 = arith.constant 8 : i32
      %mul3A_1656 = arith.muli %scan3A_1228, %mul3A_1655 : i32
      %add3A_1657 = arith.constant 1 : i32
      %add3A_1658 = arith.addi %mul3A_1656, %add3A_1657 : i32
      %get3A_1659 = arith.index_cast %add3A_1658 : i32 to index
      %get3A_1660 = arith.constant 96 : index
      %get3A_1661 = tpu.vector_load %arg19[%get3A_1659, %get3A_1660] {strides = array<i32>} : memref<128x128xf32, #tpu.memory_space<vmem>>, vector<16xf32>,
      %add3A_1662 = arith.addf %get3A_1654, %get3A_1661 : vector<16xf32>
      %mul3A_1663 = arith.constant 8 : i32
      %mul3A_1664 = arith.muli %scan3A_1228, %mul3A_1663 : i32
      %add3A_1665 = arith.constant 2 : i32
      %add3A_1666 = arith.addi %mul3A_1664, %add3A_1665 : i32
      %get3A_1667 = arith.index_cast %add3A_1666 : i32 to index
      %get3A_1668 = arith.constant 96 : index
      %get3A_1669 = tpu.vector_load %arg19[%get3A_1667, %get3A_1668] {strides = array<i32>} : memref<128x128xf32, #tpu.memory_space<vmem>>, vector<16xf32>,
      %add3A_1670 = arith.addf %add3A_1662, %get3A_1669 : vector<16xf32>
      %mul3A_1671 = arith.constant 8 : i32
      %mul3A_1672 = arith.muli %scan3A_1228, %mul3A_1671 : i32
      %add3A_1673 = arith.constant 3 : i32
      %add3A_1674 = arith.addi %mul3A_1672, %add3A_1673 : i32
      %get3A_1675 = arith.index_cast %add3A_1674 : i32 to index
      %get3A_1676 = arith.constant 96 : index
      %get3A_1677 = tpu.vector_load %arg19[%get3A_1675, %get3A_1676] {strides = array<i32>} : memref<128x128xf32, #tpu.memory_space<vmem>>, vector<16xf32>,
      %add3A_1678 = arith.addf %add3A_1670, %get3A_1677 : vector<16xf32>
      %mul3A_1679 = arith.constant 8 : i32
      %mul3A_1680 = arith.muli %scan3A_1228, %mul3A_1679 : i32
      %add3A_1681 = arith.constant 4 : i32
      %add3A_1682 = arith.addi %mul3A_1680, %add3A_1681 : i32
      %get3A_1683 = arith.index_cast %add3A_1682 : i32 to index
      %get3A_1684 = arith.constant 96 : index
      %get3A_1685 = tpu.vector_load %arg19[%get3A_1683, %get3A_1684] {strides = array<i32>} : memref<128x128xf32, #tpu.memory_space<vmem>>, vector<16xf32>,
      %add3A_1686 = arith.addf %add3A_1678, %get3A_1685 : vector<16xf32>
      %mul3A_1687 = arith.constant 8 : i32
      %mul3A_1688 = arith.muli %scan3A_1228, %mul3A_1687 : i32
      %add3A_1689 = arith.constant 5 : i32
      %add3A_1690 = arith.addi %mul3A_1688, %add3A_1689 : i32
      %get3A_1691 = arith.index_cast %add3A_1690 : i32 to index
      %get3A_1692 = arith.constant 96 : index
      %get3A_1693 = tpu.vector_load %arg19[%get3A_1691, %get3A_1692] {strides = array<i32>} : memref<128x128xf32, #tpu.memory_space<vmem>>, vector<16xf32>,
      %add3A_1694 = arith.addf %add3A_1686, %get3A_1693 : vector<16xf32>
      %mul3A_1695 = arith.constant 8 : i32
      %mul3A_1696 = arith.muli %scan3A_1228, %mul3A_1695 : i32
      %add3A_1697 = arith.constant 6 : i32
      %add3A_1698 = arith.addi %mul3A_1696, %add3A_1697 : i32
      %get3A_1699 = arith.index_cast %add3A_1698 : i32 to index
      %get3A_1700 = arith.constant 96 : index
      %get3A_1701 = tpu.vector_load %arg19[%get3A_1699, %get3A_1700] {strides = array<i32>} : memref<128x128xf32, #tpu.memory_space<vmem>>, vector<16xf32>,
      %add3A_1702 = arith.addf %add3A_1694, %get3A_1701 : vector<16xf32>
      %mul3A_1703 = arith.constant 8 : i32
      %mul3A_1704 = arith.muli %scan3A_1228, %mul3A_1703 : i32
      %add3A_1705 = arith.constant 7 : i32
      %add3A_1706 = arith.addi %mul3A_1704, %add3A_1705 : i32
      %get3A_1707 = arith.index_cast %add3A_1706 : i32 to index
      %get3A_1708 = arith.constant 96 : index
      %get3A_1709 = tpu.vector_load %arg19[%get3A_1707, %get3A_1708] {strides = array<i32>} : memref<128x128xf32, #tpu.memory_space<vmem>>, vector<16xf32>,
      %add3A_1710 = arith.addf %add3A_1702, %get3A_1709 : vector<16xf32>
      %get3A_1711 = arith.constant 96 : index
      %get3A_1712 = tpu.vector_load %arg21[%get3A_1711] {strides = array<i32>} : memref<128xf32, #tpu.memory_space<vmem>>, vector<16xf32>,
      %mul3A_1713 = arith.mulf %gather3A_1235, %get3A_1712 : vector<16xf32>
      %sub3A_1714 = arith.subf %add3A_1710, %mul3A_1713 : vector<16xf32>
      %mul3A_1715 = arith.mulf %sub3A_1714, %gather3A_1233 : vector<16xf32>
      %swap3A_1716 = arith.index_cast %add3A_1231 : i32 to index
      %swap3A_1717 = arith.constant 96 : index
      %swap3A_1718 = tpu.vector_load %arg20[%swap3A_1716, %swap3A_1717] {strides = array<i32>} : memref<32x128xf32, #tpu.memory_space<vmem>>, vector<16xf32>,
      tpu.vector_store %arg20[%swap3A_1716, %swap3A_1717], %mul3A_1715 {strides = array<i32>} : memref<32x128xf32, #tpu.memory_space<vmem>>, vector<16xf32>,
      %mul3A_1719 = arith.constant 8 : i32
      %mul3A_1720 = arith.muli %scan3A_1228, %mul3A_1719 : i32
      %get3A_1721 = arith.index_cast %mul3A_1720 : i32 to index
      %get3A_1722 = arith.constant 112 : index
      %get3A_1723 = tpu.vector_load %arg19[%get3A_1721, %get3A_1722] {strides = array<i32>} : memref<128x128xf32, #tpu.memory_space<vmem>>, vector<16xf32>,
      %mul3A_1724 = arith.constant 8 : i32
      %mul3A_1725 = arith.muli %scan3A_1228, %mul3A_1724 : i32
      %add3A_1726 = arith.constant 1 : i32
      %add3A_1727 = arith.addi %mul3A_1725, %add3A_1726 : i32
      %get3A_1728 = arith.index_cast %add3A_1727 : i32 to index
      %get3A_1729 = arith.constant 112 : index
      %get3A_1730 = tpu.vector_load %arg19[%get3A_1728, %get3A_1729] {strides = array<i32>} : memref<128x128xf32, #tpu.memory_space<vmem>>, vector<16xf32>,
      %add3A_1731 = arith.addf %get3A_1723, %get3A_1730 : vector<16xf32>
      %mul3A_1732 = arith.constant 8 : i32
      %mul3A_1733 = arith.muli %scan3A_1228, %mul3A_1732 : i32
      %add3A_1734 = arith.constant 2 : i32
      %add3A_1735 = arith.addi %mul3A_1733, %add3A_1734 : i32
      %get3A_1736 = arith.index_cast %add3A_1735 : i32 to index
      %get3A_1737 = arith.constant 112 : index
      %get3A_1738 = tpu.vector_load %arg19[%get3A_1736, %get3A_1737] {strides = array<i32>} : memref<128x128xf32, #tpu.memory_space<vmem>>, vector<16xf32>,
      %add3A_1739 = arith.addf %add3A_1731, %get3A_1738 : vector<16xf32>
      %mul3A_1740 = arith.constant 8 : i32
      %mul3A_1741 = arith.muli %scan3A_1228, %mul3A_1740 : i32
      %add3A_1742 = arith.constant 3 : i32
      %add3A_1743 = arith.addi %mul3A_1741, %add3A_1742 : i32
      %get3A_1744 = arith.index_cast %add3A_1743 : i32 to index
      %get3A_1745 = arith.constant 112 : index
      %get3A_1746 = tpu.vector_load %arg19[%get3A_1744, %get3A_1745] {strides = array<i32>} : memref<128x128xf32, #tpu.memory_space<vmem>>, vector<16xf32>,
      %add3A_1747 = arith.addf %add3A_1739, %get3A_1746 : vector<16xf32>
      %mul3A_1748 = arith.constant 8 : i32
      %mul3A_1749 = arith.muli %scan3A_1228, %mul3A_1748 : i32
      %add3A_1750 = arith.constant 4 : i32
      %add3A_1751 = arith.addi %mul3A_1749, %add3A_1750 : i32
      %get3A_1752 = arith.index_cast %add3A_1751 : i32 to index
      %get3A_1753 = arith.constant 112 : index
      %get3A_1754 = tpu.vector_load %arg19[%get3A_1752, %get3A_1753] {strides = array<i32>} : memref<128x128xf32, #tpu.memory_space<vmem>>, vector<16xf32>,
      %add3A_1755 = arith.addf %add3A_1747, %get3A_1754 : vector<16xf32>
      %mul3A_1756 = arith.constant 8 : i32
      %mul3A_1757 = arith.muli %scan3A_1228, %mul3A_1756 : i32
      %add3A_1758 = arith.constant 5 : i32
      %add3A_1759 = arith.addi %mul3A_1757, %add3A_1758 : i32
      %get3A_1760 = arith.index_cast %add3A_1759 : i32 to index
      %get3A_1761 = arith.constant 112 : index
      %get3A_1762 = tpu.vector_load %arg19[%get3A_1760, %get3A_1761] {strides = array<i32>} : memref<128x128xf32, #tpu.memory_space<vmem>>, vector<16xf32>,
      %add3A_1763 = arith.addf %add3A_1755, %get3A_1762 : vector<16xf32>
      %mul3A_1764 = arith.constant 8 : i32
      %mul3A_1765 = arith.muli %scan3A_1228, %mul3A_1764 : i32
      %add3A_1766 = arith.constant 6 : i32
      %add3A_1767 = arith.addi %mul3A_1765, %add3A_1766 : i32
      %get3A_1768 = arith.index_cast %add3A_1767 : i32 to index
      %get3A_1769 = arith.constant 112 : index
      %get3A_1770 = tpu.vector_load %arg19[%get3A_1768, %get3A_1769] {strides = array<i32>} : memref<128x128xf32, #tpu.memory_space<vmem>>, vector<16xf32>,
      %add3A_1771 = arith.addf %add3A_1763, %get3A_1770 : vector<16xf32>
      %mul3A_1772 = arith.constant 8 : i32
      %mul3A_1773 = arith.muli %scan3A_1228, %mul3A_1772 : i32
      %add3A_1774 = arith.constant 7 : i32
      %add3A_1775 = arith.addi %mul3A_1773, %add3A_1774 : i32
      %get3A_1776 = arith.index_cast %add3A_1775 : i32 to index
      %get3A_1777 = arith.constant 112 : index
      %get3A_1778 = tpu.vector_load %arg19[%get3A_1776, %get3A_1777] {strides = array<i32>} : memref<128x128xf32, #tpu.memory_space<vmem>>, vector<16xf32>,
      %add3A_1779 = arith.addf %add3A_1771, %get3A_1778 : vector<16xf32>
      %get3A_1780 = arith.constant 112 : index
      %get3A_1781 = tpu.vector_load %arg21[%get3A_1780] {strides = array<i32>} : memref<128xf32, #tpu.memory_space<vmem>>, vector<16xf32>,
      %mul3A_1782 = arith.mulf %gather3A_1235, %get3A_1781 : vector<16xf32>
      %sub3A_1783 = arith.subf %add3A_1779, %mul3A_1782 : vector<16xf32>
      %mul3A_1784 = arith.mulf %sub3A_1783, %gather3A_1233 : vector<16xf32>
      %swap3A_1785 = arith.index_cast %add3A_1231 : i32 to index
      %swap3A_1786 = arith.constant 112 : index
      %swap3A_1787 = tpu.vector_load %arg20[%swap3A_1785, %swap3A_1786] {strides = array<i32>} : memref<32x128xf32, #tpu.memory_space<vmem>>, vector<16xf32>,
      tpu.vector_store %arg20[%swap3A_1785, %swap3A_1786], %mul3A_1784 {strides = array<i32>} : memref<32x128xf32, #tpu.memory_space<vmem>>, vector<16xf32>,
      %scan3A_1788 = arith.constant 0 : i32
      scf.yield %scan3A_1788 : i32
    }
    %scan3A_790 = arith.constant 16 : i32
    "tpu.region"() ({
      %run_scoped3A = tpu.sem_alloc : memref<!tpu.dma_semaphore, #tpu.memory_space<semaphore_mem>>
      %dma_start3A_1228 = arith.constant 0 : i32
      %dma_start3A_1229 = tpu.memref_slice %arg34[%mul3A_4, %dma_start3A_1228] : memref<512x128xf32, #tpu.memory_space<vmem_shared>> -> memref<32x128xf32, #tpu.memory_space<vmem_shared>>
      %dma_start3A_1230 = arith.constant 0 : i32
      %dma_start3A_1231 = tpu.memref_slice %arg34[%mul3A_4, %dma_start3A_1230] : memref<512x128xf32, #tpu.memory_space<vmem_shared>> -> memref<32x128xf32, #tpu.memory_space<vmem_shared>>
      tpu.enqueue_dma source(%arg20 : memref<32x128xf32, #tpu.memory_space<vmem>>) target(%dma_start3A_1231 : memref<32x128xf32, #tpu.memory_space<vmem_shared>>) target_semaphore(%run_scoped3A : memref<!tpu.dma_semaphore, #tpu.memory_space<semaphore_mem>>)
      %dma_wait3A_1232 = arith.constant 0 : i32
      %dma_wait3A_1233 = tpu.memref_slice %arg34[%mul3A_4, %dma_wait3A_1232] : memref<512x128xf32, #tpu.memory_space<vmem_shared>> -> memref<32x128xf32, #tpu.memory_space<vmem_shared>>
      %dma_wait3A_1234 = arith.constant 0 : i32
      %dma_wait3A_1235 = tpu.memref_slice %arg34[%mul3A_4, %dma_wait3A_1234] : memref<512x128xf32, #tpu.memory_space<vmem_shared>> -> memref<32x128xf32, #tpu.memory_space<vmem_shared>>
      tpu.wait_dma2 semaphore(%run_scoped3A : memref<!tpu.dma_semaphore, #tpu.memory_space<semaphore_mem>>) src(%arg20 : memref<32x128xf32, #tpu.memory_space<vmem>>) dst(%dma_wait3A_1235 : memref<32x128xf32, #tpu.memory_space<vmem_shared>>)
      tpu.yield
    }) : () -> ()
    %dma_wait3A_791 = arith.constant 0 : i32
    %dma_wait3A_792 = arith.constant 0 : i32
    %dma_wait3A_793 = arith.constant 0 : i32
    %dma_wait3A_794 = tpu.memref_slice %arg29[%dma_wait3A_792, %dma_wait3A_793] : memref<8x64xi32, #tpu.memory_space<vmem>> -> memref<1x64xi32, #tpu.memory_space<vmem>>
    %dma_wait3A_795 = tpu.memref_squeeze %dma_wait3A_794 : memref<1x64xi32, #tpu.memory_space<vmem>> -> memref<64xi32, #tpu.memory_space<vmem>>
    %dma_wait3A_796 = arith.constant 0 : i32
    %dma_wait3A_797 = tpu.memref_slice %arg28[%dma_wait3A_791, %dma_wait3A_796] : memref<8x64xi32, #tpu.memory_space<vmem>> -> memref<1x64xi32, #tpu.memory_space<vmem>>
    %dma_wait3A_798 = tpu.memref_squeeze %dma_wait3A_797 : memref<1x64xi32, #tpu.memory_space<vmem>> -> memref<64xi32, #tpu.memory_space<vmem>>
    %dma_wait3A_799 = arith.constant 0 : i32
    %dma_wait3A_800 = tpu.memref_slice %arg35[%dma_wait3A_799] : memref<131088xi32, #tpu.memory_space<vmem_shared>> -> memref<131088xi32, #tpu.memory_space<vmem_shared>>
    tpu.wait_indirect_dma semaphore(%arg38 : memref<!tpu.dma_semaphore, #tpu.memory_space<semaphore_mem>>) src(%dma_wait3A_800 : memref<131088xi32, #tpu.memory_space<vmem_shared>>) dst(%dma_wait3A_795 : memref<64xi32, #tpu.memory_space<vmem>>)
    %dma_wait3A_801 = arith.constant 1 : i32
    %dma_wait3A_802 = arith.constant 1 : i32
    %dma_wait3A_803 = arith.constant 0 : i32
    %dma_wait3A_804 = tpu.memref_slice %arg29[%dma_wait3A_802, %dma_wait3A_803] : memref<8x64xi32, #tpu.memory_space<vmem>> -> memref<1x64xi32, #tpu.memory_space<vmem>>
    %dma_wait3A_805 = tpu.memref_squeeze %dma_wait3A_804 : memref<1x64xi32, #tpu.memory_space<vmem>> -> memref<64xi32, #tpu.memory_space<vmem>>
    %dma_wait3A_806 = arith.constant 0 : i32
    %dma_wait3A_807 = tpu.memref_slice %arg28[%dma_wait3A_801, %dma_wait3A_806] : memref<8x64xi32, #tpu.memory_space<vmem>> -> memref<1x64xi32, #tpu.memory_space<vmem>>
    %dma_wait3A_808 = tpu.memref_squeeze %dma_wait3A_807 : memref<1x64xi32, #tpu.memory_space<vmem>> -> memref<64xi32, #tpu.memory_space<vmem>>
    %dma_wait3A_809 = arith.constant 0 : i32
    %dma_wait3A_810 = tpu.memref_slice %arg35[%dma_wait3A_809] : memref<131088xi32, #tpu.memory_space<vmem_shared>> -> memref<131088xi32, #tpu.memory_space<vmem_shared>>
    tpu.wait_indirect_dma semaphore(%arg38 : memref<!tpu.dma_semaphore, #tpu.memory_space<semaphore_mem>>) src(%dma_wait3A_810 : memref<131088xi32, #tpu.memory_space<vmem_shared>>) dst(%dma_wait3A_805 : memref<64xi32, #tpu.memory_space<vmem>>)
    %dma_wait3A_811 = arith.constant 2 : i32
    %dma_wait3A_812 = arith.constant 2 : i32
    %dma_wait3A_813 = arith.constant 0 : i32
    %dma_wait3A_814 = tpu.memref_slice %arg29[%dma_wait3A_812, %dma_wait3A_813] : memref<8x64xi32, #tpu.memory_space<vmem>> -> memref<1x64xi32, #tpu.memory_space<vmem>>
    %dma_wait3A_815 = tpu.memref_squeeze %dma_wait3A_814 : memref<1x64xi32, #tpu.memory_space<vmem>> -> memref<64xi32, #tpu.memory_space<vmem>>
    %dma_wait3A_816 = arith.constant 0 : i32
    %dma_wait3A_817 = tpu.memref_slice %arg28[%dma_wait3A_811, %dma_wait3A_816] : memref<8x64xi32, #tpu.memory_space<vmem>> -> memref<1x64xi32, #tpu.memory_space<vmem>>
    %dma_wait3A_818 = tpu.memref_squeeze %dma_wait3A_817 : memref<1x64xi32, #tpu.memory_space<vmem>> -> memref<64xi32, #tpu.memory_space<vmem>>
    %dma_wait3A_819 = arith.constant 0 : i32
    %dma_wait3A_820 = tpu.memref_slice %arg35[%dma_wait3A_819] : memref<131088xi32, #tpu.memory_space<vmem_shared>> -> memref<131088xi32, #tpu.memory_space<vmem_shared>>
    tpu.wait_indirect_dma semaphore(%arg38 : memref<!tpu.dma_semaphore, #tpu.memory_space<semaphore_mem>>) src(%dma_wait3A_820 : memref<131088xi32, #tpu.memory_space<vmem_shared>>) dst(%dma_wait3A_815 : memref<64xi32, #tpu.memory_space<vmem>>)
    %dma_wait3A_821 = arith.constant 3 : i32
    %dma_wait3A_822 = arith.constant 3 : i32
    %dma_wait3A_823 = arith.constant 0 : i32
    %dma_wait3A_824 = tpu.memref_slice %arg29[%dma_wait3A_822, %dma_wait3A_823] : memref<8x64xi32, #tpu.memory_space<vmem>> -> memref<1x64xi32, #tpu.memory_space<vmem>>
    %dma_wait3A_825 = tpu.memref_squeeze %dma_wait3A_824 : memref<1x64xi32, #tpu.memory_space<vmem>> -> memref<64xi32, #tpu.memory_space<vmem>>
    %dma_wait3A_826 = arith.constant 0 : i32
    %dma_wait3A_827 = tpu.memref_slice %arg28[%dma_wait3A_821, %dma_wait3A_826] : memref<8x64xi32, #tpu.memory_space<vmem>> -> memref<1x64xi32, #tpu.memory_space<vmem>>
    %dma_wait3A_828 = tpu.memref_squeeze %dma_wait3A_827 : memref<1x64xi32, #tpu.memory_space<vmem>> -> memref<64xi32, #tpu.memory_space<vmem>>
    %dma_wait3A_829 = arith.constant 0 : i32
    %dma_wait3A_830 = tpu.memref_slice %arg35[%dma_wait3A_829] : memref<131088xi32, #tpu.memory_space<vmem_shared>> -> memref<131088xi32, #tpu.memory_space<vmem_shared>>
    tpu.wait_indirect_dma semaphore(%arg38 : memref<!tpu.dma_semaphore, #tpu.memory_space<semaphore_mem>>) src(%dma_wait3A_830 : memref<131088xi32, #tpu.memory_space<vmem_shared>>) dst(%dma_wait3A_825 : memref<64xi32, #tpu.memory_space<vmem>>)
    %dma_wait3A_831 = arith.constant 4 : i32
    %dma_wait3A_832 = arith.constant 4 : i32
    %dma_wait3A_833 = arith.constant 0 : i32
    %dma_wait3A_834 = tpu.memref_slice %arg29[%dma_wait3A_832, %dma_wait3A_833] : memref<8x64xi32, #tpu.memory_space<vmem>> -> memref<1x64xi32, #tpu.memory_space<vmem>>
    %dma_wait3A_835 = tpu.memref_squeeze %dma_wait3A_834 : memref<1x64xi32, #tpu.memory_space<vmem>> -> memref<64xi32, #tpu.memory_space<vmem>>
    %dma_wait3A_836 = arith.constant 0 : i32
    %dma_wait3A_837 = tpu.memref_slice %arg28[%dma_wait3A_831, %dma_wait3A_836] : memref<8x64xi32, #tpu.memory_space<vmem>> -> memref<1x64xi32, #tpu.memory_space<vmem>>
    %dma_wait3A_838 = tpu.memref_squeeze %dma_wait3A_837 : memref<1x64xi32, #tpu.memory_space<vmem>> -> memref<64xi32, #tpu.memory_space<vmem>>
    %dma_wait3A_839 = arith.constant 0 : i32
    %dma_wait3A_840 = tpu.memref_slice %arg35[%dma_wait3A_839] : memref<131088xi32, #tpu.memory_space<vmem_shared>> -> memref<131088xi32, #tpu.memory_space<vmem_shared>>
    tpu.wait_indirect_dma semaphore(%arg38 : memref<!tpu.dma_semaphore, #tpu.memory_space<semaphore_mem>>) src(%dma_wait3A_840 : memref<131088xi32, #tpu.memory_space<vmem_shared>>) dst(%dma_wait3A_835 : memref<64xi32, #tpu.memory_space<vmem>>)
    %dma_wait3A_841 = arith.constant 5 : i32
    %dma_wait3A_842 = arith.constant 5 : i32
    %dma_wait3A_843 = arith.constant 0 : i32
    %dma_wait3A_844 = tpu.memref_slice %arg29[%dma_wait3A_842, %dma_wait3A_843] : memref<8x64xi32, #tpu.memory_space<vmem>> -> memref<1x64xi32, #tpu.memory_space<vmem>>
    %dma_wait3A_845 = tpu.memref_squeeze %dma_wait3A_844 : memref<1x64xi32, #tpu.memory_space<vmem>> -> memref<64xi32, #tpu.memory_space<vmem>>
    %dma_wait3A_846 = arith.constant 0 : i32
    %dma_wait3A_847 = tpu.memref_slice %arg28[%dma_wait3A_841, %dma_wait3A_846] : memref<8x64xi32, #tpu.memory_space<vmem>> -> memref<1x64xi32, #tpu.memory_space<vmem>>
    %dma_wait3A_848 = tpu.memref_squeeze %dma_wait3A_847 : memref<1x64xi32, #tpu.memory_space<vmem>> -> memref<64xi32, #tpu.memory_space<vmem>>
    %dma_wait3A_849 = arith.constant 0 : i32
    %dma_wait3A_850 = tpu.memref_slice %arg35[%dma_wait3A_849] : memref<131088xi32, #tpu.memory_space<vmem_shared>> -> memref<131088xi32, #tpu.memory_space<vmem_shared>>
    tpu.wait_indirect_dma semaphore(%arg38 : memref<!tpu.dma_semaphore, #tpu.memory_space<semaphore_mem>>) src(%dma_wait3A_850 : memref<131088xi32, #tpu.memory_space<vmem_shared>>) dst(%dma_wait3A_845 : memref<64xi32, #tpu.memory_space<vmem>>)
    %dma_wait3A_851 = arith.constant 6 : i32
    %dma_wait3A_852 = arith.constant 6 : i32
    %dma_wait3A_853 = arith.constant 0 : i32
    %dma_wait3A_854 = tpu.memref_slice %arg29[%dma_wait3A_852, %dma_wait3A_853] : memref<8x64xi32, #tpu.memory_space<vmem>> -> memref<1x64xi32, #tpu.memory_space<vmem>>
    %dma_wait3A_855 = tpu.memref_squeeze %dma_wait3A_854 : memref<1x64xi32, #tpu.memory_space<vmem>> -> memref<64xi32, #tpu.memory_space<vmem>>
    %dma_wait3A_856 = arith.constant 0 : i32
    %dma_wait3A_857 = tpu.memref_slice %arg28[%dma_wait3A_851, %dma_wait3A_856] : memref<8x64xi32, #tpu.memory_space<vmem>> -> memref<1x64xi32, #tpu.memory_space<vmem>>
    %dma_wait3A_858 = tpu.memref_squeeze %dma_wait3A_857 : memref<1x64xi32, #tpu.memory_space<vmem>> -> memref<64xi32, #tpu.memory_space<vmem>>
    %dma_wait3A_859 = arith.constant 0 : i32
    %dma_wait3A_860 = tpu.memref_slice %arg35[%dma_wait3A_859] : memref<131088xi32, #tpu.memory_space<vmem_shared>> -> memref<131088xi32, #tpu.memory_space<vmem_shared>>
    tpu.wait_indirect_dma semaphore(%arg38 : memref<!tpu.dma_semaphore, #tpu.memory_space<semaphore_mem>>) src(%dma_wait3A_860 : memref<131088xi32, #tpu.memory_space<vmem_shared>>) dst(%dma_wait3A_855 : memref<64xi32, #tpu.memory_space<vmem>>)
    %dma_wait3A_861 = arith.constant 7 : i32
    %dma_wait3A_862 = arith.constant 7 : i32
    %dma_wait3A_863 = arith.constant 0 : i32
    %dma_wait3A_864 = tpu.memref_slice %arg29[%dma_wait3A_862, %dma_wait3A_863] : memref<8x64xi32, #tpu.memory_space<vmem>> -> memref<1x64xi32, #tpu.memory_space<vmem>>
    %dma_wait3A_865 = tpu.memref_squeeze %dma_wait3A_864 : memref<1x64xi32, #tpu.memory_space<vmem>> -> memref<64xi32, #tpu.memory_space<vmem>>
    %dma_wait3A_866 = arith.constant 0 : i32
    %dma_wait3A_867 = tpu.memref_slice %arg28[%dma_wait3A_861, %dma_wait3A_866] : memref<8x64xi32, #tpu.memory_space<vmem>> -> memref<1x64xi32, #tpu.memory_space<vmem>>
    %dma_wait3A_868 = tpu.memref_squeeze %dma_wait3A_867 : memref<1x64xi32, #tpu.memory_space<vmem>> -> memref<64xi32, #tpu.memory_space<vmem>>
    %dma_wait3A_869 = arith.constant 0 : i32
    %dma_wait3A_870 = tpu.memref_slice %arg35[%dma_wait3A_869] : memref<131088xi32, #tpu.memory_space<vmem_shared>> -> memref<131088xi32, #tpu.memory_space<vmem_shared>>
    tpu.wait_indirect_dma semaphore(%arg38 : memref<!tpu.dma_semaphore, #tpu.memory_space<semaphore_mem>>) src(%dma_wait3A_870 : memref<131088xi32, #tpu.memory_space<vmem_shared>>) dst(%dma_wait3A_865 : memref<64xi32, #tpu.memory_space<vmem>>)
    %scan3A_871 = arith.constant 0 : i32
    %scan3A_872 = arith.constant 0 : i32
    %scan3A_873 = arith.constant 0 : i32
    %scan3A_874 = arith.constant 32 : i32
    %scan3A_875 = arith.addi %scan3A_873, %scan3A_874 : i32
    %scan3A_876 = arith.constant 1 : i32
    %scan3A_877:2 = scf.for %scan3A_1228 = %scan3A_873 to %scan3A_875 step %scan3A_876 iter_args(%scan3A_1229 = %scan3A_871, %scan3A_1230 = %scan3A_872) -> (i32, i32)  : i32 {
      %mul3A_1231 = arith.constant 16 : i32
      %mul3A_1232 = arith.muli %scan3A_1228, %mul3A_1231 : i32
      %get3A_1233 = arith.index_cast %mul3A_1232 : i32 to index
      %get3A_1234 = tpu.vector_load %arg11[%get3A_1233] {strides = array<i32>} : memref<512xi32, #tpu.memory_space<vmem>>, vector<16xi32>,
      %ge3A = arith.constant 100000 : i32
      %ge3A_1235 = vector.broadcast %ge3A : i32 to vector<16xi32>
      %ge3A_1236 = arith.cmpi sge, %get3A_1234, %ge3A_1235 : vector<16xi32>
      %jit3A_1237 = arith.constant 4 : i32
      %div3A_1238 = arith.divsi %scan3A_1228, %jit3A_1237 : i32
      %sign3A_1239 = arith.constant 0 : i32
      %sign3A_1240 = arith.cmpi sgt, %scan3A_1228, %sign3A_1239 : i32
      %sign3A_1241 = arith.extui %sign3A_1240 : i1 to i32
      %sign3A_1242 = arith.constant 0 : i32
      %sign3A_1243 = arith.cmpi slt, %scan3A_1228, %sign3A_1242 : i32
      %sign3A_1244 = arith.extui %sign3A_1243 : i1 to i32
      %sign3A_1245 = arith.subi %sign3A_1241, %sign3A_1244 : i32
      %sign3A_1246 = arith.constant 0 : i32
      %sign3A_1247 = arith.cmpi sgt, %jit3A_1237, %sign3A_1246 : i32
      %sign3A_1248 = arith.extui %sign3A_1247 : i1 to i32
      %sign3A_1249 = arith.constant 0 : i32
      %sign3A_1250 = arith.cmpi slt, %jit3A_1237, %sign3A_1249 : i32
      %sign3A_1251 = arith.extui %sign3A_1250 : i1 to i32
      %sign3A_1252 = arith.subi %sign3A_1248, %sign3A_1251 : i32
      %ne3A_1253 = arith.cmpi ne, %sign3A_1245, %sign3A_1252 : i32
      %rem3A_1254 = arith.remsi %scan3A_1228, %jit3A_1237 : i32
      %ne3A_1255 = arith.constant 0 : i32
      %ne3A_1256 = arith.cmpi ne, %rem3A_1254, %ne3A_1255 : i32
      %and3A_1257 = arith.andi %ne3A_1253, %ne3A_1256 : i1
      %sub3A_1258 = arith.constant 1 : i32
      %sub3A_1259 = arith.subi %div3A_1238, %sub3A_1258 : i32
      %select_n3A_1260 = arith.select %and3A_1257, %sub3A_1259, %div3A_1238 : i32
      %jit3A_1261 = arith.constant 4 : i32
      %eq3A_1262 = arith.constant 0 : i32
      %eq3A_1263 = arith.cmpi eq, %jit3A_1261, %eq3A_1262 : i32
      %jit3A_1264 = arith.constant 1 : i32
      %select_n3A_1265 = arith.select %eq3A_1263, %jit3A_1264, %jit3A_1261 : i32
      %rem3A_1266 = arith.remsi %scan3A_1228, %select_n3A_1265 : i32
      %ne3A_1267 = arith.constant 0 : i32
      %ne3A_1268 = arith.cmpi ne, %rem3A_1266, %ne3A_1267 : i32
      %lt3A = arith.constant 0 : i32
      %lt3A_1269 = arith.cmpi slt, %rem3A_1266, %lt3A : i32
      %lt3A_1270 = arith.constant 0 : i32
      %lt3A_1271 = arith.cmpi slt, %select_n3A_1265, %lt3A_1270 : i32
      %ne3A_1272 = arith.xori %lt3A_1269, %lt3A_1271 : i1
      %and3A_1273 = arith.andi %ne3A_1272, %ne3A_1268 : i1
      %add3A_1274 = arith.addi %rem3A_1266, %select_n3A_1265 : i32
      %select_n3A_1275 = arith.select %and3A_1273, %add3A_1274, %rem3A_1266 : i32
      %mul3A_1276 = arith.constant 16 : i32
      %mul3A_1277 = arith.muli %select_n3A_1275, %mul3A_1276 : i32
      %get3A_1278 = arith.index_cast %select_n3A_1260 : i32 to index
      %get3A_1279 = arith.index_cast %mul3A_1277 : i32 to index
      %get3A_1280 = tpu.vector_load %arg29[%get3A_1278, %get3A_1279] {strides = array<i32>} : memref<8x64xi32, #tpu.memory_space<vmem>>, vector<16xi32>,
      %lt3A_1281 = arith.constant 0 : i32
      %lt3A_1282 = vector.broadcast %lt3A_1281 : i32 to vector<16xi32>
      %lt3A_1283 = arith.cmpi slt, %get3A_1280, %lt3A_1282 : vector<16xi32>
      %and3A_1284 = arith.andi %ge3A_1236, %lt3A_1283 : vector<16xi1>
      %ge3A_1285 = arith.constant 0 : i32
      %ge3A_1286 = vector.broadcast %ge3A_1285 : i32 to vector<16xi32>
      %ge3A_1287 = arith.cmpi sge, %get3A_1280, %ge3A_1286 : vector<16xi32>
      %and3A_1288 = arith.andi %ge3A_1236, %ge3A_1287 : vector<16xi1>
      %mul3A_1289 = arith.constant 16 : i32
      %mul3A_1290 = arith.muli %scan3A_1228, %mul3A_1289 : i32
      %iota3A_1291 = tpu.iota {dimensions = array<i32: 0>} : vector<16xi32>
      %add3A_1292 = vector.broadcast %mul3A_1290 : i32 to vector<16xi32>
      %add3A_1293 = arith.addi %add3A_1292, %iota3A_1291 : vector<16xi32>
      %jit3A_1294 = arith.constant 1 : i32
      %jit3A_1295 = arith.constant 0 : i32
      %broadcast_in_dim3A_1296 = vector.broadcast %jit3A_1294 : i32 to vector<16xi32>
      %broadcast_in_dim3A_1297 = vector.broadcast %jit3A_1295 : i32 to vector<16xi32>
      %select_n3A_1298 = arith.select %and3A_1284, %broadcast_in_dim3A_1296, %broadcast_in_dim3A_1297 : vector<16xi1>, vector<16xi32>
      %jit3A_1299 = arith.constant 1 : i32
      %jit3A_1300 = arith.constant 0 : i32
      %broadcast_in_dim3A_1301 = vector.broadcast %jit3A_1299 : i32 to vector<16xi32>
      %broadcast_in_dim3A_1302 = vector.broadcast %jit3A_1300 : i32 to vector<16xi32>
      %select_n3A_1303 = arith.select %and3A_1288, %broadcast_in_dim3A_1301, %broadcast_in_dim3A_1302 : vector<16xi1>, vector<16xi32>
      %cumsum3A = arith.constant true
      %cumsum3A_1304 = vector.broadcast %cumsum3A : i1 to vector<16xi1>
      %cumsum3A_1305 = tpu.scan <sum>, %select_n3A_1298 masked %cumsum3A_1304 : vector<16xi32>, vector<16xi1> -> vector<16xi32>
      %add3A_1306 = vector.broadcast %scan3A_1229 : i32 to vector<16xi32>
      %add3A_1307 = arith.addi %add3A_1306, %cumsum3A_1305 : vector<16xi32>
      %sub3A_1308 = arith.constant 1 : i32
      %sub3A_1309 = vector.broadcast %sub3A_1308 : i32 to vector<16xi32>
      %sub3A_1310 = arith.subi %add3A_1307, %sub3A_1309 : vector<16xi32>
      %max3A_1311 = arith.constant 0 : i32
      %max3A_1312 = vector.broadcast %max3A_1311 : i32 to vector<16xi32>
      %max3A_1313 = arith.maxsi %sub3A_1310, %max3A_1312 : vector<16xi32>
      %cumsum3A_1314 = arith.constant true
      %cumsum3A_1315 = vector.broadcast %cumsum3A_1314 : i1 to vector<16xi1>
      %cumsum3A_1316 = tpu.scan <sum>, %select_n3A_1303 masked %cumsum3A_1315 : vector<16xi32>, vector<16xi1> -> vector<16xi32>
      %add3A_1317 = vector.broadcast %scan3A_1230 : i32 to vector<16xi32>
      %add3A_1318 = arith.addi %add3A_1317, %cumsum3A_1316 : vector<16xi32>
      %sub3A_1319 = arith.constant 1 : i32
      %sub3A_1320 = vector.broadcast %sub3A_1319 : i32 to vector<16xi32>
      %sub3A_1321 = arith.subi %add3A_1318, %sub3A_1320 : vector<16xi32>
      %max3A_1322 = arith.constant 0 : i32
      %max3A_1323 = vector.broadcast %max3A_1322 : i32 to vector<16xi32>
      %max3A_1324 = arith.maxsi %sub3A_1321, %max3A_1323 : vector<16xi32>
      %jit3A_1325 = arith.constant 16 : i32
      %div3A_1326 = vector.broadcast %jit3A_1325 : i32 to vector<16xi32>
      %div3A_1327 = arith.divsi %max3A_1313, %div3A_1326 : vector<16xi32>
      %sign3A_1328 = arith.constant 0 : i32
      %sign3A_1329 = vector.broadcast %sign3A_1328 : i32 to vector<16xi32>
      %sign3A_1330 = arith.cmpi sgt, %max3A_1313, %sign3A_1329 : vector<16xi32>
      %sign3A_1331 = arith.extui %sign3A_1330 : vector<16xi1> to vector<16xi32>
      %sign3A_1332 = arith.constant 0 : i32
      %sign3A_1333 = vector.broadcast %sign3A_1332 : i32 to vector<16xi32>
      %sign3A_1334 = arith.cmpi slt, %max3A_1313, %sign3A_1333 : vector<16xi32>
      %sign3A_1335 = arith.extui %sign3A_1334 : vector<16xi1> to vector<16xi32>
      %sign3A_1336 = arith.subi %sign3A_1331, %sign3A_1335 : vector<16xi32>
      %sign3A_1337 = arith.constant 0 : i32
      %sign3A_1338 = arith.cmpi sgt, %jit3A_1325, %sign3A_1337 : i32
      %sign3A_1339 = arith.extui %sign3A_1338 : i1 to i32
      %sign3A_1340 = arith.constant 0 : i32
      %sign3A_1341 = arith.cmpi slt, %jit3A_1325, %sign3A_1340 : i32
      %sign3A_1342 = arith.extui %sign3A_1341 : i1 to i32
      %sign3A_1343 = arith.subi %sign3A_1339, %sign3A_1342 : i32
      %ne3A_1344 = vector.broadcast %sign3A_1343 : i32 to vector<16xi32>
      %ne3A_1345 = arith.cmpi ne, %sign3A_1336, %ne3A_1344 : vector<16xi32>
      %rem3A_1346 = vector.broadcast %jit3A_1325 : i32 to vector<16xi32>
      %rem3A_1347 = arith.remsi %max3A_1313, %rem3A_1346 : vector<16xi32>
      %ne3A_1348 = arith.constant 0 : i32
      %ne3A_1349 = vector.broadcast %ne3A_1348 : i32 to vector<16xi32>
      %ne3A_1350 = arith.cmpi ne, %rem3A_1347, %ne3A_1349 : vector<16xi32>
      %and3A_1351 = arith.andi %ne3A_1345, %ne3A_1350 : vector<16xi1>
      %sub3A_1352 = arith.constant 1 : i32
      %sub3A_1353 = vector.broadcast %sub3A_1352 : i32 to vector<16xi32>
      %sub3A_1354 = arith.subi %div3A_1327, %sub3A_1353 : vector<16xi32>
      %select_n3A_1355 = arith.select %and3A_1351, %sub3A_1354, %div3A_1327 : vector<16xi1>, vector<16xi32>
      %jit3A_1356 = arith.constant 16 : i32
      %eq3A_1357 = arith.constant 0 : i32
      %eq3A_1358 = arith.cmpi eq, %jit3A_1356, %eq3A_1357 : i32
      %jit3A_1359 = arith.constant 1 : i32
      %select_n3A_1360 = arith.select %eq3A_1358, %jit3A_1359, %jit3A_1356 : i32
      %rem3A_1361 = vector.broadcast %select_n3A_1360 : i32 to vector<16xi32>
      %rem3A_1362 = arith.remsi %max3A_1313, %rem3A_1361 : vector<16xi32>
      %ne3A_1363 = arith.constant 0 : i32
      %ne3A_1364 = vector.broadcast %ne3A_1363 : i32 to vector<16xi32>
      %ne3A_1365 = arith.cmpi ne, %rem3A_1362, %ne3A_1364 : vector<16xi32>
      %lt3A_1366 = arith.constant 0 : i32
      %lt3A_1367 = vector.broadcast %lt3A_1366 : i32 to vector<16xi32>
      %lt3A_1368 = arith.cmpi slt, %rem3A_1362, %lt3A_1367 : vector<16xi32>
      %lt3A_1369 = arith.constant 0 : i32
      %lt3A_1370 = arith.cmpi slt, %select_n3A_1360, %lt3A_1369 : i32
      %ne3A_1371 = vector.broadcast %lt3A_1370 : i1 to vector<16xi1>
      %ne3A_1372 = vector.broadcast %ne3A_1371 : vector<16xi1> to vector<16xi1>
      %ne3A_1373 = arith.xori %lt3A_1368, %ne3A_1372 : vector<16xi1>
      %and3A_1374 = arith.andi %ne3A_1373, %ne3A_1365 : vector<16xi1>
      %add3A_1375 = vector.broadcast %select_n3A_1360 : i32 to vector<16xi32>
      %add3A_1376 = arith.addi %rem3A_1362, %add3A_1375 : vector<16xi32>
      %select_n3A_1377 = arith.select %and3A_1374, %add3A_1376, %rem3A_1362 : vector<16xi1>, vector<16xi32>
      tpu.vector_store_idx %arg30[%select_n3A_1355, %select_n3A_1377], %add3A_1293 masked %and3A_1284 : memref<32x16xi32, #tpu.memory_space<vmem>>[vector<16xi32>, vector<16xi32>], vector<16xi32>, vector<16xi1>
      %jit3A_1378 = arith.constant 16 : i32
      %div3A_1379 = vector.broadcast %jit3A_1378 : i32 to vector<16xi32>
      %div3A_1380 = arith.divsi %max3A_1324, %div3A_1379 : vector<16xi32>
      %sign3A_1381 = arith.constant 0 : i32
      %sign3A_1382 = vector.broadcast %sign3A_1381 : i32 to vector<16xi32>
      %sign3A_1383 = arith.cmpi sgt, %max3A_1324, %sign3A_1382 : vector<16xi32>
      %sign3A_1384 = arith.extui %sign3A_1383 : vector<16xi1> to vector<16xi32>
      %sign3A_1385 = arith.constant 0 : i32
      %sign3A_1386 = vector.broadcast %sign3A_1385 : i32 to vector<16xi32>
      %sign3A_1387 = arith.cmpi slt, %max3A_1324, %sign3A_1386 : vector<16xi32>
      %sign3A_1388 = arith.extui %sign3A_1387 : vector<16xi1> to vector<16xi32>
      %sign3A_1389 = arith.subi %sign3A_1384, %sign3A_1388 : vector<16xi32>
      %sign3A_1390 = arith.constant 0 : i32
      %sign3A_1391 = arith.cmpi sgt, %jit3A_1378, %sign3A_1390 : i32
      %sign3A_1392 = arith.extui %sign3A_1391 : i1 to i32
      %sign3A_1393 = arith.constant 0 : i32
      %sign3A_1394 = arith.cmpi slt, %jit3A_1378, %sign3A_1393 : i32
      %sign3A_1395 = arith.extui %sign3A_1394 : i1 to i32
      %sign3A_1396 = arith.subi %sign3A_1392, %sign3A_1395 : i32
      %ne3A_1397 = vector.broadcast %sign3A_1396 : i32 to vector<16xi32>
      %ne3A_1398 = arith.cmpi ne, %sign3A_1389, %ne3A_1397 : vector<16xi32>
      %rem3A_1399 = vector.broadcast %jit3A_1378 : i32 to vector<16xi32>
      %rem3A_1400 = arith.remsi %max3A_1324, %rem3A_1399 : vector<16xi32>
      %ne3A_1401 = arith.constant 0 : i32
      %ne3A_1402 = vector.broadcast %ne3A_1401 : i32 to vector<16xi32>
      %ne3A_1403 = arith.cmpi ne, %rem3A_1400, %ne3A_1402 : vector<16xi32>
      %and3A_1404 = arith.andi %ne3A_1398, %ne3A_1403 : vector<16xi1>
      %sub3A_1405 = arith.constant 1 : i32
      %sub3A_1406 = vector.broadcast %sub3A_1405 : i32 to vector<16xi32>
      %sub3A_1407 = arith.subi %div3A_1380, %sub3A_1406 : vector<16xi32>
      %select_n3A_1408 = arith.select %and3A_1404, %sub3A_1407, %div3A_1380 : vector<16xi1>, vector<16xi32>
      %jit3A_1409 = arith.constant 16 : i32
      %eq3A_1410 = arith.constant 0 : i32
      %eq3A_1411 = arith.cmpi eq, %jit3A_1409, %eq3A_1410 : i32
      %jit3A_1412 = arith.constant 1 : i32
      %select_n3A_1413 = arith.select %eq3A_1411, %jit3A_1412, %jit3A_1409 : i32
      %rem3A_1414 = vector.broadcast %select_n3A_1413 : i32 to vector<16xi32>
      %rem3A_1415 = arith.remsi %max3A_1324, %rem3A_1414 : vector<16xi32>
      %ne3A_1416 = arith.constant 0 : i32
      %ne3A_1417 = vector.broadcast %ne3A_1416 : i32 to vector<16xi32>
      %ne3A_1418 = arith.cmpi ne, %rem3A_1415, %ne3A_1417 : vector<16xi32>
      %lt3A_1419 = arith.constant 0 : i32
      %lt3A_1420 = vector.broadcast %lt3A_1419 : i32 to vector<16xi32>
      %lt3A_1421 = arith.cmpi slt, %rem3A_1415, %lt3A_1420 : vector<16xi32>
      %lt3A_1422 = arith.constant 0 : i32
      %lt3A_1423 = arith.cmpi slt, %select_n3A_1413, %lt3A_1422 : i32
      %ne3A_1424 = vector.broadcast %lt3A_1423 : i1 to vector<16xi1>
      %ne3A_1425 = vector.broadcast %ne3A_1424 : vector<16xi1> to vector<16xi1>
      %ne3A_1426 = arith.xori %lt3A_1421, %ne3A_1425 : vector<16xi1>
      %and3A_1427 = arith.andi %ne3A_1426, %ne3A_1418 : vector<16xi1>
      %add3A_1428 = vector.broadcast %select_n3A_1413 : i32 to vector<16xi32>
      %add3A_1429 = arith.addi %rem3A_1415, %add3A_1428 : vector<16xi32>
      %select_n3A_1430 = arith.select %and3A_1427, %add3A_1429, %rem3A_1415 : vector<16xi1>, vector<16xi32>
      tpu.vector_store_idx %arg31[%select_n3A_1408, %select_n3A_1430], %add3A_1293 masked %and3A_1288 : memref<32x16xi32, #tpu.memory_space<vmem>>[vector<16xi32>, vector<16xi32>], vector<16xi32>, vector<16xi1>
      %reduce_sum3A = arith.constant true
      %reduce_sum3A_1431 = vector.broadcast %reduce_sum3A : i1 to vector<16xi1>
      %reduce_sum3A_1432 = tpu.scan <sum>, %select_n3A_1298 masked %reduce_sum3A_1431 : vector<16xi32>, vector<16xi1> -> vector<16xi32>
      %reduce_sum3A_1433 = vector.extract %reduce_sum3A_1432[15] : i32 from vector<16xi32>
      %add3A_1434 = arith.addi %scan3A_1229, %reduce_sum3A_1433 : i32
      %reduce_sum3A_1435 = arith.constant true
      %reduce_sum3A_1436 = vector.broadcast %reduce_sum3A_1435 : i1 to vector<16xi1>
      %reduce_sum3A_1437 = tpu.scan <sum>, %select_n3A_1303 masked %reduce_sum3A_1436 : vector<16xi32>, vector<16xi1> -> vector<16xi32>
      %reduce_sum3A_1438 = vector.extract %reduce_sum3A_1437[15] : i32 from vector<16xi32>
      %add3A_1439 = arith.addi %scan3A_1230, %reduce_sum3A_1438 : i32
      scf.yield %add3A_1434, %add3A_1439 : i32, i32
    }
    %scan3A_878 = arith.constant 32 : i32
    %add3A_879 = arith.constant 16 : i32
    %add3A_880 = arith.addi %scan3A_877#0, %add3A_879 : i32
    %sub3A_881 = arith.constant 1 : i32
    %sub3A_882 = arith.subi %add3A_880, %sub3A_881 : i32
    %jit3A_883 = arith.constant 16 : i32
    %div3A_884 = arith.divsi %sub3A_882, %jit3A_883 : i32
    %sign3A = arith.constant 0 : i32
    %sign3A_885 = arith.cmpi sgt, %sub3A_882, %sign3A : i32
    %sign3A_886 = arith.extui %sign3A_885 : i1 to i32
    %sign3A_887 = arith.constant 0 : i32
    %sign3A_888 = arith.cmpi slt, %sub3A_882, %sign3A_887 : i32
    %sign3A_889 = arith.extui %sign3A_888 : i1 to i32
    %sign3A_890 = arith.subi %sign3A_886, %sign3A_889 : i32
    %sign3A_891 = arith.constant 0 : i32
    %sign3A_892 = arith.cmpi sgt, %jit3A_883, %sign3A_891 : i32
    %sign3A_893 = arith.extui %sign3A_892 : i1 to i32
    %sign3A_894 = arith.constant 0 : i32
    %sign3A_895 = arith.cmpi slt, %jit3A_883, %sign3A_894 : i32
    %sign3A_896 = arith.extui %sign3A_895 : i1 to i32
    %sign3A_897 = arith.subi %sign3A_893, %sign3A_896 : i32
    %ne3A = arith.cmpi ne, %sign3A_890, %sign3A_897 : i32
    %rem3A = arith.remsi %sub3A_882, %jit3A_883 : i32
    %ne3A_898 = arith.constant 0 : i32
    %ne3A_899 = arith.cmpi ne, %rem3A, %ne3A_898 : i32
    %and3A = arith.andi %ne3A, %ne3A_899 : i1
    %sub3A_900 = arith.constant 1 : i32
    %sub3A_901 = arith.subi %div3A_884, %sub3A_900 : i32
    %select_n3A_902 = arith.select %and3A, %sub3A_901, %div3A_884 : i32
    %add3A_903 = arith.constant 16 : i32
    %add3A_904 = arith.addi %scan3A_877#1, %add3A_903 : i32
    %sub3A_905 = arith.constant 1 : i32
    %sub3A_906 = arith.subi %add3A_904, %sub3A_905 : i32
    %jit3A_907 = arith.constant 16 : i32
    %div3A_908 = arith.divsi %sub3A_906, %jit3A_907 : i32
    %sign3A_909 = arith.constant 0 : i32
    %sign3A_910 = arith.cmpi sgt, %sub3A_906, %sign3A_909 : i32
    %sign3A_911 = arith.extui %sign3A_910 : i1 to i32
    %sign3A_912 = arith.constant 0 : i32
    %sign3A_913 = arith.cmpi slt, %sub3A_906, %sign3A_912 : i32
    %sign3A_914 = arith.extui %sign3A_913 : i1 to i32
    %sign3A_915 = arith.subi %sign3A_911, %sign3A_914 : i32
    %sign3A_916 = arith.constant 0 : i32
    %sign3A_917 = arith.cmpi sgt, %jit3A_907, %sign3A_916 : i32
    %sign3A_918 = arith.extui %sign3A_917 : i1 to i32
    %sign3A_919 = arith.constant 0 : i32
    %sign3A_920 = arith.cmpi slt, %jit3A_907, %sign3A_919 : i32
    %sign3A_921 = arith.extui %sign3A_920 : i1 to i32
    %sign3A_922 = arith.subi %sign3A_918, %sign3A_921 : i32
    %ne3A_923 = arith.cmpi ne, %sign3A_915, %sign3A_922 : i32
    %rem3A_924 = arith.remsi %sub3A_906, %jit3A_907 : i32
    %ne3A_925 = arith.constant 0 : i32
    %ne3A_926 = arith.cmpi ne, %rem3A_924, %ne3A_925 : i32
    %and3A_927 = arith.andi %ne3A_923, %ne3A_926 : i1
    %sub3A_928 = arith.constant 1 : i32
    %sub3A_929 = arith.subi %div3A_908, %sub3A_928 : i32
    %select_n3A_930 = arith.select %and3A_927, %sub3A_929, %div3A_908 : i32
    %max3A_931 = arith.maxsi %select_n3A_902, %select_n3A_930 : i32
    %broadcast_in_dim3A_932 = arith.constant 0 : i32
    %broadcast_in_dim3A_933 = vector.broadcast %broadcast_in_dim3A_932 : i32 to vector<16xi32>
    %broadcast_in_dim3A_934 = arith.constant 0 : i32
    %broadcast_in_dim3A_935 = vector.broadcast %broadcast_in_dim3A_934 : i32 to vector<16xi32>
    %while3A_936 = arith.constant 0 : i32
    %while3A_937 = arith.subi %max3A_931, %while3A_936 : i32
    %while3A_938 = arith.addi %while3A_936, %while3A_937 : i32
    %while3A_939 = arith.constant 1 : i32
    %while3A_940 = arith.divsi %while3A_937, %while3A_939 : i32
    %while3A_941 = arith.muli %while3A_940, %while3A_939 : i32
    %while3A_942 = arith.addi %while3A_936, %while3A_941 : i32
    %while3A_943 = arith.constant 1 : i32
    %while3A_944:2 = scf.for %while3A_1228 = %while3A_936 to %while3A_942 step %while3A_943 iter_args(%while3A_1229 = %broadcast_in_dim3A_933, %while3A_1230 = %broadcast_in_dim3A_935) -> (vector<16xi32>, vector<16xi32>)  : i32 {
      %mul3A_1231 = arith.constant 16 : i32
      %mul3A_1232 = arith.muli %while3A_1228, %mul3A_1231 : i32
      %iota3A_1233 = tpu.iota {dimensions = array<i32: 0>} : vector<16xi32>
      %add3A_1234 = vector.broadcast %mul3A_1232 : i32 to vector<16xi32>
      %add3A_1235 = arith.addi %add3A_1234, %iota3A_1233 : vector<16xi32>
      %lt3A = vector.broadcast %scan3A_877#0 : i32 to vector<16xi32>
      %lt3A_1236 = arith.cmpi slt, %add3A_1235, %lt3A : vector<16xi32>
      %get3A_1237 = arith.index_cast %while3A_1228 : i32 to index
      %get3A_1238 = arith.constant 0 : index
      %get3A_1239 = tpu.vector_load %arg30[%get3A_1237, %get3A_1238] {strides = array<i32>} : memref<32x16xi32, #tpu.memory_space<vmem>>, vector<16xi32>,
      %jit3A_1240 = arith.constant 0 : i32
      %broadcast_in_dim3A_1241 = vector.broadcast %jit3A_1240 : i32 to vector<16xi32>
      %select_n3A_1242 = arith.select %lt3A_1236, %get3A_1239, %broadcast_in_dim3A_1241 : vector<16xi1>, vector<16xi32>
      %max3A_1243 = arith.maxsi %select_n3A_1242, %while3A_1229 : vector<16xi32>
      %broadcast_in_dim3A_1244 = arith.constant true
      %broadcast_in_dim3A_1245 = vector.broadcast %broadcast_in_dim3A_1244 : i1 to vector<16xi1>
      %masked_cummax3A = arith.constant -2147483648 : i32
      %masked_cummax3A_1246 = vector.broadcast %masked_cummax3A : i32 to vector<16xi32>
      %masked_cummax3A_1247 = arith.xori %max3A_1243, %masked_cummax3A_1246 : vector<16xi32>
      %masked_cummax3A_1248 = tpu.scan <max>, %masked_cummax3A_1247 masked %broadcast_in_dim3A_1245 : vector<16xi32>, vector<16xi1> -> vector<16xi32>
      %masked_cummax3A_1249 = arith.xori %masked_cummax3A_1248, %masked_cummax3A_1246 : vector<16xi32>
      %swap3A_1250 = arith.index_cast %while3A_1228 : i32 to index
      %swap3A_1251 = arith.constant 0 : index
      %swap3A_1252 = tpu.vector_load %arg30[%swap3A_1250, %swap3A_1251] {strides = array<i32>} : memref<32x16xi32, #tpu.memory_space<vmem>>, vector<16xi32>,
      tpu.vector_store %arg30[%swap3A_1250, %swap3A_1251], %masked_cummax3A_1249 {strides = array<i32>} : memref<32x16xi32, #tpu.memory_space<vmem>>, vector<16xi32>,
      %lt3A_1253 = vector.broadcast %scan3A_877#1 : i32 to vector<16xi32>
      %lt3A_1254 = arith.cmpi slt, %add3A_1235, %lt3A_1253 : vector<16xi32>
      %get3A_1255 = arith.index_cast %while3A_1228 : i32 to index
      %get3A_1256 = arith.constant 0 : index
      %get3A_1257 = tpu.vector_load %arg31[%get3A_1255, %get3A_1256] {strides = array<i32>} : memref<32x16xi32, #tpu.memory_space<vmem>>, vector<16xi32>,
      %jit3A_1258 = arith.constant 0 : i32
      %broadcast_in_dim3A_1259 = vector.broadcast %jit3A_1258 : i32 to vector<16xi32>
      %select_n3A_1260 = arith.select %lt3A_1254, %get3A_1257, %broadcast_in_dim3A_1259 : vector<16xi1>, vector<16xi32>
      %max3A_1261 = arith.maxsi %select_n3A_1260, %while3A_1230 : vector<16xi32>
      %broadcast_in_dim3A_1262 = arith.constant true
      %broadcast_in_dim3A_1263 = vector.broadcast %broadcast_in_dim3A_1262 : i1 to vector<16xi1>
      %masked_cummax3A_1264 = arith.constant -2147483648 : i32
      %masked_cummax3A_1265 = vector.broadcast %masked_cummax3A_1264 : i32 to vector<16xi32>
      %masked_cummax3A_1266 = arith.xori %max3A_1261, %masked_cummax3A_1265 : vector<16xi32>
      %masked_cummax3A_1267 = tpu.scan <max>, %masked_cummax3A_1266 masked %broadcast_in_dim3A_1263 : vector<16xi32>, vector<16xi1> -> vector<16xi32>
      %masked_cummax3A_1268 = arith.xori %masked_cummax3A_1267, %masked_cummax3A_1265 : vector<16xi32>
      %swap3A_1269 = arith.index_cast %while3A_1228 : i32 to index
      %swap3A_1270 = arith.constant 0 : index
      %swap3A_1271 = tpu.vector_load %arg31[%swap3A_1269, %swap3A_1270] {strides = array<i32>} : memref<32x16xi32, #tpu.memory_space<vmem>>, vector<16xi32>,
      tpu.vector_store %arg31[%swap3A_1269, %swap3A_1270], %masked_cummax3A_1268 {strides = array<i32>} : memref<32x16xi32, #tpu.memory_space<vmem>>, vector<16xi32>,
      %broadcast_in_dim3A_1272 = vector.broadcast %while3A_1228 : i32 to vector<16xi32>
      %broadcast_in_dim3A_1273 = arith.constant 15 : i32
      %broadcast_in_dim3A_1274 = vector.broadcast %broadcast_in_dim3A_1273 : i32 to vector<16xi32>
      %gather3A_1275 = tpu.vector_load_idx %arg30[%broadcast_in_dim3A_1272, %broadcast_in_dim3A_1274] : memref<32x16xi32, #tpu.memory_space<vmem>>[vector<16xi32>, vector<16xi32>], vector<16xi32>,
      %broadcast_in_dim3A_1276 = vector.broadcast %while3A_1228 : i32 to vector<16xi32>
      %broadcast_in_dim3A_1277 = arith.constant 15 : i32
      %broadcast_in_dim3A_1278 = vector.broadcast %broadcast_in_dim3A_1277 : i32 to vector<16xi32>
      %gather3A_1279 = tpu.vector_load_idx %arg31[%broadcast_in_dim3A_1276, %broadcast_in_dim3A_1278] : memref<32x16xi32, #tpu.memory_space<vmem>>[vector<16xi32>, vector<16xi32>], vector<16xi32>,
      scf.yield %gather3A_1275, %gather3A_1279 : vector<16xi32>, vector<16xi32>
    }
    %while3A_945 = arith.constant 1 : i32
    %while3A_946:2 = scf.for %while3A_1228 = %while3A_942 to %while3A_938 step %while3A_945 iter_args(%while3A_1229 = %while3A_944#0, %while3A_1230 = %while3A_944#1) -> (vector<16xi32>, vector<16xi32>)  : i32 {
      %mul3A_1231 = arith.constant 16 : i32
      %mul3A_1232 = arith.muli %while3A_1228, %mul3A_1231 : i32
      %iota3A_1233 = tpu.iota {dimensions = array<i32: 0>} : vector<16xi32>
      %add3A_1234 = vector.broadcast %mul3A_1232 : i32 to vector<16xi32>
      %add3A_1235 = arith.addi %add3A_1234, %iota3A_1233 : vector<16xi32>
      %lt3A = vector.broadcast %scan3A_877#0 : i32 to vector<16xi32>
      %lt3A_1236 = arith.cmpi slt, %add3A_1235, %lt3A : vector<16xi32>
      %get3A_1237 = arith.index_cast %while3A_1228 : i32 to index
      %get3A_1238 = arith.constant 0 : index
      %get3A_1239 = tpu.vector_load %arg30[%get3A_1237, %get3A_1238] {strides = array<i32>} : memref<32x16xi32, #tpu.memory_space<vmem>>, vector<16xi32>,
      %jit3A_1240 = arith.constant 0 : i32
      %broadcast_in_dim3A_1241 = vector.broadcast %jit3A_1240 : i32 to vector<16xi32>
      %select_n3A_1242 = arith.select %lt3A_1236, %get3A_1239, %broadcast_in_dim3A_1241 : vector<16xi1>, vector<16xi32>
      %max3A_1243 = arith.maxsi %select_n3A_1242, %while3A_1229 : vector<16xi32>
      %broadcast_in_dim3A_1244 = arith.constant true
      %broadcast_in_dim3A_1245 = vector.broadcast %broadcast_in_dim3A_1244 : i1 to vector<16xi1>
      %masked_cummax3A = arith.constant -2147483648 : i32
      %masked_cummax3A_1246 = vector.broadcast %masked_cummax3A : i32 to vector<16xi32>
      %masked_cummax3A_1247 = arith.xori %max3A_1243, %masked_cummax3A_1246 : vector<16xi32>
      %masked_cummax3A_1248 = tpu.scan <max>, %masked_cummax3A_1247 masked %broadcast_in_dim3A_1245 : vector<16xi32>, vector<16xi1> -> vector<16xi32>
      %masked_cummax3A_1249 = arith.xori %masked_cummax3A_1248, %masked_cummax3A_1246 : vector<16xi32>
      %swap3A_1250 = arith.index_cast %while3A_1228 : i32 to index
      %swap3A_1251 = arith.constant 0 : index
      %swap3A_1252 = tpu.vector_load %arg30[%swap3A_1250, %swap3A_1251] {strides = array<i32>} : memref<32x16xi32, #tpu.memory_space<vmem>>, vector<16xi32>,
      tpu.vector_store %arg30[%swap3A_1250, %swap3A_1251], %masked_cummax3A_1249 {strides = array<i32>} : memref<32x16xi32, #tpu.memory_space<vmem>>, vector<16xi32>,
      %lt3A_1253 = vector.broadcast %scan3A_877#1 : i32 to vector<16xi32>
      %lt3A_1254 = arith.cmpi slt, %add3A_1235, %lt3A_1253 : vector<16xi32>
      %get3A_1255 = arith.index_cast %while3A_1228 : i32 to index
      %get3A_1256 = arith.constant 0 : index
      %get3A_1257 = tpu.vector_load %arg31[%get3A_1255, %get3A_1256] {strides = array<i32>} : memref<32x16xi32, #tpu.memory_space<vmem>>, vector<16xi32>,
      %jit3A_1258 = arith.constant 0 : i32
      %broadcast_in_dim3A_1259 = vector.broadcast %jit3A_1258 : i32 to vector<16xi32>
      %select_n3A_1260 = arith.select %lt3A_1254, %get3A_1257, %broadcast_in_dim3A_1259 : vector<16xi1>, vector<16xi32>
      %max3A_1261 = arith.maxsi %select_n3A_1260, %while3A_1230 : vector<16xi32>
      %broadcast_in_dim3A_1262 = arith.constant true
      %broadcast_in_dim3A_1263 = vector.broadcast %broadcast_in_dim3A_1262 : i1 to vector<16xi1>
      %masked_cummax3A_1264 = arith.constant -2147483648 : i32
      %masked_cummax3A_1265 = vector.broadcast %masked_cummax3A_1264 : i32 to vector<16xi32>
      %masked_cummax3A_1266 = arith.xori %max3A_1261, %masked_cummax3A_1265 : vector<16xi32>
      %masked_cummax3A_1267 = tpu.scan <max>, %masked_cummax3A_1266 masked %broadcast_in_dim3A_1263 : vector<16xi32>, vector<16xi1> -> vector<16xi32>
      %masked_cummax3A_1268 = arith.xori %masked_cummax3A_1267, %masked_cummax3A_1265 : vector<16xi32>
      %swap3A_1269 = arith.index_cast %while3A_1228 : i32 to index
      %swap3A_1270 = arith.constant 0 : index
      %swap3A_1271 = tpu.vector_load %arg31[%swap3A_1269, %swap3A_1270] {strides = array<i32>} : memref<32x16xi32, #tpu.memory_space<vmem>>, vector<16xi32>,
      tpu.vector_store %arg31[%swap3A_1269, %swap3A_1270], %masked_cummax3A_1268 {strides = array<i32>} : memref<32x16xi32, #tpu.memory_space<vmem>>, vector<16xi32>,
      %broadcast_in_dim3A_1272 = vector.broadcast %while3A_1228 : i32 to vector<16xi32>
      %broadcast_in_dim3A_1273 = arith.constant 15 : i32
      %broadcast_in_dim3A_1274 = vector.broadcast %broadcast_in_dim3A_1273 : i32 to vector<16xi32>
      %gather3A_1275 = tpu.vector_load_idx %arg30[%broadcast_in_dim3A_1272, %broadcast_in_dim3A_1274] : memref<32x16xi32, #tpu.memory_space<vmem>>[vector<16xi32>, vector<16xi32>], vector<16xi32>,
      %broadcast_in_dim3A_1276 = vector.broadcast %while3A_1228 : i32 to vector<16xi32>
      %broadcast_in_dim3A_1277 = arith.constant 15 : i32
      %broadcast_in_dim3A_1278 = vector.broadcast %broadcast_in_dim3A_1277 : i32 to vector<16xi32>
      %gather3A_1279 = tpu.vector_load_idx %arg31[%broadcast_in_dim3A_1276, %broadcast_in_dim3A_1278] : memref<32x16xi32, #tpu.memory_space<vmem>>[vector<16xi32>, vector<16xi32>], vector<16xi32>,
      scf.yield %gather3A_1275, %gather3A_1279 : vector<16xi32>, vector<16xi32>
    }
    %dma_wait3A_947 = arith.constant 0 : i32
    %dma_wait3A_948 = arith.constant 0 : i32
    %dma_wait3A_949 = arith.constant 0 : i32
    %dma_wait3A_950 = tpu.memref_slice %arg18[%dma_wait3A_948, %dma_wait3A_949] : memref<512x128xf32, #tpu.memory_space<vmem>> -> memref<64x128xf32, #tpu.memory_space<vmem>>
    %dma_wait3A_951 = arith.constant 0 : i32
    %dma_wait3A_952 = tpu.memref_slice %arg27[%dma_wait3A_947, %dma_wait3A_951] : memref<8x64xi32, #tpu.memory_space<vmem>> -> memref<1x64xi32, #tpu.memory_space<vmem>>
    %dma_wait3A_953 = tpu.memref_squeeze %dma_wait3A_952 : memref<1x64xi32, #tpu.memory_space<vmem>> -> memref<64xi32, #tpu.memory_space<vmem>>
    %dma_wait3A_954 = arith.constant 0 : i32
    %dma_wait3A_955 = arith.constant 0 : i32
    %dma_wait3A_956 = tpu.memref_slice %arg3[%dma_wait3A_954, %dma_wait3A_955] : memref<100000x128xf32, #tpu.memory_space<hbm>> -> memref<100000x128xf32, #tpu.memory_space<hbm>>
    tpu.wait_indirect_dma semaphore(%arg37 : memref<!tpu.dma_semaphore, #tpu.memory_space<semaphore_mem>>) src(%dma_wait3A_956 : memref<100000x128xf32, #tpu.memory_space<hbm>>) dst(%dma_wait3A_950 : memref<64x128xf32, #tpu.memory_space<vmem>>)
    %add3A_957 = arith.constant 0 : i32
    %add3A_958 = arith.addi %mul3A_2, %add3A_957 : i32
    %dma_start3A_959 = arith.constant 0 : i32
    %dma_start3A_960 = arith.constant 0 : i32
    %dma_start3A_961 = tpu.memref_slice %arg18[%dma_start3A_959, %dma_start3A_960] : memref<512x128xf32, #tpu.memory_space<vmem>> -> memref<64x128xf32, #tpu.memory_space<vmem>>
    %dma_start3A_962 = arith.constant 0 : i32
    %dma_start3A_963 = tpu.memref_slice %arg10[%add3A_958, %dma_start3A_962] : memref<16384x128xf32, #tpu.memory_space<hbm>> -> memref<64x128xf32, #tpu.memory_space<hbm>>
    %dma_start3A_964 = arith.constant 0 : i32
    %dma_start3A_965 = tpu.memref_slice %arg10[%add3A_958, %dma_start3A_964] : memref<16384x128xf32, #tpu.memory_space<hbm>> -> memref<64x128xf32, #tpu.memory_space<hbm>>
    %dma_start3A_966 = arith.constant 0 : i32
    %dma_start3A_967 = arith.constant 0 : i32
    %dma_start3A_968 = tpu.memref_slice %arg18[%dma_start3A_966, %dma_start3A_967] : memref<512x128xf32, #tpu.memory_space<vmem>> -> memref<64x128xf32, #tpu.memory_space<vmem>>
    tpu.enqueue_dma source(%dma_start3A_968 : memref<64x128xf32, #tpu.memory_space<vmem>>) target(%dma_start3A_965 : memref<64x128xf32, #tpu.memory_space<hbm>>) target_semaphore(%arg37 : memref<!tpu.dma_semaphore, #tpu.memory_space<semaphore_mem>>)
    %dma_wait3A_969 = arith.constant 1 : i32
    %dma_wait3A_970 = arith.constant 64 : i32
    %dma_wait3A_971 = arith.constant 0 : i32
    %dma_wait3A_972 = tpu.memref_slice %arg18[%dma_wait3A_970, %dma_wait3A_971] : memref<512x128xf32, #tpu.memory_space<vmem>> -> memref<64x128xf32, #tpu.memory_space<vmem>>
    %dma_wait3A_973 = arith.constant 0 : i32
    %dma_wait3A_974 = tpu.memref_slice %arg27[%dma_wait3A_969, %dma_wait3A_973] : memref<8x64xi32, #tpu.memory_space<vmem>> -> memref<1x64xi32, #tpu.memory_space<vmem>>
    %dma_wait3A_975 = tpu.memref_squeeze %dma_wait3A_974 : memref<1x64xi32, #tpu.memory_space<vmem>> -> memref<64xi32, #tpu.memory_space<vmem>>
    %dma_wait3A_976 = arith.constant 0 : i32
    %dma_wait3A_977 = arith.constant 0 : i32
    %dma_wait3A_978 = tpu.memref_slice %arg3[%dma_wait3A_976, %dma_wait3A_977] : memref<100000x128xf32, #tpu.memory_space<hbm>> -> memref<100000x128xf32, #tpu.memory_space<hbm>>
    tpu.wait_indirect_dma semaphore(%arg37 : memref<!tpu.dma_semaphore, #tpu.memory_space<semaphore_mem>>) src(%dma_wait3A_978 : memref<100000x128xf32, #tpu.memory_space<hbm>>) dst(%dma_wait3A_972 : memref<64x128xf32, #tpu.memory_space<vmem>>)
    %add3A_979 = arith.constant 64 : i32
    %add3A_980 = arith.addi %mul3A_2, %add3A_979 : i32
    %dma_start3A_981 = arith.constant 64 : i32
    %dma_start3A_982 = arith.constant 0 : i32
    %dma_start3A_983 = tpu.memref_slice %arg18[%dma_start3A_981, %dma_start3A_982] : memref<512x128xf32, #tpu.memory_space<vmem>> -> memref<64x128xf32, #tpu.memory_space<vmem>>
    %dma_start3A_984 = arith.constant 0 : i32
    %dma_start3A_985 = tpu.memref_slice %arg10[%add3A_980, %dma_start3A_984] : memref<16384x128xf32, #tpu.memory_space<hbm>> -> memref<64x128xf32, #tpu.memory_space<hbm>>
    %dma_start3A_986 = arith.constant 0 : i32
    %dma_start3A_987 = tpu.memref_slice %arg10[%add3A_980, %dma_start3A_986] : memref<16384x128xf32, #tpu.memory_space<hbm>> -> memref<64x128xf32, #tpu.memory_space<hbm>>
    %dma_start3A_988 = arith.constant 64 : i32
    %dma_start3A_989 = arith.constant 0 : i32
    %dma_start3A_990 = tpu.memref_slice %arg18[%dma_start3A_988, %dma_start3A_989] : memref<512x128xf32, #tpu.memory_space<vmem>> -> memref<64x128xf32, #tpu.memory_space<vmem>>
    tpu.enqueue_dma source(%dma_start3A_990 : memref<64x128xf32, #tpu.memory_space<vmem>>) target(%dma_start3A_987 : memref<64x128xf32, #tpu.memory_space<hbm>>) target_semaphore(%arg37 : memref<!tpu.dma_semaphore, #tpu.memory_space<semaphore_mem>>)
    %dma_wait3A_991 = arith.constant 2 : i32
    %dma_wait3A_992 = arith.constant 128 : i32
    %dma_wait3A_993 = arith.constant 0 : i32
    %dma_wait3A_994 = tpu.memref_slice %arg18[%dma_wait3A_992, %dma_wait3A_993] : memref<512x128xf32, #tpu.memory_space<vmem>> -> memref<64x128xf32, #tpu.memory_space<vmem>>
    %dma_wait3A_995 = arith.constant 0 : i32
    %dma_wait3A_996 = tpu.memref_slice %arg27[%dma_wait3A_991, %dma_wait3A_995] : memref<8x64xi32, #tpu.memory_space<vmem>> -> memref<1x64xi32, #tpu.memory_space<vmem>>
    %dma_wait3A_997 = tpu.memref_squeeze %dma_wait3A_996 : memref<1x64xi32, #tpu.memory_space<vmem>> -> memref<64xi32, #tpu.memory_space<vmem>>
    %dma_wait3A_998 = arith.constant 0 : i32
    %dma_wait3A_999 = arith.constant 0 : i32
    %dma_wait3A_1000 = tpu.memref_slice %arg3[%dma_wait3A_998, %dma_wait3A_999] : memref<100000x128xf32, #tpu.memory_space<hbm>> -> memref<100000x128xf32, #tpu.memory_space<hbm>>
    tpu.wait_indirect_dma semaphore(%arg37 : memref<!tpu.dma_semaphore, #tpu.memory_space<semaphore_mem>>) src(%dma_wait3A_1000 : memref<100000x128xf32, #tpu.memory_space<hbm>>) dst(%dma_wait3A_994 : memref<64x128xf32, #tpu.memory_space<vmem>>)
    %add3A_1001 = arith.constant 128 : i32
    %add3A_1002 = arith.addi %mul3A_2, %add3A_1001 : i32
    %dma_start3A_1003 = arith.constant 128 : i32
    %dma_start3A_1004 = arith.constant 0 : i32
    %dma_start3A_1005 = tpu.memref_slice %arg18[%dma_start3A_1003, %dma_start3A_1004] : memref<512x128xf32, #tpu.memory_space<vmem>> -> memref<64x128xf32, #tpu.memory_space<vmem>>
    %dma_start3A_1006 = arith.constant 0 : i32
    %dma_start3A_1007 = tpu.memref_slice %arg10[%add3A_1002, %dma_start3A_1006] : memref<16384x128xf32, #tpu.memory_space<hbm>> -> memref<64x128xf32, #tpu.memory_space<hbm>>
    %dma_start3A_1008 = arith.constant 0 : i32
    %dma_start3A_1009 = tpu.memref_slice %arg10[%add3A_1002, %dma_start3A_1008] : memref<16384x128xf32, #tpu.memory_space<hbm>> -> memref<64x128xf32, #tpu.memory_space<hbm>>
    %dma_start3A_1010 = arith.constant 128 : i32
    %dma_start3A_1011 = arith.constant 0 : i32
    %dma_start3A_1012 = tpu.memref_slice %arg18[%dma_start3A_1010, %dma_start3A_1011] : memref<512x128xf32, #tpu.memory_space<vmem>> -> memref<64x128xf32, #tpu.memory_space<vmem>>
    tpu.enqueue_dma source(%dma_start3A_1012 : memref<64x128xf32, #tpu.memory_space<vmem>>) target(%dma_start3A_1009 : memref<64x128xf32, #tpu.memory_space<hbm>>) target_semaphore(%arg37 : memref<!tpu.dma_semaphore, #tpu.memory_space<semaphore_mem>>)
    %dma_wait3A_1013 = arith.constant 3 : i32
    %dma_wait3A_1014 = arith.constant 192 : i32
    %dma_wait3A_1015 = arith.constant 0 : i32
    %dma_wait3A_1016 = tpu.memref_slice %arg18[%dma_wait3A_1014, %dma_wait3A_1015] : memref<512x128xf32, #tpu.memory_space<vmem>> -> memref<64x128xf32, #tpu.memory_space<vmem>>
    %dma_wait3A_1017 = arith.constant 0 : i32
    %dma_wait3A_1018 = tpu.memref_slice %arg27[%dma_wait3A_1013, %dma_wait3A_1017] : memref<8x64xi32, #tpu.memory_space<vmem>> -> memref<1x64xi32, #tpu.memory_space<vmem>>
    %dma_wait3A_1019 = tpu.memref_squeeze %dma_wait3A_1018 : memref<1x64xi32, #tpu.memory_space<vmem>> -> memref<64xi32, #tpu.memory_space<vmem>>
    %dma_wait3A_1020 = arith.constant 0 : i32
    %dma_wait3A_1021 = arith.constant 0 : i32
    %dma_wait3A_1022 = tpu.memref_slice %arg3[%dma_wait3A_1020, %dma_wait3A_1021] : memref<100000x128xf32, #tpu.memory_space<hbm>> -> memref<100000x128xf32, #tpu.memory_space<hbm>>
    tpu.wait_indirect_dma semaphore(%arg37 : memref<!tpu.dma_semaphore, #tpu.memory_space<semaphore_mem>>) src(%dma_wait3A_1022 : memref<100000x128xf32, #tpu.memory_space<hbm>>) dst(%dma_wait3A_1016 : memref<64x128xf32, #tpu.memory_space<vmem>>)
    %add3A_1023 = arith.constant 192 : i32
    %add3A_1024 = arith.addi %mul3A_2, %add3A_1023 : i32
    %dma_start3A_1025 = arith.constant 192 : i32
    %dma_start3A_1026 = arith.constant 0 : i32
    %dma_start3A_1027 = tpu.memref_slice %arg18[%dma_start3A_1025, %dma_start3A_1026] : memref<512x128xf32, #tpu.memory_space<vmem>> -> memref<64x128xf32, #tpu.memory_space<vmem>>
    %dma_start3A_1028 = arith.constant 0 : i32
    %dma_start3A_1029 = tpu.memref_slice %arg10[%add3A_1024, %dma_start3A_1028] : memref<16384x128xf32, #tpu.memory_space<hbm>> -> memref<64x128xf32, #tpu.memory_space<hbm>>
    %dma_start3A_1030 = arith.constant 0 : i32
    %dma_start3A_1031 = tpu.memref_slice %arg10[%add3A_1024, %dma_start3A_1030] : memref<16384x128xf32, #tpu.memory_space<hbm>> -> memref<64x128xf32, #tpu.memory_space<hbm>>
    %dma_start3A_1032 = arith.constant 192 : i32
    %dma_start3A_1033 = arith.constant 0 : i32
    %dma_start3A_1034 = tpu.memref_slice %arg18[%dma_start3A_1032, %dma_start3A_1033] : memref<512x128xf32, #tpu.memory_space<vmem>> -> memref<64x128xf32, #tpu.memory_space<vmem>>
    tpu.enqueue_dma source(%dma_start3A_1034 : memref<64x128xf32, #tpu.memory_space<vmem>>) target(%dma_start3A_1031 : memref<64x128xf32, #tpu.memory_space<hbm>>) target_semaphore(%arg37 : memref<!tpu.dma_semaphore, #tpu.memory_space<semaphore_mem>>)
    %dma_wait3A_1035 = arith.constant 4 : i32
    %dma_wait3A_1036 = arith.constant 256 : i32
    %dma_wait3A_1037 = arith.constant 0 : i32
    %dma_wait3A_1038 = tpu.memref_slice %arg18[%dma_wait3A_1036, %dma_wait3A_1037] : memref<512x128xf32, #tpu.memory_space<vmem>> -> memref<64x128xf32, #tpu.memory_space<vmem>>
    %dma_wait3A_1039 = arith.constant 0 : i32
    %dma_wait3A_1040 = tpu.memref_slice %arg27[%dma_wait3A_1035, %dma_wait3A_1039] : memref<8x64xi32, #tpu.memory_space<vmem>> -> memref<1x64xi32, #tpu.memory_space<vmem>>
    %dma_wait3A_1041 = tpu.memref_squeeze %dma_wait3A_1040 : memref<1x64xi32, #tpu.memory_space<vmem>> -> memref<64xi32, #tpu.memory_space<vmem>>
    %dma_wait3A_1042 = arith.constant 0 : i32
    %dma_wait3A_1043 = arith.constant 0 : i32
    %dma_wait3A_1044 = tpu.memref_slice %arg3[%dma_wait3A_1042, %dma_wait3A_1043] : memref<100000x128xf32, #tpu.memory_space<hbm>> -> memref<100000x128xf32, #tpu.memory_space<hbm>>
    tpu.wait_indirect_dma semaphore(%arg37 : memref<!tpu.dma_semaphore, #tpu.memory_space<semaphore_mem>>) src(%dma_wait3A_1044 : memref<100000x128xf32, #tpu.memory_space<hbm>>) dst(%dma_wait3A_1038 : memref<64x128xf32, #tpu.memory_space<vmem>>)
    %add3A_1045 = arith.constant 256 : i32
    %add3A_1046 = arith.addi %mul3A_2, %add3A_1045 : i32
    %dma_start3A_1047 = arith.constant 256 : i32
    %dma_start3A_1048 = arith.constant 0 : i32
    %dma_start3A_1049 = tpu.memref_slice %arg18[%dma_start3A_1047, %dma_start3A_1048] : memref<512x128xf32, #tpu.memory_space<vmem>> -> memref<64x128xf32, #tpu.memory_space<vmem>>
    %dma_start3A_1050 = arith.constant 0 : i32
    %dma_start3A_1051 = tpu.memref_slice %arg10[%add3A_1046, %dma_start3A_1050] : memref<16384x128xf32, #tpu.memory_space<hbm>> -> memref<64x128xf32, #tpu.memory_space<hbm>>
    %dma_start3A_1052 = arith.constant 0 : i32
    %dma_start3A_1053 = tpu.memref_slice %arg10[%add3A_1046, %dma_start3A_1052] : memref<16384x128xf32, #tpu.memory_space<hbm>> -> memref<64x128xf32, #tpu.memory_space<hbm>>
    %dma_start3A_1054 = arith.constant 256 : i32
    %dma_start3A_1055 = arith.constant 0 : i32
    %dma_start3A_1056 = tpu.memref_slice %arg18[%dma_start3A_1054, %dma_start3A_1055] : memref<512x128xf32, #tpu.memory_space<vmem>> -> memref<64x128xf32, #tpu.memory_space<vmem>>
    tpu.enqueue_dma source(%dma_start3A_1056 : memref<64x128xf32, #tpu.memory_space<vmem>>) target(%dma_start3A_1053 : memref<64x128xf32, #tpu.memory_space<hbm>>) target_semaphore(%arg37 : memref<!tpu.dma_semaphore, #tpu.memory_space<semaphore_mem>>)
    %dma_wait3A_1057 = arith.constant 5 : i32
    %dma_wait3A_1058 = arith.constant 320 : i32
    %dma_wait3A_1059 = arith.constant 0 : i32
    %dma_wait3A_1060 = tpu.memref_slice %arg18[%dma_wait3A_1058, %dma_wait3A_1059] : memref<512x128xf32, #tpu.memory_space<vmem>> -> memref<64x128xf32, #tpu.memory_space<vmem>>
    %dma_wait3A_1061 = arith.constant 0 : i32
    %dma_wait3A_1062 = tpu.memref_slice %arg27[%dma_wait3A_1057, %dma_wait3A_1061] : memref<8x64xi32, #tpu.memory_space<vmem>> -> memref<1x64xi32, #tpu.memory_space<vmem>>
    %dma_wait3A_1063 = tpu.memref_squeeze %dma_wait3A_1062 : memref<1x64xi32, #tpu.memory_space<vmem>> -> memref<64xi32, #tpu.memory_space<vmem>>
    %dma_wait3A_1064 = arith.constant 0 : i32
    %dma_wait3A_1065 = arith.constant 0 : i32
    %dma_wait3A_1066 = tpu.memref_slice %arg3[%dma_wait3A_1064, %dma_wait3A_1065] : memref<100000x128xf32, #tpu.memory_space<hbm>> -> memref<100000x128xf32, #tpu.memory_space<hbm>>
    tpu.wait_indirect_dma semaphore(%arg37 : memref<!tpu.dma_semaphore, #tpu.memory_space<semaphore_mem>>) src(%dma_wait3A_1066 : memref<100000x128xf32, #tpu.memory_space<hbm>>) dst(%dma_wait3A_1060 : memref<64x128xf32, #tpu.memory_space<vmem>>)
    %add3A_1067 = arith.constant 320 : i32
    %add3A_1068 = arith.addi %mul3A_2, %add3A_1067 : i32
    %dma_start3A_1069 = arith.constant 320 : i32
    %dma_start3A_1070 = arith.constant 0 : i32
    %dma_start3A_1071 = tpu.memref_slice %arg18[%dma_start3A_1069, %dma_start3A_1070] : memref<512x128xf32, #tpu.memory_space<vmem>> -> memref<64x128xf32, #tpu.memory_space<vmem>>
    %dma_start3A_1072 = arith.constant 0 : i32
    %dma_start3A_1073 = tpu.memref_slice %arg10[%add3A_1068, %dma_start3A_1072] : memref<16384x128xf32, #tpu.memory_space<hbm>> -> memref<64x128xf32, #tpu.memory_space<hbm>>
    %dma_start3A_1074 = arith.constant 0 : i32
    %dma_start3A_1075 = tpu.memref_slice %arg10[%add3A_1068, %dma_start3A_1074] : memref<16384x128xf32, #tpu.memory_space<hbm>> -> memref<64x128xf32, #tpu.memory_space<hbm>>
    %dma_start3A_1076 = arith.constant 320 : i32
    %dma_start3A_1077 = arith.constant 0 : i32
    %dma_start3A_1078 = tpu.memref_slice %arg18[%dma_start3A_1076, %dma_start3A_1077] : memref<512x128xf32, #tpu.memory_space<vmem>> -> memref<64x128xf32, #tpu.memory_space<vmem>>
    tpu.enqueue_dma source(%dma_start3A_1078 : memref<64x128xf32, #tpu.memory_space<vmem>>) target(%dma_start3A_1075 : memref<64x128xf32, #tpu.memory_space<hbm>>) target_semaphore(%arg37 : memref<!tpu.dma_semaphore, #tpu.memory_space<semaphore_mem>>)
    %dma_wait3A_1079 = arith.constant 6 : i32
    %dma_wait3A_1080 = arith.constant 384 : i32
    %dma_wait3A_1081 = arith.constant 0 : i32
    %dma_wait3A_1082 = tpu.memref_slice %arg18[%dma_wait3A_1080, %dma_wait3A_1081] : memref<512x128xf32, #tpu.memory_space<vmem>> -> memref<64x128xf32, #tpu.memory_space<vmem>>
    %dma_wait3A_1083 = arith.constant 0 : i32
    %dma_wait3A_1084 = tpu.memref_slice %arg27[%dma_wait3A_1079, %dma_wait3A_1083] : memref<8x64xi32, #tpu.memory_space<vmem>> -> memref<1x64xi32, #tpu.memory_space<vmem>>
    %dma_wait3A_1085 = tpu.memref_squeeze %dma_wait3A_1084 : memref<1x64xi32, #tpu.memory_space<vmem>> -> memref<64xi32, #tpu.memory_space<vmem>>
    %dma_wait3A_1086 = arith.constant 0 : i32
    %dma_wait3A_1087 = arith.constant 0 : i32
    %dma_wait3A_1088 = tpu.memref_slice %arg3[%dma_wait3A_1086, %dma_wait3A_1087] : memref<100000x128xf32, #tpu.memory_space<hbm>> -> memref<100000x128xf32, #tpu.memory_space<hbm>>
    tpu.wait_indirect_dma semaphore(%arg37 : memref<!tpu.dma_semaphore, #tpu.memory_space<semaphore_mem>>) src(%dma_wait3A_1088 : memref<100000x128xf32, #tpu.memory_space<hbm>>) dst(%dma_wait3A_1082 : memref<64x128xf32, #tpu.memory_space<vmem>>)
    %add3A_1089 = arith.constant 384 : i32
    %add3A_1090 = arith.addi %mul3A_2, %add3A_1089 : i32
    %dma_start3A_1091 = arith.constant 384 : i32
    %dma_start3A_1092 = arith.constant 0 : i32
    %dma_start3A_1093 = tpu.memref_slice %arg18[%dma_start3A_1091, %dma_start3A_1092] : memref<512x128xf32, #tpu.memory_space<vmem>> -> memref<64x128xf32, #tpu.memory_space<vmem>>
    %dma_start3A_1094 = arith.constant 0 : i32
    %dma_start3A_1095 = tpu.memref_slice %arg10[%add3A_1090, %dma_start3A_1094] : memref<16384x128xf32, #tpu.memory_space<hbm>> -> memref<64x128xf32, #tpu.memory_space<hbm>>
    %dma_start3A_1096 = arith.constant 0 : i32
    %dma_start3A_1097 = tpu.memref_slice %arg10[%add3A_1090, %dma_start3A_1096] : memref<16384x128xf32, #tpu.memory_space<hbm>> -> memref<64x128xf32, #tpu.memory_space<hbm>>
    %dma_start3A_1098 = arith.constant 384 : i32
    %dma_start3A_1099 = arith.constant 0 : i32
    %dma_start3A_1100 = tpu.memref_slice %arg18[%dma_start3A_1098, %dma_start3A_1099] : memref<512x128xf32, #tpu.memory_space<vmem>> -> memref<64x128xf32, #tpu.memory_space<vmem>>
    tpu.enqueue_dma source(%dma_start3A_1100 : memref<64x128xf32, #tpu.memory_space<vmem>>) target(%dma_start3A_1097 : memref<64x128xf32, #tpu.memory_space<hbm>>) target_semaphore(%arg37 : memref<!tpu.dma_semaphore, #tpu.memory_space<semaphore_mem>>)
    %dma_wait3A_1101 = arith.constant 7 : i32
    %dma_wait3A_1102 = arith.constant 448 : i32
    %dma_wait3A_1103 = arith.constant 0 : i32
    %dma_wait3A_1104 = tpu.memref_slice %arg18[%dma_wait3A_1102, %dma_wait3A_1103] : memref<512x128xf32, #tpu.memory_space<vmem>> -> memref<64x128xf32, #tpu.memory_space<vmem>>
    %dma_wait3A_1105 = arith.constant 0 : i32
    %dma_wait3A_1106 = tpu.memref_slice %arg27[%dma_wait3A_1101, %dma_wait3A_1105] : memref<8x64xi32, #tpu.memory_space<vmem>> -> memref<1x64xi32, #tpu.memory_space<vmem>>
    %dma_wait3A_1107 = tpu.memref_squeeze %dma_wait3A_1106 : memref<1x64xi32, #tpu.memory_space<vmem>> -> memref<64xi32, #tpu.memory_space<vmem>>
    %dma_wait3A_1108 = arith.constant 0 : i32
    %dma_wait3A_1109 = arith.constant 0 : i32
    %dma_wait3A_1110 = tpu.memref_slice %arg3[%dma_wait3A_1108, %dma_wait3A_1109] : memref<100000x128xf32, #tpu.memory_space<hbm>> -> memref<100000x128xf32, #tpu.memory_space<hbm>>
    tpu.wait_indirect_dma semaphore(%arg37 : memref<!tpu.dma_semaphore, #tpu.memory_space<semaphore_mem>>) src(%dma_wait3A_1110 : memref<100000x128xf32, #tpu.memory_space<hbm>>) dst(%dma_wait3A_1104 : memref<64x128xf32, #tpu.memory_space<vmem>>)
    %add3A_1111 = arith.constant 448 : i32
    %add3A_1112 = arith.addi %mul3A_2, %add3A_1111 : i32
    %dma_start3A_1113 = arith.constant 448 : i32
    %dma_start3A_1114 = arith.constant 0 : i32
    %dma_start3A_1115 = tpu.memref_slice %arg18[%dma_start3A_1113, %dma_start3A_1114] : memref<512x128xf32, #tpu.memory_space<vmem>> -> memref<64x128xf32, #tpu.memory_space<vmem>>
    %dma_start3A_1116 = arith.constant 0 : i32
    %dma_start3A_1117 = tpu.memref_slice %arg10[%add3A_1112, %dma_start3A_1116] : memref<16384x128xf32, #tpu.memory_space<hbm>> -> memref<64x128xf32, #tpu.memory_space<hbm>>
    %dma_start3A_1118 = arith.constant 0 : i32
    %dma_start3A_1119 = tpu.memref_slice %arg10[%add3A_1112, %dma_start3A_1118] : memref<16384x128xf32, #tpu.memory_space<hbm>> -> memref<64x128xf32, #tpu.memory_space<hbm>>
    %dma_start3A_1120 = arith.constant 448 : i32
    %dma_start3A_1121 = arith.constant 0 : i32
    %dma_start3A_1122 = tpu.memref_slice %arg18[%dma_start3A_1120, %dma_start3A_1121] : memref<512x128xf32, #tpu.memory_space<vmem>> -> memref<64x128xf32, #tpu.memory_space<vmem>>
    tpu.enqueue_dma source(%dma_start3A_1122 : memref<64x128xf32, #tpu.memory_space<vmem>>) target(%dma_start3A_1119 : memref<64x128xf32, #tpu.memory_space<hbm>>) target_semaphore(%arg37 : memref<!tpu.dma_semaphore, #tpu.memory_space<semaphore_mem>>)
    %barrier3A_1123 = arith.constant 0 : index
    tpu.barrier barrier_id(%barrier3A_1123)
    %dma_wait3A_1124 = arith.constant 0 : i32
    %dma_wait3A_1125 = arith.constant 0 : i32
    %dma_wait3A_1126 = tpu.memref_slice %arg18[%dma_wait3A_1124, %dma_wait3A_1125] : memref<512x128xf32, #tpu.memory_space<vmem>> -> memref<64x128xf32, #tpu.memory_space<vmem>>
    %dma_wait3A_1127 = arith.constant 0 : i32
    %dma_wait3A_1128 = tpu.memref_slice %arg10[%add3A_958, %dma_wait3A_1127] : memref<16384x128xf32, #tpu.memory_space<hbm>> -> memref<64x128xf32, #tpu.memory_space<hbm>>
    %dma_wait3A_1129 = arith.constant 0 : i32
    %dma_wait3A_1130 = tpu.memref_slice %arg10[%add3A_958, %dma_wait3A_1129] : memref<16384x128xf32, #tpu.memory_space<hbm>> -> memref<64x128xf32, #tpu.memory_space<hbm>>
    %dma_wait3A_1131 = arith.constant 0 : i32
    %dma_wait3A_1132 = arith.constant 0 : i32
    %dma_wait3A_1133 = tpu.memref_slice %arg18[%dma_wait3A_1131, %dma_wait3A_1132] : memref<512x128xf32, #tpu.memory_space<vmem>> -> memref<64x128xf32, #tpu.memory_space<vmem>>
    tpu.wait_dma2 semaphore(%arg37 : memref<!tpu.dma_semaphore, #tpu.memory_space<semaphore_mem>>) src(%dma_wait3A_1133 : memref<64x128xf32, #tpu.memory_space<vmem>>) dst(%dma_wait3A_1130 : memref<64x128xf32, #tpu.memory_space<hbm>>)
    %dma_wait3A_1134 = arith.constant 64 : i32
    %dma_wait3A_1135 = arith.constant 0 : i32
    %dma_wait3A_1136 = tpu.memref_slice %arg18[%dma_wait3A_1134, %dma_wait3A_1135] : memref<512x128xf32, #tpu.memory_space<vmem>> -> memref<64x128xf32, #tpu.memory_space<vmem>>
    %dma_wait3A_1137 = arith.constant 0 : i32
    %dma_wait3A_1138 = tpu.memref_slice %arg10[%add3A_980, %dma_wait3A_1137] : memref<16384x128xf32, #tpu.memory_space<hbm>> -> memref<64x128xf32, #tpu.memory_space<hbm>>
    %dma_wait3A_1139 = arith.constant 0 : i32
    %dma_wait3A_1140 = tpu.memref_slice %arg10[%add3A_980, %dma_wait3A_1139] : memref<16384x128xf32, #tpu.memory_space<hbm>> -> memref<64x128xf32, #tpu.memory_space<hbm>>
    %dma_wait3A_1141 = arith.constant 64 : i32
    %dma_wait3A_1142 = arith.constant 0 : i32
    %dma_wait3A_1143 = tpu.memref_slice %arg18[%dma_wait3A_1141, %dma_wait3A_1142] : memref<512x128xf32, #tpu.memory_space<vmem>> -> memref<64x128xf32, #tpu.memory_space<vmem>>
    tpu.wait_dma2 semaphore(%arg37 : memref<!tpu.dma_semaphore, #tpu.memory_space<semaphore_mem>>) src(%dma_wait3A_1143 : memref<64x128xf32, #tpu.memory_space<vmem>>) dst(%dma_wait3A_1140 : memref<64x128xf32, #tpu.memory_space<hbm>>)
    %dma_wait3A_1144 = arith.constant 128 : i32
    %dma_wait3A_1145 = arith.constant 0 : i32
    %dma_wait3A_1146 = tpu.memref_slice %arg18[%dma_wait3A_1144, %dma_wait3A_1145] : memref<512x128xf32, #tpu.memory_space<vmem>> -> memref<64x128xf32, #tpu.memory_space<vmem>>
    %dma_wait3A_1147 = arith.constant 0 : i32
    %dma_wait3A_1148 = tpu.memref_slice %arg10[%add3A_1002, %dma_wait3A_1147] : memref<16384x128xf32, #tpu.memory_space<hbm>> -> memref<64x128xf32, #tpu.memory_space<hbm>>
    %dma_wait3A_1149 = arith.constant 0 : i32
    %dma_wait3A_1150 = tpu.memref_slice %arg10[%add3A_1002, %dma_wait3A_1149] : memref<16384x128xf32, #tpu.memory_space<hbm>> -> memref<64x128xf32, #tpu.memory_space<hbm>>
    %dma_wait3A_1151 = arith.constant 128 : i32
    %dma_wait3A_1152 = arith.constant 0 : i32
    %dma_wait3A_1153 = tpu.memref_slice %arg18[%dma_wait3A_1151, %dma_wait3A_1152] : memref<512x128xf32, #tpu.memory_space<vmem>> -> memref<64x128xf32, #tpu.memory_space<vmem>>
    tpu.wait_dma2 semaphore(%arg37 : memref<!tpu.dma_semaphore, #tpu.memory_space<semaphore_mem>>) src(%dma_wait3A_1153 : memref<64x128xf32, #tpu.memory_space<vmem>>) dst(%dma_wait3A_1150 : memref<64x128xf32, #tpu.memory_space<hbm>>)
    %dma_wait3A_1154 = arith.constant 192 : i32
    %dma_wait3A_1155 = arith.constant 0 : i32
    %dma_wait3A_1156 = tpu.memref_slice %arg18[%dma_wait3A_1154, %dma_wait3A_1155] : memref<512x128xf32, #tpu.memory_space<vmem>> -> memref<64x128xf32, #tpu.memory_space<vmem>>
    %dma_wait3A_1157 = arith.constant 0 : i32
    %dma_wait3A_1158 = tpu.memref_slice %arg10[%add3A_1024, %dma_wait3A_1157] : memref<16384x128xf32, #tpu.memory_space<hbm>> -> memref<64x128xf32, #tpu.memory_space<hbm>>
    %dma_wait3A_1159 = arith.constant 0 : i32
    %dma_wait3A_1160 = tpu.memref_slice %arg10[%add3A_1024, %dma_wait3A_1159] : memref<16384x128xf32, #tpu.memory_space<hbm>> -> memref<64x128xf32, #tpu.memory_space<hbm>>
    %dma_wait3A_1161 = arith.constant 192 : i32
    %dma_wait3A_1162 = arith.constant 0 : i32
    %dma_wait3A_1163 = tpu.memref_slice %arg18[%dma_wait3A_1161, %dma_wait3A_1162] : memref<512x128xf32, #tpu.memory_space<vmem>> -> memref<64x128xf32, #tpu.memory_space<vmem>>
    tpu.wait_dma2 semaphore(%arg37 : memref<!tpu.dma_semaphore, #tpu.memory_space<semaphore_mem>>) src(%dma_wait3A_1163 : memref<64x128xf32, #tpu.memory_space<vmem>>) dst(%dma_wait3A_1160 : memref<64x128xf32, #tpu.memory_space<hbm>>)
    %dma_wait3A_1164 = arith.constant 256 : i32
    %dma_wait3A_1165 = arith.constant 0 : i32
    %dma_wait3A_1166 = tpu.memref_slice %arg18[%dma_wait3A_1164, %dma_wait3A_1165] : memref<512x128xf32, #tpu.memory_space<vmem>> -> memref<64x128xf32, #tpu.memory_space<vmem>>
    %dma_wait3A_1167 = arith.constant 0 : i32
    %dma_wait3A_1168 = tpu.memref_slice %arg10[%add3A_1046, %dma_wait3A_1167] : memref<16384x128xf32, #tpu.memory_space<hbm>> -> memref<64x128xf32, #tpu.memory_space<hbm>>
    %dma_wait3A_1169 = arith.constant 0 : i32
    %dma_wait3A_1170 = tpu.memref_slice %arg10[%add3A_1046, %dma_wait3A_1169] : memref<16384x128xf32, #tpu.memory_space<hbm>> -> memref<64x128xf32, #tpu.memory_space<hbm>>
    %dma_wait3A_1171 = arith.constant 256 : i32
    %dma_wait3A_1172 = arith.constant 0 : i32
    %dma_wait3A_1173 = tpu.memref_slice %arg18[%dma_wait3A_1171, %dma_wait3A_1172] : memref<512x128xf32, #tpu.memory_space<vmem>> -> memref<64x128xf32, #tpu.memory_space<vmem>>
    tpu.wait_dma2 semaphore(%arg37 : memref<!tpu.dma_semaphore, #tpu.memory_space<semaphore_mem>>) src(%dma_wait3A_1173 : memref<64x128xf32, #tpu.memory_space<vmem>>) dst(%dma_wait3A_1170 : memref<64x128xf32, #tpu.memory_space<hbm>>)
    %dma_wait3A_1174 = arith.constant 320 : i32
    %dma_wait3A_1175 = arith.constant 0 : i32
    %dma_wait3A_1176 = tpu.memref_slice %arg18[%dma_wait3A_1174, %dma_wait3A_1175] : memref<512x128xf32, #tpu.memory_space<vmem>> -> memref<64x128xf32, #tpu.memory_space<vmem>>
    %dma_wait3A_1177 = arith.constant 0 : i32
    %dma_wait3A_1178 = tpu.memref_slice %arg10[%add3A_1068, %dma_wait3A_1177] : memref<16384x128xf32, #tpu.memory_space<hbm>> -> memref<64x128xf32, #tpu.memory_space<hbm>>
    %dma_wait3A_1179 = arith.constant 0 : i32
    %dma_wait3A_1180 = tpu.memref_slice %arg10[%add3A_1068, %dma_wait3A_1179] : memref<16384x128xf32, #tpu.memory_space<hbm>> -> memref<64x128xf32, #tpu.memory_space<hbm>>
    %dma_wait3A_1181 = arith.constant 320 : i32
    %dma_wait3A_1182 = arith.constant 0 : i32
    %dma_wait3A_1183 = tpu.memref_slice %arg18[%dma_wait3A_1181, %dma_wait3A_1182] : memref<512x128xf32, #tpu.memory_space<vmem>> -> memref<64x128xf32, #tpu.memory_space<vmem>>
    tpu.wait_dma2 semaphore(%arg37 : memref<!tpu.dma_semaphore, #tpu.memory_space<semaphore_mem>>) src(%dma_wait3A_1183 : memref<64x128xf32, #tpu.memory_space<vmem>>) dst(%dma_wait3A_1180 : memref<64x128xf32, #tpu.memory_space<hbm>>)
    %dma_wait3A_1184 = arith.constant 384 : i32
    %dma_wait3A_1185 = arith.constant 0 : i32
    %dma_wait3A_1186 = tpu.memref_slice %arg18[%dma_wait3A_1184, %dma_wait3A_1185] : memref<512x128xf32, #tpu.memory_space<vmem>> -> memref<64x128xf32, #tpu.memory_space<vmem>>
    %dma_wait3A_1187 = arith.constant 0 : i32
    %dma_wait3A_1188 = tpu.memref_slice %arg10[%add3A_1090, %dma_wait3A_1187] : memref<16384x128xf32, #tpu.memory_space<hbm>> -> memref<64x128xf32, #tpu.memory_space<hbm>>
    %dma_wait3A_1189 = arith.constant 0 : i32
    %dma_wait3A_1190 = tpu.memref_slice %arg10[%add3A_1090, %dma_wait3A_1189] : memref<16384x128xf32, #tpu.memory_space<hbm>> -> memref<64x128xf32, #tpu.memory_space<hbm>>
    %dma_wait3A_1191 = arith.constant 384 : i32
    %dma_wait3A_1192 = arith.constant 0 : i32
    %dma_wait3A_1193 = tpu.memref_slice %arg18[%dma_wait3A_1191, %dma_wait3A_1192] : memref<512x128xf32, #tpu.memory_space<vmem>> -> memref<64x128xf32, #tpu.memory_space<vmem>>
    tpu.wait_dma2 semaphore(%arg37 : memref<!tpu.dma_semaphore, #tpu.memory_space<semaphore_mem>>) src(%dma_wait3A_1193 : memref<64x128xf32, #tpu.memory_space<vmem>>) dst(%dma_wait3A_1190 : memref<64x128xf32, #tpu.memory_space<hbm>>)
    %dma_wait3A_1194 = arith.constant 448 : i32
    %dma_wait3A_1195 = arith.constant 0 : i32
    %dma_wait3A_1196 = tpu.memref_slice %arg18[%dma_wait3A_1194, %dma_wait3A_1195] : memref<512x128xf32, #tpu.memory_space<vmem>> -> memref<64x128xf32, #tpu.memory_space<vmem>>
    %dma_wait3A_1197 = arith.constant 0 : i32
    %dma_wait3A_1198 = tpu.memref_slice %arg10[%add3A_1112, %dma_wait3A_1197] : memref<16384x128xf32, #tpu.memory_space<hbm>> -> memref<64x128xf32, #tpu.memory_space<hbm>>
    %dma_wait3A_1199 = arith.constant 0 : i32
    %dma_wait3A_1200 = tpu.memref_slice %arg10[%add3A_1112, %dma_wait3A_1199] : memref<16384x128xf32, #tpu.memory_space<hbm>> -> memref<64x128xf32, #tpu.memory_space<hbm>>
    %dma_wait3A_1201 = arith.constant 448 : i32
    %dma_wait3A_1202 = arith.constant 0 : i32
    %dma_wait3A_1203 = tpu.memref_slice %arg18[%dma_wait3A_1201, %dma_wait3A_1202] : memref<512x128xf32, #tpu.memory_space<vmem>> -> memref<64x128xf32, #tpu.memory_space<vmem>>
    tpu.wait_dma2 semaphore(%arg37 : memref<!tpu.dma_semaphore, #tpu.memory_space<semaphore_mem>>) src(%dma_wait3A_1203 : memref<64x128xf32, #tpu.memory_space<vmem>>) dst(%dma_wait3A_1200 : memref<64x128xf32, #tpu.memory_space<hbm>>)
    %while3A_1204 = arith.constant 0 : i32
    %while3A_1205 = arith.constant 0 : i32
    %while3A_1206 = arith.subi %select_n3A_902, %while3A_1204 : i32
    %while3A_1207 = arith.addi %while3A_1204, %while3A_1206 : i32
    %while3A_1208 = arith.constant 1 : i32
    %while3A_1209 = arith.divsi %while3A_1206, %while3A_1208 : i32
    %while3A_1210 = arith.muli %while3A_1209, %while3A_1208 : i32
    %while3A_1211 = arith.addi %while3A_1204, %while3A_1210 : i32
    %while3A_1212 = arith.constant 1 : i32
    %while3A_1213 = scf.for %while3A_1228 = %while3A_1204 to %while3A_1211 step %while3A_1212 iter_args(%while3A_1229 = %while3A_1205) -> (i32)  : i32 {
      %get3A_1230 = arith.index_cast %while3A_1228 : i32 to index
      %get3A_1231 = arith.constant 0 : index
      %get3A_1232 = tpu.vector_load %arg30[%get3A_1230, %get3A_1231] {strides = array<i32>} : memref<32x16xi32, #tpu.memory_space<vmem>>, vector<16xi32>,
      %gather3A_1233 = tpu.vector_load_idx %arg11[%get3A_1232] : memref<512xi32, #tpu.memory_space<vmem>>[vector<16xi32>], vector<16xi32>,
      %gather3A_1234 = tpu.vector_load_idx %arg12[%get3A_1232] : memref<512xi32, #tpu.memory_space<vmem>>[vector<16xi32>], vector<16xi32>,
      %gather3A_1235 = tpu.vector_load_idx %arg13[%gather3A_1234] : memref<64xi32, #tpu.memory_space<vmem>>[vector<16xi32>], vector<16xi32>,
      %mul3A_1236 = arith.constant 2048 : i32
      %mul3A_1237 = vector.broadcast %mul3A_1236 : i32 to vector<16xi32>
      %mul3A_1238 = arith.muli %gather3A_1235, %mul3A_1237 : vector<16xi32>
      %sub3A_1239 = arith.constant 100000 : i32
      %sub3A_1240 = vector.broadcast %sub3A_1239 : i32 to vector<16xi32>
      %sub3A_1241 = arith.subi %gather3A_1233, %sub3A_1240 : vector<16xi32>
      %add3A_1242 = arith.addi %mul3A_1238, %sub3A_1241 : vector<16xi32>
      %dma_start3A_1243 = arith.constant 0 : i32
      %dma_start3A_1244 = arith.constant 0 : i32
      %dma_start3A_1245 = tpu.memref_slice %arg4[%dma_start3A_1243, %dma_start3A_1244] : memref<131072x128xf32, #tpu.memory_space<hbm>> -> memref<131072x128xf32, #tpu.memory_space<hbm>>
      tpu.enqueue_indirect_dma source(%dma_start3A_1245 : memref<131072x128xf32, #tpu.memory_space<hbm>>) target(%arg32 : memref<16x128xf32, #tpu.memory_space<vmem>>) offsets(%add3A_1242 : vector<16xi32>) semaphore(%arg36 : memref<!tpu.dma_semaphore, #tpu.memory_space<semaphore_mem>>)
      %dma_wait3A_1246 = arith.constant 0 : i32
      %dma_wait3A_1247 = arith.constant 0 : i32
      %dma_wait3A_1248 = tpu.memref_slice %arg4[%dma_wait3A_1246, %dma_wait3A_1247] : memref<131072x128xf32, #tpu.memory_space<hbm>> -> memref<131072x128xf32, #tpu.memory_space<hbm>>
      tpu.wait_indirect_dma semaphore(%arg36 : memref<!tpu.dma_semaphore, #tpu.memory_space<semaphore_mem>>) src(%dma_wait3A_1248 : memref<131072x128xf32, #tpu.memory_space<hbm>>) dst(%arg32 : memref<16x128xf32, #tpu.memory_space<vmem>>)
      %add3A_1249 = vector.broadcast %mul3A_2 : i32 to vector<16xi32>
      %add3A_1250 = arith.addi %add3A_1249, %get3A_1232 : vector<16xi32>
      %swap3A_1251 = arith.constant 0 : i32
      %swap3A_1252 = arith.index_cast %swap3A_1251 : i32 to index
      %swap3A_1253 = arith.constant 0 : index
      %swap3A_1254 = tpu.vector_load %arg33[%swap3A_1252, %swap3A_1253] {strides = array<i32>} : memref<1x16xi32, #tpu.memory_space<vmem>>, vector<16xi32>,
      tpu.vector_store %arg33[%swap3A_1252, %swap3A_1253], %add3A_1250 {strides = array<i32>} : memref<1x16xi32, #tpu.memory_space<vmem>>, vector<16xi32>,
      %dma_start3A_1255 = arith.constant 0 : i32
      %dma_start3A_1256 = arith.constant 0 : i32
      %dma_start3A_1257 = tpu.memref_slice %arg33[%dma_start3A_1255, %dma_start3A_1256] : memref<1x16xi32, #tpu.memory_space<vmem>> -> memref<1x16xi32, #tpu.memory_space<vmem>>
      %dma_start3A_1258 = tpu.memref_squeeze %dma_start3A_1257 : memref<1x16xi32, #tpu.memory_space<vmem>> -> memref<16xi32, #tpu.memory_space<vmem>>
      %dma_start3A_1259 = arith.constant 0 : i32
      %dma_start3A_1260 = arith.constant 0 : i32
      %dma_start3A_1261 = tpu.memref_slice %arg10[%dma_start3A_1259, %dma_start3A_1260] : memref<16384x128xf32, #tpu.memory_space<hbm>> -> memref<16384x128xf32, #tpu.memory_space<hbm>>
      tpu.enqueue_indirect_dma source(%arg32 : memref<16x128xf32, #tpu.memory_space<vmem>>) target(%dma_start3A_1261 : memref<16384x128xf32, #tpu.memory_space<hbm>>) offsets(%dma_start3A_1258 : memref<16xi32, #tpu.memory_space<vmem>>) semaphore(%arg36 : memref<!tpu.dma_semaphore, #tpu.memory_space<semaphore_mem>>)
      %dma_wait3A_1262 = arith.constant 0 : i32
      %dma_wait3A_1263 = arith.constant 0 : i32
      %dma_wait3A_1264 = tpu.memref_slice %arg33[%dma_wait3A_1262, %dma_wait3A_1263] : memref<1x16xi32, #tpu.memory_space<vmem>> -> memref<1x16xi32, #tpu.memory_space<vmem>>
      %dma_wait3A_1265 = tpu.memref_squeeze %dma_wait3A_1264 : memref<1x16xi32, #tpu.memory_space<vmem>> -> memref<16xi32, #tpu.memory_space<vmem>>
      %dma_wait3A_1266 = arith.constant 0 : i32
      %dma_wait3A_1267 = arith.constant 0 : i32
      %dma_wait3A_1268 = tpu.memref_slice %arg10[%dma_wait3A_1266, %dma_wait3A_1267] : memref<16384x128xf32, #tpu.memory_space<hbm>> -> memref<16384x128xf32, #tpu.memory_space<hbm>>
      tpu.wait_indirect_dma semaphore(%arg36 : memref<!tpu.dma_semaphore, #tpu.memory_space<semaphore_mem>>) src(%arg32 : memref<16x128xf32, #tpu.memory_space<vmem>>) dst(%dma_wait3A_1268 : memref<16384x128xf32, #tpu.memory_space<hbm>>)
      %while3A_1269 = arith.constant 0 : i32
      scf.yield %while3A_1269 : i32
    }
    %while3A_1214 = arith.constant 1 : i32
    %while3A_1215 = scf.for %while3A_1228 = %while3A_1211 to %while3A_1207 step %while3A_1214 iter_args(%while3A_1229 = %while3A_1213) -> (i32)  : i32 {
      %get3A_1230 = arith.index_cast %while3A_1228 : i32 to index
      %get3A_1231 = arith.constant 0 : index
      %get3A_1232 = tpu.vector_load %arg30[%get3A_1230, %get3A_1231] {strides = array<i32>} : memref<32x16xi32, #tpu.memory_space<vmem>>, vector<16xi32>,
      %gather3A_1233 = tpu.vector_load_idx %arg11[%get3A_1232] : memref<512xi32, #tpu.memory_space<vmem>>[vector<16xi32>], vector<16xi32>,
      %gather3A_1234 = tpu.vector_load_idx %arg12[%get3A_1232] : memref<512xi32, #tpu.memory_space<vmem>>[vector<16xi32>], vector<16xi32>,
      %gather3A_1235 = tpu.vector_load_idx %arg13[%gather3A_1234] : memref<64xi32, #tpu.memory_space<vmem>>[vector<16xi32>], vector<16xi32>,
      %mul3A_1236 = arith.constant 2048 : i32
      %mul3A_1237 = vector.broadcast %mul3A_1236 : i32 to vector<16xi32>
      %mul3A_1238 = arith.muli %gather3A_1235, %mul3A_1237 : vector<16xi32>
      %sub3A_1239 = arith.constant 100000 : i32
      %sub3A_1240 = vector.broadcast %sub3A_1239 : i32 to vector<16xi32>
      %sub3A_1241 = arith.subi %gather3A_1233, %sub3A_1240 : vector<16xi32>
      %add3A_1242 = arith.addi %mul3A_1238, %sub3A_1241 : vector<16xi32>
      %dma_start3A_1243 = arith.constant 0 : i32
      %dma_start3A_1244 = arith.constant 0 : i32
      %dma_start3A_1245 = tpu.memref_slice %arg4[%dma_start3A_1243, %dma_start3A_1244] : memref<131072x128xf32, #tpu.memory_space<hbm>> -> memref<131072x128xf32, #tpu.memory_space<hbm>>
      tpu.enqueue_indirect_dma source(%dma_start3A_1245 : memref<131072x128xf32, #tpu.memory_space<hbm>>) target(%arg32 : memref<16x128xf32, #tpu.memory_space<vmem>>) offsets(%add3A_1242 : vector<16xi32>) semaphore(%arg36 : memref<!tpu.dma_semaphore, #tpu.memory_space<semaphore_mem>>)
      %dma_wait3A_1246 = arith.constant 0 : i32
      %dma_wait3A_1247 = arith.constant 0 : i32
      %dma_wait3A_1248 = tpu.memref_slice %arg4[%dma_wait3A_1246, %dma_wait3A_1247] : memref<131072x128xf32, #tpu.memory_space<hbm>> -> memref<131072x128xf32, #tpu.memory_space<hbm>>
      tpu.wait_indirect_dma semaphore(%arg36 : memref<!tpu.dma_semaphore, #tpu.memory_space<semaphore_mem>>) src(%dma_wait3A_1248 : memref<131072x128xf32, #tpu.memory_space<hbm>>) dst(%arg32 : memref<16x128xf32, #tpu.memory_space<vmem>>)
      %add3A_1249 = vector.broadcast %mul3A_2 : i32 to vector<16xi32>
      %add3A_1250 = arith.addi %add3A_1249, %get3A_1232 : vector<16xi32>
      %swap3A_1251 = arith.constant 0 : i32
      %swap3A_1252 = arith.index_cast %swap3A_1251 : i32 to index
      %swap3A_1253 = arith.constant 0 : index
      %swap3A_1254 = tpu.vector_load %arg33[%swap3A_1252, %swap3A_1253] {strides = array<i32>} : memref<1x16xi32, #tpu.memory_space<vmem>>, vector<16xi32>,
      tpu.vector_store %arg33[%swap3A_1252, %swap3A_1253], %add3A_1250 {strides = array<i32>} : memref<1x16xi32, #tpu.memory_space<vmem>>, vector<16xi32>,
      %dma_start3A_1255 = arith.constant 0 : i32
      %dma_start3A_1256 = arith.constant 0 : i32
      %dma_start3A_1257 = tpu.memref_slice %arg33[%dma_start3A_1255, %dma_start3A_1256] : memref<1x16xi32, #tpu.memory_space<vmem>> -> memref<1x16xi32, #tpu.memory_space<vmem>>
      %dma_start3A_1258 = tpu.memref_squeeze %dma_start3A_1257 : memref<1x16xi32, #tpu.memory_space<vmem>> -> memref<16xi32, #tpu.memory_space<vmem>>
      %dma_start3A_1259 = arith.constant 0 : i32
      %dma_start3A_1260 = arith.constant 0 : i32
      %dma_start3A_1261 = tpu.memref_slice %arg10[%dma_start3A_1259, %dma_start3A_1260] : memref<16384x128xf32, #tpu.memory_space<hbm>> -> memref<16384x128xf32, #tpu.memory_space<hbm>>
      tpu.enqueue_indirect_dma source(%arg32 : memref<16x128xf32, #tpu.memory_space<vmem>>) target(%dma_start3A_1261 : memref<16384x128xf32, #tpu.memory_space<hbm>>) offsets(%dma_start3A_1258 : memref<16xi32, #tpu.memory_space<vmem>>) semaphore(%arg36 : memref<!tpu.dma_semaphore, #tpu.memory_space<semaphore_mem>>)
      %dma_wait3A_1262 = arith.constant 0 : i32
      %dma_wait3A_1263 = arith.constant 0 : i32
      %dma_wait3A_1264 = tpu.memref_slice %arg33[%dma_wait3A_1262, %dma_wait3A_1263] : memref<1x16xi32, #tpu.memory_space<vmem>> -> memref<1x16xi32, #tpu.memory_space<vmem>>
      %dma_wait3A_1265 = tpu.memref_squeeze %dma_wait3A_1264 : memref<1x16xi32, #tpu.memory_space<vmem>> -> memref<16xi32, #tpu.memory_space<vmem>>
      %dma_wait3A_1266 = arith.constant 0 : i32
      %dma_wait3A_1267 = arith.constant 0 : i32
      %dma_wait3A_1268 = tpu.memref_slice %arg10[%dma_wait3A_1266, %dma_wait3A_1267] : memref<16384x128xf32, #tpu.memory_space<hbm>> -> memref<16384x128xf32, #tpu.memory_space<hbm>>
      tpu.wait_indirect_dma semaphore(%arg36 : memref<!tpu.dma_semaphore, #tpu.memory_space<semaphore_mem>>) src(%arg32 : memref<16x128xf32, #tpu.memory_space<vmem>>) dst(%dma_wait3A_1268 : memref<16384x128xf32, #tpu.memory_space<hbm>>)
      %while3A_1269 = arith.constant 0 : i32
      scf.yield %while3A_1269 : i32
    }
    %while3A_1216 = arith.constant 0 : i32
    %while3A_1217 = arith.constant 0 : i32
    %while3A_1218 = arith.subi %select_n3A_930, %while3A_1216 : i32
    %while3A_1219 = arith.addi %while3A_1216, %while3A_1218 : i32
    %while3A_1220 = arith.constant 1 : i32
    %while3A_1221 = arith.divsi %while3A_1218, %while3A_1220 : i32
    %while3A_1222 = arith.muli %while3A_1221, %while3A_1220 : i32
    %while3A_1223 = arith.addi %while3A_1216, %while3A_1222 : i32
    %while3A_1224 = arith.constant 1 : i32
    %while3A_1225 = scf.for %while3A_1228 = %while3A_1216 to %while3A_1223 step %while3A_1224 iter_args(%while3A_1229 = %while3A_1217) -> (i32)  : i32 {
      %get3A_1230 = arith.index_cast %while3A_1228 : i32 to index
      %get3A_1231 = arith.constant 0 : index
      %get3A_1232 = tpu.vector_load %arg31[%get3A_1230, %get3A_1231] {strides = array<i32>} : memref<32x16xi32, #tpu.memory_space<vmem>>, vector<16xi32>,
      %jit3A_1233 = arith.constant 64 : i32
      %div3A_1234 = vector.broadcast %jit3A_1233 : i32 to vector<16xi32>
      %div3A_1235 = arith.divsi %get3A_1232, %div3A_1234 : vector<16xi32>
      %sign3A_1236 = arith.constant 0 : i32
      %sign3A_1237 = vector.broadcast %sign3A_1236 : i32 to vector<16xi32>
      %sign3A_1238 = arith.cmpi sgt, %get3A_1232, %sign3A_1237 : vector<16xi32>
      %sign3A_1239 = arith.extui %sign3A_1238 : vector<16xi1> to vector<16xi32>
      %sign3A_1240 = arith.constant 0 : i32
      %sign3A_1241 = vector.broadcast %sign3A_1240 : i32 to vector<16xi32>
      %sign3A_1242 = arith.cmpi slt, %get3A_1232, %sign3A_1241 : vector<16xi32>
      %sign3A_1243 = arith.extui %sign3A_1242 : vector<16xi1> to vector<16xi32>
      %sign3A_1244 = arith.subi %sign3A_1239, %sign3A_1243 : vector<16xi32>
      %sign3A_1245 = arith.constant 0 : i32
      %sign3A_1246 = arith.cmpi sgt, %jit3A_1233, %sign3A_1245 : i32
      %sign3A_1247 = arith.extui %sign3A_1246 : i1 to i32
      %sign3A_1248 = arith.constant 0 : i32
      %sign3A_1249 = arith.cmpi slt, %jit3A_1233, %sign3A_1248 : i32
      %sign3A_1250 = arith.extui %sign3A_1249 : i1 to i32
      %sign3A_1251 = arith.subi %sign3A_1247, %sign3A_1250 : i32
      %ne3A_1252 = vector.broadcast %sign3A_1251 : i32 to vector<16xi32>
      %ne3A_1253 = arith.cmpi ne, %sign3A_1244, %ne3A_1252 : vector<16xi32>
      %rem3A_1254 = vector.broadcast %jit3A_1233 : i32 to vector<16xi32>
      %rem3A_1255 = arith.remsi %get3A_1232, %rem3A_1254 : vector<16xi32>
      %ne3A_1256 = arith.constant 0 : i32
      %ne3A_1257 = vector.broadcast %ne3A_1256 : i32 to vector<16xi32>
      %ne3A_1258 = arith.cmpi ne, %rem3A_1255, %ne3A_1257 : vector<16xi32>
      %and3A_1259 = arith.andi %ne3A_1253, %ne3A_1258 : vector<16xi1>
      %sub3A_1260 = arith.constant 1 : i32
      %sub3A_1261 = vector.broadcast %sub3A_1260 : i32 to vector<16xi32>
      %sub3A_1262 = arith.subi %div3A_1235, %sub3A_1261 : vector<16xi32>
      %select_n3A_1263 = arith.select %and3A_1259, %sub3A_1262, %div3A_1235 : vector<16xi1>, vector<16xi32>
      %jit3A_1264 = arith.constant 64 : i32
      %eq3A_1265 = arith.constant 0 : i32
      %eq3A_1266 = arith.cmpi eq, %jit3A_1264, %eq3A_1265 : i32
      %jit3A_1267 = arith.constant 1 : i32
      %select_n3A_1268 = arith.select %eq3A_1266, %jit3A_1267, %jit3A_1264 : i32
      %rem3A_1269 = vector.broadcast %select_n3A_1268 : i32 to vector<16xi32>
      %rem3A_1270 = arith.remsi %get3A_1232, %rem3A_1269 : vector<16xi32>
      %ne3A_1271 = arith.constant 0 : i32
      %ne3A_1272 = vector.broadcast %ne3A_1271 : i32 to vector<16xi32>
      %ne3A_1273 = arith.cmpi ne, %rem3A_1270, %ne3A_1272 : vector<16xi32>
      %lt3A = arith.constant 0 : i32
      %lt3A_1274 = vector.broadcast %lt3A : i32 to vector<16xi32>
      %lt3A_1275 = arith.cmpi slt, %rem3A_1270, %lt3A_1274 : vector<16xi32>
      %lt3A_1276 = arith.constant 0 : i32
      %lt3A_1277 = arith.cmpi slt, %select_n3A_1268, %lt3A_1276 : i32
      %ne3A_1278 = vector.broadcast %lt3A_1277 : i1 to vector<16xi1>
      %ne3A_1279 = vector.broadcast %ne3A_1278 : vector<16xi1> to vector<16xi1>
      %ne3A_1280 = arith.xori %lt3A_1275, %ne3A_1279 : vector<16xi1>
      %and3A_1281 = arith.andi %ne3A_1280, %ne3A_1273 : vector<16xi1>
      %add3A_1282 = vector.broadcast %select_n3A_1268 : i32 to vector<16xi32>
      %add3A_1283 = arith.addi %rem3A_1270, %add3A_1282 : vector<16xi32>
      %select_n3A_1284 = arith.select %and3A_1281, %add3A_1283, %rem3A_1270 : vector<16xi1>, vector<16xi32>
      %gather3A_1285 = tpu.vector_load_idx %arg29[%select_n3A_1263, %select_n3A_1284] : memref<8x64xi32, #tpu.memory_space<vmem>>[vector<16xi32>, vector<16xi32>], vector<16xi32>,
      %dma_start3A_1286 = arith.constant 0 : i32
      %dma_start3A_1287 = arith.constant 0 : i32
      %dma_start3A_1288 = tpu.memref_slice %arg34[%dma_start3A_1286, %dma_start3A_1287] : memref<512x128xf32, #tpu.memory_space<vmem_shared>> -> memref<512x128xf32, #tpu.memory_space<vmem_shared>>
      tpu.enqueue_indirect_dma source(%dma_start3A_1288 : memref<512x128xf32, #tpu.memory_space<vmem_shared>>) target(%arg32 : memref<16x128xf32, #tpu.memory_space<vmem>>) offsets(%gather3A_1285 : vector<16xi32>) semaphore(%arg36 : memref<!tpu.dma_semaphore, #tpu.memory_space<semaphore_mem>>)
      %dma_wait3A_1289 = arith.constant 0 : i32
      %dma_wait3A_1290 = arith.constant 0 : i32
      %dma_wait3A_1291 = tpu.memref_slice %arg34[%dma_wait3A_1289, %dma_wait3A_1290] : memref<512x128xf32, #tpu.memory_space<vmem_shared>> -> memref<512x128xf32, #tpu.memory_space<vmem_shared>>
      tpu.wait_indirect_dma semaphore(%arg36 : memref<!tpu.dma_semaphore, #tpu.memory_space<semaphore_mem>>) src(%dma_wait3A_1291 : memref<512x128xf32, #tpu.memory_space<vmem_shared>>) dst(%arg32 : memref<16x128xf32, #tpu.memory_space<vmem>>)
      %add3A_1292 = vector.broadcast %mul3A_2 : i32 to vector<16xi32>
      %add3A_1293 = arith.addi %add3A_1292, %get3A_1232 : vector<16xi32>
      %swap3A_1294 = arith.constant 0 : i32
      %swap3A_1295 = arith.index_cast %swap3A_1294 : i32 to index
      %swap3A_1296 = arith.constant 0 : index
      %swap3A_1297 = tpu.vector_load %arg33[%swap3A_1295, %swap3A_1296] {strides = array<i32>} : memref<1x16xi32, #tpu.memory_space<vmem>>, vector<16xi32>,
      tpu.vector_store %arg33[%swap3A_1295, %swap3A_1296], %add3A_1293 {strides = array<i32>} : memref<1x16xi32, #tpu.memory_space<vmem>>, vector<16xi32>,
      %dma_start3A_1298 = arith.constant 0 : i32
      %dma_start3A_1299 = arith.constant 0 : i32
      %dma_start3A_1300 = tpu.memref_slice %arg33[%dma_start3A_1298, %dma_start3A_1299] : memref<1x16xi32, #tpu.memory_space<vmem>> -> memref<1x16xi32, #tpu.memory_space<vmem>>
      %dma_start3A_1301 = tpu.memref_squeeze %dma_start3A_1300 : memref<1x16xi32, #tpu.memory_space<vmem>> -> memref<16xi32, #tpu.memory_space<vmem>>
      %dma_start3A_1302 = arith.constant 0 : i32
      %dma_start3A_1303 = arith.constant 0 : i32
      %dma_start3A_1304 = tpu.memref_slice %arg10[%dma_start3A_1302, %dma_start3A_1303] : memref<16384x128xf32, #tpu.memory_space<hbm>> -> memref<16384x128xf32, #tpu.memory_space<hbm>>
      tpu.enqueue_indirect_dma source(%arg32 : memref<16x128xf32, #tpu.memory_space<vmem>>) target(%dma_start3A_1304 : memref<16384x128xf32, #tpu.memory_space<hbm>>) offsets(%dma_start3A_1301 : memref<16xi32, #tpu.memory_space<vmem>>) semaphore(%arg36 : memref<!tpu.dma_semaphore, #tpu.memory_space<semaphore_mem>>)
      %dma_wait3A_1305 = arith.constant 0 : i32
      %dma_wait3A_1306 = arith.constant 0 : i32
      %dma_wait3A_1307 = tpu.memref_slice %arg33[%dma_wait3A_1305, %dma_wait3A_1306] : memref<1x16xi32, #tpu.memory_space<vmem>> -> memref<1x16xi32, #tpu.memory_space<vmem>>
      %dma_wait3A_1308 = tpu.memref_squeeze %dma_wait3A_1307 : memref<1x16xi32, #tpu.memory_space<vmem>> -> memref<16xi32, #tpu.memory_space<vmem>>
      %dma_wait3A_1309 = arith.constant 0 : i32
      %dma_wait3A_1310 = arith.constant 0 : i32
      %dma_wait3A_1311 = tpu.memref_slice %arg10[%dma_wait3A_1309, %dma_wait3A_1310] : memref<16384x128xf32, #tpu.memory_space<hbm>> -> memref<16384x128xf32, #tpu.memory_space<hbm>>
      tpu.wait_indirect_dma semaphore(%arg36 : memref<!tpu.dma_semaphore, #tpu.memory_space<semaphore_mem>>) src(%arg32 : memref<16x128xf32, #tpu.memory_space<vmem>>) dst(%dma_wait3A_1311 : memref<16384x128xf32, #tpu.memory_space<hbm>>)
      %while3A_1312 = arith.constant 0 : i32
      scf.yield %while3A_1312 : i32
    }
    %while3A_1226 = arith.constant 1 : i32
    %while3A_1227 = scf.for %while3A_1228 = %while3A_1223 to %while3A_1219 step %while3A_1226 iter_args(%while3A_1229 = %while3A_1225) -> (i32)  : i32 {
      %get3A_1230 = arith.index_cast %while3A_1228 : i32 to index
      %get3A_1231 = arith.constant 0 : index
      %get3A_1232 = tpu.vector_load %arg31[%get3A_1230, %get3A_1231] {strides = array<i32>} : memref<32x16xi32, #tpu.memory_space<vmem>>, vector<16xi32>,
      %jit3A_1233 = arith.constant 64 : i32
      %div3A_1234 = vector.broadcast %jit3A_1233 : i32 to vector<16xi32>
      %div3A_1235 = arith.divsi %get3A_1232, %div3A_1234 : vector<16xi32>
      %sign3A_1236 = arith.constant 0 : i32
      %sign3A_1237 = vector.broadcast %sign3A_1236 : i32 to vector<16xi32>
      %sign3A_1238 = arith.cmpi sgt, %get3A_1232, %sign3A_1237 : vector<16xi32>
      %sign3A_1239 = arith.extui %sign3A_1238 : vector<16xi1> to vector<16xi32>
      %sign3A_1240 = arith.constant 0 : i32
      %sign3A_1241 = vector.broadcast %sign3A_1240 : i32 to vector<16xi32>
      %sign3A_1242 = arith.cmpi slt, %get3A_1232, %sign3A_1241 : vector<16xi32>
      %sign3A_1243 = arith.extui %sign3A_1242 : vector<16xi1> to vector<16xi32>
      %sign3A_1244 = arith.subi %sign3A_1239, %sign3A_1243 : vector<16xi32>
      %sign3A_1245 = arith.constant 0 : i32
      %sign3A_1246 = arith.cmpi sgt, %jit3A_1233, %sign3A_1245 : i32
      %sign3A_1247 = arith.extui %sign3A_1246 : i1 to i32
      %sign3A_1248 = arith.constant 0 : i32
      %sign3A_1249 = arith.cmpi slt, %jit3A_1233, %sign3A_1248 : i32
      %sign3A_1250 = arith.extui %sign3A_1249 : i1 to i32
      %sign3A_1251 = arith.subi %sign3A_1247, %sign3A_1250 : i32
      %ne3A_1252 = vector.broadcast %sign3A_1251 : i32 to vector<16xi32>
      %ne3A_1253 = arith.cmpi ne, %sign3A_1244, %ne3A_1252 : vector<16xi32>
      %rem3A_1254 = vector.broadcast %jit3A_1233 : i32 to vector<16xi32>
      %rem3A_1255 = arith.remsi %get3A_1232, %rem3A_1254 : vector<16xi32>
      %ne3A_1256 = arith.constant 0 : i32
      %ne3A_1257 = vector.broadcast %ne3A_1256 : i32 to vector<16xi32>
      %ne3A_1258 = arith.cmpi ne, %rem3A_1255, %ne3A_1257 : vector<16xi32>
      %and3A_1259 = arith.andi %ne3A_1253, %ne3A_1258 : vector<16xi1>
      %sub3A_1260 = arith.constant 1 : i32
      %sub3A_1261 = vector.broadcast %sub3A_1260 : i32 to vector<16xi32>
      %sub3A_1262 = arith.subi %div3A_1235, %sub3A_1261 : vector<16xi32>
      %select_n3A_1263 = arith.select %and3A_1259, %sub3A_1262, %div3A_1235 : vector<16xi1>, vector<16xi32>
      %jit3A_1264 = arith.constant 64 : i32
      %eq3A_1265 = arith.constant 0 : i32
      %eq3A_1266 = arith.cmpi eq, %jit3A_1264, %eq3A_1265 : i32
      %jit3A_1267 = arith.constant 1 : i32
      %select_n3A_1268 = arith.select %eq3A_1266, %jit3A_1267, %jit3A_1264 : i32
      %rem3A_1269 = vector.broadcast %select_n3A_1268 : i32 to vector<16xi32>
      %rem3A_1270 = arith.remsi %get3A_1232, %rem3A_1269 : vector<16xi32>
      %ne3A_1271 = arith.constant 0 : i32
      %ne3A_1272 = vector.broadcast %ne3A_1271 : i32 to vector<16xi32>
      %ne3A_1273 = arith.cmpi ne, %rem3A_1270, %ne3A_1272 : vector<16xi32>
      %lt3A = arith.constant 0 : i32
      %lt3A_1274 = vector.broadcast %lt3A : i32 to vector<16xi32>
      %lt3A_1275 = arith.cmpi slt, %rem3A_1270, %lt3A_1274 : vector<16xi32>
      %lt3A_1276 = arith.constant 0 : i32
      %lt3A_1277 = arith.cmpi slt, %select_n3A_1268, %lt3A_1276 : i32
      %ne3A_1278 = vector.broadcast %lt3A_1277 : i1 to vector<16xi1>
      %ne3A_1279 = vector.broadcast %ne3A_1278 : vector<16xi1> to vector<16xi1>
      %ne3A_1280 = arith.xori %lt3A_1275, %ne3A_1279 : vector<16xi1>
      %and3A_1281 = arith.andi %ne3A_1280, %ne3A_1273 : vector<16xi1>
      %add3A_1282 = vector.broadcast %select_n3A_1268 : i32 to vector<16xi32>
      %add3A_1283 = arith.addi %rem3A_1270, %add3A_1282 : vector<16xi32>
      %select_n3A_1284 = arith.select %and3A_1281, %add3A_1283, %rem3A_1270 : vector<16xi1>, vector<16xi32>
      %gather3A_1285 = tpu.vector_load_idx %arg29[%select_n3A_1263, %select_n3A_1284] : memref<8x64xi32, #tpu.memory_space<vmem>>[vector<16xi32>, vector<16xi32>], vector<16xi32>,
      %dma_start3A_1286 = arith.constant 0 : i32
      %dma_start3A_1287 = arith.constant 0 : i32
      %dma_start3A_1288 = tpu.memref_slice %arg34[%dma_start3A_1286, %dma_start3A_1287] : memref<512x128xf32, #tpu.memory_space<vmem_shared>> -> memref<512x128xf32, #tpu.memory_space<vmem_shared>>
      tpu.enqueue_indirect_dma source(%dma_start3A_1288 : memref<512x128xf32, #tpu.memory_space<vmem_shared>>) target(%arg32 : memref<16x128xf32, #tpu.memory_space<vmem>>) offsets(%gather3A_1285 : vector<16xi32>) semaphore(%arg36 : memref<!tpu.dma_semaphore, #tpu.memory_space<semaphore_mem>>)
      %dma_wait3A_1289 = arith.constant 0 : i32
      %dma_wait3A_1290 = arith.constant 0 : i32
      %dma_wait3A_1291 = tpu.memref_slice %arg34[%dma_wait3A_1289, %dma_wait3A_1290] : memref<512x128xf32, #tpu.memory_space<vmem_shared>> -> memref<512x128xf32, #tpu.memory_space<vmem_shared>>
      tpu.wait_indirect_dma semaphore(%arg36 : memref<!tpu.dma_semaphore, #tpu.memory_space<semaphore_mem>>) src(%dma_wait3A_1291 : memref<512x128xf32, #tpu.memory_space<vmem_shared>>) dst(%arg32 : memref<16x128xf32, #tpu.memory_space<vmem>>)
      %add3A_1292 = vector.broadcast %mul3A_2 : i32 to vector<16xi32>
      %add3A_1293 = arith.addi %add3A_1292, %get3A_1232 : vector<16xi32>
      %swap3A_1294 = arith.constant 0 : i32
      %swap3A_1295 = arith.index_cast %swap3A_1294 : i32 to index
      %swap3A_1296 = arith.constant 0 : index
      %swap3A_1297 = tpu.vector_load %arg33[%swap3A_1295, %swap3A_1296] {strides = array<i32>} : memref<1x16xi32, #tpu.memory_space<vmem>>, vector<16xi32>,
      tpu.vector_store %arg33[%swap3A_1295, %swap3A_1296], %add3A_1293 {strides = array<i32>} : memref<1x16xi32, #tpu.memory_space<vmem>>, vector<16xi32>,
      %dma_start3A_1298 = arith.constant 0 : i32
      %dma_start3A_1299 = arith.constant 0 : i32
      %dma_start3A_1300 = tpu.memref_slice %arg33[%dma_start3A_1298, %dma_start3A_1299] : memref<1x16xi32, #tpu.memory_space<vmem>> -> memref<1x16xi32, #tpu.memory_space<vmem>>
      %dma_start3A_1301 = tpu.memref_squeeze %dma_start3A_1300 : memref<1x16xi32, #tpu.memory_space<vmem>> -> memref<16xi32, #tpu.memory_space<vmem>>
      %dma_start3A_1302 = arith.constant 0 : i32
      %dma_start3A_1303 = arith.constant 0 : i32
      %dma_start3A_1304 = tpu.memref_slice %arg10[%dma_start3A_1302, %dma_start3A_1303] : memref<16384x128xf32, #tpu.memory_space<hbm>> -> memref<16384x128xf32, #tpu.memory_space<hbm>>
      tpu.enqueue_indirect_dma source(%arg32 : memref<16x128xf32, #tpu.memory_space<vmem>>) target(%dma_start3A_1304 : memref<16384x128xf32, #tpu.memory_space<hbm>>) offsets(%dma_start3A_1301 : memref<16xi32, #tpu.memory_space<vmem>>) semaphore(%arg36 : memref<!tpu.dma_semaphore, #tpu.memory_space<semaphore_mem>>)
      %dma_wait3A_1305 = arith.constant 0 : i32
      %dma_wait3A_1306 = arith.constant 0 : i32
      %dma_wait3A_1307 = tpu.memref_slice %arg33[%dma_wait3A_1305, %dma_wait3A_1306] : memref<1x16xi32, #tpu.memory_space<vmem>> -> memref<1x16xi32, #tpu.memory_space<vmem>>
      %dma_wait3A_1308 = tpu.memref_squeeze %dma_wait3A_1307 : memref<1x16xi32, #tpu.memory_space<vmem>> -> memref<16xi32, #tpu.memory_space<vmem>>
      %dma_wait3A_1309 = arith.constant 0 : i32
      %dma_wait3A_1310 = arith.constant 0 : i32
      %dma_wait3A_1311 = tpu.memref_slice %arg10[%dma_wait3A_1309, %dma_wait3A_1310] : memref<16384x128xf32, #tpu.memory_space<hbm>> -> memref<16384x128xf32, #tpu.memory_space<hbm>>
      tpu.wait_indirect_dma semaphore(%arg36 : memref<!tpu.dma_semaphore, #tpu.memory_space<semaphore_mem>>) src(%arg32 : memref<16x128xf32, #tpu.memory_space<vmem>>) dst(%dma_wait3A_1311 : memref<16384x128xf32, #tpu.memory_space<hbm>>)
      %while3A_1312 = arith.constant 0 : i32
      scf.yield %while3A_1312 : i32
    }
    return
  }
}

</mosaic_0001>

<sc_bundles>
// kernel: kernel.3.cloned.1.call-start
scs
__scs_entry_jumppad:
0x0: {  	(pc) =	sbr.rel $0x88, $3  }
0x1: {  	(tag) =	ssettag $0x0;
	lr =	simm.s32 $0x1  }
0x2: {  	[smem:$0x3F99] =	sst lr;
	_ =	strace $0xD0000000  }
0x3: {  	_ = 	snop  }
0x4: {  	_ = 	snop  }
0x5: {  	_ = 	snop  }
0x6: {  	_ = 	snop  }
0x7: {  	_ = 	snop  }
__scs_overlays_trampoline_lowered:
0x8: {  	[smem:$0x3FA8] =	sst s0  }
0x9: {  	[smem:$0x3FA9] =	sst s1  }
0xa: {  	[smem:$0x3FAA] =	sst s2  }
0xb: {  	[smem:$0x3FAB] =	sst s3  }
0xc: {  	[smem:$0x3FAC] =	sst s4  }
0xd: {  	[smem:$0x3FAD] =	sst s5  }
0xe: {  	[smem:$0x3FAE] =	sst s6  }
0xf: {  	[smem:$0x3FAF] =	sst s7  }
0x10: {  	[smem:$0x3FB0] =	sst s8  }
0x11: {  	[smem:$0x3FB1] =	sst s9;
	s0 =	simm.s32 @!p0 $0x0  }
0x12: {  	s1 =	sld [smem:$0x3F97];
	s0 =	simm.s32 @p0 $0x1  }
0x13: {  	[smem:$0x3FB2] =	sst s0;
	s0 =	simm.s32 @!p1 $0x0  }
0x14: {  	s2 =	sld [smem:$0x3F96];
	s0 =	simm.s32 @p1 $0x1  }
0x15: {  	[smem:$0x3FB3] =	sst s0;
	s0 =	simm.s32 @!p2 $0x0  }
0x16: {  	s3 =	sld [smem:$0x3FDB];
	s0 =	simm.s32 @p2 $0x1  }
0x17: {  	s4 =	simm.s32 $0x1BF5;
	[smem:$0x3FB5] =	sst s0  }
0x18: {  	s0 =	sld [smem:$0x3F98];
	_ =	swait.ge [sflag:s4], $0x0  }
0x19: {  	s7 =	sld [smem:$0x3F99]  }
0x1a: {  	s8 =	sadd.s32 $0xFFFFE003, lr  }
0x1b: {  	s9 =	sadd.s32 $0xFFFFFEF7, lr;
	s5 =	simm.s32 $0xFFFFFFFF;
	p2 =	slt.u32 s8, $0xFFFFF086  }
0x1c: {  	p1 =	slt.u32 s9, $0xF7A;
	s5 =	simm.s32 @!p2 $0x0  }
0x1d: {  	s5 =	simm.s32 @p1 $0x1;
	p0 =	seq.s32 s7, s2  }
0x1e: {  	s7 =	smul.u32 @!p0 $0xF7A, s2;
	p2 =	seq.s32 @!p0 s5, $0x0  }
0x1f: {  	s9 =	smul.u32 $0xF7A, s1;
	s8 =	simm.s32 @!p0 $0x1BF5;
	p2 =	por !p2, p0  }
0x20: {  	[sflag:s8] =	ssyncset.s32 @!p0 $0xFFFFF086;
	s6 =	sadd.s32 @!p0 s3, s7;
	s7 =	simm.s32 @!p0 $0x108  }
0x21: {  	s3 =	sadd.s32 s3, s9;
	s6 =	sadd.s32 @!p0 $0x88, s6;
	s7 =	simm.s32 @p2 $0x1082  }
0x22: {  	[simem:s7], [sflag:s8] =	dma.local @!p0 [hbm:s6], $0xF7A  }
0x23: {  	s9 =	sor.u32 $0xD0000000, s2;
	s6 =	simm.s32 $0x108;
	_ =	swait.ge @!p0 [sflag:s8], $0x0  }
0x24: {  	s3 =	sadd.s32 $0x88, s3;
	s6 =	simm.s32 @!p1 $0x1082;
	[sflag:s4] =	ssyncset.s32 $0xFFFFF086  }
0x25: {  	[simem:s6], [sflag:s4] =	dma.local [hbm:s3], $0xF7A  }
0x26: {  	[smem:$0x3F99] =	sst s1;
	(tag) =	ssettag s2;
	_ =	strace s9  }
0x27: {  	s1 =	sld [smem:$0x3FA9]  }
0x28: {  	s2 =	sld [smem:$0x3FAA]  }
0x29: {  	s4 =	sld [smem:$0x3FAC]  }
0x2a: {  	p0 =	seq.s32 s5, $0x0;
	s5 =	sld [smem:$0x3FAD]  }
0x2b: {  	s6 =	sld [smem:$0x3FAE]  }
0x2c: {  	s7 =	sld [smem:$0x3FAF]  }
0x2d: {  	s3 =	simm.s32 $0x108;
	s8 =	sld [smem:$0x3FB0]  }
0x2e: {  	s3 =	simm.s32 @!p0 $0x1082;
	s9 =	sld [smem:$0x3FB1]  }
0x2f: {  	lr =	sadd.s32 s0, s3;
	s0 =	sld [smem:$0x3FA8]  }
0x30: {  	s3 =	sld [smem:$0x3FAB]  }
0x31: {  	[smem:$0x3FB4] =	sst s10  }
0x32: {  	s10 =	sld [smem:$0x3FB2];
	_ =	sdelay $0x3  }
0x33: {  	p0 =	seq.s32 s10, $0x1;
	s10 =	sld [smem:$0x3FB4];
	_ =	sdelay $0x3  }
0x34: {  	[smem:$0x3FB4] =	sst s10  }
0x35: {  	s10 =	sld [smem:$0x3FB3];
	_ =	sdelay $0x3  }
0x36: {  	p1 =	seq.s32 s10, $0x1;
	s10 =	sld [smem:$0x3FB4];
	_ =	sdelay $0x3  }
0x37: {  	[smem:$0x3FB4] =	sst s10  }
0x38: {  	s10 =	sld [smem:$0x3FB5]  }
0x39: {  	_ = 	snop;
	(pc) =	sbr.ind lr, $3  }
0x3a: {  	_ = 	snop  }
0x3b: {  	_ = 	snop  }
0x3c: {  	p2 =	seq.s32 s10, $0x1;
	s10 =	sld [smem:$0x3FB4]  }
0x3d: {  	_ =	shalt  }
0x3e: {  	_ =	shalt  }
0x3f: {  	_ =	shalt  }
0x40: {  	_ =	shalt  }
0x41: {  	_ =	shalt  }
0x42: {  	_ =	shalt  }
0x43: {  	_ =	shalt  }
0x44: {  	_ =	shalt  }
0x45: {  	_ =	shalt  }
0x46: {  	_ =	shalt  }
0x47: {  	_ =	shalt  }
0x48: {  	_ =	shalt  }
0x49: {  	_ =	shalt  }
0x4a: {  	_ =	shalt  }
0x4b: {  	_ =	shalt  }
0x4c: {  	_ =	shalt  }
0x4d: {  	_ =	shalt  }
0x4e: {  	_ =	shalt  }
0x4f: {  	_ =	shalt  }
0x50: {  	_ =	shalt  }
0x51: {  	_ =	shalt  }
0x52: {  	_ =	shalt  }
0x53: {  	_ =	shalt  }
0x54: {  	_ =	shalt  }
0x55: {  	_ =	shalt  }
0x56: {  	_ =	shalt  }
0x57: {  	_ =	shalt  }
0x58: {  	_ =	shalt  }
0x59: {  	_ =	shalt  }
0x5a: {  	_ =	shalt  }
0x5b: {  	_ =	shalt  }
0x5c: {  	_ =	shalt  }
0x5d: {  	_ =	shalt  }
0x5e: {  	_ =	shalt  }
0x5f: {  	_ =	shalt  }
0x60: {  	_ =	shalt  }
0x61: {  	_ =	shalt  }
0x62: {  	_ =	shalt  }
0x63: {  	_ =	shalt  }
0x64: {  	_ =	shalt  }
0x65: {  	_ =	shalt  }
0x66: {  	_ =	shalt  }
0x67: {  	_ =	shalt  }
0x68: {  	_ =	shalt  }
0x69: {  	_ =	shalt  }
0x6a: {  	_ =	shalt  }
0x6b: {  	_ =	shalt  }
0x6c: {  	_ =	shalt  }
0x6d: {  	_ =	shalt  }
0x6e: {  	_ =	shalt  }
0x6f: {  	_ =	shalt  }
0x70: {  	_ =	shalt  }
0x71: {  	_ =	shalt  }
0x72: {  	_ =	shalt  }
0x73: {  	_ =	shalt  }
0x74: {  	_ =	shalt  }
0x75: {  	_ =	shalt  }
0x76: {  	_ =	shalt  }
0x77: {  	_ =	shalt  }
0x78: {  	_ =	shalt  }
0x79: {  	_ =	shalt  }
0x7a: {  	_ =	shalt  }
0x7b: {  	_ =	shalt  }
0x7c: {  	_ =	shalt  }
0x7d: {  	_ =	shalt  }
0x7e: {  	_ =	shalt  }
0x7f: {  	_ =	shalt  }
0x80: {  	_ =	shalt  }
0x81: {  	_ =	shalt  }
0x82: {  	_ =	shalt  }
0x83: {  	_ =	shalt  }
0x84: {  	_ =	shalt  }
0x85: {  	_ =	shalt  }
0x86: {  	_ =	shalt  }
0x87: {  	_ =	shalt  }
.Lfunc_end0:
.L_simem_size_0:
called_computation_lowered:
.L_overlay_start_0:
0x88: {  	s2 =	sld [smem:$0x3FD9]  }
0x89: {  	s3 =	sld [smem:$0x3FFE];
	_ =	sdelay $0x1  }
0x8a: {  	s1 =	srdreg.scid  }
0x8b: {  	s0 =	sand.u32 $0x1, s1  }
0x8c: {  	s17 =	sshll.u32 s0, $0xA;
	s2 =	sadd.s32 s3, s2  }
0x8d: {  	s2 =	sadd.s32 s2, s17  }
0x8e: {  	[smem:$0x3FC0] =	sst s2  }
0x8f: {  	_ = 	snop  }
0x90: {  	s2 =	sld [smem:$0x3FC9]  }
0x91: {  	s18 =	sld [smem:$0x3FC8]  }
0x92: {  	s4 =	sld [smem:$0x3FC7]  }
0x93: {  	s5 =	sld [smem:$0x3FC5]  }
0x94: {  	s6 =	sld [smem:$0x3FC4]  }
0x95: {  	s7 =	sld [smem:$0x3FC3]  }
0x96: {  	s8 =	sld [smem:$0x3FC2]  }
0x97: {  	s9 =	sld [smem:$0x3FD0];
	(tm) =	ssettm $0x1  }
0x98: {  	s10 =	sld [smem:$0x3FFB];
	_ =	sdelay $0x3  }
0x99: {  	_ =	strace s10  }
0x9a: {  	s10 =	sld [smem:$0x3FFC];
	_ =	sdelay $0x3  }
0x9b: {  	_ =	strace s10  }
0x9c: {  	s10 =	sld [smem:$0x3FFD];
	_ =	sdelay $0x3  }
0x9d: {  	_ =	strace s10  }
0x9e: {  	_ =	strace $0x8FFFFFFF  }
0x9f: {  	s19 =	sld [smem:$0x3FDB];
	_ =	sdelay $0x1  }
0xa0: {  	s11 =	simm.s32 $_scs_section_size  }
0xa1: {  	s12 =	simm.s32 $_size__tile_overlayer_lowered;
	s13 =	simm.s32 $_tile_overlayer_lowered  }
0xa2: {  	s22 =	simm.s32 $0x1BFF;
	s21 =	sshll.u32 s13, $0x1;
	s10 =	sadd.s32 s11, s19  }
0xa3: {  	s14 =	simm.s32 $0x0;
	s20 =	sshll.u32 s12, $0x1;
	s12 =	sadd.s32 s21, s10  }
0xa4: {  	[timem:s14], [sflag:s22] =	dma.local [hbm:s12], s20  }
0xa5: {  	_ =	swait.ge [sflag:s22], s20  }
0xa6: {  	s11 =	ssub.s32 $0x0, s20;
	[sflag:s22] =	ssyncset.done $0x0  }
0xa7: {  	[sflag:s22] =	ssyncadd.s32 s11;
	_ =	sdelay $0x1  }
0xa8: {  	s23 =	simm.s32 $0x1B8B  }
0xa9: {  	_ =	swait.ge [sflag:s23], $0x1  }
0xaa: {  	[sflag:s23] =	ssyncset.done $0x0  }
0xab: {  	s25 =	simm.s32 $0x1B8E;
	s24 =	sld [smem:$0x3FFE];
	[sflag:s23] =	ssyncadd.s32 $0xFFFFFFFF  }
0xac: {  	s26 =	simm.s32 $execute0_lowered;
	[smem:$0x3FD2] =	sst s25  }
0xad: {  	s12 =	sshll.u32 s26, $0x1;
	_ =	strace $0x80000046;
	[dreg:$0x1] =	wrdreg $0xFFFFFFFF  }
0xae: {  	s28 =	simm.s32 $_size_execute0_lowered;
	s10 =	sadd.s32 s10, s12;
	[dreg:$0x0] =	wrdreg $0x0  }
0xaf: {  	s12 =	sshll.u32 s28, $0x1;
	[dreg:$0x2] =	wrdreg s10  }
0xb0: {  	[dreg:$0x3] =	wrdreg s12  }
0xb1: {  	[dreg:$0x4] =	wrdreg $0xC0  }
0xb2: {  	_ =	task [dreg:s14], $0x5FFFF  }
0xb3: {  	[dreg:$0x1] =	wrdreg $0xFFFFFFFF  }
0xb4: {  	[dreg:$0x0] =	wrdreg $0x60  }
0xb5: {  	[dreg:$0x2] =	wrdreg s2  }
0xb6: {  	[dreg:$0x3] =	wrdreg s18  }
0xb7: {  	[dreg:$0x4] =	wrdreg s4  }
0xb8: {  	[dreg:$0x5] =	wrdreg s24  }
0xb9: {  	[dreg:$0x6] =	wrdreg s5  }
0xba: {  	[dreg:$0x7] =	wrdreg s6  }
0xbb: {  	[dreg:$0x8] =	wrdreg s7  }
0xbc: {  	[dreg:$0x9] =	wrdreg s8  }
0xbd: {  	[dreg:$0xa] =	wrdreg s9  }
0xbe: {  	[dreg:$0xb] =	wrdreg $0x197800  }
0xbf: {  	[dreg:$0xc] =	wrdreg $0x1A7800  }
0xc0: {  	[dreg:$0xd] =	wrdreg $0x9  }
0xc1: {  	_ =	task.clear_ibuf [dreg:s14], $0xEFFFF;
	_ =	strace $0x90000046  }
0xc2: {  	s29 =	simm.s32 $0x9;
	_ =	strace $0x80000048  }
0xc3: {  	_ =	swait.ge [sflag:s29], $0x1  }
0xc4: {  	[sflag:s29] =	ssyncadd.s32 $0xFFFFFFFF  }
0xc5: {  	_ =	strace $0x90000048  }
0xc6: {  	_ =	sfence  }
0xc7: {  	s30 =	sld [smem:$0x0];
	_ =	sdelay $0x2  }
0xc8: {  	s31 =	sshll.u32 s1, $0xD;
	s1 =	sshrl.u32 s1, $0x2  }
0xc9: {  	s3 =	sand.u32 $0x4000, s31;
	s1 =	sadd.s32 s1, s30  }
0xca: {  	s0 =	sor.u32 s3, s0;
	s1 =	sshll.u32 s1, $0x11  }
0xcb: {  	s0 =	sor.u32 s1, s0  }
0xcc: {  	s0 =	sadd.s32 $0x8F2B, s0  }
0xcd: {  	[sflag:s0] =	ssyncadd.remote.s32 $0x1  }
0xce: {  	_ =	sfence.sel $0xFFFF  }
0xcf: {  	[dreg:$0x0] =	wrdreg $0xFFFFFFFF;
	(pc) =	sbr.abs _section_cstart, $3  }
0xd0: {  	[dreg:$0x1] =	wrdreg $0xFFFFFFFF  }
0xd1: {  	_ =	task.clear_ibuf [dreg:s14], $0x2FFFF;
	_ =	strace $0x9FFFFFFF  }
0xd2: {  	(tm) =	ssettm $0x7FFFFFFF  }
0xd3: {  	_ =	shalt  }
tec
execute0_lowered:
.L_overlay_start_1:
0x0: {  	(tag) =	ssettag $0x1  }
0x1: {  	s3 =	rddreg [dreg:$0x0]  }
0x2: {  	s0 =	rddreg [dreg:$0x1]  }
0x3: {  	s1 =	rddreg [dreg:$0x2]  }
0x4: {  	s2 =	rddreg [dreg:$0x3]  }
0x5: {  	s4 =	rddreg [dreg:$0x7]  }
0x6: {  	s6 =	rddreg [dreg:$0x8]  }
0x7: {  	s7 =	rddreg [dreg:$0x9]  }
0x8: {  	s13 =	rddreg [dreg:$0xa];
	s10 =	simm.s32 $0x0  }
0x9: {  	s5 =	srdreg.scid;
	s14 =	stileid.u32;
	s29 =	simm.s32 $0xB80  }
0xa: {  	s30 =	simm.s32 $0x3;
	s31 =	simm.s32 $0x16F00;
	[smem:$0x7FF] =	sst s10  }
0xb: {  	s5 =	sand.u32 $0x1, s5;
	s8 =	sshll.u32 s14, $0x5;
	s20 =	sshll.u32 s14, $0xD  }
0xc: {  	s12 =	sshll.u32 s14, $0x9;
	_ =	strace $0x80000047;
	s21 =	sadd.s32 s20, s13  }
0xd: {  	s8 =	sadd.s32 s8, s2;
	s20 =	sshll.u32 s14, $0x4;
	[dreg:$0xf] =	wrdreg s21  }
0xe: {  	s28 =	sxor.u32 $0x1F, s14;
	s18 =	sadd.s32 $0x400, s8;
	[dreg:$0x1c] =	wrdreg s20  }
0xf: {  	s9 =	ssub.s32 $0x2, s5;
	s8 =	sadd.s32 $0x410, s8;
	[dreg:$0xc] =	wrdreg s18  }
0x10: {  	s5 =	sshll.u32 s5, $0xD;
	s23 =	sadd.s32 $0x400, s21;
	[dreg:$0xd] =	wrdreg s8  }
0x11: {  	s11 =	sshrl.u32 s9, $0x1;
	s24 =	sadd.s32 $0x800, s21;
	[dreg:$0x11] =	wrdreg s23  }
0x12: {  	s2 =	sor.u32 s12, s5;
	s25 =	sadd.s32 $0xC00, s21;
	[dreg:$0x12] =	wrdreg s24  }
0x13: {  	s26 =	sadd.s32 $0x1000, s21;
	s16 =	sadd.s32 $0x1400, s21;
	[dreg:$0x13] =	wrdreg s25  }
0x14: {  	v0 =	vlaneseq.u32;
	s17 =	sadd.s32 $0x1800, s21;
	s5 =	simm.s32 $0x19700;
	[dreg:$0x14] =	wrdreg s26  }
0x15: {  	v3 =	vor.u32 s20, v0;
	s20 =	simm.s32 $0x0;
	s9 =	ssub.s32 s9, s11;
	[dreg:$0x19] =	wrdreg s16  }
0x16: {  	s19 =	sshrl.u32 s2, $0x3;
	s18 =	sshll.u32 s28, $0x4;
	[dreg:$0x1a] =	wrdreg s17  }
0x17: {  	s11 =	sshll.u32 s14, $0xC;
	s3 =	sadd.s32 s3, s19;
	[dreg:$0x15] =	wrdreg s18  }
0x18: {  	s12 =	sshll.u32 s2, $0x4;
	s22 =	sadd.s32 s4, s19;
	[dreg:$0xe] =	wrdreg s3  }
0x19: {  	s24 =	sshllo.u32 s28, $0x4;
	s4 =	sadd.s32 s11, s7;
	[dreg:$0x10] =	wrdreg s22  }
0x1a: {  	s16 =	simm.s32 $0x40;
	s15 =	smax.u32 s9, $0x1;
	[dreg:$0x16] =	wrdreg s4  }
0x1b: {  	s17 =	simm.s32 $0x980;
	s19 =	sadd.s32 $0x1C00, s21;
	[dreg:$0x18] =	wrdreg s15  }
0x1c: {  	v2 =	vmov s2;
	s2 =	simm.s32 $0x200;
	s13 =	sadd.s32 s6, s12;
	[dreg:$0x1b] =	wrdreg s19  }
0x1d: {  	s11 =	sshllo.u32 s14, $0x4;
	s21 =	sadd.s32 $0x400, s13;
	[dreg:$0x17] =	wrdreg s13  }
0x1e: {  	v5 =	vimm.s32 $0x0;
	v21 =	vimm.s32 $0xFFFFFFFF;
	v1 =	vmul.u32 $0x8, v0;
	s12 =	simm.s32 $0x400;
	s22 =	sadd.s32 $0x800, s13;
	[dreg:$0x1d] =	wrdreg s21  }
0x1f: {  	vm6 =	vmxor vm6, vm6;
	vm2 =	vmmov $0xffff;
	v23 =	vimm.s32 $0x0;
	s9 =	simm.s32 $0x2;
	s23 =	sadd.s32 $0xC00, s13;
	[dreg:$0x1e] =	wrdreg s22  }
0x20: {  	v22 =	vor.u32 $0x20000, v0;
	v23 =	vsel vm2, $0xFFFFFFFF, v23;
	v6 =	vor.u32 $0x1, v1;
	s25 =	sadd.s32 $0x1000, s13;
	s26 =	sadd.s32 $0x1400, s13;
	[dreg:$0x1f] =	wrdreg s23  }
.Ltmp0:
0x21: {  	v7 =	vor.u32 $0x2, v1;
	v8 =	vor.u32 $0x3, v1;
	v9 =	vor.u32 $0x4, v1;
	s28 =	sadd.s32 $0x1800, s13;
	[smem:$0x7FA] =	sst s25;
	(pc) =	sbr.rel .LBB2_1-.Ltmp0, $4  }
0x22: {  	v10 =	vor.u32 $0x5, v1;
	v11 =	vor.u32 $0x6, v1;
	v12 =	vor.u32 $0x7, v1;
	s4 =	sadd.s32 $0x1C00, s13;
	s13 =	simm.s32 $0x480;
	[smem:$0x7FB] =	sst s26  }
0x23: {  	v13 =	vor.u32 $0x80, v1;
	v14 =	vor.u32 $0x81, v1;
	v15 =	vor.u32 $0x82, v1;
	s15 =	simm.s32 $0x1;
	s19 =	simm.s32 $0x10;
	[smem:$0x7FC] =	sst s28  }
0x24: {  	v16 =	vor.u32 $0x83, v1;
	v17 =	vor.u32 $0x84, v1;
	v18 =	vor.u32 $0x85, v1;
	s3 =	simm.s32 $0x17F00;
	[smem:$0x7FD] =	sst s4;
	s21 =	simm.s32 $0x16B00  }
0x25: {  	[tilespmem:$0x1FFF0] =	vst v23;
	v19 =	vor.u32 $0x86, v1;
	v20 =	vor.u32 $0x87, v1;
	v4 =	vor.u32 s18, v0;
	s25 =	simm.s32 $0x15C00;
	s26 =	simm.s32 $0x15C80;
	s4 =	simm.s32 $0x18F00  }
.LBB2_31:
0x26: {  	s20 =	sadd.s32 $0x1, s20;
	s8 =	rddreg [dreg:$0x18]  }
0x27: {  	p0 =	sne.s32 s20, s8  }
.Ltmp1:
0x28: {  	_ = 	snop;
	(pc) =	sbr.rel @!p0 .LBB2_32-.Ltmp1, $1  }
0x29: {  	_ =	sdelay $0x3  }
.LBB2_1:
0x2a: {  	s8 =	rddreg [dreg:$0x4];
	s14 =	simm.s32 $0x580  }
0x2b: {  	[tilespmem:s14], [sflag:$0x1] =	stream.linear.gather [hbm4b:s8+s10], $0x200, $0x38;
	[tilespmem:$0x1C788] =	vst v63  }
0x2c: {  	s23 =	rddreg [dreg:$0x5];
	s28 =	simm.s32 $0x780  }
0x2d: {  	[tilespmem:s28], [sflag:$0x1] =	stream.linear.gather [hbm4b:s23+s10], $0x200, $0x38;
	[tilespmem:$0x1C788] =	vst v63  }
0x2e: {  	s18 =	rddreg [dreg:$0x6]  }
0x2f: {  	[tilespmem:s12], [sflag:$0x1] =	stream.linear.gather [hbm4b:s18+s10], $0x80, $0x38;
	[tilespmem:$0x1C788] =	vst v63  }
0x30: {  	s22 =	rddreg [dreg:$0xc]  }
0x31: {  	[tilespmem:s13], [sflag:$0x1] =	stream.linear.gather [hbm4b:s22+s10], $0x80, $0x38;
	[tilespmem:$0x1C788] =	vst v63  }
0x32: {  	s23 =	rddreg [dreg:$0xd];
	s28 =	simm.s32 $0x500  }
0x33: {  	[tilespmem:s28], [sflag:$0x1] =	stream.linear.gather [hbm4b:s23+s10], $0x80, $0x38;
	[tilespmem:$0x1C788] =	vst v63  }
0x34: {  	s18 =	simm.s32 $0x15B80  }
0x35: {  	[tilespmem:s18], [sflag:$0x1] =	stream.linear.gather [hbm4b:s0+s10], $0x80, $0x38;
	[tilespmem:$0x1C788] =	vst v63  }
0x36: {  	s22 =	rddreg [dreg:$0xe]  }
0x37: {  	[tilespmem:s10], [sflag:$0x1] =	stream.linear.gather [hbm4b:s22+s10], $0x200, $0x38;
	[tilespmem:$0x1C788] =	vst v63  }
0x38: {  	s23 =	rddreg [dreg:$0x10]  }
0x39: {  	[tilespmem:s2], [sflag:$0x1] =	stream.linear.gather [hbm4b:s23+s10], $0x200, $0x38;
	[tilespmem:$0x1C788] =	vst v63  }
0x3a: {  	_ =	swait.ge [sflag:s15], $0x200  }
0x3b: {  	[sflag:s15] =	ssyncset.done $0x0  }
0x3c: {  	[sflag:s15] =	ssyncadd.s32 $0xFFFFFE00  }
0x3d: {  	_ =	swait.ge [sflag:s15], $0x200  }
0x3e: {  	[sflag:s15] =	ssyncset.done $0x0  }
0x3f: {  	[sflag:s15] =	ssyncadd.s32 $0xFFFFFE00  }
0x40: {  	_ =	swait.ge [sflag:s15], $0x80  }
0x41: {  	[sflag:s15] =	ssyncset.done $0x0  }
0x42: {  	[sflag:s15] =	ssyncadd.s32 $0xFFFFFF80  }
0x43: {  	_ =	swait.ge [sflag:s15], $0x80  }
0x44: {  	[sflag:s15] =	ssyncset.done $0x0  }
0x45: {  	[sflag:s15] =	ssyncadd.s32 $0xFFFFFF80  }
0x46: {  	_ =	swait.ge [sflag:s15], $0x80  }
0x47: {  	[sflag:s15] =	ssyncset.done $0x0  }
0x48: {  	[sflag:s15] =	ssyncadd.s32 $0xFFFFFF80  }
0x49: {  	_ =	swait.ge [sflag:s15], $0x80  }
0x4a: {  	[sflag:s15] =	ssyncset.done $0x0  }
0x4b: {  	[sflag:s15] =	ssyncadd.s32 $0xFFFFFF80  }
0x4c: {  	_ =	swait.ge [sflag:s15], $0x200  }
0x4d: {  	[sflag:s15] =	ssyncset.done $0x0  }
0x4e: {  	[sflag:s15] =	ssyncadd.s32 $0xFFFFFE00  }
0x4f: {  	_ =	swait.ge [sflag:s15], $0x200  }
0x50: {  	[sflag:s15] =	ssyncset.done $0x0  }
0x51: {  	[sflag:s15] =	ssyncadd.s32 $0xFFFFFE00  }
0x52: {  	v23 =	vld [tilespmem:s2+$0x0];
	_ =	sdelay $0x7  }
0x53: {  	v23 =	vld.idx.msk [tilespmem:v23+s12+$0x0], $0xffff  }
0x54: {  	v24 =	vld [tilespmem:s10+$0x0];
	_ =	sdelay $0x3  }
0x55: {  	v23 =	vshll.u32 v23, $0xB  }
0x56: {  	s28 =	sand.u32 $0x30, s10;
	s18 =	sand.u32 $0x380, s10;
	vm2 =	vgt.s32 v24, $0x1869F;
	v23 =	vadd.s32 v23, v24  }
0x57: {  	s8 =	simm.s32 $0x20;
	s23 =	sor.u32 s28, s18;
	v24 =	vsel vm2, $0x0, v24;
	v23 =	vadd.s32 $0xFFFE7960, v23  }
0x58: {  	s14 =	simm.s32 $0x0;
	s22 =	simm.s32 $0x200;
	s18 =	simm.s32 $0x0;
	[tilespmem:s23+$0x16300] =	vst v24;
	v23 =	vnsel vm2, $0x0, v23  }
.LBB2_2:
0x59: {  	[tilespmem:s23+$0x16700] =	vst v23;
	s14 =	sadd.s32 $0x10, s14;
	s18 =	sadd.s32 $0x10, s18;
	s22 =	sadd.s32 $0x10, s22  }
0x5a: {  	p0 =	sne.s32 s8, $0x3E0;
	s23 =	smov.u32 s8;
	s8 =	sadd.s32 $0x20, s8;
	v23 =	vld [tilespmem:s22+$0x0]  }
0x5b: {  	_ = 	snop  }
0x5c: {  	v24 =	vld [tilespmem:s18+$0x0];
	_ =	sdelay $0x4  }
0x5d: {  	s28 =	sand.u32 $0x30, s14;
	s23 =	sand.u32 $0x380, s23;
	vm2 =	vgt.s32 v24, $0x1869F  }
0x5e: {  	s23 =	sor.u32 s28, s23;
	v23 =	vld.idx.msk [tilespmem:v23+s12+$0x0], $0xffff;
	v25 =	vsel vm2, $0x0, v24  }
0x5f: {  	[tilespmem:s23+$0x16300] =	vst v25;
	_ =	sdelay $0x3  }
.Ltmp2:
0x60: {  	(pc) =	sbr.rel @p0 .LBB2_2-.Ltmp2, $4  }
0x61: {  	v23 =	vshll.u32 v23, $0xB  }
0x62: {  	v23 =	vadd.s32 v23, v24  }
0x63: {  	v23 =	vadd.s32 $0xFFFE7960, v23  }
0x64: {  	v23 =	vnsel vm2, $0x0, v23  }
0x65: {  	[tilespmem:s23+$0x16700] =	vst v23;
	s8 =	simm.s32 $0x16300  }
0x66: {  	[tilespmem:s29], [sflag:$0x2] =	stream.indirect.gather [hbm4b:s0+s16], $0x80, s8, s16, $0xb8;
	[tilespmem:$0x1C788] =	vst v63  }
0x67: {  	s23 =	simm.s32 $0x16380;
	s14 =	simm.s32 $0x2B80  }
0x68: {  	[tilespmem:s14], [sflag:$0x2] =	stream.indirect.gather [hbm4b:s0+s16], $0x80, s23, s16, $0xb8;
	[tilespmem:$0x1C788] =	vst v63  }
0x69: {  	s28 =	simm.s32 $0x16400;
	s29 =	simm.s32 $0x4B80  }
0x6a: {  	[tilespmem:s29], [sflag:$0x2] =	stream.indirect.gather [hbm4b:s0+s16], $0x80, s28, s16, $0xb8;
	[tilespmem:$0x1C788] =	vst v63  }
0x6b: {  	s18 =	simm.s32 $0x6B80;
	s14 =	simm.s32 $0x16480  }
0x6c: {  	[tilespmem:s18], [sflag:$0x2] =	stream.indirect.gather [hbm4b:s0+s16], $0x80, s14, s16, $0xb8;
	[tilespmem:$0x1C788] =	vst v63  }
0x6d: {  	s22 =	simm.s32 $0x16500;
	s23 =	simm.s32 $0x8B80  }
0x6e: {  	[tilespmem:s23], [sflag:$0x2] =	stream.indirect.gather [hbm4b:s0+s16], $0x80, s22, s16, $0xb8;
	[tilespmem:$0x1C788] =	vst v63  }
0x6f: {  	s28 =	simm.s32 $0x16580;
	s29 =	simm.s32 $0xAB80  }
0x70: {  	[tilespmem:s29], [sflag:$0x2] =	stream.indirect.gather [hbm4b:s0+s16], $0x80, s28, s16, $0xb8;
	[tilespmem:$0x1C788] =	vst v63  }
0x71: {  	s14 =	simm.s32 $0x16600;
	s18 =	simm.s32 $0xCB80  }
0x72: {  	[tilespmem:s18], [sflag:$0x2] =	stream.indirect.gather [hbm4b:s0+s16], $0x80, s14, s16, $0xb8;
	[tilespmem:$0x1C788] =	vst v63  }
0x73: {  	s22 =	simm.s32 $0x16680;
	s23 =	simm.s32 $0xEB80  }
0x74: {  	[tilespmem:s23], [sflag:$0x2] =	stream.indirect.gather [hbm4b:s0+s16], $0x80, s22, s16, $0xb8;
	[tilespmem:$0x1C788] =	vst v63  }
0x75: {  	s28 =	simm.s32 $0x80;
	s29 =	simm.s32 $0x10B80;
	s14 =	simm.s32 $0x0  }
0x76: {  	[tilespmem:s29], [sflag:$0x4] =	stream.indirect.gather [hbm4b:s0+s28], $0x80, s13, s28, $0xb8;
	[tilespmem:$0x1C788] =	vst v63  }
0x77: {  	v23 =	vld [tilespmem:s14+$0x780];
	_ =	sdelay $0x7  }
0x78: {  	s8 =	simm.s32 $0x10;
	s18 =	simm.s32 $0x80;
	v23 =	vld.idx.msk [tilespmem:v23+s12+$0x0], $0xffff  }
.LBB2_4:
0x79: {  	p0 =	sne.s32 s18, $0x7C0;
	v24 =	vld [tilespmem:s8+$0x780]  }
0x7a: {  	v25 =	vld [tilespmem:s14+$0x580];
	_ =	sdelay $0x2  }
.Ltmp3:
0x7b: {  	(pc) =	sbr.rel @p0 .LBB2_4-.Ltmp3, $4  }
0x7c: {  	v23 =	vshll.u32 v23, $0xB  }
0x7d: {  	v23 =	vadd.s32 v25, v23  }
0x7e: {  	[tilespmem:s14+$0x980] =	vst v23;
	s14 =	smov.u32 s8  }
0x7f: {  	s8 =	sshra.s32 s18, $0x2;
	s18 =	sadd.s32 $0x40, s18;
	v23 =	vld.idx.msk [tilespmem:v24+s12+$0x0], $0xffff  }
0x80: {  	v24 =	vld [tilespmem:s8+$0x780]  }
0x81: {  	v25 =	vld [tilespmem:s14+$0x580];
	_ =	sdelay $0x3  }
0x82: {  	v23 =	vshll.u32 v23, $0xB  }
0x83: {  	v23 =	vadd.s32 v25, v23  }
0x84: {  	[tilespmem:s14+$0x980] =	vst v23  }
0x85: {  	v23 =	vld.idx.msk [tilespmem:v24+s12+$0x0], $0xffff  }
0x86: {  	v42 =	vld [tilespmem:s8+$0x580];
	_ =	sdelay $0x3  }
0x87: {  	v23 =	vshll.u32 v23, $0xB  }
0x88: {  	v23 =	vadd.s32 v42, v23  }
0x89: {  	[tilespmem:s8+$0x980] =	vst v23  }
0x8a: {  	v23 =	vld.idx.msk [tilespmem:v1+s13+$0x0], $0xffff  }
0x8b: {  	v43 =	vld.idx.msk [tilespmem:v6+s13+$0x0], $0xffff  }
0x8c: {  	v44 =	vld.idx.msk [tilespmem:v7+s13+$0x0], $0xffff  }
0x8d: {  	v26 =	vld.idx.msk [tilespmem:v8+s13+$0x0], $0xffff  }
0x8e: {  	v27 =	vld.idx.msk [tilespmem:v9+s13+$0x0], $0xffff  }
0x8f: {  	v28 =	vld.idx.msk [tilespmem:v10+s13+$0x0], $0xffff  }
0x90: {  	vm2 =	veq.s32 v23, $0x0;
	vm3 =	veq.s32 v43, $0x0;
	v23 =	vld.idx.msk [tilespmem:v11+s13+$0x0], $0xffff  }
0x91: {  	v46 =	vld.idx.msk [tilespmem:v12+s13+$0x0], $0xffff;
	vm9 =	veq.s32 v44, $0x0;
	v45 =	vsel vm2, $0x1, v5;
	v29 =	vsel vm3, $0x1, v5  }
0x92: {  	vm10 =	veq.s32 v26, $0x0;
	v47 =	vsel vm9, $0x1, v5;
	v24 =	vadd.s32 v45, v29  }
0x93: {  	vm11 =	veq.s32 v27, $0x0;
	v26 =	vsel vm10, $0x1, v5;
	v24 =	vadd.s32 v47, v24  }
0x94: {  	vm12 =	veq.s32 v28, $0x0;
	v48 =	vsel vm11, $0x1, v5;
	v24 =	vadd.s32 v26, v24  }
0x95: {  	v49 =	vsel vm12, $0x1, v5;
	v24 =	vadd.s32 v48, v24;
	vm13 =	veq.s32 v23, $0x0  }
0x96: {  	vm14 =	veq.s32 v46, $0x0;
	v23 =	vadd.s32 v49, v24;
	v50 =	vsel vm13, $0x1, v5  }
0x97: {  	v51 =	vsel vm14, $0x1, v5;
	v23 =	vadd.s32 v50, v23  }
0x98: {  	v23 =	vadd.s32 v51, v23  }
0x99: {  	v24 =	vsub.s32 $0x8, v23  }
0x9a: {  	v24 =	vmax.u32 v24, $0x1  }
0x9b: {  	v24 =	vcvt.s32.f32 v24;
	_ =	sdelay $0x1  }
0x9c: {  	(erf) = vrcp.f32 v24;
	_ =	sdelay $0x6  }
0x9d: {  	v23 =	vcvt.s32.f32 v23;
	_ =	sdelay $0x1  }
0x9e: {  	[tilespmem:$0x15C80] =	vst v23;
	v24 =	vpop (erf)  }
0x9f: {  	[tilespmem:$0x15C00] =	vst v24  }
0xa0: {  	v23 =	vld.idx.msk [tilespmem:v13+s13+$0x0], $0xffff  }
0xa1: {  	v24 =	vld.idx.msk [tilespmem:v14+s13+$0x0], $0xffff  }
0xa2: {  	v52 =	vld.idx.msk [tilespmem:v15+s13+$0x0], $0xffff  }
0xa3: {  	v53 =	vld.idx.msk [tilespmem:v16+s13+$0x0], $0xffff  }
0xa4: {  	v54 =	vld.idx.msk [tilespmem:v17+s13+$0x0], $0xffff  }
0xa5: {  	v55 =	vld.idx.msk [tilespmem:v18+s13+$0x0], $0xffff  }
0xa6: {  	vm15 =	veq.s32 v23, $0x0;
	vm9 =	veq.s32 v24, $0x0;
	v23 =	vld.idx.msk [tilespmem:v19+s13+$0x0], $0xffff  }
0xa7: {  	v58 =	vld.idx.msk [tilespmem:v20+s13+$0x0], $0xffff;
	vm10 =	veq.s32 v52, $0x0;
	v56 =	vsel vm15, $0x1, v5;
	v57 =	vsel vm9, $0x1, v5  }
0xa8: {  	vm11 =	veq.s32 v53, $0x0;
	v59 =	vsel vm10, $0x1, v5;
	v24 =	vadd.s32 v56, v57  }
0xa9: {  	vm12 =	veq.s32 v54, $0x0;
	v26 =	vsel vm11, $0x1, v5;
	v24 =	vadd.s32 v59, v24  }
0xaa: {  	vm13 =	veq.s32 v55, $0x0;
	v60 =	vsel vm12, $0x1, v5;
	v24 =	vadd.s32 v26, v24  }
0xab: {  	v61 =	vsel vm13, $0x1, v5;
	v24 =	vadd.s32 v60, v24;
	vm14 =	veq.s32 v23, $0x0  }
0xac: {  	vm15 =	veq.s32 v58, $0x0;
	v23 =	vadd.s32 v61, v24;
	v62 =	vsel vm14, $0x1, v5  }
0xad: {  	v63 =	vsel vm15, $0x1, v5;
	v23 =	vadd.s32 v62, v23  }
0xae: {  	v23 =	vadd.s32 v63, v23  }
0xaf: {  	v24 =	vsub.s32 $0x8, v23  }
0xb0: {  	v24 =	vmax.u32 v24, $0x1  }
0xb1: {  	v24 =	vcvt.s32.f32 v24;
	_ =	sdelay $0x1  }
0xb2: {  	(erf) = vrcp.f32 v24;
	_ =	sdelay $0x6  }
0xb3: {  	v23 =	vcvt.s32.f32 v23;
	_ =	sdelay $0x1  }
0xb4: {  	[tilespmem:$0x15C90] =	vst v23;
	v24 =	vpop (erf)  }
0xb5: {  	s14 =	simm.s32 $0x0;
	s8 =	simm.s32 $0x40;
	[tilespmem:$0x15C10] =	vst v24  }
.LBB2_6:
0xb6: {  	p0 =	sne.s32 s8, $0xFC0;
	[tilespmem:s14+$0x15D00] =	vst v21;
	s14 =	smov.u32 s8;
	s8 =	sadd.s32 $0x40, s8  }
.Ltmp4:
0xb7: {  	(pc) =	sbr.rel @p0 .LBB2_6-.Ltmp4, $2  }
0xb8: {  	_ =	sdelay $0x2  }
0xb9: {  	s14 =	sshra.s32 s14, $0x2  }
0xba: {  	[tilespmem:s14+$0x15D00] =	vst v21;
	s8 =	rddreg [dreg:$0xf];
	s14 =	simm.s32 $0x15D00  }
0xbb: {  	[spmem:s8] =	stream.linear.scatter [tilespmem:s14], [sflag:$0x1], $0x400, $0x38;
	[tilespmem:$0x1C788] =	vst v63  }
0xbc: {  	s22 =	rddreg [dreg:$0x11]  }
0xbd: {  	[spmem:s22] =	stream.linear.scatter [tilespmem:s14], [sflag:$0x1], $0x400, $0x38;
	[tilespmem:$0x1C788] =	vst v63  }
0xbe: {  	s23 =	rddreg [dreg:$0x12]  }
0xbf: {  	[spmem:s23] =	stream.linear.scatter [tilespmem:s14], [sflag:$0x1], $0x400, $0x38;
	[tilespmem:$0x1C788] =	vst v63  }
0xc0: {  	s28 =	rddreg [dreg:$0x13]  }
0xc1: {  	[spmem:s28] =	stream.linear.scatter [tilespmem:s14], [sflag:$0x1], $0x400, $0x38;
	[tilespmem:$0x1C788] =	vst v63  }
0xc2: {  	s29 =	rddreg [dreg:$0x14]  }
0xc3: {  	[spmem:s29] =	stream.linear.scatter [tilespmem:s14], [sflag:$0x1], $0x400, $0x38;
	[tilespmem:$0x1C788] =	vst v63  }
0xc4: {  	s18 =	rddreg [dreg:$0x19]  }
0xc5: {  	[spmem:s18] =	stream.linear.scatter [tilespmem:s14], [sflag:$0x1], $0x400, $0x38;
	[tilespmem:$0x1C788] =	vst v63  }
0xc6: {  	s22 =	rddreg [dreg:$0x1a]  }
0xc7: {  	[spmem:s22] =	stream.linear.scatter [tilespmem:s14], [sflag:$0x1], $0x400, $0x38;
	[tilespmem:$0x1C788] =	vst v63  }
0xc8: {  	s23 =	rddreg [dreg:$0x1b]  }
0xc9: {  	[spmem:s23] =	stream.linear.scatter [tilespmem:s14], [sflag:$0x1], $0x400, $0x38;
	[tilespmem:$0x1C788] =	vst v63  }
0xca: {  	_ =	swait.ge [sflag:s15], $0x400  }
0xcb: {  	[sflag:s15] =	ssyncset.done $0x0  }
0xcc: {  	[sflag:s15] =	ssyncadd.s32 $0xFFFFFC00  }
0xcd: {  	_ =	swait.ge [sflag:s15], $0x400  }
0xce: {  	[sflag:s15] =	ssyncset.done $0x0  }
0xcf: {  	[sflag:s15] =	ssyncadd.s32 $0xFFFFFC00  }
0xd0: {  	_ =	swait.ge [sflag:s15], $0x400  }
0xd1: {  	[sflag:s15] =	ssyncset.done $0x0  }
0xd2: {  	[sflag:s15] =	ssyncadd.s32 $0xFFFFFC00  }
0xd3: {  	_ =	swait.ge [sflag:s15], $0x400  }
0xd4: {  	[sflag:s15] =	ssyncset.done $0x0  }
0xd5: {  	[sflag:s15] =	ssyncadd.s32 $0xFFFFFC00  }
0xd6: {  	_ =	swait.ge [sflag:s15], $0x400  }
0xd7: {  	[sflag:s15] =	ssyncset.done $0x0  }
0xd8: {  	[sflag:s15] =	ssyncadd.s32 $0xFFFFFC00  }
0xd9: {  	_ =	swait.ge [sflag:s15], $0x400  }
0xda: {  	[sflag:s15] =	ssyncset.done $0x0  }
0xdb: {  	[sflag:s15] =	ssyncadd.s32 $0xFFFFFC00  }
0xdc: {  	_ =	swait.ge [sflag:s15], $0x400  }
0xdd: {  	[sflag:s15] =	ssyncset.done $0x0  }
0xde: {  	[sflag:s15] =	ssyncadd.s32 $0xFFFFFC00  }
0xdf: {  	p1 =	sne.s32 s11, $0x1FF;
	_ =	swait.ge [sflag:s15], $0x400  }
.Ltmp5:
0xe0: {  	[sflag:s15] =	ssyncset.done $0x0;
	(pc) =	sbr.rel @!p1 .LBB2_8-.Ltmp5, $4  }
0xe1: {  	[sflag:s15] =	ssyncadd.s32 $0xFFFFFC00  }
0xe2: {  	[bflag:$0x0] =	sbarrier.arrive $0xFFFF  }
0xe3: {  	s28 =	sadd.s32 $0xFFFFFFF1, s11;
	s29 =	rddreg [dreg:$0x1c]  }
0xe4: {  	p0 =	por $0x0, $0x0;
	s8 =	sadd.s32 $0xFFFFFFF2, s11;
	v24 =	vmov s28;
	s14 =	sadd.s32 $0x10, s11;
	v23 =	vld [tilespmem:s29+$0x980]  }
0xe5: {  	v25 =	vmov s8  }
0xe6: {  	s28 =	sadd.s32 $0xFFFFFFF3, s11  }
0xe7: {  	s29 =	sadd.s32 $0xFFFFFFF4, s11;
	v26 =	vmov s28  }
0xe8: {  	v27 =	vmov s29  }
0xe9: {  	s18 =	sadd.s32 $0xFFFFFFF5, s11;
	v28 =	vld.idx.msk [tilespmem:v24+s17+$0x0], $0xffff  }
0xea: {  	s22 =	sadd.s32 $0xFFFFFFF6, s11;
	v29 =	vmov s18;
	v30 =	vld.idx.msk [tilespmem:v25+s17+$0x0], $0xffff  }
0xeb: {  	v31 =	vmov s22  }
0xec: {  	v32 =	vmov s11;
	s23 =	sadd.s32 $0xFFFFFFFD, s11;
	s22 =	sadd.s32 $0xFFFFFFF7, s11;
	v33 =	vld.idx.msk [tilespmem:v26+s17+$0x0], $0xffff  }
0xed: {  	vm2 =	vgt.u32 v24, v3;
	s18 =	sadd.s32 $0xFFFFFFFB, s11;
	v34 =	vmov s23;
	s29 =	sadd.s32 $0xFFFFFFF8, s11;
	v36 =	vmov s22;
	v37 =	vld.idx.msk [tilespmem:v27+s17+$0x0], $0xffff  }
0xee: {  	s28 =	sadd.s32 $0xFFFFFFF9, s11;
	vm5 =	vgt.u32 v25, v3;
	v35 =	vmov s18;
	v39 =	vmov s29  }
0xef: {  	v38 =	vmov s28;
	s18 =	sadd.s32 $0xFFFFFFFA, s11;
	vm3 =	veq.s32 v23, v28;
	v24 =	vld.idx.msk [tilespmem:v29+s17+$0x0], $0xffff;
	vm4 =	veq.s32 v23, v30  }
0xf0: {  	v25 =	vmov s18;
	v58 =	vld.idx.msk [tilespmem:v31+s17+$0x0], $0xffff;
	vm2 =	vmand vm2, vm3;
	vm3 =	vmand vm5, vm4  }
0xf1: {  	vm4 =	vgt.u32 v26, v3;
	vm5 =	veq.s32 v23, v33;
	vm2 =	vmor vm2, vm3  }
0xf2: {  	s22 =	sadd.s32 $0xFFFFFFFC, s11;
	v26 =	vld.idx.msk [tilespmem:v36+s17+$0x0], $0xffff;
	vm3 =	vgt.u32 v27, v3;
	vm4 =	vmand vm4, vm5;
	vm5 =	veq.s32 v23, v37  }
0xf3: {  	v59 =	vld.idx.msk [tilespmem:v39+s17+$0x0], $0xffff;
	v27 =	vmov s22;
	vm2 =	vmor vm2, vm4;
	vm3 =	vmand vm3, vm5  }
0xf4: {  	vm4 =	vgt.u32 v29, v3;
	vm5 =	veq.s32 v23, v24;
	vm2 =	vmor vm2, vm3  }
0xf5: {  	s23 =	sadd.s32 $0xFFFFFFFE, s11;
	v24 =	vld.idx.msk [tilespmem:v38+s17+$0x0], $0xffff;
	vm3 =	vgt.u32 v31, v3;
	vm4 =	vmand vm4, vm5;
	vm5 =	veq.s32 v23, v58  }
0xf6: {  	v60 =	vmov s23;
	v61 =	vld.idx.msk [tilespmem:v25+s17+$0x0], $0xffff;
	vm2 =	vmor vm2, vm4;
	vm3 =	vmand vm3, vm5  }
0xf7: {  	vm4 =	vgt.u32 v36, v3;
	vm5 =	veq.s32 v23, v26;
	vm2 =	vmor vm2, vm3  }
0xf8: {  	s28 =	sadd.s32 $0xFFFFFFFF, s11;
	vm3 =	vgt.u32 v39, v3;
	v26 =	vld.idx.msk [tilespmem:v35+s17+$0x0], $0xffff;
	vm4 =	vmand vm4, vm5;
	vm5 =	veq.s32 v23, v59  }
0xf9: {  	v62 =	vmov s28;
	v63 =	vld.idx.msk [tilespmem:v27+s17+$0x0], $0xffff;
	vm2 =	vmor vm2, vm4;
	vm3 =	vmand vm3, vm5  }
0xfa: {  	vm4 =	vgt.u32 v38, v3;
	vm5 =	veq.s32 v23, v24;
	vm2 =	vmor vm2, vm3  }
0xfb: {  	v24 =	vld.idx.msk [tilespmem:v34+s17+$0x0], $0xffff;
	vm3 =	vgt.u32 v25, v3;
	vm4 =	vmand vm4, vm5;
	vm5 =	veq.s32 v23, v61  }
0xfc: {  	v25 =	vld.idx.msk [tilespmem:v60+s17+$0x0], $0xffff;
	vm2 =	vmor vm2, vm4;
	vm3 =	vmand vm3, vm5  }
0xfd: {  	vm4 =	vgt.u32 v35, v3;
	vm5 =	veq.s32 v23, v26;
	vm2 =	vmor vm2, vm3  }
0xfe: {  	vm3 =	vgt.u32 v27, v3;
	v26 =	vld.idx.msk [tilespmem:v62+s17+$0x0], $0xffff;
	vm4 =	vmand vm4, vm5;
	vm5 =	veq.s32 v23, v63  }
0xff: {  	v27 =	vld.idx.msk [tilespmem:v32+s17+$0x0], $0xffff;
	vm2 =	vmor vm2, vm4;
	vm3 =	vmand vm3, vm5  }
0x100: {  	p2 =	sne.s32 s14, $0x1FF;
	vm4 =	vgt.u32 v34, v3;
	vm5 =	veq.s32 v23, v24;
	vm2 =	vmor vm2, vm3  }
.Ltmp6:
0x101: {  	vm3 =	vgt.u32 v60, v3;
	vm4 =	vmand vm4, vm5;
	vm5 =	veq.s32 v23, v25;
	(pc) =	sbr.rel @!p2 .LBB2_10-.Ltmp6, $4  }
0x102: {  	vm7 =	vmmov vm6;
	vm2 =	vmor vm2, vm4;
	vm3 =	vmand vm3, vm5  }
0x103: {  	vm4 =	vgt.u32 v62, v3;
	vm5 =	veq.s32 v23, v26;
	vm2 =	vmor vm2, vm3  }
0x104: {  	s29 =	sadd.s32 $0xFFFFFFF1, s14;
	vm3 =	vgt.u32 v32, v3;
	vm4 =	vmand vm4, vm5;
	vm5 =	veq.s32 v23, v27  }
0x105: {  	s8 =	sadd.s32 $0xFFFFFFF2, s14;
	p1 =	por $0x1, $0x1;
	s22 =	sadd.s32 $0x10, s14;
	v24 =	vmov s29;
	vm4 =	vmor vm2, vm4;
	vm3 =	vmand vm3, vm5  }
.LBB2_11:
0x106: {  	v25 =	vmov s8  }
0x107: {  	vm3 =	vmor vm4, vm3;
	v27 =	vmov s14;
	v30 =	vimm.s32 $0x0  }
0x108: {  	s23 =	sadd.s32 $0xFFFFFFF3, s14;
	s28 =	sadd.s32 $0xFFFFFFF4, s14;
	v43 =	vimm.s32 $0x0;
	v58 =	vimm.s32 $0x0;
	vm15 =	vgt.u32 v24, v3  }
0x109: {  	s18 =	sadd.s32 $0xFFFFFFFF, s14;
	s29 =	sadd.s32 $0xFFFFFFF5, s14;
	v26 =	vmov s23;
	vm7 =	vmor vm7, vm3;
	v28 =	vmov s28  }
0x10a: {  	s8 =	sadd.s32 $0xFFFFFFF6, s14;
	v29 =	vmov s18;
	vm0 =	vgt.u32 v27, v3;
	v57 =	vmov s29  }
0x10b: {  	s23 =	sadd.s32 $0xFFFFFFFD, s14;
	s28 =	sadd.s32 $0xFFFFFFFE, s14;
	s18 =	sadd.s32 $0xFFFFFFFB, s14;
	v34 =	vmov s8;
	vm6 =	vgt.u32 v25, v3;
	v30 =	vsel vm0, $0xFFFFFFFF, v30  }
0x10c: {  	s29 =	sadd.s32 $0xFFFFFFFC, s14;
	s8 =	sadd.s32 $0xFFFFFFF7, s14;
	v31 =	vmov s23;
	v32 =	vmov s28;
	v35 =	vmov s18  }
0x10d: {  	v33 =	vld.idx.msk [tilespmem:v24+s17+$0x0], $0xffff;
	s23 =	sadd.s32 $0xFFFFFFF9, s14;
	v36 =	vmov s29;
	v38 =	vmov s8;
	vm14 =	vgt.u32 v57, v3  }
0x10e: {  	s28 =	sadd.s32 $0xFFFFFFFA, s14;
	s18 =	sadd.s32 $0xFFFFFFF8, s14;
	vm13 =	vgt.u32 v34, v3;
	vm1 =	vgt.u32 v28, v3;
	v39 =	vmov s23;
	v37 =	vld.idx.msk [tilespmem:v25+s17+$0x0], $0xffff  }
0x10f: {  	v40 =	vmov s28;
	v42 =	vmov s18;
	vm0 =	vgt.u32 v32, v3;
	v41 =	vld.idx.msk [tilespmem:v26+s17+$0x0], $0xffff  }
0x110: {  	vm8 =	vgt.u32 v35, v3;
	vm3 =	vgt.u32 v36, v3;
	vm12 =	vgt.u32 v38, v3;
	v59 =	vld.idx.msk [tilespmem:v28+s17+$0x0], $0xffff  }
0x111: {  	v43 =	vsel vm0, $0xFFFFFFFF, v43;
	vm0 =	vgt.u32 v29, v3;
	vm11 =	vgt.u32 v42, v3;
	v44 =	vld.idx.msk [tilespmem:v57+s17+$0x0], $0xffff  }
0x112: {  	vm10 =	vgt.u32 v39, v3;
	vm9 =	vgt.u32 v40, v3;
	[tilespmem:$0x1FFC0] =	vst v43;
	v43 =	vsel vm0, $0xFFFFFFFF, v58;
	v60 =	vld.idx.msk [tilespmem:v34+s17+$0x0], $0xffff  }
0x113: {  	vm0 =	vgt.u32 v26, v3;
	vm2 =	veq.s32 v23, v33;
	v24 =	vld.idx.msk [tilespmem:v38+s17+$0x0], $0xffff;
	vm5 =	veq.s32 v23, v37  }
0x114: {  	vm2 =	vmand vm15, vm2;
	v25 =	vld.idx.msk [tilespmem:v42+s17+$0x0], $0xffff;
	vm5 =	vmand vm6, vm5;
	vm6 =	veq.s32 v23, v41  }
0x115: {  	v26 =	vld.idx.msk [tilespmem:v39+s17+$0x0], $0xffff;
	vm2 =	vmor vm2, vm5;
	vm0 =	vmand vm0, vm6;
	vm5 =	veq.s32 v23, v59  }
0x116: {  	v61 =	vld.idx.msk [tilespmem:v40+s17+$0x0], $0xffff;
	vm0 =	vmor vm2, vm0;
	vm1 =	vmand vm1, vm5;
	vm2 =	veq.s32 v23, v44  }
0x117: {  	v62 =	vld.idx.msk [tilespmem:v35+s17+$0x0], $0xffff;
	vm0 =	vmor vm0, vm1;
	vm1 =	vmand vm14, vm2;
	vm2 =	veq.s32 v23, v60  }
0x118: {  	v63 =	vld.idx.msk [tilespmem:v36+s17+$0x0], $0xffff;
	vm0 =	vmor vm0, vm1;
	vm1 =	vmand vm13, vm2;
	vm2 =	veq.s32 v23, v24  }
0x119: {  	v24 =	vld.idx.msk [tilespmem:v31+s17+$0x0], $0xffff;
	vm0 =	vmor vm0, vm1;
	vm1 =	vmand vm12, vm2;
	vm2 =	veq.s32 v23, v25  }
0x11a: {  	vm0 =	vmor vm0, vm1;
	vm1 =	vmand vm11, vm2;
	vm2 =	veq.s32 v23, v26  }
0x11b: {  	vm0 =	vmor vm0, vm1;
	vm1 =	vmand vm10, vm2;
	vm2 =	veq.s32 v23, v61  }
0x11c: {  	vm0 =	vmor vm0, vm1;
	vm1 =	vmand vm9, vm2;
	vm2 =	veq.s32 v23, v62  }
0x11d: {  	vm0 =	vmor vm0, vm1;
	vm1 =	vmand vm8, vm2;
	vm2 =	veq.s32 v23, v63  }
0x11e: {  	vm0 =	vmor vm0, vm1;
	vm1 =	vmand vm3, vm2;
	vm2 =	veq.s32 v23, v24;
	v24 =	vld [tilespmem:$0x1FFC0];
	_ =	sdelay $0x1  }
0x11f: {  	v25 =	vld.idx.msk [tilespmem:v32+s17+$0x0], $0xffff  }
0x120: {  	vm4 =	vgt.u32 v31, v3  }
0x121: {  	[tilespmem:$0x1FFD0] =	vst v43;
	v26 =	vld.idx.msk [tilespmem:v29+s17+$0x0], $0xffff;
	vm0 =	vmor vm0, vm1;
	vm1 =	vmand vm4, vm2  }
0x122: {  	vm0 =	vmor vm0, vm1;
	vm1 =	vnez.u8 v24;
	v24 =	vld [tilespmem:$0x1FFD0]  }
0x123: {  	[tilespmem:$0x1FFE0] =	vst v30;
	v27 =	vld.idx.msk [tilespmem:v27+s17+$0x0], $0xffff  }
0x124: {  	vm2 =	veq.s32 v23, v25;
	v25 =	vld [tilespmem:$0x1FFE0]  }
0x125: {  	p2 =	sne.s32 s22, $0x1FF  }
.Ltmp7:
0x126: {  	vm1 =	vmand vm1, vm2;
	(pc) =	sbr.rel @p2 .LBB2_11-.Ltmp7, $4  }
0x127: {  	vm2 =	veq.s32 v23, v26;
	vm0 =	vmor vm0, vm1;
	vm1 =	vnez.u8 v24  }
0x128: {  	vm1 =	vmand vm1, vm2  }
0x129: {  	s14 =	smov.u32 s22;
	s29 =	sadd.s32 $0xFFFFFFF1, s22;
	vm2 =	veq.s32 v23, v27;
	vm4 =	vmor vm0, vm1;
	vm0 =	vnez.u8 v25  }
0x12a: {  	s22 =	sadd.s32 $0x10, s22;
	s8 =	sadd.s32 $0xFFFFFFF2, s14;
	v24 =	vmov s29;
	vm3 =	vmand vm0, vm2  }
0x12b: {  	vm6 =	vmxor vm6, vm6  }
.LBB2_13:
0x12c: {  	v25 =	vmov s8  }
0x12d: {  	s18 =	sadd.s32 $0xFFFFFFF3, s14  }
0x12e: {  	s22 =	sadd.s32 $0xFFFFFFF4, s14;
	v26 =	vmov s18  }
0x12f: {  	s23 =	sadd.s32 $0xFFFFFFF5, s14;
	v32 =	vmov s14;
	v27 =	vmov s22  }
0x130: {  	v28 =	vld.idx.msk [tilespmem:v24+s17+$0x0], $0xffff;
	s28 =	sadd.s32 $0xFFFFFFF6, s14;
	s29 =	sadd.s32 $0xFFFFFFFD, s14;
	vm0 =	vgt.u32 v24, v3;
	vm3 =	vmor @p1 vm4, vm3;
	v29 =	vmov s23  }
0x131: {  	v31 =	vmov s28;
	s18 =	sadd.s32 $0xFFFFFFFB, s14;
	s22 =	sadd.s32 $0xFFFFFFF7, s14;
	v34 =	vmov s29;
	vm5 =	vgt.u32 v25, v3;
	v30 =	vld.idx.msk [tilespmem:v25+s17+$0x0], $0xffff  }
0x132: {  	s23 =	sadd.s32 $0xFFFFFFF9, s14;
	s28 =	sadd.s32 $0xFFFFFFF8, s14;
	vm3 =	vmor @p1 vm7, vm3;
	v35 =	vmov s18;
	v36 =	vmov s22  }
0x133: {  	v38 =	vmov s23;
	v39 =	vmov s28;
	vm9 =	vgt.u32 v26, v3;
	v33 =	vld.idx.msk [tilespmem:v26+s17+$0x0], $0xffff  }
0x134: {  	vm10 =	vgt.u32 v27, v3;
	vm11 =	vgt.u32 v29, v3;
	s22 =	sadd.s32 $0xFFFFFFFE, s14;
	vm12 =	vgt.u32 v31, v3;
	v37 =	vld.idx.msk [tilespmem:v27+s17+$0x0], $0xffff  }
0x135: {  	s29 =	sadd.s32 $0xFFFFFFFA, s14;
	v60 =	vmov s22;
	vm13 =	vgt.u32 v36, v3;
	vm14 =	vgt.u32 v39, v3;
	v24 =	vld.idx.msk [tilespmem:v29+s17+$0x0], $0xffff  }
0x136: {  	s23 =	sadd.s32 $0xFFFFFFFF, s14;
	vm1 =	veq.s32 v23, v28;
	v25 =	vmov s29;
	v58 =	vld.idx.msk [tilespmem:v31+s17+$0x0], $0xffff;
	vm2 =	veq.s32 v23, v30  }
0x137: {  	s18 =	sadd.s32 $0xFFFFFFFC, s14;
	v62 =	vmov s23;
	vm0 =	vmand vm0, vm1;
	v26 =	vld.idx.msk [tilespmem:v36+s17+$0x0], $0xffff;
	vm15 =	vmand vm5, vm2  }
0x138: {  	v27 =	vmov s18;
	vm5 =	veq.s32 v23, v33;
	vm0 =	vmor vm0, vm15  }
0x139: {  	v59 =	vld.idx.msk [tilespmem:v39+s17+$0x0], $0xffff;
	vm2 =	vmand vm9, vm5;
	vm5 =	veq.s32 v23, v37;
	vm15 =	vgt.u32 v38, v3  }
0x13a: {  	vm9 =	vgt.u32 v25, v3;
	vm1 =	vmand vm10, vm5;
	vm5 =	veq.s32 v23, v24;
	v24 =	vld.idx.msk [tilespmem:v38+s17+$0x0], $0xffff  }
0x13b: {  	v61 =	vld.idx.msk [tilespmem:v25+s17+$0x0], $0xffff;
	vm0 =	vmor vm0, vm2;
	vm2 =	vmand vm11, vm5;
	vm5 =	veq.s32 v23, v58  }
0x13c: {  	vm0 =	vmor vm0, vm1;
	vm1 =	vmand vm12, vm5;
	vm5 =	veq.s32 v23, v26;
	v26 =	vld.idx.msk [tilespmem:v35+s17+$0x0], $0xffff  }
0x13d: {  	vm10 =	vgt.u32 v35, v3;
	vm11 =	vgt.u32 v27, v3;
	vm0 =	vmor vm0, vm2  }
0x13e: {  	v63 =	vld.idx.msk [tilespmem:v27+s17+$0x0], $0xffff;
	vm12 =	vgt.u32 v34, v3;
	vm2 =	vmand vm13, vm5;
	vm5 =	veq.s32 v23, v59  }
0x13f: {  	vm0 =	vmor vm0, vm1;
	vm1 =	vmand vm14, vm5;
	vm5 =	veq.s32 v23, v24;
	v24 =	vld.idx.msk [tilespmem:v34+s17+$0x0], $0xffff  }
0x140: {  	v25 =	vld.idx.msk [tilespmem:v60+s17+$0x0], $0xffff;
	vm0 =	vmor vm0, vm2;
	vm2 =	vmand vm15, vm5;
	vm5 =	veq.s32 v23, v61  }
0x141: {  	vm0 =	vmor vm0, vm1;
	vm1 =	vmand vm9, vm5;
	vm5 =	veq.s32 v23, v26;
	v26 =	vld.idx.msk [tilespmem:v62+s17+$0x0], $0xffff  }
0x142: {  	vm13 =	vgt.u32 v60, v3;
	vm14 =	vgt.u32 v62, v3;
	vm0 =	vmor vm0, vm2  }
0x143: {  	v27 =	vld.idx.msk [tilespmem:v32+s17+$0x0], $0xffff;
	vm0 =	vmor vm0, vm1;
	vm2 =	vmand vm10, vm5;
	vm5 =	veq.s32 v23, v63  }
0x144: {  	vm0 =	vmor vm0, vm2;
	vm1 =	vmand vm11, vm5;
	vm5 =	veq.s32 v23, v24  }
0x145: {  	vm0 =	vmor vm0, vm1;
	vm2 =	vmand vm12, vm5;
	vm5 =	veq.s32 v23, v25  }
0x146: {  	vm0 =	vmor vm0, vm2;
	vm1 =	vmand vm13, vm5;
	vm4 =	veq.s32 v23, v26  }
0x147: {  	vm15 =	vgt.u32 v32, v3;
	vm0 =	vmor vm0, vm1;
	vm2 =	vmand vm14, vm4  }
0x148: {  	vm4 =	veq.s32 v23, v27;
	vm0 =	vmor vm0, vm2;
	vm2 =	vmmov vm6  }
0x149: {  	vm1 =	vmand vm15, vm4;
	vm2 =	vmmov @p1 vm3;
	p1 =	sne.s32 s24, $0x1FF  }
.Ltmp8:
0x14a: {  	vm0 =	vmor vm0, vm1;
	(pc) =	sbr.rel @!p1 .LBB2_14-.Ltmp8, $4  }
0x14b: {  	vm0 =	vmor vm2, vm0  }
0x14c: {  	[tilespmem:$0x16200] =	vst v3;
	v23 =	vsel vm0, v22, v23  }
0x14d: {  	s28 =	sadd.s32 $0xFFFFFFF1, s24;
	s29 =	rddreg [dreg:$0x15];
	[tilespmem:$0x16100] =	vst v23  }
0x14e: {  	s8 =	sadd.s32 $0xFFFFFFF2, s24;
	s14 =	sadd.s32 $0x10, s24;
	v24 =	vmov s28;
	v23 =	vld [tilespmem:s29+$0x980]  }
0x14f: {  	v25 =	vmov s8  }
0x150: {  	s28 =	sadd.s32 $0xFFFFFFF3, s24  }
0x151: {  	s29 =	sadd.s32 $0xFFFFFFF4, s24;
	v26 =	vmov s28  }
0x152: {  	v27 =	vmov s29  }
0x153: {  	s18 =	sadd.s32 $0xFFFFFFF5, s24;
	v28 =	vld.idx.msk [tilespmem:v24+s17+$0x0], $0xffff  }
0x154: {  	s22 =	sadd.s32 $0xFFFFFFF6, s24;
	v29 =	vmov s18;
	v30 =	vld.idx.msk [tilespmem:v25+s17+$0x0], $0xffff  }
0x155: {  	v31 =	vmov s22  }
0x156: {  	v32 =	vmov s24;
	s23 =	sadd.s32 $0xFFFFFFFD, s24;
	s22 =	sadd.s32 $0xFFFFFFF7, s24;
	v33 =	vld.idx.msk [tilespmem:v26+s17+$0x0], $0xffff  }
0x157: {  	vm0 =	vgt.u32 v24, v4;
	s18 =	sadd.s32 $0xFFFFFFFB, s24;
	v34 =	vmov s23;
	s29 =	sadd.s32 $0xFFFFFFF8, s24;
	v36 =	vmov s22;
	v37 =	vld.idx.msk [tilespmem:v27+s17+$0x0], $0xffff  }
0x158: {  	s28 =	sadd.s32 $0xFFFFFFF9, s24;
	vm3 =	vgt.u32 v25, v4;
	v35 =	vmov s18;
	v39 =	vmov s29  }
0x159: {  	v38 =	vmov s28;
	s18 =	sadd.s32 $0xFFFFFFFA, s24;
	vm1 =	veq.s32 v23, v28;
	v24 =	vld.idx.msk [tilespmem:v29+s17+$0x0], $0xffff;
	vm2 =	veq.s32 v23, v30  }
0x15a: {  	v25 =	vmov s18;
	v58 =	vld.idx.msk [tilespmem:v31+s17+$0x0], $0xffff;
	vm0 =	vmand vm0, vm1;
	vm1 =	vmand vm3, vm2  }
0x15b: {  	vm2 =	vgt.u32 v26, v4;
	vm3 =	veq.s32 v23, v33;
	vm0 =	vmor vm0, vm1  }
0x15c: {  	s22 =	sadd.s32 $0xFFFFFFFC, s24;
	v26 =	vld.idx.msk [tilespmem:v36+s17+$0x0], $0xffff;
	vm1 =	vgt.u32 v27, v4;
	vm2 =	vmand vm2, vm3;
	vm3 =	veq.s32 v23, v37  }
0x15d: {  	v59 =	vld.idx.msk [tilespmem:v39+s17+$0x0], $0xffff;
	v27 =	vmov s22;
	vm0 =	vmor vm0, vm2;
	vm1 =	vmand vm1, vm3  }
0x15e: {  	vm2 =	vgt.u32 v29, v4;
	vm3 =	veq.s32 v23, v24;
	vm0 =	vmor vm0, vm1  }
0x15f: {  	s23 =	sadd.s32 $0xFFFFFFFE, s24;
	v24 =	vld.idx.msk [tilespmem:v38+s17+$0x0], $0xffff;
	vm1 =	vgt.u32 v31, v4;
	vm2 =	vmand vm2, vm3;
	vm3 =	veq.s32 v23, v58  }
0x160: {  	v60 =	vmov s23;
	v61 =	vld.idx.msk [tilespmem:v25+s17+$0x0], $0xffff;
	vm0 =	vmor vm0, vm2;
	vm1 =	vmand vm1, vm3  }
0x161: {  	vm2 =	vgt.u32 v36, v4;
	vm3 =	veq.s32 v23, v26;
	vm0 =	vmor vm0, vm1  }
0x162: {  	s28 =	sadd.s32 $0xFFFFFFFF, s24;
	vm1 =	vgt.u32 v39, v4;
	v26 =	vld.idx.msk [tilespmem:v35+s17+$0x0], $0xffff;
	vm2 =	vmand vm2, vm3;
	vm3 =	veq.s32 v23, v59  }
0x163: {  	v62 =	vmov s28;
	v63 =	vld.idx.msk [tilespmem:v27+s17+$0x0], $0xffff;
	vm0 =	vmor vm0, vm2;
	vm1 =	vmand vm1, vm3  }
0x164: {  	vm2 =	vgt.u32 v38, v4;
	vm3 =	veq.s32 v23, v24;
	vm0 =	vmor vm0, vm1  }
0x165: {  	v24 =	vld.idx.msk [tilespmem:v34+s17+$0x0], $0xffff;
	vm1 =	vgt.u32 v25, v4;
	vm2 =	vmand vm2, vm3;
	vm3 =	veq.s32 v23, v61  }
0x166: {  	v25 =	vld.idx.msk [tilespmem:v60+s17+$0x0], $0xffff;
	vm0 =	vmor vm0, vm2;
	vm1 =	vmand vm1, vm3  }
0x167: {  	vm2 =	vgt.u32 v35, v4;
	vm3 =	veq.s32 v23, v26;
	vm0 =	vmor vm0, vm1  }
0x168: {  	vm1 =	vgt.u32 v27, v4;
	v26 =	vld.idx.msk [tilespmem:v62+s17+$0x0], $0xffff;
	vm2 =	vmand vm2, vm3;
	vm3 =	veq.s32 v23, v63  }
0x169: {  	v27 =	vld.idx.msk [tilespmem:v32+s17+$0x0], $0xffff;
	vm0 =	vmor vm0, vm2;
	vm1 =	vmand vm1, vm3  }
0x16a: {  	p1 =	sne.s32 s14, $0x1FF;
	vm2 =	vgt.u32 v34, v4;
	vm3 =	veq.s32 v23, v24;
	vm0 =	vmor vm0, vm1  }
.Ltmp9:
0x16b: {  	vm1 =	vgt.u32 v60, v4;
	vm2 =	vmand vm2, vm3;
	vm3 =	veq.s32 v23, v25;
	(pc) =	sbr.rel @!p1 .LBB2_16-.Ltmp9, $4  }
0x16c: {  	vm7 =	vmmov vm6;
	vm0 =	vmor vm0, vm2;
	vm1 =	vmand vm1, vm3  }
0x16d: {  	vm2 =	vgt.u32 v62, v4;
	vm3 =	veq.s32 v23, v26;
	vm0 =	vmor vm0, vm1  }
0x16e: {  	s29 =	sadd.s32 $0xFFFFFFF1, s14;
	vm1 =	vgt.u32 v32, v4;
	vm2 =	vmand vm2, vm3;
	vm3 =	veq.s32 v23, v27  }
0x16f: {  	s8 =	sadd.s32 $0xFFFFFFF2, s14;
	p0 =	por $0x1, $0x1;
	s22 =	sadd.s32 $0x10, s14;
	v24 =	vmov s29;
	vm4 =	vmor vm0, vm2;
	vm3 =	vmand vm1, vm3  }
.LBB2_17:
0x170: {  	v25 =	vmov s8  }
0x171: {  	vm0 =	vmor vm4, vm3;
	v27 =	vmov s14;
	v30 =	vimm.s32 $0x0  }
0x172: {  	s23 =	sadd.s32 $0xFFFFFFF3, s14;
	s28 =	sadd.s32 $0xFFFFFFF4, s14;
	v43 =	vimm.s32 $0x0;
	v58 =	vimm.s32 $0x0;
	vm1 =	vgt.u32 v24, v4  }
0x173: {  	s18 =	sadd.s32 $0xFFFFFFFF, s14;
	s29 =	sadd.s32 $0xFFFFFFF5, s14;
	v26 =	vmov s23;
	vm7 =	vmor vm7, vm0;
	v28 =	vmov s28  }
0x174: {  	s8 =	sadd.s32 $0xFFFFFFF6, s14;
	v29 =	vmov s18;
	vm0 =	vgt.u32 v27, v4;
	v57 =	vmov s29  }
0x175: {  	s23 =	sadd.s32 $0xFFFFFFFD, s14;
	s28 =	sadd.s32 $0xFFFFFFFE, s14;
	s18 =	sadd.s32 $0xFFFFFFFB, s14;
	v34 =	vmov s8;
	vm6 =	vgt.u32 v25, v4;
	v30 =	vsel vm0, $0xFFFFFFFF, v30  }
0x176: {  	s29 =	sadd.s32 $0xFFFFFFFC, s14;
	s8 =	sadd.s32 $0xFFFFFFF7, s14;
	v31 =	vmov s23;
	v32 =	vmov s28;
	v35 =	vmov s18  }
0x177: {  	v33 =	vld.idx.msk [tilespmem:v24+s17+$0x0], $0xffff;
	s23 =	sadd.s32 $0xFFFFFFF9, s14;
	v36 =	vmov s29;
	v38 =	vmov s8;
	vm13 =	vgt.u32 v34, v4  }
0x178: {  	s28 =	sadd.s32 $0xFFFFFFFA, s14;
	s18 =	sadd.s32 $0xFFFFFFF8, s14;
	vm14 =	vgt.u32 v26, v4;
	vm15 =	vgt.u32 v28, v4;
	v39 =	vmov s23;
	v37 =	vld.idx.msk [tilespmem:v25+s17+$0x0], $0xffff  }
0x179: {  	v40 =	vmov s28;
	v42 =	vmov s18;
	vm0 =	vgt.u32 v32, v4;
	v41 =	vld.idx.msk [tilespmem:v26+s17+$0x0], $0xffff  }
0x17a: {  	vm8 =	vgt.u32 v35, v4;
	vm3 =	vgt.u32 v36, v4;
	vm12 =	vgt.u32 v38, v4;
	v59 =	vld.idx.msk [tilespmem:v28+s17+$0x0], $0xffff  }
0x17b: {  	v43 =	vsel vm0, $0xFFFFFFFF, v43;
	vm0 =	vgt.u32 v29, v4;
	vm11 =	vgt.u32 v42, v4;
	v44 =	vld.idx.msk [tilespmem:v57+s17+$0x0], $0xffff  }
0x17c: {  	vm10 =	vgt.u32 v39, v4;
	vm9 =	vgt.u32 v40, v4;
	[tilespmem:$0x1FF90] =	vst v43;
	v43 =	vsel vm0, $0xFFFFFFFF, v58;
	v60 =	vld.idx.msk [tilespmem:v34+s17+$0x0], $0xffff  }
0x17d: {  	vm0 =	vgt.u32 v57, v4;
	vm2 =	veq.s32 v23, v33;
	v24 =	vld.idx.msk [tilespmem:v38+s17+$0x0], $0xffff;
	vm5 =	veq.s32 v23, v37  }
0x17e: {  	vm1 =	vmand vm1, vm2;
	v25 =	vld.idx.msk [tilespmem:v42+s17+$0x0], $0xffff;
	vm2 =	vmand vm6, vm5;
	vm5 =	veq.s32 v23, v41  }
0x17f: {  	v26 =	vld.idx.msk [tilespmem:v39+s17+$0x0], $0xffff;
	vm1 =	vmor vm1, vm2;
	vm2 =	vmand vm14, vm5;
	vm5 =	veq.s32 v23, v59  }
0x180: {  	v61 =	vld.idx.msk [tilespmem:v40+s17+$0x0], $0xffff;
	vm1 =	vmor vm1, vm2;
	vm2 =	vmand vm15, vm5;
	vm5 =	veq.s32 v23, v44  }
0x181: {  	v62 =	vld.idx.msk [tilespmem:v35+s17+$0x0], $0xffff;
	vm1 =	vmor vm1, vm2;
	vm0 =	vmand vm0, vm5;
	vm2 =	veq.s32 v23, v60  }
0x182: {  	v63 =	vld.idx.msk [tilespmem:v36+s17+$0x0], $0xffff;
	vm0 =	vmor vm1, vm0;
	vm1 =	vmand vm13, vm2;
	vm2 =	veq.s32 v23, v24  }
0x183: {  	v24 =	vld.idx.msk [tilespmem:v31+s17+$0x0], $0xffff;
	vm0 =	vmor vm0, vm1;
	vm1 =	vmand vm12, vm2;
	vm2 =	veq.s32 v23, v25  }
0x184: {  	vm0 =	vmor vm0, vm1;
	vm1 =	vmand vm11, vm2;
	vm2 =	veq.s32 v23, v26  }
0x185: {  	vm0 =	vmor vm0, vm1;
	vm1 =	vmand vm10, vm2;
	vm2 =	veq.s32 v23, v61  }
0x186: {  	vm0 =	vmor vm0, vm1;
	vm1 =	vmand vm9, vm2;
	vm2 =	veq.s32 v23, v62  }
0x187: {  	vm0 =	vmor vm0, vm1;
	vm1 =	vmand vm8, vm2;
	vm2 =	veq.s32 v23, v63  }
0x188: {  	vm0 =	vmor vm0, vm1;
	vm1 =	vmand vm3, vm2;
	vm2 =	veq.s32 v23, v24;
	v24 =	vld [tilespmem:$0x1FF90];
	_ =	sdelay $0x1  }
0x189: {  	v25 =	vld.idx.msk [tilespmem:v32+s17+$0x0], $0xffff  }
0x18a: {  	vm4 =	vgt.u32 v31, v4  }
0x18b: {  	[tilespmem:$0x1FFA0] =	vst v43;
	v26 =	vld.idx.msk [tilespmem:v29+s17+$0x0], $0xffff;
	vm0 =	vmor vm0, vm1;
	vm1 =	vmand vm4, vm2  }
0x18c: {  	vm0 =	vmor vm0, vm1;
	vm1 =	vnez.u8 v24;
	v24 =	vld [tilespmem:$0x1FFA0]  }
0x18d: {  	[tilespmem:$0x1FFB0] =	vst v30;
	v27 =	vld.idx.msk [tilespmem:v27+s17+$0x0], $0xffff  }
0x18e: {  	vm2 =	veq.s32 v23, v25;
	v25 =	vld [tilespmem:$0x1FFB0]  }
0x18f: {  	p1 =	sne.s32 s22, $0x1FF  }
.Ltmp10:
0x190: {  	vm1 =	vmand vm1, vm2;
	(pc) =	sbr.rel @p1 .LBB2_17-.Ltmp10, $4  }
0x191: {  	vm2 =	veq.s32 v23, v26;
	vm0 =	vmor vm0, vm1;
	vm1 =	vnez.u8 v24  }
0x192: {  	vm1 =	vmand vm1, vm2  }
0x193: {  	s14 =	smov.u32 s22;
	s29 =	sadd.s32 $0xFFFFFFF1, s22;
	vm2 =	veq.s32 v23, v27;
	vm4 =	vmor vm0, vm1;
	vm0 =	vnez.u8 v25  }
0x194: {  	s22 =	sadd.s32 $0x10, s22;
	s8 =	sadd.s32 $0xFFFFFFF2, s14;
	v24 =	vmov s29;
	vm3 =	vmand vm0, vm2  }
0x195: {  	vm6 =	vmxor vm6, vm6  }
.LBB2_19:
0x196: {  	v25 =	vmov s8;
	s22 =	sadd.s32 $0xFFFFFFF3, s14  }
0x197: {  	s23 =	sadd.s32 $0xFFFFFFF4, s14;
	v26 =	vmov s22  }
0x198: {  	v27 =	vmov s23  }
0x199: {  	s18 =	sadd.s32 $0xFFFFFFF5, s14;
	v32 =	vmov s14;
	s8 =	sadd.s32 $0xFFFFFFF9, s14;
	vm0 =	vgt.u32 v24, v4  }
0x19a: {  	v28 =	vld.idx.msk [tilespmem:v24+s17+$0x0], $0xffff;
	vm3 =	vmor @p0 vm4, vm3;
	v29 =	vmov s18;
	s22 =	sadd.s32 $0xFFFFFFF6, s14;
	v38 =	vmov s8  }
0x19b: {  	s23 =	sadd.s32 $0xFFFFFFFD, s14;
	s18 =	sadd.s32 $0xFFFFFFFB, s14;
	vm5 =	vgt.u32 v25, v4;
	vm3 =	vmor @p0 vm7, vm3;
	v31 =	vmov s22;
	s22 =	sadd.s32 $0xFFFFFFF7, s14;
	v30 =	vld.idx.msk [tilespmem:v25+s17+$0x0], $0xffff  }
0x19c: {  	v34 =	vmov s23;
	v35 =	vmov s18;
	v36 =	vmov s22;
	v33 =	vld.idx.msk [tilespmem:v26+s17+$0x0], $0xffff  }
0x19d: {  	s23 =	sadd.s32 $0xFFFFFFF8, s14;
	vm9 =	vgt.u32 v26, v4;
	vm10 =	vgt.u32 v27, v4;
	vm11 =	vgt.u32 v29, v4;
	v37 =	vld.idx.msk [tilespmem:v27+s17+$0x0], $0xffff  }
0x19e: {  	s18 =	sadd.s32 $0xFFFFFFFA, s14;
	v39 =	vmov s23;
	vm12 =	vgt.u32 v31, v4;
	vm13 =	vgt.u32 v36, v4  }
0x19f: {  	s22 =	sadd.s32 $0xFFFFFFFC, s14;
	vm14 =	vgt.u32 v39, v4;
	vm1 =	veq.s32 v23, v28;
	v25 =	vmov s18;
	v24 =	vld.idx.msk [tilespmem:v29+s17+$0x0], $0xffff  }
0x1a0: {  	s18 =	sadd.s32 $0xFFFFFFFF, s14;
	vm0 =	vmand vm0, vm1;
	v27 =	vmov s22;
	v28 =	vld.idx.msk [tilespmem:v31+s17+$0x0], $0xffff;
	vm2 =	veq.s32 v23, v30  }
0x1a1: {  	v62 =	vmov s18;
	v26 =	vld.idx.msk [tilespmem:v36+s17+$0x0], $0xffff;
	vm15 =	vmand vm5, vm2;
	vm5 =	veq.s32 v23, v33  }
0x1a2: {  	vm0 =	vmor vm0, vm15;
	vm2 =	vmand vm9, vm5;
	vm5 =	veq.s32 v23, v37  }
0x1a3: {  	v61 =	vld.idx.msk [tilespmem:v39+s17+$0x0], $0xffff;
	vm15 =	vgt.u32 v38, v4;
	vm9 =	vgt.u32 v25, v4;
	vm0 =	vmor vm0, vm2  }
0x1a4: {  	s23 =	sadd.s32 $0xFFFFFFFE, s14;
	vm1 =	vmand vm10, vm5;
	vm5 =	veq.s32 v23, v24;
	v24 =	vld.idx.msk [tilespmem:v38+s17+$0x0], $0xffff;
	vm10 =	vgt.u32 v35, v4  }
0x1a5: {  	v29 =	vld.idx.msk [tilespmem:v25+s17+$0x0], $0xffff;
	vm2 =	vmand vm11, vm5;
	vm5 =	veq.s32 v23, v28;
	v28 =	vmov s23  }
0x1a6: {  	vm0 =	vmor vm0, vm1;
	vm1 =	vmand vm12, vm5;
	vm5 =	veq.s32 v23, v26;
	v26 =	vld.idx.msk [tilespmem:v35+s17+$0x0], $0xffff  }
0x1a7: {  	vm11 =	vgt.u32 v27, v4;
	vm0 =	vmor vm0, vm2;
	vm12 =	vgt.u32 v34, v4  }
0x1a8: {  	v63 =	vld.idx.msk [tilespmem:v27+s17+$0x0], $0xffff;
	vm0 =	vmor vm0, vm1;
	vm2 =	vmand vm13, vm5;
	vm5 =	veq.s32 v23, v61  }
0x1a9: {  	vm13 =	vgt.u32 v28, v4;
	vm1 =	vmand vm14, vm5;
	vm5 =	veq.s32 v23, v24;
	v24 =	vld.idx.msk [tilespmem:v34+s17+$0x0], $0xffff  }
0x1aa: {  	vm0 =	vmor vm0, vm2;
	vm2 =	vmand vm15, vm5;
	vm5 =	veq.s32 v23, v29;
	v25 =	vld.idx.msk [tilespmem:v28+s17+$0x0], $0xffff  }
0x1ab: {  	vm0 =	vmor vm0, vm1;
	vm1 =	vmand vm9, vm5;
	vm5 =	veq.s32 v23, v26;
	v26 =	vld.idx.msk [tilespmem:v62+s17+$0x0], $0xffff  }
0x1ac: {  	v27 =	vld.idx.msk [tilespmem:v32+s17+$0x0], $0xffff;
	vm14 =	vgt.u32 v62, v4;
	vm15 =	vgt.u32 v32, v4;
	vm0 =	vmor vm0, vm2  }
0x1ad: {  	vm0 =	vmor vm0, vm1;
	vm2 =	vmand vm10, vm5;
	vm5 =	veq.s32 v23, v63  }
0x1ae: {  	vm0 =	vmor vm0, vm2;
	vm1 =	vmand vm11, vm5;
	vm5 =	veq.s32 v23, v24  }
0x1af: {  	vm0 =	vmor vm0, vm1;
	vm2 =	vmand vm12, vm5;
	vm5 =	veq.s32 v23, v25  }
0x1b0: {  	vm0 =	vmor vm0, vm2;
	vm1 =	vmand vm13, vm5;
	vm4 =	veq.s32 v23, v26  }
0x1b1: {  	vm0 =	vmor vm0, vm1;
	vm2 =	vmand vm14, vm4;
	vm4 =	veq.s32 v23, v27  }
0x1b2: {  	vm0 =	vmor vm0, vm2;
	vm1 =	vmand vm15, vm4;
	vm2 =	vmmov vm6  }
0x1b3: {  	vm2 =	vmmov @p0 vm3;
	vm0 =	vmor vm0, vm1  }
0x1b4: {  	vm0 =	vmor vm2, vm0  }
0x1b5: {  	[tilespmem:$0x16280] =	vst v4;
	v23 =	vsel vm0, v22, v23  }
0x1b6: {  	s8 =	rddreg [dreg:$0xa];
	s22 =	simm.s32 $0x16100;
	s23 =	simm.s32 $0x16200;
	[tilespmem:$0x16180] =	vst v23  }
0x1b7: {  	[spmem:s8] =	stream.indirect.scatter [tilespmem:s23], [sflag:$0x1], $0x1, s22, s19, $0xb8;
	[tilespmem:$0x1C788] =	vst v63  }
0x1b8: {  	_ =	swait.ge [sflag:s15], $0x10  }
0x1b9: {  	[sflag:s15] =	ssyncset.done $0x0  }
0x1ba: {  	s22 =	simm.s32 $0x16180;
	s23 =	simm.s32 $0x16280;
	[sflag:s15] =	ssyncadd.s32 $0xFFFFFFF0  }
0x1bb: {  	[spmem:s8] =	stream.indirect.scatter [tilespmem:s23], [sflag:$0x1], $0x1, s22, s19, $0xb8;
	[tilespmem:$0x1C788] =	vst v63  }
0x1bc: {  	_ =	swait.ge [sflag:s15], $0x10  }
0x1bd: {  	[sflag:s15] =	ssyncset.done $0x0  }
0x1be: {  	[sflag:s15] =	ssyncadd.s32 $0xFFFFFFF0  }
0x1bf: {  	s18 =	simm.s32 $0x16700;
	[bflag:$0x0] =	sbarrier.arrive $0xFFFF  }
0x1c0: {  	[tilespmem:s21], [sflag:$0x3] =	stream.indirect.gather [spmem:s8], $0x1, s18, s16, $0xb8;
	[tilespmem:$0x1C788] =	vst v63  }
0x1c1: {  	s22 =	simm.s32 $0x16780;
	s23 =	simm.s32 $0x16B80  }
0x1c2: {  	[tilespmem:s23], [sflag:$0x3] =	stream.indirect.gather [spmem:s8], $0x1, s22, s16, $0xb8;
	[tilespmem:$0x1C788] =	vst v63  }
0x1c3: {  	s22 =	simm.s32 $0x16800;
	s23 =	simm.s32 $0x16C00  }
0x1c4: {  	[tilespmem:s23], [sflag:$0x3] =	stream.indirect.gather [spmem:s8], $0x1, s22, s16, $0xb8;
	[tilespmem:$0x1C788] =	vst v63  }
0x1c5: {  	s22 =	simm.s32 $0x16880;
	s23 =	simm.s32 $0x16C80  }
0x1c6: {  	[tilespmem:s23], [sflag:$0x3] =	stream.indirect.gather [spmem:s8], $0x1, s22, s16, $0xb8;
	[tilespmem:$0x1C788] =	vst v63  }
0x1c7: {  	s22 =	simm.s32 $0x16900;
	s23 =	simm.s32 $0x16D00  }
0x1c8: {  	[tilespmem:s23], [sflag:$0x3] =	stream.indirect.gather [spmem:s8], $0x1, s22, s16, $0xb8;
	[tilespmem:$0x1C788] =	vst v63  }
0x1c9: {  	s22 =	simm.s32 $0x16980;
	s23 =	simm.s32 $0x16D80  }
0x1ca: {  	[tilespmem:s23], [sflag:$0x3] =	stream.indirect.gather [spmem:s8], $0x1, s22, s16, $0xb8;
	[tilespmem:$0x1C788] =	vst v63  }
0x1cb: {  	s22 =	simm.s32 $0x16A00;
	s23 =	simm.s32 $0x16E00  }
0x1cc: {  	[tilespmem:s23], [sflag:$0x3] =	stream.indirect.gather [spmem:s8], $0x1, s22, s16, $0xb8;
	[tilespmem:$0x1C788] =	vst v63  }
0x1cd: {  	s22 =	simm.s32 $0x16A80;
	s23 =	simm.s32 $0x16E80  }
0x1ce: {  	[tilespmem:s23], [sflag:$0x3] =	stream.indirect.gather [spmem:s8], $0x1, s22, s16, $0xb8;
	[tilespmem:$0x1C788] =	vst v63  }
0x1cf: {  	s22 =	simm.s32 $0x4  }
0x1d0: {  	_ =	swait.ge [sflag:s22], $0x4000  }
0x1d1: {  	[sflag:s22] =	ssyncset.done $0x0  }
0x1d2: {  	s29 =	simm.s32 $0x10D80;
	[sflag:s22] =	ssyncadd.s32 $0xFFFFC000  }
0x1d3: {  	v23 =	vld [tilespmem:s29+$0xFFFFFE00]  }
0x1d4: {  	v24 =	vld [tilespmem:s29+$0xFFFFFE80];
	_ =	sdelay $0x1  }
0x1d5: {  	v25 =	vld [tilespmem:s29+$0xFFFFFF00];
	_ =	sdelay $0x1  }
0x1d6: {  	s23 =	simm.s32 $0x0;
	v26 =	vld [tilespmem:s29+$0xFFFFFF80]  }
0x1d7: {  	v27 =	vmov s23;
	v23 =	vadd.f32 v24, v23  }
0x1d8: {  	v28 =	vld [tilespmem:s29+$0x0]  }
0x1d9: {  	v23 =	vadd.f32 v25, v23  }
0x1da: {  	v25 =	vld [tilespmem:s29+$0x80]  }
0x1db: {  	v29 =	vld [tilespmem:s29+$0x100];
	v23 =	vadd.f32 v26, v23  }
0x1dc: {  	v24 =	vld.idx.msk [tilespmem:v27+s26+$0x0], $0xffff  }
0x1dd: {  	v26 =	vld [tilespmem:$0x15B80];
	v23 =	vadd.f32 v28, v23  }
0x1de: {  	v28 =	vld [tilespmem:s29+$0x180]  }
0x1df: {  	v23 =	vadd.f32 v25, v23;
	_ =	sdelay $0x1  }
0x1e0: {  	v25 =	vadd.f32 v29, v23  }
0x1e1: {  	v23 =	vld.idx.msk [tilespmem:v27+s25+$0x0], $0xffff  }
0x1e2: {  	v26 =	vmul.f32 v26, v24;
	v25 =	vadd.f32 v28, v25;
	_ =	sdelay $0x1  }
0x1e3: {  	v25 =	vsub.f32 v25, v26;
	_ =	sdelay $0x1  }
0x1e4: {  	v25 =	vmul.f32 v25, v23  }
0x1e5: {  	s14 =	simm.s32 $0x14BC0  }
0x1e6: {  	[tilespmem:s14+$0xFFFFFFC0] =	vst v25  }
0x1e7: {  	v25 =	vld [tilespmem:s29+$0xFFFFFE10]  }
0x1e8: {  	v26 =	vld [tilespmem:s29+$0xFFFFFE90];
	_ =	sdelay $0x1  }
0x1e9: {  	v27 =	vld [tilespmem:s29+$0xFFFFFF10];
	_ =	sdelay $0x1  }
0x1ea: {  	v28 =	vld [tilespmem:s29+$0xFFFFFF90]  }
0x1eb: {  	v25 =	vadd.f32 v26, v25  }
0x1ec: {  	v26 =	vld [tilespmem:s29+$0x10]  }
0x1ed: {  	v25 =	vadd.f32 v27, v25  }
0x1ee: {  	v27 =	vld [tilespmem:s29+$0x90]  }
0x1ef: {  	v25 =	vadd.f32 v28, v25  }
0x1f0: {  	v28 =	vld [tilespmem:s29+$0x110]  }
0x1f1: {  	v29 =	vld [tilespmem:s29+$0x190];
	v25 =	vadd.f32 v26, v25  }
0x1f2: {  	v26 =	vld [tilespmem:$0x15B90]  }
0x1f3: {  	v25 =	vadd.f32 v27, v25;
	_ =	sdelay $0x1  }
0x1f4: {  	v25 =	vadd.f32 v28, v25;
	_ =	sdelay $0x1  }
0x1f5: {  	v26 =	vmul.f32 v26, v24;
	v25 =	vadd.f32 v29, v25;
	_ =	sdelay $0x1  }
0x1f6: {  	v25 =	vsub.f32 v25, v26;
	_ =	sdelay $0x1  }
0x1f7: {  	v25 =	vmul.f32 v25, v23;
	_ =	sdelay $0x1  }
0x1f8: {  	[tilespmem:s14+$0xFFFFFFD0] =	vst v25  }
0x1f9: {  	v25 =	vld [tilespmem:s29+$0xFFFFFE20]  }
0x1fa: {  	v26 =	vld [tilespmem:s29+$0xFFFFFEA0];
	_ =	sdelay $0x1  }
0x1fb: {  	v27 =	vld [tilespmem:s29+$0xFFFFFF20];
	_ =	sdelay $0x1  }
0x1fc: {  	v28 =	vld [tilespmem:s29+$0xFFFFFFA0]  }
0x1fd: {  	v25 =	vadd.f32 v26, v25  }
0x1fe: {  	v26 =	vld [tilespmem:s29+$0x20]  }
0x1ff: {  	v25 =	vadd.f32 v27, v25  }
0x200: {  	v27 =	vld [tilespmem:s29+$0xA0]  }
0x201: {  	v25 =	vadd.f32 v28, v25  }
0x202: {  	v28 =	vld [tilespmem:s29+$0x120]  }
0x203: {  	v29 =	vld [tilespmem:s29+$0x1A0];
	v25 =	vadd.f32 v26, v25  }
0x204: {  	v26 =	vld [tilespmem:$0x15BA0]  }
0x205: {  	v25 =	vadd.f32 v27, v25;
	_ =	sdelay $0x1  }
0x206: {  	v25 =	vadd.f32 v28, v25;
	_ =	sdelay $0x1  }
0x207: {  	v26 =	vmul.f32 v26, v24;
	v25 =	vadd.f32 v29, v25;
	_ =	sdelay $0x1  }
0x208: {  	v25 =	vsub.f32 v25, v26;
	_ =	sdelay $0x1  }
0x209: {  	v25 =	vmul.f32 v25, v23;
	_ =	sdelay $0x1  }
0x20a: {  	[tilespmem:s14+$0xFFFFFFE0] =	vst v25  }
0x20b: {  	v25 =	vld [tilespmem:s29+$0xFFFFFE30]  }
0x20c: {  	v26 =	vld [tilespmem:s29+$0xFFFFFEB0];
	_ =	sdelay $0x1  }
0x20d: {  	v27 =	vld [tilespmem:s29+$0xFFFFFF30];
	_ =	sdelay $0x1  }
0x20e: {  	v28 =	vld [tilespmem:s29+$0xFFFFFFB0]  }
0x20f: {  	v25 =	vadd.f32 v26, v25  }
0x210: {  	v26 =	vld [tilespmem:s29+$0x30]  }
0x211: {  	v25 =	vadd.f32 v27, v25  }
0x212: {  	v27 =	vld [tilespmem:s29+$0xB0]  }
0x213: {  	v25 =	vadd.f32 v28, v25  }
0x214: {  	v28 =	vld [tilespmem:s29+$0x130]  }
0x215: {  	v29 =	vld [tilespmem:s29+$0x1B0];
	v25 =	vadd.f32 v26, v25  }
0x216: {  	v26 =	vld [tilespmem:$0x15BB0]  }
0x217: {  	v25 =	vadd.f32 v27, v25;
	_ =	sdelay $0x1  }
0x218: {  	v25 =	vadd.f32 v28, v25;
	_ =	sdelay $0x1  }
0x219: {  	v26 =	vmul.f32 v26, v24;
	v25 =	vadd.f32 v29, v25;
	_ =	sdelay $0x1  }
0x21a: {  	v25 =	vsub.f32 v25, v26;
	_ =	sdelay $0x1  }
0x21b: {  	v25 =	vmul.f32 v25, v23;
	_ =	sdelay $0x1  }
0x21c: {  	[tilespmem:s14+$0xFFFFFFF0] =	vst v25  }
0x21d: {  	v25 =	vld [tilespmem:s29+$0xFFFFFE40]  }
0x21e: {  	v26 =	vld [tilespmem:s29+$0xFFFFFEC0];
	_ =	sdelay $0x1  }
0x21f: {  	v27 =	vld [tilespmem:s29+$0xFFFFFF40];
	_ =	sdelay $0x1  }
0x220: {  	v28 =	vld [tilespmem:s29+$0xFFFFFFC0]  }
0x221: {  	v25 =	vadd.f32 v26, v25  }
0x222: {  	v26 =	vld [tilespmem:s29+$0x40]  }
0x223: {  	v25 =	vadd.f32 v27, v25  }
0x224: {  	v27 =	vld [tilespmem:s29+$0xC0]  }
0x225: {  	v25 =	vadd.f32 v28, v25  }
0x226: {  	v28 =	vld [tilespmem:s29+$0x140]  }
0x227: {  	v29 =	vld [tilespmem:s29+$0x1C0];
	v25 =	vadd.f32 v26, v25  }
0x228: {  	v26 =	vld [tilespmem:$0x15BC0]  }
0x229: {  	v25 =	vadd.f32 v27, v25;
	_ =	sdelay $0x1  }
0x22a: {  	v25 =	vadd.f32 v28, v25;
	_ =	sdelay $0x1  }
0x22b: {  	v26 =	vmul.f32 v26, v24;
	v25 =	vadd.f32 v29, v25;
	_ =	sdelay $0x1  }
0x22c: {  	v25 =	vsub.f32 v25, v26;
	_ =	sdelay $0x1  }
0x22d: {  	v25 =	vmul.f32 v25, v23;
	_ =	sdelay $0x1  }
0x22e: {  	[tilespmem:s14+$0x0] =	vst v25  }
0x22f: {  	v25 =	vld [tilespmem:s29+$0xFFFFFE50]  }
0x230: {  	v26 =	vld [tilespmem:s29+$0xFFFFFED0];
	_ =	sdelay $0x1  }
0x231: {  	v27 =	vld [tilespmem:s29+$0xFFFFFF50];
	_ =	sdelay $0x1  }
0x232: {  	v28 =	vld [tilespmem:s29+$0xFFFFFFD0]  }
0x233: {  	v25 =	vadd.f32 v26, v25  }
0x234: {  	v26 =	vld [tilespmem:s29+$0x50]  }
0x235: {  	v25 =	vadd.f32 v27, v25  }
0x236: {  	v27 =	vld [tilespmem:s29+$0xD0]  }
0x237: {  	v25 =	vadd.f32 v28, v25  }
0x238: {  	v28 =	vld [tilespmem:s29+$0x150]  }
0x239: {  	v29 =	vld [tilespmem:s29+$0x1D0];
	v25 =	vadd.f32 v26, v25  }
0x23a: {  	v26 =	vld [tilespmem:$0x15BD0]  }
0x23b: {  	v25 =	vadd.f32 v27, v25;
	_ =	sdelay $0x1  }
0x23c: {  	v25 =	vadd.f32 v28, v25;
	_ =	sdelay $0x1  }
0x23d: {  	v26 =	vmul.f32 v26, v24;
	v25 =	vadd.f32 v29, v25;
	_ =	sdelay $0x1  }
0x23e: {  	v25 =	vsub.f32 v25, v26;
	_ =	sdelay $0x1  }
0x23f: {  	v25 =	vmul.f32 v25, v23;
	_ =	sdelay $0x1  }
0x240: {  	[tilespmem:s14+$0x10] =	vst v25  }
0x241: {  	v25 =	vld [tilespmem:s29+$0xFFFFFE60]  }
0x242: {  	v26 =	vld [tilespmem:s29+$0xFFFFFEE0];
	_ =	sdelay $0x1  }
0x243: {  	v27 =	vld [tilespmem:s29+$0xFFFFFF60];
	_ =	sdelay $0x1  }
0x244: {  	v28 =	vld [tilespmem:s29+$0xFFFFFFE0]  }
0x245: {  	v25 =	vadd.f32 v26, v25  }
0x246: {  	v26 =	vld [tilespmem:s29+$0x60]  }
0x247: {  	v25 =	vadd.f32 v27, v25  }
0x248: {  	v27 =	vld [tilespmem:s29+$0xE0]  }
0x249: {  	v25 =	vadd.f32 v28, v25  }
0x24a: {  	v28 =	vld [tilespmem:s29+$0x160]  }
0x24b: {  	v29 =	vld [tilespmem:s29+$0x1E0];
	v25 =	vadd.f32 v26, v25  }
0x24c: {  	v26 =	vld [tilespmem:$0x15BE0]  }
0x24d: {  	v25 =	vadd.f32 v27, v25;
	_ =	sdelay $0x1  }
0x24e: {  	v25 =	vadd.f32 v28, v25;
	_ =	sdelay $0x1  }
0x24f: {  	v26 =	vmul.f32 v26, v24;
	v25 =	vadd.f32 v29, v25;
	_ =	sdelay $0x1  }
0x250: {  	v25 =	vsub.f32 v25, v26;
	_ =	sdelay $0x1  }
0x251: {  	v25 =	vmul.f32 v25, v23;
	_ =	sdelay $0x1  }
0x252: {  	[tilespmem:s14+$0x20] =	vst v25  }
0x253: {  	v25 =	vld [tilespmem:s29+$0xFFFFFE70]  }
0x254: {  	v26 =	vld [tilespmem:s29+$0xFFFFFEF0];
	_ =	sdelay $0x1  }
0x255: {  	v27 =	vld [tilespmem:s29+$0xFFFFFF70];
	_ =	sdelay $0x1  }
0x256: {  	v28 =	vld [tilespmem:s29+$0xFFFFFFF0]  }
0x257: {  	v25 =	vadd.f32 v26, v25  }
0x258: {  	v26 =	vld [tilespmem:s29+$0x70]  }
0x259: {  	v25 =	vadd.f32 v27, v25  }
0x25a: {  	v29 =	vld [tilespmem:s29+$0xF0]  }
0x25b: {  	v27 =	vld [tilespmem:$0x15BF0];
	v25 =	vadd.f32 v28, v25;
	_ =	sdelay $0x1  }
0x25c: {  	v28 =	vadd.f32 v26, v25;
	v26 =	vld [tilespmem:s29+$0x170];
	_ =	sdelay $0x1  }
0x25d: {  	v25 =	vld [tilespmem:s29+$0x1F0]  }
0x25e: {  	s28 =	simm.s32 $0x1;
	s22 =	simm.s32 $0x14BC0;
	v24 =	vmul.f32 v27, v24;
	v27 =	vadd.f32 v29, v28  }
.LBB2_20:
0x25f: {  	_ = 	snop  }
0x260: {  	p0 =	sne.s32 s28, $0xF;
	s14 =	sadd.s32 $0x80, s14;
	s29 =	sadd.s32 $0x400, s29;
	v26 =	vadd.f32 v26, v27  }
0x261: {  	s8 =	smov.u32 s28;
	s28 =	sadd.s32 $0x1, s28  }
0x262: {  	v25 =	vadd.f32 v25, v26;
	_ =	sdelay $0x1  }
0x263: {  	v24 =	vsub.f32 v25, v24;
	_ =	sdelay $0x1  }
0x264: {  	v23 =	vmul.f32 v24, v23;
	_ =	sdelay $0x1  }
0x265: {  	[tilespmem:s22+$0x30] =	vst v23;
	s22 =	smov.u32 s14  }
0x266: {  	v23 =	vld [tilespmem:s29+$0xFFFFFE00]  }
0x267: {  	v24 =	vld [tilespmem:s29+$0xFFFFFE80]  }
0x268: {  	v25 =	vld [tilespmem:s29+$0xFFFFFF00];
	_ =	sdelay $0x2  }
0x269: {  	v26 =	vld [tilespmem:s29+$0xFFFFFF80]  }
0x26a: {  	v23 =	vadd.f32 v24, v23  }
0x26b: {  	v27 =	vmov s8;
	v28 =	vld [tilespmem:s29+$0x0]  }
0x26c: {  	v23 =	vadd.f32 v25, v23  }
0x26d: {  	v25 =	vld [tilespmem:s29+$0x80]  }
0x26e: {  	v23 =	vadd.f32 v26, v23;
	v26 =	vld [tilespmem:$0x15B80]  }
0x26f: {  	v29 =	vld [tilespmem:s29+$0x100]  }
0x270: {  	v24 =	vld.idx.msk [tilespmem:v27+s26+$0x0], $0xffff;
	v23 =	vadd.f32 v28, v23  }
0x271: {  	v28 =	vld [tilespmem:s29+$0x180]  }
0x272: {  	v25 =	vadd.f32 v25, v23;
	_ =	sdelay $0x1  }
0x273: {  	v23 =	vld.idx.msk [tilespmem:v27+s25+$0x0], $0xffff;
	v25 =	vadd.f32 v29, v25;
	_ =	sdelay $0x1  }
0x274: {  	v26 =	vmul.f32 v26, v24;
	v25 =	vadd.f32 v28, v25;
	_ =	sdelay $0x1  }
0x275: {  	v25 =	vsub.f32 v25, v26;
	_ =	sdelay $0x1  }
0x276: {  	v25 =	vmul.f32 v25, v23;
	_ =	sdelay $0x1  }
0x277: {  	[tilespmem:s14+$0xFFFFFFC0] =	vst v25  }
0x278: {  	v25 =	vld [tilespmem:s29+$0xFFFFFE10]  }
0x279: {  	v26 =	vld [tilespmem:s29+$0xFFFFFE90];
	_ =	sdelay $0x1  }
0x27a: {  	v27 =	vld [tilespmem:s29+$0xFFFFFF10];
	_ =	sdelay $0x1  }
0x27b: {  	v28 =	vld [tilespmem:s29+$0xFFFFFF90]  }
0x27c: {  	v25 =	vadd.f32 v26, v25  }
0x27d: {  	v26 =	vld [tilespmem:s29+$0x10]  }
0x27e: {  	v25 =	vadd.f32 v27, v25  }
0x27f: {  	v27 =	vld [tilespmem:s29+$0x90]  }
0x280: {  	v25 =	vadd.f32 v28, v25  }
0x281: {  	v28 =	vld [tilespmem:s29+$0x110]  }
0x282: {  	v25 =	vadd.f32 v26, v25;
	v26 =	vld [tilespmem:$0x15B90]  }
0x283: {  	v29 =	vld [tilespmem:s29+$0x190]  }
0x284: {  	v25 =	vadd.f32 v27, v25;
	_ =	sdelay $0x1  }
0x285: {  	v25 =	vadd.f32 v28, v25  }
0x286: {  	v26 =	vmul.f32 v26, v24  }
0x287: {  	v25 =	vadd.f32 v29, v25;
	_ =	sdelay $0x1  }
0x288: {  	v25 =	vsub.f32 v25, v26;
	_ =	sdelay $0x1  }
0x289: {  	v25 =	vmul.f32 v25, v23;
	_ =	sdelay $0x1  }
0x28a: {  	[tilespmem:s14+$0xFFFFFFD0] =	vst v25  }
0x28b: {  	v25 =	vld [tilespmem:s29+$0xFFFFFE20]  }
0x28c: {  	v26 =	vld [tilespmem:s29+$0xFFFFFEA0];
	_ =	sdelay $0x1  }
0x28d: {  	v27 =	vld [tilespmem:s29+$0xFFFFFF20];
	_ =	sdelay $0x1  }
0x28e: {  	v28 =	vld [tilespmem:s29+$0xFFFFFFA0]  }
0x28f: {  	v25 =	vadd.f32 v26, v25  }
0x290: {  	v26 =	vld [tilespmem:s29+$0x20]  }
0x291: {  	v25 =	vadd.f32 v27, v25  }
0x292: {  	v27 =	vld [tilespmem:s29+$0xA0]  }
0x293: {  	v25 =	vadd.f32 v28, v25  }
0x294: {  	v28 =	vld [tilespmem:s29+$0x120]  }
0x295: {  	v25 =	vadd.f32 v26, v25;
	v26 =	vld [tilespmem:$0x15BA0]  }
0x296: {  	v29 =	vld [tilespmem:s29+$0x1A0]  }
0x297: {  	v25 =	vadd.f32 v27, v25;
	_ =	sdelay $0x1  }
0x298: {  	v25 =	vadd.f32 v28, v25  }
0x299: {  	v26 =	vmul.f32 v26, v24  }
0x29a: {  	v25 =	vadd.f32 v29, v25;
	_ =	sdelay $0x1  }
0x29b: {  	v25 =	vsub.f32 v25, v26;
	_ =	sdelay $0x1  }
0x29c: {  	v25 =	vmul.f32 v25, v23;
	_ =	sdelay $0x1  }
0x29d: {  	[tilespmem:s14+$0xFFFFFFE0] =	vst v25  }
0x29e: {  	v25 =	vld [tilespmem:s29+$0xFFFFFE30]  }
0x29f: {  	v26 =	vld [tilespmem:s29+$0xFFFFFEB0];
	_ =	sdelay $0x1  }
0x2a0: {  	v27 =	vld [tilespmem:s29+$0xFFFFFF30];
	_ =	sdelay $0x1  }
0x2a1: {  	v28 =	vld [tilespmem:s29+$0xFFFFFFB0]  }
0x2a2: {  	v25 =	vadd.f32 v26, v25  }
0x2a3: {  	v26 =	vld [tilespmem:s29+$0x30]  }
0x2a4: {  	v25 =	vadd.f32 v27, v25  }
0x2a5: {  	v27 =	vld [tilespmem:s29+$0xB0]  }
0x2a6: {  	v25 =	vadd.f32 v28, v25  }
0x2a7: {  	v28 =	vld [tilespmem:s29+$0x130]  }
0x2a8: {  	v25 =	vadd.f32 v26, v25;
	v26 =	vld [tilespmem:$0x15BB0]  }
0x2a9: {  	v29 =	vld [tilespmem:s29+$0x1B0]  }
0x2aa: {  	v25 =	vadd.f32 v27, v25;
	_ =	sdelay $0x1  }
0x2ab: {  	v25 =	vadd.f32 v28, v25  }
0x2ac: {  	v26 =	vmul.f32 v26, v24  }
0x2ad: {  	v25 =	vadd.f32 v29, v25;
	_ =	sdelay $0x1  }
0x2ae: {  	v25 =	vsub.f32 v25, v26;
	_ =	sdelay $0x1  }
0x2af: {  	v25 =	vmul.f32 v25, v23;
	_ =	sdelay $0x1  }
0x2b0: {  	[tilespmem:s14+$0xFFFFFFF0] =	vst v25  }
0x2b1: {  	v25 =	vld [tilespmem:s29+$0xFFFFFE40]  }
0x2b2: {  	v26 =	vld [tilespmem:s29+$0xFFFFFEC0];
	_ =	sdelay $0x1  }
0x2b3: {  	v27 =	vld [tilespmem:s29+$0xFFFFFF40];
	_ =	sdelay $0x1  }
0x2b4: {  	v28 =	vld [tilespmem:s29+$0xFFFFFFC0]  }
0x2b5: {  	v25 =	vadd.f32 v26, v25  }
0x2b6: {  	v26 =	vld [tilespmem:s29+$0x40]  }
0x2b7: {  	v25 =	vadd.f32 v27, v25  }
0x2b8: {  	v27 =	vld [tilespmem:s29+$0xC0]  }
0x2b9: {  	v25 =	vadd.f32 v28, v25  }
0x2ba: {  	v28 =	vld [tilespmem:s29+$0x140]  }
0x2bb: {  	v25 =	vadd.f32 v26, v25;
	v26 =	vld [tilespmem:$0x15BC0]  }
0x2bc: {  	v29 =	vld [tilespmem:s29+$0x1C0]  }
0x2bd: {  	v25 =	vadd.f32 v27, v25;
	_ =	sdelay $0x1  }
0x2be: {  	v25 =	vadd.f32 v28, v25  }
0x2bf: {  	v26 =	vmul.f32 v26, v24  }
0x2c0: {  	v25 =	vadd.f32 v29, v25;
	_ =	sdelay $0x1  }
0x2c1: {  	v25 =	vsub.f32 v25, v26;
	_ =	sdelay $0x1  }
0x2c2: {  	v25 =	vmul.f32 v25, v23;
	_ =	sdelay $0x1  }
0x2c3: {  	[tilespmem:s14+$0x0] =	vst v25  }
0x2c4: {  	v25 =	vld [tilespmem:s29+$0xFFFFFE50]  }
0x2c5: {  	v26 =	vld [tilespmem:s29+$0xFFFFFED0]  }
0x2c6: {  	v27 =	vld [tilespmem:s29+$0xFFFFFF50]  }
0x2c7: {  	v28 =	vld [tilespmem:s29+$0xFFFFFFD0]  }
0x2c8: {  	v29 =	vld [tilespmem:s29+$0x50]  }
0x2c9: {  	v30 =	vld [tilespmem:s29+$0xD0]  }
0x2ca: {  	v25 =	vadd.f32 v26, v25;
	v26 =	vld [tilespmem:s29+$0x150]  }
0x2cb: {  	v31 =	vld [tilespmem:s29+$0x1D0]  }
0x2cc: {  	v25 =	vadd.f32 v27, v25;
	v27 =	vld [tilespmem:$0x15BD0];
	_ =	sdelay $0x1  }
0x2cd: {  	v25 =	vadd.f32 v28, v25;
	_ =	sdelay $0x1  }
0x2ce: {  	v25 =	vadd.f32 v29, v25  }
0x2cf: {  	v27 =	vmul.f32 v27, v24  }
0x2d0: {  	v25 =	vadd.f32 v30, v25;
	_ =	sdelay $0x1  }
0x2d1: {  	v25 =	vadd.f32 v26, v25;
	_ =	sdelay $0x1  }
0x2d2: {  	v25 =	vadd.f32 v31, v25;
	_ =	sdelay $0x1  }
0x2d3: {  	v25 =	vsub.f32 v25, v27;
	_ =	sdelay $0x1  }
0x2d4: {  	v25 =	vmul.f32 v25, v23;
	_ =	sdelay $0x1  }
0x2d5: {  	[tilespmem:s14+$0x10] =	vst v25  }
0x2d6: {  	v25 =	vld [tilespmem:s29+$0xFFFFFE60]  }
0x2d7: {  	v26 =	vld [tilespmem:s29+$0xFFFFFEE0]  }
0x2d8: {  	v27 =	vld [tilespmem:s29+$0xFFFFFF60]  }
0x2d9: {  	v28 =	vld [tilespmem:s29+$0xFFFFFFE0]  }
0x2da: {  	v29 =	vld [tilespmem:s29+$0x60]  }
0x2db: {  	v30 =	vld [tilespmem:s29+$0xE0]  }
0x2dc: {  	v25 =	vadd.f32 v26, v25;
	v26 =	vld [tilespmem:s29+$0x160]  }
0x2dd: {  	v31 =	vld [tilespmem:s29+$0x1E0]  }
0x2de: {  	v25 =	vadd.f32 v27, v25;
	v27 =	vld [tilespmem:$0x15BE0];
	_ =	sdelay $0x1  }
0x2df: {  	v25 =	vadd.f32 v28, v25;
	_ =	sdelay $0x1  }
0x2e0: {  	v25 =	vadd.f32 v29, v25  }
0x2e1: {  	v27 =	vmul.f32 v27, v24  }
0x2e2: {  	v25 =	vadd.f32 v30, v25;
	_ =	sdelay $0x1  }
0x2e3: {  	v25 =	vadd.f32 v26, v25;
	_ =	sdelay $0x1  }
0x2e4: {  	v25 =	vadd.f32 v31, v25;
	_ =	sdelay $0x1  }
0x2e5: {  	v25 =	vsub.f32 v25, v27;
	_ =	sdelay $0x1  }
0x2e6: {  	v25 =	vmul.f32 v25, v23;
	_ =	sdelay $0x1  }
0x2e7: {  	[tilespmem:s14+$0x20] =	vst v25  }
0x2e8: {  	v25 =	vld [tilespmem:s29+$0xFFFFFE70]  }
0x2e9: {  	v26 =	vld [tilespmem:s29+$0xFFFFFEF0]  }
0x2ea: {  	v27 =	vld [tilespmem:s29+$0xFFFFFF70]  }
0x2eb: {  	v28 =	vld [tilespmem:s29+$0xFFFFFFF0]  }
0x2ec: {  	v29 =	vld [tilespmem:s29+$0x70]  }
0x2ed: {  	v30 =	vld [tilespmem:s29+$0xF0]  }
0x2ee: {  	v31 =	vadd.f32 v26, v25;
	v26 =	vld [tilespmem:s29+$0x170]  }
0x2ef: {  	v25 =	vld [tilespmem:s29+$0x1F0]  }
0x2f0: {  	v27 =	vadd.f32 v27, v31;
	v31 =	vld [tilespmem:$0x15BF0];
	_ =	sdelay $0x1  }
.Ltmp11:
0x2f1: {  	v27 =	vadd.f32 v28, v27;
	(pc) =	sbr.rel @p0 .LBB2_20-.Ltmp11, $4  }
0x2f2: {  	_ = 	snop  }
0x2f3: {  	v27 =	vadd.f32 v29, v27  }
0x2f4: {  	v24 =	vmul.f32 v31, v24  }
0x2f5: {  	v27 =	vadd.f32 v30, v27  }
0x2f6: {  	_ = 	snop  }
0x2f7: {  	v26 =	vadd.f32 v26, v27;
	_ =	sdelay $0x1  }
0x2f8: {  	v25 =	vadd.f32 v25, v26;
	_ =	sdelay $0x1  }
0x2f9: {  	v24 =	vsub.f32 v25, v24;
	_ =	sdelay $0x1  }
0x2fa: {  	v23 =	vmul.f32 v24, v23  }
0x2fb: {  	s8 =	simm.s32 $0x500  }
0x2fc: {  	s14 =	simm.s32 $0x80;
	s18 =	simm.s32 $0x10B80;
	[tilespmem:s22+$0x30] =	vst v23;
	s22 =	simm.s32 $0x4  }
0x2fd: {  	[tilespmem:s18], [sflag:$0x4] =	stream.indirect.gather [hbm4b:s0+s14], $0x80, s8, s14, $0xb8;
	[tilespmem:$0x1C788] =	vst v63  }
0x2fe: {  	_ =	swait.ge [sflag:s22], $0x4000  }
0x2ff: {  	[sflag:s22] =	ssyncset.done $0x0  }
0x300: {  	s29 =	simm.s32 $0x10D80;
	[sflag:s22] =	ssyncadd.s32 $0xFFFFC000  }
0x301: {  	v23 =	vld [tilespmem:s29+$0xFFFFFE00]  }
0x302: {  	v24 =	vld [tilespmem:s29+$0xFFFFFE80];
	_ =	sdelay $0x1  }
0x303: {  	v25 =	vld [tilespmem:s29+$0xFFFFFF00];
	_ =	sdelay $0x1  }
0x304: {  	s23 =	simm.s32 $0x10;
	v26 =	vld [tilespmem:s29+$0xFFFFFF80]  }
0x305: {  	v27 =	vmov s23;
	v23 =	vadd.f32 v24, v23  }
0x306: {  	v28 =	vld [tilespmem:s29+$0x0]  }
0x307: {  	v23 =	vadd.f32 v25, v23  }
0x308: {  	v25 =	vld [tilespmem:s29+$0x80]  }
0x309: {  	v29 =	vld [tilespmem:s29+$0x100];
	v23 =	vadd.f32 v26, v23  }
0x30a: {  	v24 =	vld.idx.msk [tilespmem:v27+s26+$0x0], $0xffff  }
0x30b: {  	v26 =	vld [tilespmem:$0x15B80];
	v23 =	vadd.f32 v28, v23  }
0x30c: {  	v28 =	vld [tilespmem:s29+$0x180]  }
0x30d: {  	v23 =	vadd.f32 v25, v23;
	_ =	sdelay $0x1  }
0x30e: {  	v25 =	vadd.f32 v29, v23  }
0x30f: {  	v23 =	vld.idx.msk [tilespmem:v27+s25+$0x0], $0xffff  }
0x310: {  	v26 =	vmul.f32 v26, v24;
	v25 =	vadd.f32 v28, v25;
	_ =	sdelay $0x1  }
0x311: {  	v25 =	vsub.f32 v25, v26;
	_ =	sdelay $0x1  }
0x312: {  	v25 =	vmul.f32 v25, v23  }
0x313: {  	s14 =	simm.s32 $0x153F0  }
0x314: {  	[tilespmem:s14+$0xFFFFFF90] =	vst v25  }
0x315: {  	v25 =	vld [tilespmem:s29+$0xFFFFFE10]  }
0x316: {  	v26 =	vld [tilespmem:s29+$0xFFFFFE90];
	_ =	sdelay $0x1  }
0x317: {  	v27 =	vld [tilespmem:s29+$0xFFFFFF10];
	_ =	sdelay $0x1  }
0x318: {  	v28 =	vld [tilespmem:s29+$0xFFFFFF90]  }
0x319: {  	v25 =	vadd.f32 v26, v25  }
0x31a: {  	v26 =	vld [tilespmem:s29+$0x10]  }
0x31b: {  	v25 =	vadd.f32 v27, v25  }
0x31c: {  	v27 =	vld [tilespmem:s29+$0x90]  }
0x31d: {  	v25 =	vadd.f32 v28, v25  }
0x31e: {  	v28 =	vld [tilespmem:s29+$0x110]  }
0x31f: {  	v29 =	vld [tilespmem:s29+$0x190];
	v25 =	vadd.f32 v26, v25  }
0x320: {  	v26 =	vld [tilespmem:$0x15B90]  }
0x321: {  	v25 =	vadd.f32 v27, v25;
	_ =	sdelay $0x1  }
0x322: {  	v25 =	vadd.f32 v28, v25;
	_ =	sdelay $0x1  }
0x323: {  	v26 =	vmul.f32 v26, v24;
	v25 =	vadd.f32 v29, v25;
	_ =	sdelay $0x1  }
0x324: {  	v25 =	vsub.f32 v25, v26;
	_ =	sdelay $0x1  }
0x325: {  	v25 =	vmul.f32 v25, v23;
	_ =	sdelay $0x1  }
0x326: {  	[tilespmem:s14+$0xFFFFFFA0] =	vst v25  }
0x327: {  	v25 =	vld [tilespmem:s29+$0xFFFFFE20]  }
0x328: {  	v26 =	vld [tilespmem:s29+$0xFFFFFEA0];
	_ =	sdelay $0x1  }
0x329: {  	v27 =	vld [tilespmem:s29+$0xFFFFFF20];
	_ =	sdelay $0x1  }
0x32a: {  	v28 =	vld [tilespmem:s29+$0xFFFFFFA0]  }
0x32b: {  	v25 =	vadd.f32 v26, v25  }
0x32c: {  	v26 =	vld [tilespmem:s29+$0x20]  }
0x32d: {  	v25 =	vadd.f32 v27, v25  }
0x32e: {  	v27 =	vld [tilespmem:s29+$0xA0]  }
0x32f: {  	v25 =	vadd.f32 v28, v25  }
0x330: {  	v28 =	vld [tilespmem:s29+$0x120]  }
0x331: {  	v29 =	vld [tilespmem:s29+$0x1A0];
	v25 =	vadd.f32 v26, v25  }
0x332: {  	v26 =	vld [tilespmem:$0x15BA0]  }
0x333: {  	v25 =	vadd.f32 v27, v25;
	_ =	sdelay $0x1  }
0x334: {  	v25 =	vadd.f32 v28, v25;
	_ =	sdelay $0x1  }
0x335: {  	v26 =	vmul.f32 v26, v24;
	v25 =	vadd.f32 v29, v25;
	_ =	sdelay $0x1  }
0x336: {  	v25 =	vsub.f32 v25, v26;
	_ =	sdelay $0x1  }
0x337: {  	v25 =	vmul.f32 v25, v23;
	_ =	sdelay $0x1  }
0x338: {  	[tilespmem:s14+$0xFFFFFFB0] =	vst v25  }
0x339: {  	v25 =	vld [tilespmem:s29+$0xFFFFFE30]  }
0x33a: {  	v26 =	vld [tilespmem:s29+$0xFFFFFEB0];
	_ =	sdelay $0x1  }
0x33b: {  	v27 =	vld [tilespmem:s29+$0xFFFFFF30];
	_ =	sdelay $0x1  }
0x33c: {  	v28 =	vld [tilespmem:s29+$0xFFFFFFB0]  }
0x33d: {  	v25 =	vadd.f32 v26, v25  }
0x33e: {  	v26 =	vld [tilespmem:s29+$0x30]  }
0x33f: {  	v25 =	vadd.f32 v27, v25  }
0x340: {  	v27 =	vld [tilespmem:s29+$0xB0]  }
0x341: {  	v25 =	vadd.f32 v28, v25  }
0x342: {  	v28 =	vld [tilespmem:s29+$0x130]  }
0x343: {  	v29 =	vld [tilespmem:s29+$0x1B0];
	v25 =	vadd.f32 v26, v25  }
0x344: {  	v26 =	vld [tilespmem:$0x15BB0]  }
0x345: {  	v25 =	vadd.f32 v27, v25;
	_ =	sdelay $0x1  }
0x346: {  	v25 =	vadd.f32 v28, v25;
	_ =	sdelay $0x1  }
0x347: {  	v26 =	vmul.f32 v26, v24;
	v25 =	vadd.f32 v29, v25;
	_ =	sdelay $0x1  }
0x348: {  	v25 =	vsub.f32 v25, v26;
	_ =	sdelay $0x1  }
0x349: {  	v25 =	vmul.f32 v25, v23;
	_ =	sdelay $0x1  }
0x34a: {  	[tilespmem:s14+$0xFFFFFFC0] =	vst v25  }
0x34b: {  	v25 =	vld [tilespmem:s29+$0xFFFFFE40]  }
0x34c: {  	v26 =	vld [tilespmem:s29+$0xFFFFFEC0];
	_ =	sdelay $0x1  }
0x34d: {  	v27 =	vld [tilespmem:s29+$0xFFFFFF40];
	_ =	sdelay $0x1  }
0x34e: {  	v28 =	vld [tilespmem:s29+$0xFFFFFFC0]  }
0x34f: {  	v25 =	vadd.f32 v26, v25  }
0x350: {  	v26 =	vld [tilespmem:s29+$0x40]  }
0x351: {  	v25 =	vadd.f32 v27, v25  }
0x352: {  	v27 =	vld [tilespmem:s29+$0xC0]  }
0x353: {  	v25 =	vadd.f32 v28, v25  }
0x354: {  	v28 =	vld [tilespmem:s29+$0x140]  }
0x355: {  	v29 =	vld [tilespmem:s29+$0x1C0];
	v25 =	vadd.f32 v26, v25  }
0x356: {  	v26 =	vld [tilespmem:$0x15BC0]  }
0x357: {  	v25 =	vadd.f32 v27, v25;
	_ =	sdelay $0x1  }
0x358: {  	v25 =	vadd.f32 v28, v25;
	_ =	sdelay $0x1  }
0x359: {  	v26 =	vmul.f32 v26, v24;
	v25 =	vadd.f32 v29, v25;
	_ =	sdelay $0x1  }
0x35a: {  	v25 =	vsub.f32 v25, v26;
	_ =	sdelay $0x1  }
0x35b: {  	v25 =	vmul.f32 v25, v23;
	_ =	sdelay $0x1  }
0x35c: {  	[tilespmem:s14+$0xFFFFFFD0] =	vst v25  }
0x35d: {  	v25 =	vld [tilespmem:s29+$0xFFFFFE50]  }
0x35e: {  	v26 =	vld [tilespmem:s29+$0xFFFFFED0];
	_ =	sdelay $0x1  }
0x35f: {  	v27 =	vld [tilespmem:s29+$0xFFFFFF50];
	_ =	sdelay $0x1  }
0x360: {  	v28 =	vld [tilespmem:s29+$0xFFFFFFD0]  }
0x361: {  	v25 =	vadd.f32 v26, v25  }
0x362: {  	v26 =	vld [tilespmem:s29+$0x50]  }
0x363: {  	v25 =	vadd.f32 v27, v25  }
0x364: {  	v27 =	vld [tilespmem:s29+$0xD0]  }
0x365: {  	v25 =	vadd.f32 v28, v25  }
0x366: {  	v28 =	vld [tilespmem:s29+$0x150]  }
0x367: {  	v29 =	vld [tilespmem:s29+$0x1D0];
	v25 =	vadd.f32 v26, v25  }
0x368: {  	v26 =	vld [tilespmem:$0x15BD0]  }
0x369: {  	v25 =	vadd.f32 v27, v25;
	_ =	sdelay $0x1  }
0x36a: {  	v25 =	vadd.f32 v28, v25;
	_ =	sdelay $0x1  }
0x36b: {  	v26 =	vmul.f32 v26, v24;
	v25 =	vadd.f32 v29, v25;
	_ =	sdelay $0x1  }
0x36c: {  	v25 =	vsub.f32 v25, v26;
	_ =	sdelay $0x1  }
0x36d: {  	v25 =	vmul.f32 v25, v23;
	_ =	sdelay $0x1  }
0x36e: {  	[tilespmem:s14+$0xFFFFFFE0] =	vst v25  }
0x36f: {  	v25 =	vld [tilespmem:s29+$0xFFFFFE60]  }
0x370: {  	v26 =	vld [tilespmem:s29+$0xFFFFFEE0];
	_ =	sdelay $0x1  }
0x371: {  	v27 =	vld [tilespmem:s29+$0xFFFFFF60];
	_ =	sdelay $0x1  }
0x372: {  	v28 =	vld [tilespmem:s29+$0xFFFFFFE0]  }
0x373: {  	v25 =	vadd.f32 v26, v25  }
0x374: {  	v26 =	vld [tilespmem:s29+$0x60]  }
0x375: {  	v25 =	vadd.f32 v27, v25  }
0x376: {  	v27 =	vld [tilespmem:s29+$0xE0]  }
0x377: {  	v25 =	vadd.f32 v28, v25  }
0x378: {  	v28 =	vld [tilespmem:s29+$0x160]  }
0x379: {  	v29 =	vld [tilespmem:s29+$0x1E0];
	v25 =	vadd.f32 v26, v25  }
0x37a: {  	v26 =	vld [tilespmem:$0x15BE0]  }
0x37b: {  	v25 =	vadd.f32 v27, v25;
	_ =	sdelay $0x1  }
0x37c: {  	v25 =	vadd.f32 v28, v25;
	_ =	sdelay $0x1  }
0x37d: {  	v26 =	vmul.f32 v26, v24;
	v25 =	vadd.f32 v29, v25;
	_ =	sdelay $0x1  }
0x37e: {  	v25 =	vsub.f32 v25, v26;
	_ =	sdelay $0x1  }
0x37f: {  	v25 =	vmul.f32 v25, v23;
	_ =	sdelay $0x1  }
0x380: {  	[tilespmem:s14+$0xFFFFFFF0] =	vst v25  }
0x381: {  	v25 =	vld [tilespmem:s29+$0xFFFFFE70]  }
0x382: {  	v26 =	vld [tilespmem:s29+$0xFFFFFEF0];
	_ =	sdelay $0x1  }
0x383: {  	v27 =	vld [tilespmem:s29+$0xFFFFFF70];
	_ =	sdelay $0x1  }
0x384: {  	v28 =	vld [tilespmem:s29+$0xFFFFFFF0]  }
0x385: {  	v25 =	vadd.f32 v26, v25  }
0x386: {  	v26 =	vld [tilespmem:s29+$0x70]  }
0x387: {  	v25 =	vadd.f32 v27, v25  }
0x388: {  	v29 =	vld [tilespmem:s29+$0xF0]  }
0x389: {  	v27 =	vld [tilespmem:$0x15BF0];
	v25 =	vadd.f32 v28, v25;
	_ =	sdelay $0x1  }
0x38a: {  	v28 =	vadd.f32 v26, v25;
	v26 =	vld [tilespmem:s29+$0x170];
	_ =	sdelay $0x1  }
0x38b: {  	v25 =	vld [tilespmem:s29+$0x1F0]  }
0x38c: {  	s28 =	simm.s32 $0x11;
	s22 =	simm.s32 $0x153F0;
	v24 =	vmul.f32 v27, v24;
	v27 =	vadd.f32 v29, v28  }
.LBB2_22:
0x38d: {  	_ = 	snop  }
0x38e: {  	p0 =	sne.s32 s28, $0x1F;
	s29 =	sadd.s32 $0x400, s29;
	s14 =	sadd.s32 $0x80, s14;
	v26 =	vadd.f32 v26, v27  }
0x38f: {  	s8 =	smov.u32 s28;
	s28 =	sadd.s32 $0x1, s28  }
0x390: {  	v25 =	vadd.f32 v25, v26;
	_ =	sdelay $0x1  }
0x391: {  	v24 =	vsub.f32 v25, v24;
	_ =	sdelay $0x1  }
0x392: {  	v23 =	vmul.f32 v24, v23;
	_ =	sdelay $0x1  }
0x393: {  	[tilespmem:s22+$0x0] =	vst v23;
	s22 =	smov.u32 s14  }
0x394: {  	v23 =	vld [tilespmem:s29+$0xFFFFFE00]  }
0x395: {  	v24 =	vld [tilespmem:s29+$0xFFFFFE80]  }
0x396: {  	v25 =	vld [tilespmem:s29+$0xFFFFFF00];
	_ =	sdelay $0x2  }
0x397: {  	v26 =	vld [tilespmem:s29+$0xFFFFFF80]  }
0x398: {  	v23 =	vadd.f32 v24, v23  }
0x399: {  	v27 =	vmov s8;
	v28 =	vld [tilespmem:s29+$0x0]  }
0x39a: {  	v23 =	vadd.f32 v25, v23  }
0x39b: {  	v25 =	vld [tilespmem:s29+$0x80]  }
0x39c: {  	v23 =	vadd.f32 v26, v23;
	v26 =	vld [tilespmem:$0x15B80]  }
0x39d: {  	v29 =	vld [tilespmem:s29+$0x100]  }
0x39e: {  	v24 =	vld.idx.msk [tilespmem:v27+s26+$0x0], $0xffff;
	v23 =	vadd.f32 v28, v23  }
0x39f: {  	v28 =	vld [tilespmem:s29+$0x180]  }
0x3a0: {  	v25 =	vadd.f32 v25, v23;
	_ =	sdelay $0x1  }
0x3a1: {  	v23 =	vld.idx.msk [tilespmem:v27+s25+$0x0], $0xffff;
	v25 =	vadd.f32 v29, v25;
	_ =	sdelay $0x1  }
0x3a2: {  	v26 =	vmul.f32 v26, v24;
	v25 =	vadd.f32 v28, v25;
	_ =	sdelay $0x1  }
0x3a3: {  	v25 =	vsub.f32 v25, v26;
	_ =	sdelay $0x1  }
0x3a4: {  	v25 =	vmul.f32 v25, v23;
	_ =	sdelay $0x1  }
0x3a5: {  	[tilespmem:s14+$0xFFFFFF90] =	vst v25  }
0x3a6: {  	v25 =	vld [tilespmem:s29+$0xFFFFFE10]  }
0x3a7: {  	v26 =	vld [tilespmem:s29+$0xFFFFFE90];
	_ =	sdelay $0x1  }
0x3a8: {  	v27 =	vld [tilespmem:s29+$0xFFFFFF10];
	_ =	sdelay $0x1  }
0x3a9: {  	v28 =	vld [tilespmem:s29+$0xFFFFFF90]  }
0x3aa: {  	v25 =	vadd.f32 v26, v25  }
0x3ab: {  	v26 =	vld [tilespmem:s29+$0x10]  }
0x3ac: {  	v25 =	vadd.f32 v27, v25  }
0x3ad: {  	v27 =	vld [tilespmem:s29+$0x90]  }
0x3ae: {  	v25 =	vadd.f32 v28, v25  }
0x3af: {  	v28 =	vld [tilespmem:s29+$0x110]  }
0x3b0: {  	v25 =	vadd.f32 v26, v25;
	v26 =	vld [tilespmem:$0x15B90]  }
0x3b1: {  	v29 =	vld [tilespmem:s29+$0x190]  }
0x3b2: {  	v25 =	vadd.f32 v27, v25;
	_ =	sdelay $0x1  }
0x3b3: {  	v25 =	vadd.f32 v28, v25  }
0x3b4: {  	v26 =	vmul.f32 v26, v24  }
0x3b5: {  	v25 =	vadd.f32 v29, v25;
	_ =	sdelay $0x1  }
0x3b6: {  	v25 =	vsub.f32 v25, v26;
	_ =	sdelay $0x1  }
0x3b7: {  	v25 =	vmul.f32 v25, v23;
	_ =	sdelay $0x1  }
0x3b8: {  	[tilespmem:s14+$0xFFFFFFA0] =	vst v25  }
0x3b9: {  	v25 =	vld [tilespmem:s29+$0xFFFFFE20]  }
0x3ba: {  	v26 =	vld [tilespmem:s29+$0xFFFFFEA0];
	_ =	sdelay $0x1  }
0x3bb: {  	v27 =	vld [tilespmem:s29+$0xFFFFFF20];
	_ =	sdelay $0x1  }
0x3bc: {  	v28 =	vld [tilespmem:s29+$0xFFFFFFA0]  }
0x3bd: {  	v25 =	vadd.f32 v26, v25  }
0x3be: {  	v26 =	vld [tilespmem:s29+$0x20]  }
0x3bf: {  	v25 =	vadd.f32 v27, v25  }
0x3c0: {  	v27 =	vld [tilespmem:s29+$0xA0]  }
0x3c1: {  	v25 =	vadd.f32 v28, v25  }
0x3c2: {  	v28 =	vld [tilespmem:s29+$0x120]  }
0x3c3: {  	v25 =	vadd.f32 v26, v25;
	v26 =	vld [tilespmem:$0x15BA0]  }
0x3c4: {  	v29 =	vld [tilespmem:s29+$0x1A0]  }
0x3c5: {  	v25 =	vadd.f32 v27, v25;
	_ =	sdelay $0x1  }
0x3c6: {  	v25 =	vadd.f32 v28, v25  }
0x3c7: {  	v26 =	vmul.f32 v26, v24  }
0x3c8: {  	v25 =	vadd.f32 v29, v25;
	_ =	sdelay $0x1  }
0x3c9: {  	v25 =	vsub.f32 v25, v26;
	_ =	sdelay $0x1  }
0x3ca: {  	v25 =	vmul.f32 v25, v23;
	_ =	sdelay $0x1  }
0x3cb: {  	[tilespmem:s14+$0xFFFFFFB0] =	vst v25  }
0x3cc: {  	v25 =	vld [tilespmem:s29+$0xFFFFFE30]  }
0x3cd: {  	v26 =	vld [tilespmem:s29+$0xFFFFFEB0];
	_ =	sdelay $0x1  }
0x3ce: {  	v27 =	vld [tilespmem:s29+$0xFFFFFF30];
	_ =	sdelay $0x1  }
0x3cf: {  	v28 =	vld [tilespmem:s29+$0xFFFFFFB0]  }
0x3d0: {  	v25 =	vadd.f32 v26, v25  }
0x3d1: {  	v26 =	vld [tilespmem:s29+$0x30]  }
0x3d2: {  	v25 =	vadd.f32 v27, v25  }
0x3d3: {  	v27 =	vld [tilespmem:s29+$0xB0]  }
0x3d4: {  	v25 =	vadd.f32 v28, v25  }
0x3d5: {  	v28 =	vld [tilespmem:s29+$0x130]  }
0x3d6: {  	v25 =	vadd.f32 v26, v25;
	v26 =	vld [tilespmem:$0x15BB0]  }
0x3d7: {  	v29 =	vld [tilespmem:s29+$0x1B0]  }
0x3d8: {  	v25 =	vadd.f32 v27, v25;
	_ =	sdelay $0x1  }
0x3d9: {  	v25 =	vadd.f32 v28, v25  }
0x3da: {  	v26 =	vmul.f32 v26, v24  }
0x3db: {  	v25 =	vadd.f32 v29, v25;
	_ =	sdelay $0x1  }
0x3dc: {  	v25 =	vsub.f32 v25, v26;
	_ =	sdelay $0x1  }
0x3dd: {  	v25 =	vmul.f32 v25, v23;
	_ =	sdelay $0x1  }
0x3de: {  	[tilespmem:s14+$0xFFFFFFC0] =	vst v25  }
0x3df: {  	v25 =	vld [tilespmem:s29+$0xFFFFFE40]  }
0x3e0: {  	v26 =	vld [tilespmem:s29+$0xFFFFFEC0];
	_ =	sdelay $0x1  }
0x3e1: {  	v27 =	vld [tilespmem:s29+$0xFFFFFF40];
	_ =	sdelay $0x1  }
0x3e2: {  	v28 =	vld [tilespmem:s29+$0xFFFFFFC0]  }
0x3e3: {  	v25 =	vadd.f32 v26, v25  }
0x3e4: {  	v26 =	vld [tilespmem:s29+$0x40]  }
0x3e5: {  	v25 =	vadd.f32 v27, v25  }
0x3e6: {  	v27 =	vld [tilespmem:s29+$0xC0]  }
0x3e7: {  	v25 =	vadd.f32 v28, v25  }
0x3e8: {  	v28 =	vld [tilespmem:s29+$0x140]  }
0x3e9: {  	v25 =	vadd.f32 v26, v25;
	v26 =	vld [tilespmem:$0x15BC0]  }
0x3ea: {  	v29 =	vld [tilespmem:s29+$0x1C0]  }
0x3eb: {  	v25 =	vadd.f32 v27, v25;
	_ =	sdelay $0x1  }
0x3ec: {  	v25 =	vadd.f32 v28, v25  }
0x3ed: {  	v26 =	vmul.f32 v26, v24  }
0x3ee: {  	v25 =	vadd.f32 v29, v25;
	_ =	sdelay $0x1  }
0x3ef: {  	v25 =	vsub.f32 v25, v26;
	_ =	sdelay $0x1  }
0x3f0: {  	v25 =	vmul.f32 v25, v23;
	_ =	sdelay $0x1  }
0x3f1: {  	[tilespmem:s14+$0xFFFFFFD0] =	vst v25  }
0x3f2: {  	v25 =	vld [tilespmem:s29+$0xFFFFFE50]  }
0x3f3: {  	v26 =	vld [tilespmem:s29+$0xFFFFFED0]  }
0x3f4: {  	v27 =	vld [tilespmem:s29+$0xFFFFFF50]  }
0x3f5: {  	v28 =	vld [tilespmem:s29+$0xFFFFFFD0]  }
0x3f6: {  	v29 =	vld [tilespmem:s29+$0x50]  }
0x3f7: {  	v30 =	vld [tilespmem:s29+$0xD0]  }
0x3f8: {  	v25 =	vadd.f32 v26, v25;
	v26 =	vld [tilespmem:s29+$0x150]  }
0x3f9: {  	v31 =	vld [tilespmem:s29+$0x1D0]  }
0x3fa: {  	v25 =	vadd.f32 v27, v25;
	v27 =	vld [tilespmem:$0x15BD0];
	_ =	sdelay $0x1  }
0x3fb: {  	v25 =	vadd.f32 v28, v25;
	_ =	sdelay $0x1  }
0x3fc: {  	v25 =	vadd.f32 v29, v25  }
0x3fd: {  	v27 =	vmul.f32 v27, v24  }
0x3fe: {  	v25 =	vadd.f32 v30, v25;
	_ =	sdelay $0x1  }
0x3ff: {  	v25 =	vadd.f32 v26, v25;
	_ =	sdelay $0x1  }
0x400: {  	v25 =	vadd.f32 v31, v25;
	_ =	sdelay $0x1  }
0x401: {  	v25 =	vsub.f32 v25, v27;
	_ =	sdelay $0x1  }
0x402: {  	v25 =	vmul.f32 v25, v23;
	_ =	sdelay $0x1  }
0x403: {  	[tilespmem:s14+$0xFFFFFFE0] =	vst v25  }
0x404: {  	v25 =	vld [tilespmem:s29+$0xFFFFFE60]  }
0x405: {  	v26 =	vld [tilespmem:s29+$0xFFFFFEE0]  }
0x406: {  	v27 =	vld [tilespmem:s29+$0xFFFFFF60]  }
0x407: {  	v28 =	vld [tilespmem:s29+$0xFFFFFFE0]  }
0x408: {  	v29 =	vld [tilespmem:s29+$0x60]  }
0x409: {  	v30 =	vld [tilespmem:s29+$0xE0]  }
0x40a: {  	v25 =	vadd.f32 v26, v25;
	v26 =	vld [tilespmem:s29+$0x160]  }
0x40b: {  	v31 =	vld [tilespmem:s29+$0x1E0]  }
0x40c: {  	v25 =	vadd.f32 v27, v25;
	v27 =	vld [tilespmem:$0x15BE0];
	_ =	sdelay $0x1  }
0x40d: {  	v25 =	vadd.f32 v28, v25;
	_ =	sdelay $0x1  }
0x40e: {  	v25 =	vadd.f32 v29, v25  }
0x40f: {  	v27 =	vmul.f32 v27, v24  }
0x410: {  	v25 =	vadd.f32 v30, v25;
	_ =	sdelay $0x1  }
0x411: {  	v25 =	vadd.f32 v26, v25;
	_ =	sdelay $0x1  }
0x412: {  	v25 =	vadd.f32 v31, v25;
	_ =	sdelay $0x1  }
0x413: {  	v25 =	vsub.f32 v25, v27;
	_ =	sdelay $0x1  }
0x414: {  	v25 =	vmul.f32 v25, v23;
	_ =	sdelay $0x1  }
0x415: {  	[tilespmem:s14+$0xFFFFFFF0] =	vst v25  }
0x416: {  	v25 =	vld [tilespmem:s29+$0xFFFFFE70]  }
0x417: {  	v26 =	vld [tilespmem:s29+$0xFFFFFEF0]  }
0x418: {  	v27 =	vld [tilespmem:s29+$0xFFFFFF70]  }
0x419: {  	v28 =	vld [tilespmem:s29+$0xFFFFFFF0]  }
0x41a: {  	v29 =	vld [tilespmem:s29+$0x70]  }
0x41b: {  	v30 =	vld [tilespmem:s29+$0xF0]  }
0x41c: {  	v31 =	vadd.f32 v26, v25;
	v26 =	vld [tilespmem:s29+$0x170]  }
0x41d: {  	v25 =	vld [tilespmem:s29+$0x1F0]  }
0x41e: {  	v27 =	vadd.f32 v27, v31;
	v31 =	vld [tilespmem:$0x15BF0];
	_ =	sdelay $0x1  }
.Ltmp12:
0x41f: {  	v27 =	vadd.f32 v28, v27;
	(pc) =	sbr.rel @p0 .LBB2_22-.Ltmp12, $4  }
0x420: {  	_ = 	snop  }
0x421: {  	v27 =	vadd.f32 v29, v27  }
0x422: {  	v24 =	vmul.f32 v31, v24  }
0x423: {  	v27 =	vadd.f32 v30, v27  }
0x424: {  	_ = 	snop  }
0x425: {  	v26 =	vadd.f32 v26, v27;
	_ =	sdelay $0x1  }
0x426: {  	v25 =	vadd.f32 v25, v26;
	_ =	sdelay $0x1  }
0x427: {  	v24 =	vsub.f32 v25, v24;
	_ =	sdelay $0x1  }
0x428: {  	v23 =	vmul.f32 v24, v23;
	_ =	sdelay $0x1  }
0x429: {  	s0 =	rddreg [dreg:$0x16];
	s8 =	simm.s32 $0x14B80;
	[tilespmem:s22+$0x0] =	vst v23;
	s22 =	simm.s32 $0x5  }
0x42a: {  	[spmem:s0] =	stream.linear.scatter [tilespmem:s8], [sflag:$0x5], $0x1000, $0x38;
	[tilespmem:$0x1C788] =	vst v63  }
0x42b: {  	_ =	swait.ge [sflag:s22], $0x1000  }
0x42c: {  	[sflag:s22] =	ssyncset.done $0x0  }
0x42d: {  	[sflag:s22] =	ssyncadd.s32 $0xFFFFF000  }
0x42e: {  	_ =	swait.ge [sflag:s30], $0x40  }
0x42f: {  	[sflag:s30] =	ssyncset.done $0x0  }
0x430: {  	[sflag:s30] =	ssyncadd.s32 $0xFFFFFFC0  }
0x431: {  	_ =	swait.ge [sflag:s30], $0x40  }
0x432: {  	[sflag:s30] =	ssyncset.done $0x0  }
0x433: {  	[sflag:s30] =	ssyncadd.s32 $0xFFFFFFC0  }
0x434: {  	_ =	swait.ge [sflag:s30], $0x40  }
0x435: {  	[sflag:s30] =	ssyncset.done $0x0  }
0x436: {  	[sflag:s30] =	ssyncadd.s32 $0xFFFFFFC0  }
0x437: {  	_ =	swait.ge [sflag:s30], $0x40  }
0x438: {  	[sflag:s30] =	ssyncset.done $0x0  }
0x439: {  	[sflag:s30] =	ssyncadd.s32 $0xFFFFFFC0  }
0x43a: {  	_ =	swait.ge [sflag:s30], $0x40  }
0x43b: {  	[sflag:s30] =	ssyncset.done $0x0  }
0x43c: {  	[sflag:s30] =	ssyncadd.s32 $0xFFFFFFC0  }
0x43d: {  	_ =	swait.ge [sflag:s30], $0x40  }
0x43e: {  	[sflag:s30] =	ssyncset.done $0x0  }
0x43f: {  	[sflag:s30] =	ssyncadd.s32 $0xFFFFFFC0  }
0x440: {  	_ =	swait.ge [sflag:s30], $0x40  }
0x441: {  	[sflag:s30] =	ssyncset.done $0x0  }
0x442: {  	[sflag:s30] =	ssyncadd.s32 $0xFFFFFFC0  }
0x443: {  	s14 =	simm.s32 $0x0;
	_ =	swait.ge [sflag:s30], $0x40  }
0x444: {  	s23 =	sand.u32 $0xE00, s14;
	[sflag:s30] =	ssyncset.done $0x0  }
0x445: {  	s18 =	sand.u32 $0x30, s14;
	s8 =	sshrl.u32 s23, $0x2;
	[sflag:s30] =	ssyncadd.s32 $0xFFFFFFC0  }
0x446: {  	s8 =	sor.u32 s18, s8;
	v23 =	vld [tilespmem:s14+$0x0]  }
0x447: {  	v24 =	vld [tilespmem:s8+$0x16B00];
	_ =	sdelay $0x4  }
0x448: {  	vm0 =	vgt.s32 v23, $0x1869F;
	vm1 =	vlt.s32 v24, $0x0  }
0x449: {  	vm3 =	vmand vm0, vm1;
	vm1 =	vgt.s32 v24, $0xFFFFFFFF  }
0x44a: {  	vm2 =	vmand vm0, vm1;
	v23 =	vsel vm3, $0x1, v5  }
0x44b: {  	v24 =	vsel vm2, $0x1, v5;
	(xrf0) =	vadd.scan.msk.s32 $0xffff, v23  }
0x44c: {  	(xrf0) =	vadd.scan.msk.s32 $0xffff, v24;
	_ =	sdelay $0x1  }
0x44d: {  	v23 =	vmov s14  }
0x44e: {  	v23 =	vadd.s32 $0xFFFFFFFF, v23  }
0x44f: {  	v23 =	vbroadcast v23, $0x0  }
0x450: {  	v24, _, _ =	vpop (xrf0)  }
0x451: {  	v25, _, _ =	vpop (xrf0);
	v26 =	vadd.s32 v24, v23;
	(v2sf) =	vpush v24, $0xF  }
0x452: {  	v23 =	vadd.s32 v25, v23;
	vm0 =	vgt.s32 v26, $0x0;
	(v2sf) =	vpush v25, $0xF  }
0x453: {  	vm1 =	vgt.s32 v23, $0x0;
	v27 =	vnsel vm0, $0x0, v26  }
0x454: {  	v28 =	vnsel vm1, $0x0, v23;
	v29 =	vand.u32 $0xF, v27  }
0x455: {  	vm0 =	vlt.s32 v26, $0x1;
	v26 =	vand.u32 $0xF, v28;
	vm1 =	vne.s32 v29, $0x0  }
0x456: {  	vm4 =	vlt.s32 v23, $0x1;
	vm5 =	vne.s32 v26, $0x0;
	vm0 =	vmand vm0, vm1  }
0x457: {  	v23 =	vshrl.u32 v27, $0x4;
	vm1 =	vmand vm4, vm5;
	v27 =	vsel vm0, $0xFFFFFFFF, v5  }
0x458: {  	v28 =	vshrl.u32 v28, $0x4;
	v30 =	vsel vm1, $0xFFFFFFFF, v5;
	v23 =	vadd.s32 v27, v23  }
0x459: {  	v24 =	vadd.s32 v30, v28;
	v23 =	vshll.u32 v23, $0x7  }
0x45a: {  	v25 =	vshll.u32 v24, $0x7;
	v24 =	vor.u32 v29, v23  }
0x45b: {  	v23 =	vor.u32 v26, v25;
	_ =	sdelay $0x1  }
0x45c: {  	s28 =	simm.s32 $0x10;
	s29 =	simm.s32 $0x0  }
0x45d: {  	s23 =	simm.s32 $0x100;
	s18 =	simm.s32 $0x80;
	s22 =	simm.s32 $0x0;
	v25 =	vor.u32 s14, v0  }
.LBB2_24:
0x45e: {  	p0 =	sne.s32 s23, $0xF80;
	s8 =	sand.u32 $0xE00, s18;
	[tilespmem:v24+s31+$0x0] =	vst.idx.msk vm3, v25;
	s14 =	sadd.s32 $0x10, s14  }
0x45f: {  	s18 =	sand.u32 $0x30, s28;
	s8 =	sshrl.u32 s8, $0x2;
	[tilespmem:v23+s3+$0x0] =	vst.idx.msk vm2, v25;
	s0 =	spop (v2sf)  }
0x460: {  	v23 =	vld [tilespmem:s14+$0x0];
	s8 =	sor.u32 s18, s8;
	s22 =	sadd.s32 s22, s0;
	s0 =	spop (v2sf)  }
0x461: {  	s18 =	smov.u32 s23;
	v24 =	vld [tilespmem:s8+$0x16B00];
	s29 =	sadd.s32 s29, s0;
	_ =	sdelay $0x4  }
0x462: {  	vm0 =	vgt.s32 v23, $0x1869F;
	vm1 =	vlt.s32 v24, $0x0  }
0x463: {  	vm3 =	vmand vm0, vm1;
	vm1 =	vgt.s32 v24, $0xFFFFFFFF  }
0x464: {  	vm2 =	vmand vm0, vm1;
	v23 =	vsel vm3, $0x1, v5  }
0x465: {  	v24 =	vsel vm2, $0x1, v5;
	(xrf0) =	vadd.scan.msk.s32 $0xffff, v23  }
0x466: {  	(xrf0) =	vadd.scan.msk.s32 $0xffff, v24;
	_ =	sdelay $0x1  }
0x467: {  	v23 =	vmov s22  }
0x468: {  	v23 =	vadd.s32 $0xFFFFFFFF, v23;
	v24 =	vmov s29  }
0x469: {  	v23 =	vbroadcast v23, $0x0;
	v24 =	vadd.s32 $0xFFFFFFFF, v24  }
0x46a: {  	v24 =	vbroadcast v24, $0x0;
	v25, _, _ =	vpop (xrf0)  }
0x46b: {  	v23 =	vadd.s32 v25, v23;
	v26, _, _ =	vpop (xrf0);
	(v2sf) =	vpush v25, $0xF  }
0x46c: {  	vm0 =	vgt.s32 v23, $0x0;
	v24 =	vadd.s32 v26, v24;
	(v2sf) =	vpush v26, $0xF  }
0x46d: {  	v25 =	vnsel vm0, $0x0, v23;
	vm0 =	vgt.s32 v24, $0x0  }
0x46e: {  	v26 =	vnsel vm0, $0x0, v24;
	v27 =	vand.u32 $0xF, v25  }
0x46f: {  	vm0 =	vlt.s32 v23, $0x1;
	vm1 =	vne.s32 v27, $0x0;
	v23 =	vand.u32 $0xF, v26  }
0x470: {  	vm0 =	vmand vm0, vm1;
	vm1 =	vlt.s32 v24, $0x1;
	vm4 =	vne.s32 v23, $0x0  }
0x471: {  	v24 =	vshrl.u32 v25, $0x4;
	v25 =	vsel vm0, $0xFFFFFFFF, v5;
	vm0 =	vmand vm1, vm4  }
0x472: {  	v24 =	vadd.s32 v25, v24;
	v25 =	vshrl.u32 v26, $0x4;
	v26 =	vsel vm0, $0xFFFFFFFF, v5  }
0x473: {  	v24 =	vshll.u32 v24, $0x7;
	v25 =	vadd.s32 v26, v25  }
.Ltmp13:
0x474: {  	v24 =	vor.u32 v27, v24;
	v25 =	vshll.u32 v25, $0x7;
	(pc) =	sbr.rel @p0 .LBB2_24-.Ltmp13, $2  }
0x475: {  	v23 =	vor.u32 v23, v25;
	_ =	sdelay $0x2  }
0x476: {  	s23 =	sadd.s32 $0x80, s23;
	v25 =	vor.u32 s28, v0;
	s28 =	sadd.s32 $0x10, s28  }
0x477: {  	_ =	sdelay $0x4  }
0x478: {  	s0 =	sand.u32 $0xE00, s18;
	[tilespmem:v24+s31+$0x0] =	vst.idx.msk vm3, v25  }
0x479: {  	s8 =	sadd.s32 $0x10, s14;
	s23 =	sand.u32 $0x30, s28;
	s0 =	sshrl.u32 s0, $0x2;
	[tilespmem:v23+s3+$0x0] =	vst.idx.msk vm2, v25  }
0x47a: {  	v23 =	vld [tilespmem:s8+$0x0];
	s0 =	sor.u32 s23, s0  }
0x47b: {  	v24 =	vld [tilespmem:s0+$0x16B00];
	_ =	sdelay $0x4  }
0x47c: {  	vm0 =	vgt.s32 v23, $0x1869F;
	vm1 =	vlt.s32 v24, $0x0  }
0x47d: {  	vm2 =	vmand vm0, vm1  }
0x47e: {  	vm1 =	vgt.s32 v24, $0xFFFFFFFF;
	v23 =	vsel vm2, $0x1, v5  }
0x47f: {  	vm3 =	vmand vm0, vm1;
	(xrf0) =	vadd.scan.msk.s32 $0xffff, v23  }
0x480: {  	v23 =	vsel vm3, $0x1, v5  }
0x481: {  	(xrf0) =	vadd.scan.msk.s32 $0xffff, v23;
	_ =	sdelay $0x3  }
0x482: {  	v23, _, _ =	vpop (xrf0)  }
0x483: {  	(v2sf) =	vpush v23, $0xF  }
0x484: {  	v57, _, _ =	vpop (xrf0)  }
0x485: {  	(v2sf) =	vpush v57, $0xF;
	_ =	sdelay $0x5  }
0x486: {  	s8 =	spop (v2sf)  }
0x487: {  	s14 =	spop (v2sf);
	s0 =	sadd.s32 s22, s8  }
0x488: {  	s8 =	sadd.s32 s29, s14;
	v58 =	vmov s0  }
0x489: {  	v25 =	vadd.s32 $0xFFFFFFFF, v58;
	v26 =	vmov s8  }
0x48a: {  	v25 =	vbroadcast v25, $0x0;
	v26 =	vadd.s32 $0xFFFFFFFF, v26  }
0x48b: {  	v26 =	vbroadcast v26, $0x0  }
0x48c: {  	v23 =	vadd.s32 v23, v25  }
0x48d: {  	vm0 =	vgt.s32 v23, $0x0;
	v24 =	vadd.s32 v57, v26;
	s18 =	spop (v2sf)  }
0x48e: {  	v25 =	vnsel vm0, $0x0, v23;
	vm0 =	vgt.s32 v24, $0x0;
	s18 =	sadd.s32 s0, s18  }
0x48f: {  	v26 =	vnsel vm0, $0x0, v24;
	v27 =	vand.u32 $0xF, v25;
	s22 =	spop (v2sf);
	s0 =	sadd.s32 $0xF, s18  }
0x490: {  	vm0 =	vlt.s32 v23, $0x1;
	vm1 =	vne.s32 v27, $0x0;
	v23 =	vand.u32 $0xF, v26;
	s8 =	sadd.s32 s8, s22;
	s23 =	sshra.s32 s0, $0x1F;
	s22 =	sand.u32 $0xF, s0  }
0x491: {  	vm0 =	vmand vm0, vm1;
	vm1 =	vlt.s32 v24, $0x1;
	vm4 =	vne.s32 v23, $0x0;
	p0 =	slt.s32 s0, $0x1;
	s23 =	sshrl.u32 s23, $0x1C;
	p1 =	sne.s32 s22, $0x0  }
0x492: {  	v59 =	vshrl.u32 v25, $0x4;
	v60 =	vsel vm0, $0xFFFFFFFF, v5;
	vm0 =	vmand vm1, vm4;
	s14 =	sadd.s32 s23, s0;
	s23 =	sadd.s32 $0xF, s8;
	p0 =	por !p0, !p1  }
0x493: {  	v61 =	vshrl.u32 v26, $0x4;
	v24 =	vadd.s32 v60, v59;
	v62 =	vsel vm0, $0xFFFFFFFF, v5;
	s22 =	sand.u32 $0xF, s23;
	p6 =	slt.s32 s23, $0x1;
	s0 =	sshra.s32 s14, $0x4  }
0x494: {  	v24 =	vshll.u32 v24, $0x7;
	v25 =	vadd.s32 v62, v61;
	s14 =	sshra.s32 s23, $0x1F;
	p0 =	por !p0, !p0;
	p2 =	sne.s32 s22, $0x0  }
0x495: {  	v24 =	vor.u32 v27, v24;
	v25 =	vshll.u32 v25, $0x7;
	s22 =	simm.s32 $0x1;
	s14 =	sshrl.u32 s14, $0x1C;
	p1 =	por !p6, !p2  }
0x496: {  	v23 =	vor.u32 v23, v25;
	s14 =	sadd.s32 s14, s23;
	s23 =	simm.s32 $0x1;
	p1 =	por !p1, !p1  }
0x497: {  	s22 =	simm.s32 @!p0 $0x0;
	s14 =	sshra.s32 s14, $0x4;
	s23 =	simm.s32 @!p1 $0x0  }
0x498: {  	s22 =	ssub.s32 s0, s22;
	s14 =	ssub.s32 s14, s23  }
0x499: {  	v63 =	vor.u32 s28, v0;
	p0 =	sgt.s32 s22, s14;
	s29 =	smov.u32 s14  }
0x49a: {  	[tilespmem:v24+s31+$0x0] =	vst.idx.msk vm2, v63;
	s29 =	smov.u32 @p0 s22  }
0x49b: {  	[tilespmem:v23+s3+$0x0] =	vst.idx.msk vm3, v63;
	v23 =	vld [tilespmem:$0x1FFF0];
	p0 =	slt.s32 s29, $0x1  }
.Ltmp14:
0x49c: {  	_ = 	snop;
	(pc) =	sbr.rel @p0 .LBB2_28-.Ltmp14, $2  }
0x49d: {  	_ =	sdelay $0x2  }
0x49e: {  	vm2 =	vnez.u8 v23  }
0x49f: {  	s0 =	simm.s32 $0x16F00  }
0x4a0: {  	v24 =	vld [tilespmem:s0+$0x0];
	_ =	sdelay $0x1  }
0x4a1: {  	s28 =	simm.s32 $0x0  }
0x4a2: {  	v23 =	vmov s18;
	v25 =	vor.u32 s28, v0  }
0x4a3: {  	vm0 =	vlt.s32 v25, v23  }
0x4a4: {  	v26 =	vimm.s32 $0x0;
	v24 =	vnsel vm0, $0x0, v24  }
0x4a5: {  	vm0 =	vgt.s32 v24, v26  }
0x4a6: {  	v24 =	vsel vm0, v24, v26  }
0x4a7: {  	v24 =	vxor.u32 $0x80000000, v24  }
0x4a8: {  	(xrf0) =	vmax.scan.msk.u32 $0xffff, v24;
	_ =	sdelay $0x5  }
0x4a9: {  	v24, _, _ =	vpop (xrf0)  }
0x4aa: {  	v24 =	vxor.u32 $0x80000000, v24  }
0x4ab: {  	s23 =	simm.s32 $0x17F00;
	[tilespmem:s0+$0x0] =	vst v24  }
0x4ac: {  	v27 =	vld [tilespmem:s23+$0x0];
	_ =	sdelay $0x2  }
0x4ad: {  	v24 =	vmov s8  }
0x4ae: {  	vm0 =	vlt.s32 v25, v24  }
0x4af: {  	v25 =	vnsel vm0, $0x0, v27  }
0x4b0: {  	vm0 =	vgt.s32 v25, v26  }
0x4b1: {  	v25 =	vsel vm0, v25, v26  }
0x4b2: {  	v25 =	vxor.u32 $0x80000000, v25  }
0x4b3: {  	(xrf0) =	vmax.scan.msk.u32 $0xffff, v25  }
0x4b4: {  	s18 =	simm.s32 $0x0  }
0x4b5: {  	v25 =	vmov s18  }
0x4b6: {  	p0 =	sne.s32 s29, $0x1;
	v25 =	vor.u32 $0xF, v25  }
.Ltmp15:
0x4b7: {  	v25 =	vbroadcast v25, $0x0;
	(pc) =	sbr.rel @!p0 .LBB2_28-.Ltmp15, $4  }
0x4b8: {  	_ = 	snop  }
0x4b9: {  	v26, _, _ =	vpop (xrf0)  }
0x4ba: {  	v26 =	vxor.u32 $0x80000000, v26  }
0x4bb: {  	s8 =	simm.s32 $0x16F80;
	s18 =	simm.s32 $0x1;
	[tilespmem:s23+$0x0] =	vst v26  }
.LBB2_27:
0x4bc: {  	v26 =	vld [tilespmem:s8+$0x0];
	s0 =	smov.u32 s18;
	s18 =	sadd.s32 $0x1, s18  }
0x4bd: {  	p0 =	sne.s32 s29, s18;
	v27 =	vld.idx.msk [tilespmem:v25+s31+$0x0], $0xffff  }
0x4be: {  	s28 =	sadd.s32 $0x10, s28;
	v25 =	vld.idx.msk [tilespmem:v25+s3+$0x0], $0xffff  }
0x4bf: {  	v28 =	vor.u32 s28, v0  }
0x4c0: {  	vm0 =	vlt.s32 v28, v23  }
0x4c1: {  	v26 =	vnsel vm0, $0x0, v26  }
0x4c2: {  	vm0 =	vgt.s32 v26, v27  }
0x4c3: {  	v26 =	vsel vm0, v26, v27  }
0x4c4: {  	v26 =	vxor.u32 $0x80000000, v26  }
0x4c5: {  	(xrf0) =	vmax.scan.msk.u32 $0xffff, v26;
	_ =	sdelay $0x5  }
0x4c6: {  	v26, _, _ =	vpop (xrf0)  }
0x4c7: {  	v26 =	vxor.u32 $0x80000000, v26  }
0x4c8: {  	s23 =	sadd.s32 $0x80, s23;
	[tilespmem:s8+$0x0] =	vst v26  }
0x4c9: {  	v26 =	vld [tilespmem:s23+$0x0];
	_ =	sdelay $0x3  }
0x4ca: {  	vm0 =	vlt.s32 v28, v24  }
0x4cb: {  	v26 =	vnsel vm0, $0x0, v26  }
0x4cc: {  	vm0 =	vgt.s32 v26, v25  }
0x4cd: {  	v25 =	vsel vm0, v26, v25  }
0x4ce: {  	v25 =	vxor.u32 $0x80000000, v25  }
0x4cf: {  	(xrf0) =	vmax.scan.msk.u32 $0xffff, v25  }
0x4d0: {  	s0 =	sshll.u32 s0, $0x7  }
0x4d1: {  	v25 =	vmov s0  }
0x4d2: {  	v25 =	vor.u32 $0xF, v25  }
.Ltmp16:
0x4d3: {  	v25 =	vbroadcast v25, $0x0;
	(pc) =	sbr.rel @p0 .LBB2_27-.Ltmp16, $4  }
0x4d4: {  	_ = 	snop  }
0x4d5: {  	v26, _, _ =	vpop (xrf0)  }
0x4d6: {  	v26 =	vxor.u32 $0x80000000, v26  }
0x4d7: {  	s8 =	sadd.s32 $0x80, s8;
	[tilespmem:s23+$0x0] =	vst v26  }
.LBB2_28:
0x4d8: {  	_ =	swait.ge [sflag:s9], $0x2000  }
0x4d9: {  	[sflag:s9] =	ssyncset.done $0x0  }
0x4da: {  	s29 =	simm.s32 $0xB80;
	s0 =	rddreg [dreg:$0x17];
	[sflag:s9] =	ssyncadd.s32 $0xFFFFE000  }
0x4db: {  	[hbm4b:s0+s10] =	stream.linear.scatter [tilespmem:s29], [sflag:$0x2], $0x2000, $0x38;
	[tilespmem:$0x1C788] =	vst v63  }
0x4dc: {  	_ =	swait.ge [sflag:s9], $0x2000  }
0x4dd: {  	[sflag:s9] =	ssyncset.done $0x0  }
0x4de: {  	s8 =	simm.s32 $0x2B80;
	s28 =	rddreg [dreg:$0x1d];
	[sflag:s9] =	ssyncadd.s32 $0xFFFFE000  }
0x4df: {  	[hbm4b:s28+s10] =	stream.linear.scatter [tilespmem:s8], [sflag:$0x2], $0x2000, $0x38;
	[tilespmem:$0x1C788] =	vst v63  }
0x4e0: {  	_ =	swait.ge [sflag:s9], $0x2000  }
0x4e1: {  	[sflag:s9] =	ssyncset.done $0x0  }
0x4e2: {  	s18 =	simm.s32 $0x4B80;
	s8 =	rddreg [dreg:$0x1e];
	[sflag:s9] =	ssyncadd.s32 $0xFFFFE000  }
0x4e3: {  	[hbm4b:s8+s10] =	stream.linear.scatter [tilespmem:s18], [sflag:$0x2], $0x2000, $0x38;
	[tilespmem:$0x1C788] =	vst v63  }
0x4e4: {  	_ =	swait.ge [sflag:s9], $0x2000  }
0x4e5: {  	[sflag:s9] =	ssyncset.done $0x0  }
0x4e6: {  	s28 =	simm.s32 $0x6B80;
	s23 =	rddreg [dreg:$0x1f];
	[sflag:s9] =	ssyncadd.s32 $0xFFFFE000  }
0x4e7: {  	[hbm4b:s23+s10] =	stream.linear.scatter [tilespmem:s28], [sflag:$0x2], $0x2000, $0x38;
	[tilespmem:$0x1C788] =	vst v63  }
0x4e8: {  	_ =	swait.ge [sflag:s9], $0x2000  }
0x4e9: {  	s8 =	sld [smem:$0x7FA]  }
0x4ea: {  	[sflag:s9] =	ssyncset.done $0x0  }
0x4eb: {  	s18 =	simm.s32 $0x8B80;
	[sflag:s9] =	ssyncadd.s32 $0xFFFFE000  }
0x4ec: {  	[hbm4b:s8+s10] =	stream.linear.scatter [tilespmem:s18], [sflag:$0x2], $0x2000, $0x38;
	[tilespmem:$0x1C788] =	vst v63  }
0x4ed: {  	_ =	swait.ge [sflag:s9], $0x2000  }
0x4ee: {  	s23 =	sld [smem:$0x7FB]  }
0x4ef: {  	[sflag:s9] =	ssyncset.done $0x0  }
0x4f0: {  	s28 =	simm.s32 $0xAB80;
	[sflag:s9] =	ssyncadd.s32 $0xFFFFE000  }
0x4f1: {  	[hbm4b:s23+s10] =	stream.linear.scatter [tilespmem:s28], [sflag:$0x2], $0x2000, $0x38;
	[tilespmem:$0x1C788] =	vst v63  }
0x4f2: {  	_ =	swait.ge [sflag:s9], $0x2000  }
0x4f3: {  	s8 =	sld [smem:$0x7FC]  }
0x4f4: {  	[sflag:s9] =	ssyncset.done $0x0  }
0x4f5: {  	s18 =	simm.s32 $0xCB80;
	[sflag:s9] =	ssyncadd.s32 $0xFFFFE000  }
0x4f6: {  	[hbm4b:s8+s10] =	stream.linear.scatter [tilespmem:s18], [sflag:$0x2], $0x2000, $0x38;
	[tilespmem:$0x1C788] =	vst v63  }
0x4f7: {  	_ =	swait.ge [sflag:s9], $0x2000  }
0x4f8: {  	s23 =	sld [smem:$0x7FD]  }
0x4f9: {  	[sflag:s9] =	ssyncset.done $0x0  }
0x4fa: {  	s28 =	simm.s32 $0xEB80;
	[sflag:s9] =	ssyncadd.s32 $0xFFFFE000  }
0x4fb: {  	[hbm4b:s23+s10] =	stream.linear.scatter [tilespmem:s28], [sflag:$0x2], $0x2000, $0x38;
	[tilespmem:$0x1C788] =	vst v63  }
0x4fc: {  	[bflag:$0x0] =	sbarrier.arrive $0xFFFF  }
0x4fd: {  	_ =	swait.ge [sflag:s9], $0x2000  }
0x4fe: {  	[sflag:s9] =	ssyncset.done $0x0  }
0x4ff: {  	[sflag:s9] =	ssyncadd.s32 $0xFFFFE000  }
0x500: {  	_ =	swait.ge [sflag:s9], $0x2000  }
0x501: {  	[sflag:s9] =	ssyncset.done $0x0  }
0x502: {  	[sflag:s9] =	ssyncadd.s32 $0xFFFFE000  }
0x503: {  	_ =	swait.ge [sflag:s9], $0x2000  }
0x504: {  	[sflag:s9] =	ssyncset.done $0x0  }
0x505: {  	[sflag:s9] =	ssyncadd.s32 $0xFFFFE000  }
0x506: {  	_ =	swait.ge [sflag:s9], $0x2000  }
0x507: {  	[sflag:s9] =	ssyncset.done $0x0  }
0x508: {  	[sflag:s9] =	ssyncadd.s32 $0xFFFFE000  }
0x509: {  	_ =	swait.ge [sflag:s9], $0x2000  }
0x50a: {  	[sflag:s9] =	ssyncset.done $0x0  }
0x50b: {  	[sflag:s9] =	ssyncadd.s32 $0xFFFFE000  }
0x50c: {  	_ =	swait.ge [sflag:s9], $0x2000  }
0x50d: {  	[sflag:s9] =	ssyncset.done $0x0  }
0x50e: {  	[sflag:s9] =	ssyncadd.s32 $0xFFFFE000  }
0x50f: {  	p0 =	sgt.s32 s22, $0x0;
	_ =	swait.ge [sflag:s9], $0x2000  }
.Ltmp17:
0x510: {  	[sflag:s9] =	ssyncset.done $0x0;
	(pc) =	sbr.rel @!p0 .LBB2_29-.Ltmp17, $4  }
0x511: {  	[sflag:s9] =	ssyncadd.s32 $0xFFFFE000  }
0x512: {  	_ =	swait.ge [sflag:s9], $0x2000  }
0x513: {  	[sflag:s9] =	ssyncset.done $0x0  }
0x514: {  	s8 =	simm.s32 $0x16F00;
	[sflag:s9] =	ssyncadd.s32 $0xFFFFE000  }
.LBB2_33:
0x515: {  	v23 =	vld [tilespmem:s8+$0x0];
	_ =	sdelay $0x7  }
0x516: {  	v24 =	vld.idx.msk [tilespmem:v23+s2+$0x0], $0xffff;
	_ =	sdelay $0x7  }
0x517: {  	v24 =	vld.idx.msk [tilespmem:v24+s12+$0x0], $0xffff  }
0x518: {  	v25 =	vld.idx.msk [tilespmem:v23+s10+$0x0], $0xffff;
	_ =	sdelay $0x3  }
0x519: {  	v24 =	vshll.u32 v24, $0xB  }
0x51a: {  	v24 =	vadd.s32 v24, v25  }
0x51b: {  	v24 =	vadd.s32 $0xFFFE7960, v24;
	_ =	sdelay $0x4  }
0x51c: {  	[tilespmem:s4], [sflag:$0x1] =	stream.indirect_vreg.gather [hbm4b:s1+s10], $0x80, v24, vm2, $0xb8;
	[tilespmem:$0x1C788] =	vst v63  }
0x51d: {  	_ =	swait.ge [sflag:s15], $0x800  }
0x51e: {  	[sflag:s15] =	ssyncset.done $0x0  }
0x51f: {  	p0 =	seq.s32 s22, $0x1;
	v23 =	vadd.s32 v2, v23;
	[sflag:s15] =	ssyncadd.s32 $0xFFFFF800  }
.Ltmp18:
0x520: {  	[tilespmem:$0x19700] =	vst v23;
	(pc) =	sbr.rel @!p0 .LBB2_33-.Ltmp18, $4  }
0x521: {  	[hbm4b:s6+s19] =	stream.indirect.scatter [tilespmem:s4], [sflag:$0x1], $0x80, s5, s19, $0xb8;
	[tilespmem:$0x1C788] =	vst v63  }
0x522: {  	_ =	swait.ge [sflag:s15], $0x800  }
0x523: {  	[sflag:s15] =	ssyncset.done $0x0  }
0x524: {  	s8 =	sadd.s32 $0x80, s8;
	s22 =	sadd.s32 $0xFFFFFFFF, s22;
	[sflag:s15] =	ssyncadd.s32 $0xFFFFF800  }
.LBB2_29:
0x525: {  	p0 =	sgt.s32 s14, $0x0  }
.Ltmp19:
0x526: {  	_ = 	snop;
	(pc) =	sbr.rel @!p0 .LBB2_31-.Ltmp19, $2  }
0x527: {  	_ =	sdelay $0x2  }
0x528: {  	s8 =	simm.s32 $0x17F00;
	s0 =	rddreg [dreg:$0x1]  }
.LBB2_30:
0x529: {  	v23 =	vld [tilespmem:s8+$0x0];
	_ =	sdelay $0x4  }
0x52a: {  	v24 =	vshra.s32 v23, $0x1F  }
0x52b: {  	v24 =	vshrl.u32 v24, $0x1A  }
0x52c: {  	v24 =	vadd.s32 v24, v23  }
0x52d: {  	v24 =	vshra.s32 v24, $0x6  }
0x52e: {  	v25 =	vshll.u32 v24, $0x6  }
0x52f: {  	vm0 =	vlt.s32 v23, $0x1;
	vm1 =	vne.s32 v23, v25  }
0x530: {  	vm0 =	vmand vm0, vm1  }
0x531: {  	v62 =	vsel vm0, $0xFFFFFFFF, v5  }
0x532: {  	v24 =	vadd.s32 v62, v24  }
0x533: {  	v63 =	vand.u32 $0x3F, v23;
	v24 =	vshll.u32 v24, $0x7  }
0x534: {  	v24 =	vor.u32 v63, v24;
	_ =	sdelay $0x4  }
0x535: {  	v24 =	vld.idx.msk [tilespmem:v24+s21+$0x0], $0xffff;
	_ =	sdelay $0x7  }
0x536: {  	[tilespmem:s4], [sflag:$0x1] =	stream.indirect_vreg.gather [spmem:s7], $0x80, v24, vm2, $0xb8;
	[tilespmem:$0x1C788] =	vst v63  }
0x537: {  	_ =	swait.ge [sflag:s15], $0x800  }
0x538: {  	[sflag:s15] =	ssyncset.done $0x0  }
0x539: {  	p0 =	sne.s32 s14, $0x1;
	v23 =	vadd.s32 v2, v23;
	[sflag:s15] =	ssyncadd.s32 $0xFFFFF800  }
.Ltmp20:
0x53a: {  	[tilespmem:$0x19700] =	vst v23;
	(pc) =	sbr.rel @p0 .LBB2_30-.Ltmp20, $4  }
0x53b: {  	[hbm4b:s6+s19] =	stream.indirect.scatter [tilespmem:s4], [sflag:$0x1], $0x80, s5, s19, $0xb8;
	[tilespmem:$0x1C788] =	vst v63  }
0x53c: {  	_ =	swait.ge [sflag:s15], $0x800  }
0x53d: {  	[sflag:s15] =	ssyncset.done $0x0  }
0x53e: {  	s8 =	sadd.s32 $0x80, s8;
	s14 =	sadd.s32 $0xFFFFFFFF, s14;
	[sflag:s15] =	ssyncadd.s32 $0xFFFFF800  }
.Ltmp21:
0x53f: {  	_ = 	snop;
	(pc) =	sbr.rel .LBB2_31-.Ltmp21, $1  }
0x540: {  	_ =	sdelay $0x3  }
.LBB2_8:
.Ltmp22:
0x541: {  	(pc) =	sbr.rel .LBB2_13-.Ltmp22, $2  }
0x542: {  	_ =	sdelay $0x2  }
0x543: {  	s14 =	smov.u32 s11;
	vm7 =	vmmov vm6;
	p1 =	por $0x0, $0x0  }
.LBB2_14:
.Ltmp23:
0x544: {  	(pc) =	sbr.rel .LBB2_19-.Ltmp23, $2  }
0x545: {  	_ =	sdelay $0x2  }
0x546: {  	s14 =	smov.u32 s24;
	vm7 =	vmmov vm6  }
.LBB2_10:
.Ltmp24:
0x547: {  	(pc) =	sbr.rel .LBB2_13-.Ltmp24, $3  }
0x548: {  	_ =	sdelay $0x1  }
0x549: {  	vm6 =	vmxor vm6, vm6  }
0x54a: {  	vm7 =	vmmov vm6  }
.LBB2_16:
.Ltmp25:
0x54b: {  	(pc) =	sbr.rel .LBB2_19-.Ltmp25, $3  }
0x54c: {  	_ =	sdelay $0x1  }
0x54d: {  	vm6 =	vmxor vm6, vm6  }
0x54e: {  	vm7 =	vmmov vm6  }
.LBB2_32:
0x54f: {  	_ =	sfence.sel $0x180000  }
0x550: {  	[bflag:$0x0] =	sbarrier.arrive $0xFFFF  }
0x551: {  	_ =	strace $0x90000047  }
0x552: {  	s0 =	stileid.u32;
	[bflag:$0x2] =	sbarrier.arrive $0xFFFF  }
0x553: {  	p0 =	sne.s32 s0, $0x0;
	s0 =	rddreg [dreg:$0xb]  }
0x554: {  	s0 =	sadd.s32 @!p0 $0x100000, s0  }
0x555: {  	[sflag:s0] =	ssyncadd.tile.s32 @!p0 $0x1;
	_ =	shalt  }
.Lfunc_end2:
_tile_overlayer_lowered:
.L_overlay_start_2:
0x556: {  	(tag) =	ssettag $0x2  }
0x557: {  	s0 =	rddreg [dreg:$0x0];
	s2 =	stileid.u32  }
0x558: {  	s1 =	rddreg [dreg:$0x1];
	p0 =	sne.s32 s2, $0x0  }
0x559: {  	s3 =	rddreg [dreg:$0x2];
	[bflag:$0x3] =	sbarrier.arrive $0xFFFF;
	s2 =	simm.s32 @!p0 $0x1C05  }
0x55a: {  	[timem:s3], [sflag:s2] =	dma.local @!p0 [hbm:s0], s1  }
0x55b: {  	s0 =	simm.s32 @!p0 $0x5  }
0x55c: {  	_ =	swait.ge @!p0 [sflag:s0], s1  }
0x55d: {  	s1 =	ssub.s32 @!p0 $0x0, s1;
	[sflag:s0] =	ssyncset.done @!p0 $0x0  }
0x55e: {  	[sflag:s0] =	ssyncadd.s32 @!p0 s1  }
0x55f: {  	[bflag:$0x3] =	sbarrier.arrive $0xFFFF  }
0x560: {  	_ =	shalt  }

</sc_bundles>
